<compile_context>
chip_gen: v7x
topology: tpu7x:2x2x1
jax: 0.10.2.dev20260603
libtpu: 0.0.44.dev20260713+nightly
codegen_flags: <defaults>
</compile_context>

<pallas_src>
import functools

import jax
import jax.numpy as jnp
import numpy as np
from jax import lax
from jax.experimental import pallas as pl
from jax.experimental.pallas import tpu as pltpu
from jax.experimental.pallas import tpu_sc as plsc

VOCAB = 1000000
D = 128
B = 4096
L = 200

_NC = 2
_NS = 16
_NW = _NC * _NS
_BPW = B // _NW


def _positional_encoding_np(seq_len, d_model):
    position = np.arange(seq_len, dtype=np.float32)[:, None]
    div_term = np.exp(
        np.arange(0, d_model, 2, dtype=np.float32) * (-np.log(10000.0) / d_model)
    )
    pe = np.zeros((seq_len, d_model), dtype=np.float32)
    pe[:, 0::2] = np.sin(position * div_term)
    pe[:, 1::2] = np.cos(position * div_term)
    return pe


def _sc_body(
    xt_hbm, table_hbm, pe_hbm, out_hbm, idx_v, pe_v, rows_v,
    g0, g1, g2, g3, s0, s1, s2, s3
):
    gsems = (g0, g1, g2, g3)
    ssems = (s0, s1, s2, s3)
    wid = lax.axis_index("s") * _NC + lax.axis_index("c")
    base = wid * _BPW

    pltpu.sync_copy(xt_hbm.at[wid], idx_v)
    pltpu.sync_copy(pe_hbm, pe_v)

    def gather_start(l, s):
        for j in range(_BPW // 16):
            iv = idx_v[l, pl.ds(16 * j, 16)]
            pltpu.make_async_copy(
                table_hbm.at[iv], rows_v.at[s, pl.ds(16 * j, 16)], gsems[s]
            ).start()

    def gather_wait(l, s):
        for j in range(_BPW // 16):
            iv = idx_v[l, pl.ds(16 * j, 16)]
            pltpu.make_async_copy(
                table_hbm.at[iv], rows_v.at[s, pl.ds(16 * j, 16)], gsems[s]
            ).wait()

    def scatter_start(l, s):
        pltpu.make_async_copy(
            rows_v.at[s], out_hbm.at[pl.ds(base, _BPW), l], ssems[s]
        ).start()

    def scatter_wait(s):
        pltpu.make_async_copy(
            rows_v.at[s], out_hbm.at[pl.ds(base, _BPW), 0], ssems[s]
        ).wait()

    def add_pe(l, s):
        pe_regs = [pe_v[l, pl.ds(16 * k, 16)] for k in range(D // 16)]

        def bbody(bb, c):
            for u in range(8):
                b = bb * 8 + u
                for k in range(D // 16):
                    plsc.addupdate(rows_v.at[s, b, pl.ds(16 * k, 16)], pe_regs[k])
            return c

        lax.fori_loop(0, _BPW // 8, bbody, 0, unroll=False)

    gather_start(0, 0)
    gather_start(1, 1)

    def body(g, carry):
        for u in (0, 1, 2, 3):
            l = 4 * g + u
            nxt = (u + 2) % 4
            if u < 2:
                @pl.when(g > 0)
                def _():
                    scatter_wait(nxt)
                gather_start(l + 2, nxt)
            else:
                scatter_wait(nxt)

                @pl.when(g < L // 4 - 1)
                def _():
                    gather_start(l + 2, nxt)
            gather_wait(l, u)
            add_pe(l, u)
            scatter_start(l, u)
        return carry

    lax.fori_loop(0, L // 4, body, 0, unroll=False)
    scatter_wait(2)
    scatter_wait(3)


@jax.jit
def kernel(x, table):
    pe = jnp.asarray(_positional_encoding_np(L, D))
    xt = jnp.transpose(x.astype(jnp.int32)).reshape(L, _NW, _BPW)
    xt = jnp.transpose(xt, (1, 0, 2))

    mesh = plsc.VectorSubcoreMesh(core_axis_name="c", subcore_axis_name="s")
    run = functools.partial(
        pl.kernel,
        mesh=mesh,
        out_type=jax.ShapeDtypeStruct((B, L, D), jnp.float32),
        scratch_types=[
            pltpu.VMEM((L, _BPW), jnp.int32),
            pltpu.VMEM((L, D), jnp.float32),
            pltpu.VMEM((4, _BPW, D), jnp.float32),
            pltpu.SemaphoreType.DMA,
            pltpu.SemaphoreType.DMA,
            pltpu.SemaphoreType.DMA,
            pltpu.SemaphoreType.DMA,
            pltpu.SemaphoreType.DMA,
            pltpu.SemaphoreType.DMA,
            pltpu.SemaphoreType.DMA,
            pltpu.SemaphoreType.DMA,
        ],
    )(_sc_body)
    return run(xt, table, pe)

# --- scband reference (transcript-rebuilt; emitter-appended) ---
"""Pipeline reference for scband-word-embedding-57681410785396 (READ-ONLY COPY).

The authoritative reference and input builder live on the scoring server;
editing this copy changes nothing except your own understanding.
"""

import jax, jax.numpy as jnp
import numpy as np

VOCAB = 1000000
D_DIM = 128

def _positional_encoding(seq_len, d_model):
    # Standard sinusoidal PE (PyTorch tutorial style), shape [seq_len, d_model]
    position = jnp.arange(seq_len, dtype=jnp.float32)[:, None]
    div_term = jnp.exp(jnp.arange(0, d_model, 2, dtype=jnp.float32) * (-np.log(10000.0) / d_model))
    pe = jnp.zeros((seq_len, d_model), dtype=jnp.float32)
    pe = pe.at[:, 0::2].set(jnp.sin(position * div_term))
    pe = pe.at[:, 1::2].set(jnp.cos(position * div_term))
    return pe

def setup_inputs(seed: int = 0) -> dict:
    key = jax.random.key(seed)
    k1, k2 = jax.random.split(key)
    x = jax.random.randint(k1, (4096, 200), 0, VOCAB, dtype=jnp.int64) if jax.config.jax_enable_x64 else jax.random.randint(k1, (4096, 200), 0, VOCAB, dtype=jnp.int32)
    # Embedding table parameter (nn.Embedding default init ~ N(0,1))
    table = jax.random.normal(k2, (VOCAB, D_DIM), dtype=jnp.float32)
    return {"x": x, "table": table}

def reference(x, table):
    # output = embedding(x).transpose(0, 1)
    emb = jnp.take(table, x, axis=0)          # [B, L, D]
    e = jnp.transpose(emb, (1, 0, 2))         # [L, B, D]
    # output = positional_encoding(output)  (dropout=0 so identity after add)
    L = e.shape[0]
    pe = _positional_encoding(L, D_DIM)       # [L, D]
    e = e + pe[:, None, :]
    # .transpose(0, 1) back
    return jnp.transpose(e, (1, 0, 2))        # [B, L, D]

if __name__ == "__main__":
    import jax
    _d = setup_inputs()
    print(jax.jit(kernel)(*tuple(_d.values())))

</pallas_src>

<mosaic_0001>
#map = affine_map<(d0, d1) -> (0, 0, 0)>
#map1 = affine_map<(d0, d1) -> (0, 0)>
module attributes {stable_mosaic.version = 14 : i64} {
  func.func @_sc_body(%arg0: i32, %arg1: i32, %arg2: memref<32x200x128xi32, #tpu.memory_space<hbm>>, %arg3: memref<1000000x128xf32, #tpu.memory_space<hbm>>, %arg4: memref<200x128xf32, #tpu.memory_space<hbm>>, %arg5: memref<4096x200x128xf32, #tpu.memory_space<hbm>>, %arg6: memref<200x128xi32, #tpu.memory_space<vmem>>, %arg7: memref<200x128xf32, #tpu.memory_space<vmem>>, %arg8: memref<4x128x128xf32, #tpu.memory_space<vmem>>, %arg9: memref<!tpu.dma_semaphore, #tpu.memory_space<semaphore_mem>>, %arg10: memref<!tpu.dma_semaphore, #tpu.memory_space<semaphore_mem>>, %arg11: memref<!tpu.dma_semaphore, #tpu.memory_space<semaphore_mem>>, %arg12: memref<!tpu.dma_semaphore, #tpu.memory_space<semaphore_mem>>, %arg13: memref<!tpu.dma_semaphore, #tpu.memory_space<semaphore_mem>>, %arg14: memref<!tpu.dma_semaphore, #tpu.memory_space<semaphore_mem>>, %arg15: memref<!tpu.dma_semaphore, #tpu.memory_space<semaphore_mem>>, %arg16: memref<!tpu.dma_semaphore, #tpu.memory_space<semaphore_mem>>) attributes {dimension_semantics = [#tpu.dimension_semantics<core_parallel>, #tpu.dimension_semantics<subcore_parallel>], iteration_bounds = array<i64: 2, 16>, scalar_prefetch = 0 : i64, scratch_operands = 11 : i64, tpu.core_type = #tpu.core_type<sc_vector_subcore>, window_params = [{transform_indices = #map}, {transform_indices = #map1}, {transform_indices = #map1}, {transform_indices = #map}]} {
    %mul3A = arith.constant 2 : i32
    %mul3A_0 = arith.muli %arg1, %mul3A : i32
    %add3A = arith.addi %mul3A_0, %arg0 : i32
    %mul3A_1 = arith.constant 128 : i32
    %mul3A_2 = arith.muli %add3A, %mul3A_1 : i32
    "tpu.region"() ({
      %run_scoped3A = tpu.sem_alloc : memref<!tpu.dma_semaphore, #tpu.memory_space<semaphore_mem>>
      %dma_start3A_245 = arith.constant 0 : i32
      %dma_start3A_246 = arith.constant 0 : i32
      %dma_start3A_247 = tpu.memref_slice %arg2[%add3A, %dma_start3A_245, %dma_start3A_246] : memref<32x200x128xi32, #tpu.memory_space<hbm>> -> memref<1x200x128xi32, #tpu.memory_space<hbm>>
      %dma_start3A_248 = tpu.memref_squeeze %dma_start3A_247 : memref<1x200x128xi32, #tpu.memory_space<hbm>> -> memref<200x128xi32, #tpu.memory_space<hbm>>
      %dma_start3A_249 = arith.constant 0 : i32
      %dma_start3A_250 = arith.constant 0 : i32
      %dma_start3A_251 = tpu.memref_slice %arg2[%add3A, %dma_start3A_249, %dma_start3A_250] : memref<32x200x128xi32, #tpu.memory_space<hbm>> -> memref<1x200x128xi32, #tpu.memory_space<hbm>>
      %dma_start3A_252 = tpu.memref_squeeze %dma_start3A_251 : memref<1x200x128xi32, #tpu.memory_space<hbm>> -> memref<200x128xi32, #tpu.memory_space<hbm>>
      tpu.enqueue_dma source(%dma_start3A_252 : memref<200x128xi32, #tpu.memory_space<hbm>>) target(%arg6 : memref<200x128xi32, #tpu.memory_space<vmem>>) target_semaphore(%run_scoped3A : memref<!tpu.dma_semaphore, #tpu.memory_space<semaphore_mem>>)
      %dma_wait3A_253 = arith.constant 0 : i32
      %dma_wait3A_254 = arith.constant 0 : i32
      %dma_wait3A_255 = tpu.memref_slice %arg2[%add3A, %dma_wait3A_253, %dma_wait3A_254] : memref<32x200x128xi32, #tpu.memory_space<hbm>> -> memref<1x200x128xi32, #tpu.memory_space<hbm>>
      %dma_wait3A_256 = tpu.memref_squeeze %dma_wait3A_255 : memref<1x200x128xi32, #tpu.memory_space<hbm>> -> memref<200x128xi32, #tpu.memory_space<hbm>>
      %dma_wait3A_257 = arith.constant 0 : i32
      %dma_wait3A_258 = arith.constant 0 : i32
      %dma_wait3A_259 = tpu.memref_slice %arg2[%add3A, %dma_wait3A_257, %dma_wait3A_258] : memref<32x200x128xi32, #tpu.memory_space<hbm>> -> memref<1x200x128xi32, #tpu.memory_space<hbm>>
      %dma_wait3A_260 = tpu.memref_squeeze %dma_wait3A_259 : memref<1x200x128xi32, #tpu.memory_space<hbm>> -> memref<200x128xi32, #tpu.memory_space<hbm>>
      tpu.wait_dma2 semaphore(%run_scoped3A : memref<!tpu.dma_semaphore, #tpu.memory_space<semaphore_mem>>) src(%dma_wait3A_260 : memref<200x128xi32, #tpu.memory_space<hbm>>) dst(%arg6 : memref<200x128xi32, #tpu.memory_space<vmem>>)
      tpu.yield
    }) : () -> ()
    "tpu.region"() ({
      %run_scoped3A = tpu.sem_alloc : memref<!tpu.dma_semaphore, #tpu.memory_space<semaphore_mem>>
      tpu.enqueue_dma source(%arg4 : memref<200x128xf32, #tpu.memory_space<hbm>>) target(%arg7 : memref<200x128xf32, #tpu.memory_space<vmem>>) target_semaphore(%run_scoped3A : memref<!tpu.dma_semaphore, #tpu.memory_space<semaphore_mem>>)
      tpu.wait_dma2 semaphore(%run_scoped3A : memref<!tpu.dma_semaphore, #tpu.memory_space<semaphore_mem>>) src(%arg4 : memref<200x128xf32, #tpu.memory_space<hbm>>) dst(%arg7 : memref<200x128xf32, #tpu.memory_space<vmem>>)
      tpu.yield
    }) : () -> ()
    %get3A = arith.constant 0 : i32
    %get3A_3 = arith.index_cast %get3A : i32 to index
    %get3A_4 = arith.constant 0 : index
    %get3A_5 = tpu.vector_load %arg6[%get3A_3, %get3A_4] {strides = array<i32>} : memref<200x128xi32, #tpu.memory_space<vmem>>, vector<1x16xi32>,
    %get3A_6 = vector.shape_cast %get3A_5 : vector<1x16xi32> to vector<16xi32>
    %dma_start3A = arith.constant 0 : i32
    %dma_start3A_7 = arith.constant 0 : i32
    %dma_start3A_8 = arith.constant 0 : i32
    %dma_start3A_9 = tpu.memref_slice %arg8[%dma_start3A, %dma_start3A_7, %dma_start3A_8] : memref<4x128x128xf32, #tpu.memory_space<vmem>> -> memref<1x16x128xf32, #tpu.memory_space<vmem>>
    %dma_start3A_10 = tpu.memref_squeeze %dma_start3A_9 : memref<1x16x128xf32, #tpu.memory_space<vmem>> -> memref<16x128xf32, #tpu.memory_space<vmem>>
    %dma_start3A_11 = arith.constant 0 : i32
    %dma_start3A_12 = arith.constant 0 : i32
    %dma_start3A_13 = tpu.memref_slice %arg3[%dma_start3A_11, %dma_start3A_12] : memref<1000000x128xf32, #tpu.memory_space<hbm>> -> memref<1000000x128xf32, #tpu.memory_space<hbm>>
    tpu.enqueue_indirect_dma source(%dma_start3A_13 : memref<1000000x128xf32, #tpu.memory_space<hbm>>) target(%dma_start3A_10 : memref<16x128xf32, #tpu.memory_space<vmem>>) offsets(%get3A_6 : vector<16xi32>) semaphore(%arg9 : memref<!tpu.dma_semaphore, #tpu.memory_space<semaphore_mem>>)
    %get3A_14 = arith.constant 0 : i32
    %get3A_15 = arith.index_cast %get3A_14 : i32 to index
    %get3A_16 = arith.constant 16 : index
    %get3A_17 = tpu.vector_load %arg6[%get3A_15, %get3A_16] {strides = array<i32>} : memref<200x128xi32, #tpu.memory_space<vmem>>, vector<1x16xi32>,
    %get3A_18 = vector.shape_cast %get3A_17 : vector<1x16xi32> to vector<16xi32>
    %dma_start3A_19 = arith.constant 0 : i32
    %dma_start3A_20 = arith.constant 16 : i32
    %dma_start3A_21 = arith.constant 0 : i32
    %dma_start3A_22 = tpu.memref_slice %arg8[%dma_start3A_19, %dma_start3A_20, %dma_start3A_21] : memref<4x128x128xf32, #tpu.memory_space<vmem>> -> memref<1x16x128xf32, #tpu.memory_space<vmem>>
    %dma_start3A_23 = tpu.memref_squeeze %dma_start3A_22 : memref<1x16x128xf32, #tpu.memory_space<vmem>> -> memref<16x128xf32, #tpu.memory_space<vmem>>
    %dma_start3A_24 = arith.constant 0 : i32
    %dma_start3A_25 = arith.constant 0 : i32
    %dma_start3A_26 = tpu.memref_slice %arg3[%dma_start3A_24, %dma_start3A_25] : memref<1000000x128xf32, #tpu.memory_space<hbm>> -> memref<1000000x128xf32, #tpu.memory_space<hbm>>
    tpu.enqueue_indirect_dma source(%dma_start3A_26 : memref<1000000x128xf32, #tpu.memory_space<hbm>>) target(%dma_start3A_23 : memref<16x128xf32, #tpu.memory_space<vmem>>) offsets(%get3A_18 : vector<16xi32>) semaphore(%arg9 : memref<!tpu.dma_semaphore, #tpu.memory_space<semaphore_mem>>)
    %get3A_27 = arith.constant 0 : i32
    %get3A_28 = arith.index_cast %get3A_27 : i32 to index
    %get3A_29 = arith.constant 32 : index
    %get3A_30 = tpu.vector_load %arg6[%get3A_28, %get3A_29] {strides = array<i32>} : memref<200x128xi32, #tpu.memory_space<vmem>>, vector<1x16xi32>,
    %get3A_31 = vector.shape_cast %get3A_30 : vector<1x16xi32> to vector<16xi32>
    %dma_start3A_32 = arith.constant 0 : i32
    %dma_start3A_33 = arith.constant 32 : i32
    %dma_start3A_34 = arith.constant 0 : i32
    %dma_start3A_35 = tpu.memref_slice %arg8[%dma_start3A_32, %dma_start3A_33, %dma_start3A_34] : memref<4x128x128xf32, #tpu.memory_space<vmem>> -> memref<1x16x128xf32, #tpu.memory_space<vmem>>
    %dma_start3A_36 = tpu.memref_squeeze %dma_start3A_35 : memref<1x16x128xf32, #tpu.memory_space<vmem>> -> memref<16x128xf32, #tpu.memory_space<vmem>>
    %dma_start3A_37 = arith.constant 0 : i32
    %dma_start3A_38 = arith.constant 0 : i32
    %dma_start3A_39 = tpu.memref_slice %arg3[%dma_start3A_37, %dma_start3A_38] : memref<1000000x128xf32, #tpu.memory_space<hbm>> -> memref<1000000x128xf32, #tpu.memory_space<hbm>>
    tpu.enqueue_indirect_dma source(%dma_start3A_39 : memref<1000000x128xf32, #tpu.memory_space<hbm>>) target(%dma_start3A_36 : memref<16x128xf32, #tpu.memory_space<vmem>>) offsets(%get3A_31 : vector<16xi32>) semaphore(%arg9 : memref<!tpu.dma_semaphore, #tpu.memory_space<semaphore_mem>>)
    %get3A_40 = arith.constant 0 : i32
    %get3A_41 = arith.index_cast %get3A_40 : i32 to index
    %get3A_42 = arith.constant 48 : index
    %get3A_43 = tpu.vector_load %arg6[%get3A_41, %get3A_42] {strides = array<i32>} : memref<200x128xi32, #tpu.memory_space<vmem>>, vector<1x16xi32>,
    %get3A_44 = vector.shape_cast %get3A_43 : vector<1x16xi32> to vector<16xi32>
    %dma_start3A_45 = arith.constant 0 : i32
    %dma_start3A_46 = arith.constant 48 : i32
    %dma_start3A_47 = arith.constant 0 : i32
    %dma_start3A_48 = tpu.memref_slice %arg8[%dma_start3A_45, %dma_start3A_46, %dma_start3A_47] : memref<4x128x128xf32, #tpu.memory_space<vmem>> -> memref<1x16x128xf32, #tpu.memory_space<vmem>>
    %dma_start3A_49 = tpu.memref_squeeze %dma_start3A_48 : memref<1x16x128xf32, #tpu.memory_space<vmem>> -> memref<16x128xf32, #tpu.memory_space<vmem>>
    %dma_start3A_50 = arith.constant 0 : i32
    %dma_start3A_51 = arith.constant 0 : i32
    %dma_start3A_52 = tpu.memref_slice %arg3[%dma_start3A_50, %dma_start3A_51] : memref<1000000x128xf32, #tpu.memory_space<hbm>> -> memref<1000000x128xf32, #tpu.memory_space<hbm>>
    tpu.enqueue_indirect_dma source(%dma_start3A_52 : memref<1000000x128xf32, #tpu.memory_space<hbm>>) target(%dma_start3A_49 : memref<16x128xf32, #tpu.memory_space<vmem>>) offsets(%get3A_44 : vector<16xi32>) semaphore(%arg9 : memref<!tpu.dma_semaphore, #tpu.memory_space<semaphore_mem>>)
    %get3A_53 = arith.constant 0 : i32
    %get3A_54 = arith.index_cast %get3A_53 : i32 to index
    %get3A_55 = arith.constant 64 : index
    %get3A_56 = tpu.vector_load %arg6[%get3A_54, %get3A_55] {strides = array<i32>} : memref<200x128xi32, #tpu.memory_space<vmem>>, vector<1x16xi32>,
    %get3A_57 = vector.shape_cast %get3A_56 : vector<1x16xi32> to vector<16xi32>
    %dma_start3A_58 = arith.constant 0 : i32
    %dma_start3A_59 = arith.constant 64 : i32
    %dma_start3A_60 = arith.constant 0 : i32
    %dma_start3A_61 = tpu.memref_slice %arg8[%dma_start3A_58, %dma_start3A_59, %dma_start3A_60] : memref<4x128x128xf32, #tpu.memory_space<vmem>> -> memref<1x16x128xf32, #tpu.memory_space<vmem>>
    %dma_start3A_62 = tpu.memref_squeeze %dma_start3A_61 : memref<1x16x128xf32, #tpu.memory_space<vmem>> -> memref<16x128xf32, #tpu.memory_space<vmem>>
    %dma_start3A_63 = arith.constant 0 : i32
    %dma_start3A_64 = arith.constant 0 : i32
    %dma_start3A_65 = tpu.memref_slice %arg3[%dma_start3A_63, %dma_start3A_64] : memref<1000000x128xf32, #tpu.memory_space<hbm>> -> memref<1000000x128xf32, #tpu.memory_space<hbm>>
    tpu.enqueue_indirect_dma source(%dma_start3A_65 : memref<1000000x128xf32, #tpu.memory_space<hbm>>) target(%dma_start3A_62 : memref<16x128xf32, #tpu.memory_space<vmem>>) offsets(%get3A_57 : vector<16xi32>) semaphore(%arg9 : memref<!tpu.dma_semaphore, #tpu.memory_space<semaphore_mem>>)
    %get3A_66 = arith.constant 0 : i32
    %get3A_67 = arith.index_cast %get3A_66 : i32 to index
    %get3A_68 = arith.constant 80 : index
    %get3A_69 = tpu.vector_load %arg6[%get3A_67, %get3A_68] {strides = array<i32>} : memref<200x128xi32, #tpu.memory_space<vmem>>, vector<1x16xi32>,
    %get3A_70 = vector.shape_cast %get3A_69 : vector<1x16xi32> to vector<16xi32>
    %dma_start3A_71 = arith.constant 0 : i32
    %dma_start3A_72 = arith.constant 80 : i32
    %dma_start3A_73 = arith.constant 0 : i32
    %dma_start3A_74 = tpu.memref_slice %arg8[%dma_start3A_71, %dma_start3A_72, %dma_start3A_73] : memref<4x128x128xf32, #tpu.memory_space<vmem>> -> memref<1x16x128xf32, #tpu.memory_space<vmem>>
    %dma_start3A_75 = tpu.memref_squeeze %dma_start3A_74 : memref<1x16x128xf32, #tpu.memory_space<vmem>> -> memref<16x128xf32, #tpu.memory_space<vmem>>
    %dma_start3A_76 = arith.constant 0 : i32
    %dma_start3A_77 = arith.constant 0 : i32
    %dma_start3A_78 = tpu.memref_slice %arg3[%dma_start3A_76, %dma_start3A_77] : memref<1000000x128xf32, #tpu.memory_space<hbm>> -> memref<1000000x128xf32, #tpu.memory_space<hbm>>
    tpu.enqueue_indirect_dma source(%dma_start3A_78 : memref<1000000x128xf32, #tpu.memory_space<hbm>>) target(%dma_start3A_75 : memref<16x128xf32, #tpu.memory_space<vmem>>) offsets(%get3A_70 : vector<16xi32>) semaphore(%arg9 : memref<!tpu.dma_semaphore, #tpu.memory_space<semaphore_mem>>)
    %get3A_79 = arith.constant 0 : i32
    %get3A_80 = arith.index_cast %get3A_79 : i32 to index
    %get3A_81 = arith.constant 96 : index
    %get3A_82 = tpu.vector_load %arg6[%get3A_80, %get3A_81] {strides = array<i32>} : memref<200x128xi32, #tpu.memory_space<vmem>>, vector<1x16xi32>,
    %get3A_83 = vector.shape_cast %get3A_82 : vector<1x16xi32> to vector<16xi32>
    %dma_start3A_84 = arith.constant 0 : i32
    %dma_start3A_85 = arith.constant 96 : i32
    %dma_start3A_86 = arith.constant 0 : i32
    %dma_start3A_87 = tpu.memref_slice %arg8[%dma_start3A_84, %dma_start3A_85, %dma_start3A_86] : memref<4x128x128xf32, #tpu.memory_space<vmem>> -> memref<1x16x128xf32, #tpu.memory_space<vmem>>
    %dma_start3A_88 = tpu.memref_squeeze %dma_start3A_87 : memref<1x16x128xf32, #tpu.memory_space<vmem>> -> memref<16x128xf32, #tpu.memory_space<vmem>>
    %dma_start3A_89 = arith.constant 0 : i32
    %dma_start3A_90 = arith.constant 0 : i32
    %dma_start3A_91 = tpu.memref_slice %arg3[%dma_start3A_89, %dma_start3A_90] : memref<1000000x128xf32, #tpu.memory_space<hbm>> -> memref<1000000x128xf32, #tpu.memory_space<hbm>>
    tpu.enqueue_indirect_dma source(%dma_start3A_91 : memref<1000000x128xf32, #tpu.memory_space<hbm>>) target(%dma_start3A_88 : memref<16x128xf32, #tpu.memory_space<vmem>>) offsets(%get3A_83 : vector<16xi32>) semaphore(%arg9 : memref<!tpu.dma_semaphore, #tpu.memory_space<semaphore_mem>>)
    %get3A_92 = arith.constant 0 : i32
    %get3A_93 = arith.index_cast %get3A_92 : i32 to index
    %get3A_94 = arith.constant 112 : index
    %get3A_95 = tpu.vector_load %arg6[%get3A_93, %get3A_94] {strides = array<i32>} : memref<200x128xi32, #tpu.memory_space<vmem>>, vector<1x16xi32>,
    %get3A_96 = vector.shape_cast %get3A_95 : vector<1x16xi32> to vector<16xi32>
    %dma_start3A_97 = arith.constant 0 : i32
    %dma_start3A_98 = arith.constant 112 : i32
    %dma_start3A_99 = arith.constant 0 : i32
    %dma_start3A_100 = tpu.memref_slice %arg8[%dma_start3A_97, %dma_start3A_98, %dma_start3A_99] : memref<4x128x128xf32, #tpu.memory_space<vmem>> -> memref<1x16x128xf32, #tpu.memory_space<vmem>>
    %dma_start3A_101 = tpu.memref_squeeze %dma_start3A_100 : memref<1x16x128xf32, #tpu.memory_space<vmem>> -> memref<16x128xf32, #tpu.memory_space<vmem>>
    %dma_start3A_102 = arith.constant 0 : i32
    %dma_start3A_103 = arith.constant 0 : i32
    %dma_start3A_104 = tpu.memref_slice %arg3[%dma_start3A_102, %dma_start3A_103] : memref<1000000x128xf32, #tpu.memory_space<hbm>> -> memref<1000000x128xf32, #tpu.memory_space<hbm>>
    tpu.enqueue_indirect_dma source(%dma_start3A_104 : memref<1000000x128xf32, #tpu.memory_space<hbm>>) target(%dma_start3A_101 : memref<16x128xf32, #tpu.memory_space<vmem>>) offsets(%get3A_96 : vector<16xi32>) semaphore(%arg9 : memref<!tpu.dma_semaphore, #tpu.memory_space<semaphore_mem>>)
    %get3A_105 = arith.constant 1 : i32
    %get3A_106 = arith.index_cast %get3A_105 : i32 to index
    %get3A_107 = arith.constant 0 : index
    %get3A_108 = tpu.vector_load %arg6[%get3A_106, %get3A_107] {strides = array<i32>} : memref<200x128xi32, #tpu.memory_space<vmem>>, vector<1x16xi32>,
    %get3A_109 = vector.shape_cast %get3A_108 : vector<1x16xi32> to vector<16xi32>
    %dma_start3A_110 = arith.constant 1 : i32
    %dma_start3A_111 = arith.constant 0 : i32
    %dma_start3A_112 = arith.constant 0 : i32
    %dma_start3A_113 = tpu.memref_slice %arg8[%dma_start3A_110, %dma_start3A_111, %dma_start3A_112] : memref<4x128x128xf32, #tpu.memory_space<vmem>> -> memref<1x16x128xf32, #tpu.memory_space<vmem>>
    %dma_start3A_114 = tpu.memref_squeeze %dma_start3A_113 : memref<1x16x128xf32, #tpu.memory_space<vmem>> -> memref<16x128xf32, #tpu.memory_space<vmem>>
    %dma_start3A_115 = arith.constant 0 : i32
    %dma_start3A_116 = arith.constant 0 : i32
    %dma_start3A_117 = tpu.memref_slice %arg3[%dma_start3A_115, %dma_start3A_116] : memref<1000000x128xf32, #tpu.memory_space<hbm>> -> memref<1000000x128xf32, #tpu.memory_space<hbm>>
    tpu.enqueue_indirect_dma source(%dma_start3A_117 : memref<1000000x128xf32, #tpu.memory_space<hbm>>) target(%dma_start3A_114 : memref<16x128xf32, #tpu.memory_space<vmem>>) offsets(%get3A_109 : vector<16xi32>) semaphore(%arg10 : memref<!tpu.dma_semaphore, #tpu.memory_space<semaphore_mem>>)
    %get3A_118 = arith.constant 1 : i32
    %get3A_119 = arith.index_cast %get3A_118 : i32 to index
    %get3A_120 = arith.constant 16 : index
    %get3A_121 = tpu.vector_load %arg6[%get3A_119, %get3A_120] {strides = array<i32>} : memref<200x128xi32, #tpu.memory_space<vmem>>, vector<1x16xi32>,
    %get3A_122 = vector.shape_cast %get3A_121 : vector<1x16xi32> to vector<16xi32>
    %dma_start3A_123 = arith.constant 1 : i32
    %dma_start3A_124 = arith.constant 16 : i32
    %dma_start3A_125 = arith.constant 0 : i32
    %dma_start3A_126 = tpu.memref_slice %arg8[%dma_start3A_123, %dma_start3A_124, %dma_start3A_125] : memref<4x128x128xf32, #tpu.memory_space<vmem>> -> memref<1x16x128xf32, #tpu.memory_space<vmem>>
    %dma_start3A_127 = tpu.memref_squeeze %dma_start3A_126 : memref<1x16x128xf32, #tpu.memory_space<vmem>> -> memref<16x128xf32, #tpu.memory_space<vmem>>
    %dma_start3A_128 = arith.constant 0 : i32
    %dma_start3A_129 = arith.constant 0 : i32
    %dma_start3A_130 = tpu.memref_slice %arg3[%dma_start3A_128, %dma_start3A_129] : memref<1000000x128xf32, #tpu.memory_space<hbm>> -> memref<1000000x128xf32, #tpu.memory_space<hbm>>
    tpu.enqueue_indirect_dma source(%dma_start3A_130 : memref<1000000x128xf32, #tpu.memory_space<hbm>>) target(%dma_start3A_127 : memref<16x128xf32, #tpu.memory_space<vmem>>) offsets(%get3A_122 : vector<16xi32>) semaphore(%arg10 : memref<!tpu.dma_semaphore, #tpu.memory_space<semaphore_mem>>)
    %get3A_131 = arith.constant 1 : i32
    %get3A_132 = arith.index_cast %get3A_131 : i32 to index
    %get3A_133 = arith.constant 32 : index
    %get3A_134 = tpu.vector_load %arg6[%get3A_132, %get3A_133] {strides = array<i32>} : memref<200x128xi32, #tpu.memory_space<vmem>>, vector<1x16xi32>,
    %get3A_135 = vector.shape_cast %get3A_134 : vector<1x16xi32> to vector<16xi32>
    %dma_start3A_136 = arith.constant 1 : i32
    %dma_start3A_137 = arith.constant 32 : i32
    %dma_start3A_138 = arith.constant 0 : i32
    %dma_start3A_139 = tpu.memref_slice %arg8[%dma_start3A_136, %dma_start3A_137, %dma_start3A_138] : memref<4x128x128xf32, #tpu.memory_space<vmem>> -> memref<1x16x128xf32, #tpu.memory_space<vmem>>
    %dma_start3A_140 = tpu.memref_squeeze %dma_start3A_139 : memref<1x16x128xf32, #tpu.memory_space<vmem>> -> memref<16x128xf32, #tpu.memory_space<vmem>>
    %dma_start3A_141 = arith.constant 0 : i32
    %dma_start3A_142 = arith.constant 0 : i32
    %dma_start3A_143 = tpu.memref_slice %arg3[%dma_start3A_141, %dma_start3A_142] : memref<1000000x128xf32, #tpu.memory_space<hbm>> -> memref<1000000x128xf32, #tpu.memory_space<hbm>>
    tpu.enqueue_indirect_dma source(%dma_start3A_143 : memref<1000000x128xf32, #tpu.memory_space<hbm>>) target(%dma_start3A_140 : memref<16x128xf32, #tpu.memory_space<vmem>>) offsets(%get3A_135 : vector<16xi32>) semaphore(%arg10 : memref<!tpu.dma_semaphore, #tpu.memory_space<semaphore_mem>>)
    %get3A_144 = arith.constant 1 : i32
    %get3A_145 = arith.index_cast %get3A_144 : i32 to index
    %get3A_146 = arith.constant 48 : index
    %get3A_147 = tpu.vector_load %arg6[%get3A_145, %get3A_146] {strides = array<i32>} : memref<200x128xi32, #tpu.memory_space<vmem>>, vector<1x16xi32>,
    %get3A_148 = vector.shape_cast %get3A_147 : vector<1x16xi32> to vector<16xi32>
    %dma_start3A_149 = arith.constant 1 : i32
    %dma_start3A_150 = arith.constant 48 : i32
    %dma_start3A_151 = arith.constant 0 : i32
    %dma_start3A_152 = tpu.memref_slice %arg8[%dma_start3A_149, %dma_start3A_150, %dma_start3A_151] : memref<4x128x128xf32, #tpu.memory_space<vmem>> -> memref<1x16x128xf32, #tpu.memory_space<vmem>>
    %dma_start3A_153 = tpu.memref_squeeze %dma_start3A_152 : memref<1x16x128xf32, #tpu.memory_space<vmem>> -> memref<16x128xf32, #tpu.memory_space<vmem>>
    %dma_start3A_154 = arith.constant 0 : i32
    %dma_start3A_155 = arith.constant 0 : i32
    %dma_start3A_156 = tpu.memref_slice %arg3[%dma_start3A_154, %dma_start3A_155] : memref<1000000x128xf32, #tpu.memory_space<hbm>> -> memref<1000000x128xf32, #tpu.memory_space<hbm>>
    tpu.enqueue_indirect_dma source(%dma_start3A_156 : memref<1000000x128xf32, #tpu.memory_space<hbm>>) target(%dma_start3A_153 : memref<16x128xf32, #tpu.memory_space<vmem>>) offsets(%get3A_148 : vector<16xi32>) semaphore(%arg10 : memref<!tpu.dma_semaphore, #tpu.memory_space<semaphore_mem>>)
    %get3A_157 = arith.constant 1 : i32
    %get3A_158 = arith.index_cast %get3A_157 : i32 to index
    %get3A_159 = arith.constant 64 : index
    %get3A_160 = tpu.vector_load %arg6[%get3A_158, %get3A_159] {strides = array<i32>} : memref<200x128xi32, #tpu.memory_space<vmem>>, vector<1x16xi32>,
    %get3A_161 = vector.shape_cast %get3A_160 : vector<1x16xi32> to vector<16xi32>
    %dma_start3A_162 = arith.constant 1 : i32
    %dma_start3A_163 = arith.constant 64 : i32
    %dma_start3A_164 = arith.constant 0 : i32
    %dma_start3A_165 = tpu.memref_slice %arg8[%dma_start3A_162, %dma_start3A_163, %dma_start3A_164] : memref<4x128x128xf32, #tpu.memory_space<vmem>> -> memref<1x16x128xf32, #tpu.memory_space<vmem>>
    %dma_start3A_166 = tpu.memref_squeeze %dma_start3A_165 : memref<1x16x128xf32, #tpu.memory_space<vmem>> -> memref<16x128xf32, #tpu.memory_space<vmem>>
    %dma_start3A_167 = arith.constant 0 : i32
    %dma_start3A_168 = arith.constant 0 : i32
    %dma_start3A_169 = tpu.memref_slice %arg3[%dma_start3A_167, %dma_start3A_168] : memref<1000000x128xf32, #tpu.memory_space<hbm>> -> memref<1000000x128xf32, #tpu.memory_space<hbm>>
    tpu.enqueue_indirect_dma source(%dma_start3A_169 : memref<1000000x128xf32, #tpu.memory_space<hbm>>) target(%dma_start3A_166 : memref<16x128xf32, #tpu.memory_space<vmem>>) offsets(%get3A_161 : vector<16xi32>) semaphore(%arg10 : memref<!tpu.dma_semaphore, #tpu.memory_space<semaphore_mem>>)
    %get3A_170 = arith.constant 1 : i32
    %get3A_171 = arith.index_cast %get3A_170 : i32 to index
    %get3A_172 = arith.constant 80 : index
    %get3A_173 = tpu.vector_load %arg6[%get3A_171, %get3A_172] {strides = array<i32>} : memref<200x128xi32, #tpu.memory_space<vmem>>, vector<1x16xi32>,
    %get3A_174 = vector.shape_cast %get3A_173 : vector<1x16xi32> to vector<16xi32>
    %dma_start3A_175 = arith.constant 1 : i32
    %dma_start3A_176 = arith.constant 80 : i32
    %dma_start3A_177 = arith.constant 0 : i32
    %dma_start3A_178 = tpu.memref_slice %arg8[%dma_start3A_175, %dma_start3A_176, %dma_start3A_177] : memref<4x128x128xf32, #tpu.memory_space<vmem>> -> memref<1x16x128xf32, #tpu.memory_space<vmem>>
    %dma_start3A_179 = tpu.memref_squeeze %dma_start3A_178 : memref<1x16x128xf32, #tpu.memory_space<vmem>> -> memref<16x128xf32, #tpu.memory_space<vmem>>
    %dma_start3A_180 = arith.constant 0 : i32
    %dma_start3A_181 = arith.constant 0 : i32
    %dma_start3A_182 = tpu.memref_slice %arg3[%dma_start3A_180, %dma_start3A_181] : memref<1000000x128xf32, #tpu.memory_space<hbm>> -> memref<1000000x128xf32, #tpu.memory_space<hbm>>
    tpu.enqueue_indirect_dma source(%dma_start3A_182 : memref<1000000x128xf32, #tpu.memory_space<hbm>>) target(%dma_start3A_179 : memref<16x128xf32, #tpu.memory_space<vmem>>) offsets(%get3A_174 : vector<16xi32>) semaphore(%arg10 : memref<!tpu.dma_semaphore, #tpu.memory_space<semaphore_mem>>)
    %get3A_183 = arith.constant 1 : i32
    %get3A_184 = arith.index_cast %get3A_183 : i32 to index
    %get3A_185 = arith.constant 96 : index
    %get3A_186 = tpu.vector_load %arg6[%get3A_184, %get3A_185] {strides = array<i32>} : memref<200x128xi32, #tpu.memory_space<vmem>>, vector<1x16xi32>,
    %get3A_187 = vector.shape_cast %get3A_186 : vector<1x16xi32> to vector<16xi32>
    %dma_start3A_188 = arith.constant 1 : i32
    %dma_start3A_189 = arith.constant 96 : i32
    %dma_start3A_190 = arith.constant 0 : i32
    %dma_start3A_191 = tpu.memref_slice %arg8[%dma_start3A_188, %dma_start3A_189, %dma_start3A_190] : memref<4x128x128xf32, #tpu.memory_space<vmem>> -> memref<1x16x128xf32, #tpu.memory_space<vmem>>
    %dma_start3A_192 = tpu.memref_squeeze %dma_start3A_191 : memref<1x16x128xf32, #tpu.memory_space<vmem>> -> memref<16x128xf32, #tpu.memory_space<vmem>>
    %dma_start3A_193 = arith.constant 0 : i32
    %dma_start3A_194 = arith.constant 0 : i32
    %dma_start3A_195 = tpu.memref_slice %arg3[%dma_start3A_193, %dma_start3A_194] : memref<1000000x128xf32, #tpu.memory_space<hbm>> -> memref<1000000x128xf32, #tpu.memory_space<hbm>>
    tpu.enqueue_indirect_dma source(%dma_start3A_195 : memref<1000000x128xf32, #tpu.memory_space<hbm>>) target(%dma_start3A_192 : memref<16x128xf32, #tpu.memory_space<vmem>>) offsets(%get3A_187 : vector<16xi32>) semaphore(%arg10 : memref<!tpu.dma_semaphore, #tpu.memory_space<semaphore_mem>>)
    %get3A_196 = arith.constant 1 : i32
    %get3A_197 = arith.index_cast %get3A_196 : i32 to index
    %get3A_198 = arith.constant 112 : index
    %get3A_199 = tpu.vector_load %arg6[%get3A_197, %get3A_198] {strides = array<i32>} : memref<200x128xi32, #tpu.memory_space<vmem>>, vector<1x16xi32>,
    %get3A_200 = vector.shape_cast %get3A_199 : vector<1x16xi32> to vector<16xi32>
    %dma_start3A_201 = arith.constant 1 : i32
    %dma_start3A_202 = arith.constant 112 : i32
    %dma_start3A_203 = arith.constant 0 : i32
    %dma_start3A_204 = tpu.memref_slice %arg8[%dma_start3A_201, %dma_start3A_202, %dma_start3A_203] : memref<4x128x128xf32, #tpu.memory_space<vmem>> -> memref<1x16x128xf32, #tpu.memory_space<vmem>>
    %dma_start3A_205 = tpu.memref_squeeze %dma_start3A_204 : memref<1x16x128xf32, #tpu.memory_space<vmem>> -> memref<16x128xf32, #tpu.memory_space<vmem>>
    %dma_start3A_206 = arith.constant 0 : i32
    %dma_start3A_207 = arith.constant 0 : i32
    %dma_start3A_208 = tpu.memref_slice %arg3[%dma_start3A_206, %dma_start3A_207] : memref<1000000x128xf32, #tpu.memory_space<hbm>> -> memref<1000000x128xf32, #tpu.memory_space<hbm>>
    tpu.enqueue_indirect_dma source(%dma_start3A_208 : memref<1000000x128xf32, #tpu.memory_space<hbm>>) target(%dma_start3A_205 : memref<16x128xf32, #tpu.memory_space<vmem>>) offsets(%get3A_200 : vector<16xi32>) semaphore(%arg10 : memref<!tpu.dma_semaphore, #tpu.memory_space<semaphore_mem>>)
    %scan3A = arith.constant 0 : i32
    %scan3A_209 = arith.constant 0 : i32
    %scan3A_210 = arith.constant 50 : i32
    %scan3A_211 = arith.addi %scan3A_209, %scan3A_210 : i32
    %scan3A_212 = arith.constant 1 : i32
    scf.for %scan3A_245 = %scan3A_209 to %scan3A_211 step %scan3A_212  : i32 {
      %mul3A_246 = arith.constant 4 : i32
      %mul3A_247 = arith.muli %mul3A_246, %scan3A_245 : i32
      %add3A_248 = arith.constant 0 : i32
      %add3A_249 = arith.addi %mul3A_247, %add3A_248 : i32
      %gt3A = arith.constant 0 : i32
      %gt3A_250 = arith.cmpi sgt, %scan3A_245, %gt3A : i32
      %convert_element_type3A = arith.extui %gt3A_250 : i1 to i32
      %cond3A = arith.constant 0 : i32
      %cond3A_251 = arith.cmpi ne, %convert_element_type3A, %cond3A : i32
      scf.if %cond3A_251 {
        %dma_wait3A_1102 = arith.constant 2 : i32
        %dma_wait3A_1103 = arith.constant 0 : i32
        %dma_wait3A_1104 = arith.constant 0 : i32
        %dma_wait3A_1105 = arith.constant 0 : i32
        %dma_wait3A_1106 = tpu.memref_slice %arg8[%dma_wait3A_1102, %dma_wait3A_1104, %dma_wait3A_1105] : memref<4x128x128xf32, #tpu.memory_space<vmem>> -> memref<1x128x128xf32, #tpu.memory_space<vmem>>
        %dma_wait3A_1107 = tpu.memref_squeeze %dma_wait3A_1106 : memref<1x128x128xf32, #tpu.memory_space<vmem>> -> memref<128x128xf32, #tpu.memory_space<vmem>>
        %dma_wait3A_1108 = arith.constant 0 : i32
        %dma_wait3A_1109 = tpu.memref_slice %arg5[%mul3A_2, %dma_wait3A_1103, %dma_wait3A_1108] : memref<4096x200x128xf32, #tpu.memory_space<hbm>> -> memref<128x1x128xf32, #tpu.memory_space<hbm>>
        %dma_wait3A_1110 = tpu.memref_squeeze %dma_wait3A_1109 : memref<128x1x128xf32, #tpu.memory_space<hbm>> -> memref<128x128xf32, #tpu.memory_space<hbm>>
        %dma_wait3A_1111 = arith.constant 0 : i32
        %dma_wait3A_1112 = tpu.memref_slice %arg5[%mul3A_2, %dma_wait3A_1103, %dma_wait3A_1111] : memref<4096x200x128xf32, #tpu.memory_space<hbm>> -> memref<128x1x128xf32, #tpu.memory_space<hbm>>
        %dma_wait3A_1113 = tpu.memref_squeeze %dma_wait3A_1112 : memref<128x1x128xf32, #tpu.memory_space<hbm>> -> memref<128x128xf32, #tpu.memory_space<hbm>>
        %dma_wait3A_1114 = arith.constant 0 : i32
        %dma_wait3A_1115 = arith.constant 0 : i32
        %dma_wait3A_1116 = tpu.memref_slice %arg8[%dma_wait3A_1102, %dma_wait3A_1114, %dma_wait3A_1115] : memref<4x128x128xf32, #tpu.memory_space<vmem>> -> memref<1x128x128xf32, #tpu.memory_space<vmem>>
        %dma_wait3A_1117 = tpu.memref_squeeze %dma_wait3A_1116 : memref<1x128x128xf32, #tpu.memory_space<vmem>> -> memref<128x128xf32, #tpu.memory_space<vmem>>
        tpu.wait_dma2 semaphore(%arg15 : memref<!tpu.dma_semaphore, #tpu.memory_space<semaphore_mem>>) src(%dma_wait3A_1117 : memref<128x128xf32, #tpu.memory_space<vmem>>) dst(%dma_wait3A_1113 : memref<128x128xf32, #tpu.memory_space<hbm>>)
      } else {
      }
      %add3A_252 = arith.constant 2 : i32
      %add3A_253 = arith.addi %add3A_249, %add3A_252 : i32
      %get3A_254 = arith.index_cast %add3A_253 : i32 to index
      %get3A_255 = arith.constant 0 : index
      %get3A_256 = tpu.vector_load %arg6[%get3A_254, %get3A_255] {strides = array<i32>} : memref<200x128xi32, #tpu.memory_space<vmem>>, vector<1x16xi32>,
      %get3A_257 = vector.shape_cast %get3A_256 : vector<1x16xi32> to vector<16xi32>
      %dma_start3A_258 = arith.constant 2 : i32
      %dma_start3A_259 = arith.constant 0 : i32
      %dma_start3A_260 = arith.constant 0 : i32
      %dma_start3A_261 = tpu.memref_slice %arg8[%dma_start3A_258, %dma_start3A_259, %dma_start3A_260] : memref<4x128x128xf32, #tpu.memory_space<vmem>> -> memref<1x16x128xf32, #tpu.memory_space<vmem>>
      %dma_start3A_262 = tpu.memref_squeeze %dma_start3A_261 : memref<1x16x128xf32, #tpu.memory_space<vmem>> -> memref<16x128xf32, #tpu.memory_space<vmem>>
      %dma_start3A_263 = arith.constant 0 : i32
      %dma_start3A_264 = arith.constant 0 : i32
      %dma_start3A_265 = tpu.memref_slice %arg3[%dma_start3A_263, %dma_start3A_264] : memref<1000000x128xf32, #tpu.memory_space<hbm>> -> memref<1000000x128xf32, #tpu.memory_space<hbm>>
      tpu.enqueue_indirect_dma source(%dma_start3A_265 : memref<1000000x128xf32, #tpu.memory_space<hbm>>) target(%dma_start3A_262 : memref<16x128xf32, #tpu.memory_space<vmem>>) offsets(%get3A_257 : vector<16xi32>) semaphore(%arg11 : memref<!tpu.dma_semaphore, #tpu.memory_space<semaphore_mem>>)
      %get3A_266 = arith.index_cast %add3A_253 : i32 to index
      %get3A_267 = arith.constant 16 : index
      %get3A_268 = tpu.vector_load %arg6[%get3A_266, %get3A_267] {strides = array<i32>} : memref<200x128xi32, #tpu.memory_space<vmem>>, vector<1x16xi32>,
      %get3A_269 = vector.shape_cast %get3A_268 : vector<1x16xi32> to vector<16xi32>
      %dma_start3A_270 = arith.constant 2 : i32
      %dma_start3A_271 = arith.constant 16 : i32
      %dma_start3A_272 = arith.constant 0 : i32
      %dma_start3A_273 = tpu.memref_slice %arg8[%dma_start3A_270, %dma_start3A_271, %dma_start3A_272] : memref<4x128x128xf32, #tpu.memory_space<vmem>> -> memref<1x16x128xf32, #tpu.memory_space<vmem>>
      %dma_start3A_274 = tpu.memref_squeeze %dma_start3A_273 : memref<1x16x128xf32, #tpu.memory_space<vmem>> -> memref<16x128xf32, #tpu.memory_space<vmem>>
      %dma_start3A_275 = arith.constant 0 : i32
      %dma_start3A_276 = arith.constant 0 : i32
      %dma_start3A_277 = tpu.memref_slice %arg3[%dma_start3A_275, %dma_start3A_276] : memref<1000000x128xf32, #tpu.memory_space<hbm>> -> memref<1000000x128xf32, #tpu.memory_space<hbm>>
      tpu.enqueue_indirect_dma source(%dma_start3A_277 : memref<1000000x128xf32, #tpu.memory_space<hbm>>) target(%dma_start3A_274 : memref<16x128xf32, #tpu.memory_space<vmem>>) offsets(%get3A_269 : vector<16xi32>) semaphore(%arg11 : memref<!tpu.dma_semaphore, #tpu.memory_space<semaphore_mem>>)
      %get3A_278 = arith.index_cast %add3A_253 : i32 to index
      %get3A_279 = arith.constant 32 : index
      %get3A_280 = tpu.vector_load %arg6[%get3A_278, %get3A_279] {strides = array<i32>} : memref<200x128xi32, #tpu.memory_space<vmem>>, vector<1x16xi32>,
      %get3A_281 = vector.shape_cast %get3A_280 : vector<1x16xi32> to vector<16xi32>
      %dma_start3A_282 = arith.constant 2 : i32
      %dma_start3A_283 = arith.constant 32 : i32
      %dma_start3A_284 = arith.constant 0 : i32
      %dma_start3A_285 = tpu.memref_slice %arg8[%dma_start3A_282, %dma_start3A_283, %dma_start3A_284] : memref<4x128x128xf32, #tpu.memory_space<vmem>> -> memref<1x16x128xf32, #tpu.memory_space<vmem>>
      %dma_start3A_286 = tpu.memref_squeeze %dma_start3A_285 : memref<1x16x128xf32, #tpu.memory_space<vmem>> -> memref<16x128xf32, #tpu.memory_space<vmem>>
      %dma_start3A_287 = arith.constant 0 : i32
      %dma_start3A_288 = arith.constant 0 : i32
      %dma_start3A_289 = tpu.memref_slice %arg3[%dma_start3A_287, %dma_start3A_288] : memref<1000000x128xf32, #tpu.memory_space<hbm>> -> memref<1000000x128xf32, #tpu.memory_space<hbm>>
      tpu.enqueue_indirect_dma source(%dma_start3A_289 : memref<1000000x128xf32, #tpu.memory_space<hbm>>) target(%dma_start3A_286 : memref<16x128xf32, #tpu.memory_space<vmem>>) offsets(%get3A_281 : vector<16xi32>) semaphore(%arg11 : memref<!tpu.dma_semaphore, #tpu.memory_space<semaphore_mem>>)
      %get3A_290 = arith.index_cast %add3A_253 : i32 to index
      %get3A_291 = arith.constant 48 : index
      %get3A_292 = tpu.vector_load %arg6[%get3A_290, %get3A_291] {strides = array<i32>} : memref<200x128xi32, #tpu.memory_space<vmem>>, vector<1x16xi32>,
      %get3A_293 = vector.shape_cast %get3A_292 : vector<1x16xi32> to vector<16xi32>
      %dma_start3A_294 = arith.constant 2 : i32
      %dma_start3A_295 = arith.constant 48 : i32
      %dma_start3A_296 = arith.constant 0 : i32
      %dma_start3A_297 = tpu.memref_slice %arg8[%dma_start3A_294, %dma_start3A_295, %dma_start3A_296] : memref<4x128x128xf32, #tpu.memory_space<vmem>> -> memref<1x16x128xf32, #tpu.memory_space<vmem>>
      %dma_start3A_298 = tpu.memref_squeeze %dma_start3A_297 : memref<1x16x128xf32, #tpu.memory_space<vmem>> -> memref<16x128xf32, #tpu.memory_space<vmem>>
      %dma_start3A_299 = arith.constant 0 : i32
      %dma_start3A_300 = arith.constant 0 : i32
      %dma_start3A_301 = tpu.memref_slice %arg3[%dma_start3A_299, %dma_start3A_300] : memref<1000000x128xf32, #tpu.memory_space<hbm>> -> memref<1000000x128xf32, #tpu.memory_space<hbm>>
      tpu.enqueue_indirect_dma source(%dma_start3A_301 : memref<1000000x128xf32, #tpu.memory_space<hbm>>) target(%dma_start3A_298 : memref<16x128xf32, #tpu.memory_space<vmem>>) offsets(%get3A_293 : vector<16xi32>) semaphore(%arg11 : memref<!tpu.dma_semaphore, #tpu.memory_space<semaphore_mem>>)
      %get3A_302 = arith.index_cast %add3A_253 : i32 to index
      %get3A_303 = arith.constant 64 : index
      %get3A_304 = tpu.vector_load %arg6[%get3A_302, %get3A_303] {strides = array<i32>} : memref<200x128xi32, #tpu.memory_space<vmem>>, vector<1x16xi32>,
      %get3A_305 = vector.shape_cast %get3A_304 : vector<1x16xi32> to vector<16xi32>
      %dma_start3A_306 = arith.constant 2 : i32
      %dma_start3A_307 = arith.constant 64 : i32
      %dma_start3A_308 = arith.constant 0 : i32
      %dma_start3A_309 = tpu.memref_slice %arg8[%dma_start3A_306, %dma_start3A_307, %dma_start3A_308] : memref<4x128x128xf32, #tpu.memory_space<vmem>> -> memref<1x16x128xf32, #tpu.memory_space<vmem>>
      %dma_start3A_310 = tpu.memref_squeeze %dma_start3A_309 : memref<1x16x128xf32, #tpu.memory_space<vmem>> -> memref<16x128xf32, #tpu.memory_space<vmem>>
      %dma_start3A_311 = arith.constant 0 : i32
      %dma_start3A_312 = arith.constant 0 : i32
      %dma_start3A_313 = tpu.memref_slice %arg3[%dma_start3A_311, %dma_start3A_312] : memref<1000000x128xf32, #tpu.memory_space<hbm>> -> memref<1000000x128xf32, #tpu.memory_space<hbm>>
      tpu.enqueue_indirect_dma source(%dma_start3A_313 : memref<1000000x128xf32, #tpu.memory_space<hbm>>) target(%dma_start3A_310 : memref<16x128xf32, #tpu.memory_space<vmem>>) offsets(%get3A_305 : vector<16xi32>) semaphore(%arg11 : memref<!tpu.dma_semaphore, #tpu.memory_space<semaphore_mem>>)
      %get3A_314 = arith.index_cast %add3A_253 : i32 to index
      %get3A_315 = arith.constant 80 : index
      %get3A_316 = tpu.vector_load %arg6[%get3A_314, %get3A_315] {strides = array<i32>} : memref<200x128xi32, #tpu.memory_space<vmem>>, vector<1x16xi32>,
      %get3A_317 = vector.shape_cast %get3A_316 : vector<1x16xi32> to vector<16xi32>
      %dma_start3A_318 = arith.constant 2 : i32
      %dma_start3A_319 = arith.constant 80 : i32
      %dma_start3A_320 = arith.constant 0 : i32
      %dma_start3A_321 = tpu.memref_slice %arg8[%dma_start3A_318, %dma_start3A_319, %dma_start3A_320] : memref<4x128x128xf32, #tpu.memory_space<vmem>> -> memref<1x16x128xf32, #tpu.memory_space<vmem>>
      %dma_start3A_322 = tpu.memref_squeeze %dma_start3A_321 : memref<1x16x128xf32, #tpu.memory_space<vmem>> -> memref<16x128xf32, #tpu.memory_space<vmem>>
      %dma_start3A_323 = arith.constant 0 : i32
      %dma_start3A_324 = arith.constant 0 : i32
      %dma_start3A_325 = tpu.memref_slice %arg3[%dma_start3A_323, %dma_start3A_324] : memref<1000000x128xf32, #tpu.memory_space<hbm>> -> memref<1000000x128xf32, #tpu.memory_space<hbm>>
      tpu.enqueue_indirect_dma source(%dma_start3A_325 : memref<1000000x128xf32, #tpu.memory_space<hbm>>) target(%dma_start3A_322 : memref<16x128xf32, #tpu.memory_space<vmem>>) offsets(%get3A_317 : vector<16xi32>) semaphore(%arg11 : memref<!tpu.dma_semaphore, #tpu.memory_space<semaphore_mem>>)
      %get3A_326 = arith.index_cast %add3A_253 : i32 to index
      %get3A_327 = arith.constant 96 : index
      %get3A_328 = tpu.vector_load %arg6[%get3A_326, %get3A_327] {strides = array<i32>} : memref<200x128xi32, #tpu.memory_space<vmem>>, vector<1x16xi32>,
      %get3A_329 = vector.shape_cast %get3A_328 : vector<1x16xi32> to vector<16xi32>
      %dma_start3A_330 = arith.constant 2 : i32
      %dma_start3A_331 = arith.constant 96 : i32
      %dma_start3A_332 = arith.constant 0 : i32
      %dma_start3A_333 = tpu.memref_slice %arg8[%dma_start3A_330, %dma_start3A_331, %dma_start3A_332] : memref<4x128x128xf32, #tpu.memory_space<vmem>> -> memref<1x16x128xf32, #tpu.memory_space<vmem>>
      %dma_start3A_334 = tpu.memref_squeeze %dma_start3A_333 : memref<1x16x128xf32, #tpu.memory_space<vmem>> -> memref<16x128xf32, #tpu.memory_space<vmem>>
      %dma_start3A_335 = arith.constant 0 : i32
      %dma_start3A_336 = arith.constant 0 : i32
      %dma_start3A_337 = tpu.memref_slice %arg3[%dma_start3A_335, %dma_start3A_336] : memref<1000000x128xf32, #tpu.memory_space<hbm>> -> memref<1000000x128xf32, #tpu.memory_space<hbm>>
      tpu.enqueue_indirect_dma source(%dma_start3A_337 : memref<1000000x128xf32, #tpu.memory_space<hbm>>) target(%dma_start3A_334 : memref<16x128xf32, #tpu.memory_space<vmem>>) offsets(%get3A_329 : vector<16xi32>) semaphore(%arg11 : memref<!tpu.dma_semaphore, #tpu.memory_space<semaphore_mem>>)
      %get3A_338 = arith.index_cast %add3A_253 : i32 to index
      %get3A_339 = arith.constant 112 : index
      %get3A_340 = tpu.vector_load %arg6[%get3A_338, %get3A_339] {strides = array<i32>} : memref<200x128xi32, #tpu.memory_space<vmem>>, vector<1x16xi32>,
      %get3A_341 = vector.shape_cast %get3A_340 : vector<1x16xi32> to vector<16xi32>
      %dma_start3A_342 = arith.constant 2 : i32
      %dma_start3A_343 = arith.constant 112 : i32
      %dma_start3A_344 = arith.constant 0 : i32
      %dma_start3A_345 = tpu.memref_slice %arg8[%dma_start3A_342, %dma_start3A_343, %dma_start3A_344] : memref<4x128x128xf32, #tpu.memory_space<vmem>> -> memref<1x16x128xf32, #tpu.memory_space<vmem>>
      %dma_start3A_346 = tpu.memref_squeeze %dma_start3A_345 : memref<1x16x128xf32, #tpu.memory_space<vmem>> -> memref<16x128xf32, #tpu.memory_space<vmem>>
      %dma_start3A_347 = arith.constant 0 : i32
      %dma_start3A_348 = arith.constant 0 : i32
      %dma_start3A_349 = tpu.memref_slice %arg3[%dma_start3A_347, %dma_start3A_348] : memref<1000000x128xf32, #tpu.memory_space<hbm>> -> memref<1000000x128xf32, #tpu.memory_space<hbm>>
      tpu.enqueue_indirect_dma source(%dma_start3A_349 : memref<1000000x128xf32, #tpu.memory_space<hbm>>) target(%dma_start3A_346 : memref<16x128xf32, #tpu.memory_space<vmem>>) offsets(%get3A_341 : vector<16xi32>) semaphore(%arg11 : memref<!tpu.dma_semaphore, #tpu.memory_space<semaphore_mem>>)
      %get3A_350 = arith.index_cast %add3A_249 : i32 to index
      %get3A_351 = arith.constant 0 : index
      %get3A_352 = tpu.vector_load %arg6[%get3A_350, %get3A_351] {strides = array<i32>} : memref<200x128xi32, #tpu.memory_space<vmem>>, vector<1x16xi32>,
      %get3A_353 = vector.shape_cast %get3A_352 : vector<1x16xi32> to vector<16xi32>
      %dma_wait3A_354 = arith.constant 0 : i32
      %dma_wait3A_355 = arith.constant 0 : i32
      %dma_wait3A_356 = arith.constant 0 : i32
      %dma_wait3A_357 = tpu.memref_slice %arg8[%dma_wait3A_354, %dma_wait3A_355, %dma_wait3A_356] : memref<4x128x128xf32, #tpu.memory_space<vmem>> -> memref<1x16x128xf32, #tpu.memory_space<vmem>>
      %dma_wait3A_358 = tpu.memref_squeeze %dma_wait3A_357 : memref<1x16x128xf32, #tpu.memory_space<vmem>> -> memref<16x128xf32, #tpu.memory_space<vmem>>
      %dma_wait3A_359 = arith.constant 0 : i32
      %dma_wait3A_360 = arith.constant 0 : i32
      %dma_wait3A_361 = tpu.memref_slice %arg3[%dma_wait3A_359, %dma_wait3A_360] : memref<1000000x128xf32, #tpu.memory_space<hbm>> -> memref<1000000x128xf32, #tpu.memory_space<hbm>>
      tpu.wait_indirect_dma semaphore(%arg9 : memref<!tpu.dma_semaphore, #tpu.memory_space<semaphore_mem>>) src(%dma_wait3A_361 : memref<1000000x128xf32, #tpu.memory_space<hbm>>) dst(%dma_wait3A_358 : memref<16x128xf32, #tpu.memory_space<vmem>>)
      %get3A_362 = arith.index_cast %add3A_249 : i32 to index
      %get3A_363 = arith.constant 16 : index
      %get3A_364 = tpu.vector_load %arg6[%get3A_362, %get3A_363] {strides = array<i32>} : memref<200x128xi32, #tpu.memory_space<vmem>>, vector<1x16xi32>,
      %get3A_365 = vector.shape_cast %get3A_364 : vector<1x16xi32> to vector<16xi32>
      %dma_wait3A_366 = arith.constant 0 : i32
      %dma_wait3A_367 = arith.constant 16 : i32
      %dma_wait3A_368 = arith.constant 0 : i32
      %dma_wait3A_369 = tpu.memref_slice %arg8[%dma_wait3A_366, %dma_wait3A_367, %dma_wait3A_368] : memref<4x128x128xf32, #tpu.memory_space<vmem>> -> memref<1x16x128xf32, #tpu.memory_space<vmem>>
      %dma_wait3A_370 = tpu.memref_squeeze %dma_wait3A_369 : memref<1x16x128xf32, #tpu.memory_space<vmem>> -> memref<16x128xf32, #tpu.memory_space<vmem>>
      %dma_wait3A_371 = arith.constant 0 : i32
      %dma_wait3A_372 = arith.constant 0 : i32
      %dma_wait3A_373 = tpu.memref_slice %arg3[%dma_wait3A_371, %dma_wait3A_372] : memref<1000000x128xf32, #tpu.memory_space<hbm>> -> memref<1000000x128xf32, #tpu.memory_space<hbm>>
      tpu.wait_indirect_dma semaphore(%arg9 : memref<!tpu.dma_semaphore, #tpu.memory_space<semaphore_mem>>) src(%dma_wait3A_373 : memref<1000000x128xf32, #tpu.memory_space<hbm>>) dst(%dma_wait3A_370 : memref<16x128xf32, #tpu.memory_space<vmem>>)
      %get3A_374 = arith.index_cast %add3A_249 : i32 to index
      %get3A_375 = arith.constant 32 : index
      %get3A_376 = tpu.vector_load %arg6[%get3A_374, %get3A_375] {strides = array<i32>} : memref<200x128xi32, #tpu.memory_space<vmem>>, vector<1x16xi32>,
      %get3A_377 = vector.shape_cast %get3A_376 : vector<1x16xi32> to vector<16xi32>
      %dma_wait3A_378 = arith.constant 0 : i32
      %dma_wait3A_379 = arith.constant 32 : i32
      %dma_wait3A_380 = arith.constant 0 : i32
      %dma_wait3A_381 = tpu.memref_slice %arg8[%dma_wait3A_378, %dma_wait3A_379, %dma_wait3A_380] : memref<4x128x128xf32, #tpu.memory_space<vmem>> -> memref<1x16x128xf32, #tpu.memory_space<vmem>>
      %dma_wait3A_382 = tpu.memref_squeeze %dma_wait3A_381 : memref<1x16x128xf32, #tpu.memory_space<vmem>> -> memref<16x128xf32, #tpu.memory_space<vmem>>
      %dma_wait3A_383 = arith.constant 0 : i32
      %dma_wait3A_384 = arith.constant 0 : i32
      %dma_wait3A_385 = tpu.memref_slice %arg3[%dma_wait3A_383, %dma_wait3A_384] : memref<1000000x128xf32, #tpu.memory_space<hbm>> -> memref<1000000x128xf32, #tpu.memory_space<hbm>>
      tpu.wait_indirect_dma semaphore(%arg9 : memref<!tpu.dma_semaphore, #tpu.memory_space<semaphore_mem>>) src(%dma_wait3A_385 : memref<1000000x128xf32, #tpu.memory_space<hbm>>) dst(%dma_wait3A_382 : memref<16x128xf32, #tpu.memory_space<vmem>>)
      %get3A_386 = arith.index_cast %add3A_249 : i32 to index
      %get3A_387 = arith.constant 48 : index
      %get3A_388 = tpu.vector_load %arg6[%get3A_386, %get3A_387] {strides = array<i32>} : memref<200x128xi32, #tpu.memory_space<vmem>>, vector<1x16xi32>,
      %get3A_389 = vector.shape_cast %get3A_388 : vector<1x16xi32> to vector<16xi32>
      %dma_wait3A_390 = arith.constant 0 : i32
      %dma_wait3A_391 = arith.constant 48 : i32
      %dma_wait3A_392 = arith.constant 0 : i32
      %dma_wait3A_393 = tpu.memref_slice %arg8[%dma_wait3A_390, %dma_wait3A_391, %dma_wait3A_392] : memref<4x128x128xf32, #tpu.memory_space<vmem>> -> memref<1x16x128xf32, #tpu.memory_space<vmem>>
      %dma_wait3A_394 = tpu.memref_squeeze %dma_wait3A_393 : memref<1x16x128xf32, #tpu.memory_space<vmem>> -> memref<16x128xf32, #tpu.memory_space<vmem>>
      %dma_wait3A_395 = arith.constant 0 : i32
      %dma_wait3A_396 = arith.constant 0 : i32
      %dma_wait3A_397 = tpu.memref_slice %arg3[%dma_wait3A_395, %dma_wait3A_396] : memref<1000000x128xf32, #tpu.memory_space<hbm>> -> memref<1000000x128xf32, #tpu.memory_space<hbm>>
      tpu.wait_indirect_dma semaphore(%arg9 : memref<!tpu.dma_semaphore, #tpu.memory_space<semaphore_mem>>) src(%dma_wait3A_397 : memref<1000000x128xf32, #tpu.memory_space<hbm>>) dst(%dma_wait3A_394 : memref<16x128xf32, #tpu.memory_space<vmem>>)
      %get3A_398 = arith.index_cast %add3A_249 : i32 to index
      %get3A_399 = arith.constant 64 : index
      %get3A_400 = tpu.vector_load %arg6[%get3A_398, %get3A_399] {strides = array<i32>} : memref<200x128xi32, #tpu.memory_space<vmem>>, vector<1x16xi32>,
      %get3A_401 = vector.shape_cast %get3A_400 : vector<1x16xi32> to vector<16xi32>
      %dma_wait3A_402 = arith.constant 0 : i32
      %dma_wait3A_403 = arith.constant 64 : i32
      %dma_wait3A_404 = arith.constant 0 : i32
      %dma_wait3A_405 = tpu.memref_slice %arg8[%dma_wait3A_402, %dma_wait3A_403, %dma_wait3A_404] : memref<4x128x128xf32, #tpu.memory_space<vmem>> -> memref<1x16x128xf32, #tpu.memory_space<vmem>>
      %dma_wait3A_406 = tpu.memref_squeeze %dma_wait3A_405 : memref<1x16x128xf32, #tpu.memory_space<vmem>> -> memref<16x128xf32, #tpu.memory_space<vmem>>
      %dma_wait3A_407 = arith.constant 0 : i32
      %dma_wait3A_408 = arith.constant 0 : i32
      %dma_wait3A_409 = tpu.memref_slice %arg3[%dma_wait3A_407, %dma_wait3A_408] : memref<1000000x128xf32, #tpu.memory_space<hbm>> -> memref<1000000x128xf32, #tpu.memory_space<hbm>>
      tpu.wait_indirect_dma semaphore(%arg9 : memref<!tpu.dma_semaphore, #tpu.memory_space<semaphore_mem>>) src(%dma_wait3A_409 : memref<1000000x128xf32, #tpu.memory_space<hbm>>) dst(%dma_wait3A_406 : memref<16x128xf32, #tpu.memory_space<vmem>>)
      %get3A_410 = arith.index_cast %add3A_249 : i32 to index
      %get3A_411 = arith.constant 80 : index
      %get3A_412 = tpu.vector_load %arg6[%get3A_410, %get3A_411] {strides = array<i32>} : memref<200x128xi32, #tpu.memory_space<vmem>>, vector<1x16xi32>,
      %get3A_413 = vector.shape_cast %get3A_412 : vector<1x16xi32> to vector<16xi32>
      %dma_wait3A_414 = arith.constant 0 : i32
      %dma_wait3A_415 = arith.constant 80 : i32
      %dma_wait3A_416 = arith.constant 0 : i32
      %dma_wait3A_417 = tpu.memref_slice %arg8[%dma_wait3A_414, %dma_wait3A_415, %dma_wait3A_416] : memref<4x128x128xf32, #tpu.memory_space<vmem>> -> memref<1x16x128xf32, #tpu.memory_space<vmem>>
      %dma_wait3A_418 = tpu.memref_squeeze %dma_wait3A_417 : memref<1x16x128xf32, #tpu.memory_space<vmem>> -> memref<16x128xf32, #tpu.memory_space<vmem>>
      %dma_wait3A_419 = arith.constant 0 : i32
      %dma_wait3A_420 = arith.constant 0 : i32
      %dma_wait3A_421 = tpu.memref_slice %arg3[%dma_wait3A_419, %dma_wait3A_420] : memref<1000000x128xf32, #tpu.memory_space<hbm>> -> memref<1000000x128xf32, #tpu.memory_space<hbm>>
      tpu.wait_indirect_dma semaphore(%arg9 : memref<!tpu.dma_semaphore, #tpu.memory_space<semaphore_mem>>) src(%dma_wait3A_421 : memref<1000000x128xf32, #tpu.memory_space<hbm>>) dst(%dma_wait3A_418 : memref<16x128xf32, #tpu.memory_space<vmem>>)
      %get3A_422 = arith.index_cast %add3A_249 : i32 to index
      %get3A_423 = arith.constant 96 : index
      %get3A_424 = tpu.vector_load %arg6[%get3A_422, %get3A_423] {strides = array<i32>} : memref<200x128xi32, #tpu.memory_space<vmem>>, vector<1x16xi32>,
      %get3A_425 = vector.shape_cast %get3A_424 : vector<1x16xi32> to vector<16xi32>
      %dma_wait3A_426 = arith.constant 0 : i32
      %dma_wait3A_427 = arith.constant 96 : i32
      %dma_wait3A_428 = arith.constant 0 : i32
      %dma_wait3A_429 = tpu.memref_slice %arg8[%dma_wait3A_426, %dma_wait3A_427, %dma_wait3A_428] : memref<4x128x128xf32, #tpu.memory_space<vmem>> -> memref<1x16x128xf32, #tpu.memory_space<vmem>>
      %dma_wait3A_430 = tpu.memref_squeeze %dma_wait3A_429 : memref<1x16x128xf32, #tpu.memory_space<vmem>> -> memref<16x128xf32, #tpu.memory_space<vmem>>
      %dma_wait3A_431 = arith.constant 0 : i32
      %dma_wait3A_432 = arith.constant 0 : i32
      %dma_wait3A_433 = tpu.memref_slice %arg3[%dma_wait3A_431, %dma_wait3A_432] : memref<1000000x128xf32, #tpu.memory_space<hbm>> -> memref<1000000x128xf32, #tpu.memory_space<hbm>>
      tpu.wait_indirect_dma semaphore(%arg9 : memref<!tpu.dma_semaphore, #tpu.memory_space<semaphore_mem>>) src(%dma_wait3A_433 : memref<1000000x128xf32, #tpu.memory_space<hbm>>) dst(%dma_wait3A_430 : memref<16x128xf32, #tpu.memory_space<vmem>>)
      %get3A_434 = arith.index_cast %add3A_249 : i32 to index
      %get3A_435 = arith.constant 112 : index
      %get3A_436 = tpu.vector_load %arg6[%get3A_434, %get3A_435] {strides = array<i32>} : memref<200x128xi32, #tpu.memory_space<vmem>>, vector<1x16xi32>,
      %get3A_437 = vector.shape_cast %get3A_436 : vector<1x16xi32> to vector<16xi32>
      %dma_wait3A_438 = arith.constant 0 : i32
      %dma_wait3A_439 = arith.constant 112 : i32
      %dma_wait3A_440 = arith.constant 0 : i32
      %dma_wait3A_441 = tpu.memref_slice %arg8[%dma_wait3A_438, %dma_wait3A_439, %dma_wait3A_440] : memref<4x128x128xf32, #tpu.memory_space<vmem>> -> memref<1x16x128xf32, #tpu.memory_space<vmem>>
      %dma_wait3A_442 = tpu.memref_squeeze %dma_wait3A_441 : memref<1x16x128xf32, #tpu.memory_space<vmem>> -> memref<16x128xf32, #tpu.memory_space<vmem>>
      %dma_wait3A_443 = arith.constant 0 : i32
      %dma_wait3A_444 = arith.constant 0 : i32
      %dma_wait3A_445 = tpu.memref_slice %arg3[%dma_wait3A_443, %dma_wait3A_444] : memref<1000000x128xf32, #tpu.memory_space<hbm>> -> memref<1000000x128xf32, #tpu.memory_space<hbm>>
      tpu.wait_indirect_dma semaphore(%arg9 : memref<!tpu.dma_semaphore, #tpu.memory_space<semaphore_mem>>) src(%dma_wait3A_445 : memref<1000000x128xf32, #tpu.memory_space<hbm>>) dst(%dma_wait3A_442 : memref<16x128xf32, #tpu.memory_space<vmem>>)
      %get3A_446 = arith.index_cast %add3A_249 : i32 to index
      %get3A_447 = arith.constant 0 : index
      %get3A_448 = tpu.vector_load %arg7[%get3A_446, %get3A_447] {strides = array<i32>} : memref<200x128xf32, #tpu.memory_space<vmem>>, vector<1x16xf32>,
      %get3A_449 = vector.shape_cast %get3A_448 : vector<1x16xf32> to vector<16xf32>
      %get3A_450 = arith.index_cast %add3A_249 : i32 to index
      %get3A_451 = arith.constant 16 : index
      %get3A_452 = tpu.vector_load %arg7[%get3A_450, %get3A_451] {strides = array<i32>} : memref<200x128xf32, #tpu.memory_space<vmem>>, vector<1x16xf32>,
      %get3A_453 = vector.shape_cast %get3A_452 : vector<1x16xf32> to vector<16xf32>
      %get3A_454 = arith.index_cast %add3A_249 : i32 to index
      %get3A_455 = arith.constant 32 : index
      %get3A_456 = tpu.vector_load %arg7[%get3A_454, %get3A_455] {strides = array<i32>} : memref<200x128xf32, #tpu.memory_space<vmem>>, vector<1x16xf32>,
      %get3A_457 = vector.shape_cast %get3A_456 : vector<1x16xf32> to vector<16xf32>
      %get3A_458 = arith.index_cast %add3A_249 : i32 to index
      %get3A_459 = arith.constant 48 : index
      %get3A_460 = tpu.vector_load %arg7[%get3A_458, %get3A_459] {strides = array<i32>} : memref<200x128xf32, #tpu.memory_space<vmem>>, vector<1x16xf32>,
      %get3A_461 = vector.shape_cast %get3A_460 : vector<1x16xf32> to vector<16xf32>
      %get3A_462 = arith.index_cast %add3A_249 : i32 to index
      %get3A_463 = arith.constant 64 : index
      %get3A_464 = tpu.vector_load %arg7[%get3A_462, %get3A_463] {strides = array<i32>} : memref<200x128xf32, #tpu.memory_space<vmem>>, vector<1x16xf32>,
      %get3A_465 = vector.shape_cast %get3A_464 : vector<1x16xf32> to vector<16xf32>
      %get3A_466 = arith.index_cast %add3A_249 : i32 to index
      %get3A_467 = arith.constant 80 : index
      %get3A_468 = tpu.vector_load %arg7[%get3A_466, %get3A_467] {strides = array<i32>} : memref<200x128xf32, #tpu.memory_space<vmem>>, vector<1x16xf32>,
      %get3A_469 = vector.shape_cast %get3A_468 : vector<1x16xf32> to vector<16xf32>
      %get3A_470 = arith.index_cast %add3A_249 : i32 to index
      %get3A_471 = arith.constant 96 : index
      %get3A_472 = tpu.vector_load %arg7[%get3A_470, %get3A_471] {strides = array<i32>} : memref<200x128xf32, #tpu.memory_space<vmem>>, vector<1x16xf32>,
      %get3A_473 = vector.shape_cast %get3A_472 : vector<1x16xf32> to vector<16xf32>
      %get3A_474 = arith.index_cast %add3A_249 : i32 to index
      %get3A_475 = arith.constant 112 : index
      %get3A_476 = tpu.vector_load %arg7[%get3A_474, %get3A_475] {strides = array<i32>} : memref<200x128xf32, #tpu.memory_space<vmem>>, vector<1x16xf32>,
      %get3A_477 = vector.shape_cast %get3A_476 : vector<1x16xf32> to vector<16xf32>
      %scan3A_478 = arith.constant 0 : i32
      %scan3A_479 = arith.constant 0 : i32
      %scan3A_480 = arith.constant 16 : i32
      %scan3A_481 = arith.addi %scan3A_479, %scan3A_480 : i32
      %scan3A_482 = arith.constant 1 : i32
      scf.for %scan3A_1102 = %scan3A_479 to %scan3A_481 step %scan3A_482  : i32 {
        %mul3A_1103 = arith.constant 8 : i32
        %mul3A_1104 = arith.muli %scan3A_1102, %mul3A_1103 : i32
        %add3A_1105 = arith.constant 0 : i32
        %add3A_1106 = arith.addi %mul3A_1104, %add3A_1105 : i32
        %swap3A = arith.constant 0 : i32
        %swap3A_1107 = arith.index_cast %swap3A : i32 to index
        %swap3A_1108 = arith.index_cast %add3A_1106 : i32 to index
        %swap3A_1109 = arith.constant 0 : index
        %swap3A_1110 = tpu.vector_load %arg8[%swap3A_1107, %swap3A_1108, %swap3A_1109] {strides = array<i32>} : memref<4x128x128xf32, #tpu.memory_space<vmem>>, vector<1x1x16xf32>,
        %swap3A_1111 = vector.shape_cast %swap3A_1110 : vector<1x1x16xf32> to vector<16xf32>
        %swap3A_1112 = vector.shape_cast %get3A_449 : vector<16xf32> to vector<1x1x16xf32>
        tpu.vector_store %arg8[%swap3A_1107, %swap3A_1108, %swap3A_1109], %swap3A_1112 {add = true, strides = array<i32>} : memref<4x128x128xf32, #tpu.memory_space<vmem>>, vector<1x1x16xf32>,
        %swap3A_1113 = arith.constant 0 : i32
        %swap3A_1114 = arith.index_cast %swap3A_1113 : i32 to index
        %swap3A_1115 = arith.index_cast %add3A_1106 : i32 to index
        %swap3A_1116 = arith.constant 16 : index
        %swap3A_1117 = tpu.vector_load %arg8[%swap3A_1114, %swap3A_1115, %swap3A_1116] {strides = array<i32>} : memref<4x128x128xf32, #tpu.memory_space<vmem>>, vector<1x1x16xf32>,
        %swap3A_1118 = vector.shape_cast %swap3A_1117 : vector<1x1x16xf32> to vector<16xf32>
        %swap3A_1119 = vector.shape_cast %get3A_453 : vector<16xf32> to vector<1x1x16xf32>
        tpu.vector_store %arg8[%swap3A_1114, %swap3A_1115, %swap3A_1116], %swap3A_1119 {add = true, strides = array<i32>} : memref<4x128x128xf32, #tpu.memory_space<vmem>>, vector<1x1x16xf32>,
        %swap3A_1120 = arith.constant 0 : i32
        %swap3A_1121 = arith.index_cast %swap3A_1120 : i32 to index
        %swap3A_1122 = arith.index_cast %add3A_1106 : i32 to index
        %swap3A_1123 = arith.constant 32 : index
        %swap3A_1124 = tpu.vector_load %arg8[%swap3A_1121, %swap3A_1122, %swap3A_1123] {strides = array<i32>} : memref<4x128x128xf32, #tpu.memory_space<vmem>>, vector<1x1x16xf32>,
        %swap3A_1125 = vector.shape_cast %swap3A_1124 : vector<1x1x16xf32> to vector<16xf32>
        %swap3A_1126 = vector.shape_cast %get3A_457 : vector<16xf32> to vector<1x1x16xf32>
        tpu.vector_store %arg8[%swap3A_1121, %swap3A_1122, %swap3A_1123], %swap3A_1126 {add = true, strides = array<i32>} : memref<4x128x128xf32, #tpu.memory_space<vmem>>, vector<1x1x16xf32>,
        %swap3A_1127 = arith.constant 0 : i32
        %swap3A_1128 = arith.index_cast %swap3A_1127 : i32 to index
        %swap3A_1129 = arith.index_cast %add3A_1106 : i32 to index
        %swap3A_1130 = arith.constant 48 : index
        %swap3A_1131 = tpu.vector_load %arg8[%swap3A_1128, %swap3A_1129, %swap3A_1130] {strides = array<i32>} : memref<4x128x128xf32, #tpu.memory_space<vmem>>, vector<1x1x16xf32>,
        %swap3A_1132 = vector.shape_cast %swap3A_1131 : vector<1x1x16xf32> to vector<16xf32>
        %swap3A_1133 = vector.shape_cast %get3A_461 : vector<16xf32> to vector<1x1x16xf32>
        tpu.vector_store %arg8[%swap3A_1128, %swap3A_1129, %swap3A_1130], %swap3A_1133 {add = true, strides = array<i32>} : memref<4x128x128xf32, #tpu.memory_space<vmem>>, vector<1x1x16xf32>,
        %swap3A_1134 = arith.constant 0 : i32
        %swap3A_1135 = arith.index_cast %swap3A_1134 : i32 to index
        %swap3A_1136 = arith.index_cast %add3A_1106 : i32 to index
        %swap3A_1137 = arith.constant 64 : index
        %swap3A_1138 = tpu.vector_load %arg8[%swap3A_1135, %swap3A_1136, %swap3A_1137] {strides = array<i32>} : memref<4x128x128xf32, #tpu.memory_space<vmem>>, vector<1x1x16xf32>,
        %swap3A_1139 = vector.shape_cast %swap3A_1138 : vector<1x1x16xf32> to vector<16xf32>
        %swap3A_1140 = vector.shape_cast %get3A_465 : vector<16xf32> to vector<1x1x16xf32>
        tpu.vector_store %arg8[%swap3A_1135, %swap3A_1136, %swap3A_1137], %swap3A_1140 {add = true, strides = array<i32>} : memref<4x128x128xf32, #tpu.memory_space<vmem>>, vector<1x1x16xf32>,
        %swap3A_1141 = arith.constant 0 : i32
        %swap3A_1142 = arith.index_cast %swap3A_1141 : i32 to index
        %swap3A_1143 = arith.index_cast %add3A_1106 : i32 to index
        %swap3A_1144 = arith.constant 80 : index
        %swap3A_1145 = tpu.vector_load %arg8[%swap3A_1142, %swap3A_1143, %swap3A_1144] {strides = array<i32>} : memref<4x128x128xf32, #tpu.memory_space<vmem>>, vector<1x1x16xf32>,
        %swap3A_1146 = vector.shape_cast %swap3A_1145 : vector<1x1x16xf32> to vector<16xf32>
        %swap3A_1147 = vector.shape_cast %get3A_469 : vector<16xf32> to vector<1x1x16xf32>
        tpu.vector_store %arg8[%swap3A_1142, %swap3A_1143, %swap3A_1144], %swap3A_1147 {add = true, strides = array<i32>} : memref<4x128x128xf32, #tpu.memory_space<vmem>>, vector<1x1x16xf32>,
        %swap3A_1148 = arith.constant 0 : i32
        %swap3A_1149 = arith.index_cast %swap3A_1148 : i32 to index
        %swap3A_1150 = arith.index_cast %add3A_1106 : i32 to index
        %swap3A_1151 = arith.constant 96 : index
        %swap3A_1152 = tpu.vector_load %arg8[%swap3A_1149, %swap3A_1150, %swap3A_1151] {strides = array<i32>} : memref<4x128x128xf32, #tpu.memory_space<vmem>>, vector<1x1x16xf32>,
        %swap3A_1153 = vector.shape_cast %swap3A_1152 : vector<1x1x16xf32> to vector<16xf32>
        %swap3A_1154 = vector.shape_cast %get3A_473 : vector<16xf32> to vector<1x1x16xf32>
        tpu.vector_store %arg8[%swap3A_1149, %swap3A_1150, %swap3A_1151], %swap3A_1154 {add = true, strides = array<i32>} : memref<4x128x128xf32, #tpu.memory_space<vmem>>, vector<1x1x16xf32>,
        %swap3A_1155 = arith.constant 0 : i32
        %swap3A_1156 = arith.index_cast %swap3A_1155 : i32 to index
        %swap3A_1157 = arith.index_cast %add3A_1106 : i32 to index
        %swap3A_1158 = arith.constant 112 : index
        %swap3A_1159 = tpu.vector_load %arg8[%swap3A_1156, %swap3A_1157, %swap3A_1158] {strides = array<i32>} : memref<4x128x128xf32, #tpu.memory_space<vmem>>, vector<1x1x16xf32>,
        %swap3A_1160 = vector.shape_cast %swap3A_1159 : vector<1x1x16xf32> to vector<16xf32>
        %swap3A_1161 = vector.shape_cast %get3A_477 : vector<16xf32> to vector<1x1x16xf32>
        tpu.vector_store %arg8[%swap3A_1156, %swap3A_1157, %swap3A_1158], %swap3A_1161 {add = true, strides = array<i32>} : memref<4x128x128xf32, #tpu.memory_space<vmem>>, vector<1x1x16xf32>,
        %mul3A_1162 = arith.constant 8 : i32
        %mul3A_1163 = arith.muli %scan3A_1102, %mul3A_1162 : i32
        %add3A_1164 = arith.constant 1 : i32
        %add3A_1165 = arith.addi %mul3A_1163, %add3A_1164 : i32
        %swap3A_1166 = arith.constant 0 : i32
        %swap3A_1167 = arith.index_cast %swap3A_1166 : i32 to index
        %swap3A_1168 = arith.index_cast %add3A_1165 : i32 to index
        %swap3A_1169 = arith.constant 0 : index
        %swap3A_1170 = tpu.vector_load %arg8[%swap3A_1167, %swap3A_1168, %swap3A_1169] {strides = array<i32>} : memref<4x128x128xf32, #tpu.memory_space<vmem>>, vector<1x1x16xf32>,
        %swap3A_1171 = vector.shape_cast %swap3A_1170 : vector<1x1x16xf32> to vector<16xf32>
        %swap3A_1172 = vector.shape_cast %get3A_449 : vector<16xf32> to vector<1x1x16xf32>
        tpu.vector_store %arg8[%swap3A_1167, %swap3A_1168, %swap3A_1169], %swap3A_1172 {add = true, strides = array<i32>} : memref<4x128x128xf32, #tpu.memory_space<vmem>>, vector<1x1x16xf32>,
        %swap3A_1173 = arith.constant 0 : i32
        %swap3A_1174 = arith.index_cast %swap3A_1173 : i32 to index
        %swap3A_1175 = arith.index_cast %add3A_1165 : i32 to index
        %swap3A_1176 = arith.constant 16 : index
        %swap3A_1177 = tpu.vector_load %arg8[%swap3A_1174, %swap3A_1175, %swap3A_1176] {strides = array<i32>} : memref<4x128x128xf32, #tpu.memory_space<vmem>>, vector<1x1x16xf32>,
        %swap3A_1178 = vector.shape_cast %swap3A_1177 : vector<1x1x16xf32> to vector<16xf32>
        %swap3A_1179 = vector.shape_cast %get3A_453 : vector<16xf32> to vector<1x1x16xf32>
        tpu.vector_store %arg8[%swap3A_1174, %swap3A_1175, %swap3A_1176], %swap3A_1179 {add = true, strides = array<i32>} : memref<4x128x128xf32, #tpu.memory_space<vmem>>, vector<1x1x16xf32>,
        %swap3A_1180 = arith.constant 0 : i32
        %swap3A_1181 = arith.index_cast %swap3A_1180 : i32 to index
        %swap3A_1182 = arith.index_cast %add3A_1165 : i32 to index
        %swap3A_1183 = arith.constant 32 : index
        %swap3A_1184 = tpu.vector_load %arg8[%swap3A_1181, %swap3A_1182, %swap3A_1183] {strides = array<i32>} : memref<4x128x128xf32, #tpu.memory_space<vmem>>, vector<1x1x16xf32>,
        %swap3A_1185 = vector.shape_cast %swap3A_1184 : vector<1x1x16xf32> to vector<16xf32>
        %swap3A_1186 = vector.shape_cast %get3A_457 : vector<16xf32> to vector<1x1x16xf32>
        tpu.vector_store %arg8[%swap3A_1181, %swap3A_1182, %swap3A_1183], %swap3A_1186 {add = true, strides = array<i32>} : memref<4x128x128xf32, #tpu.memory_space<vmem>>, vector<1x1x16xf32>,
        %swap3A_1187 = arith.constant 0 : i32
        %swap3A_1188 = arith.index_cast %swap3A_1187 : i32 to index
        %swap3A_1189 = arith.index_cast %add3A_1165 : i32 to index
        %swap3A_1190 = arith.constant 48 : index
        %swap3A_1191 = tpu.vector_load %arg8[%swap3A_1188, %swap3A_1189, %swap3A_1190] {strides = array<i32>} : memref<4x128x128xf32, #tpu.memory_space<vmem>>, vector<1x1x16xf32>,
        %swap3A_1192 = vector.shape_cast %swap3A_1191 : vector<1x1x16xf32> to vector<16xf32>
        %swap3A_1193 = vector.shape_cast %get3A_461 : vector<16xf32> to vector<1x1x16xf32>
        tpu.vector_store %arg8[%swap3A_1188, %swap3A_1189, %swap3A_1190], %swap3A_1193 {add = true, strides = array<i32>} : memref<4x128x128xf32, #tpu.memory_space<vmem>>, vector<1x1x16xf32>,
        %swap3A_1194 = arith.constant 0 : i32
        %swap3A_1195 = arith.index_cast %swap3A_1194 : i32 to index
        %swap3A_1196 = arith.index_cast %add3A_1165 : i32 to index
        %swap3A_1197 = arith.constant 64 : index
        %swap3A_1198 = tpu.vector_load %arg8[%swap3A_1195, %swap3A_1196, %swap3A_1197] {strides = array<i32>} : memref<4x128x128xf32, #tpu.memory_space<vmem>>, vector<1x1x16xf32>,
        %swap3A_1199 = vector.shape_cast %swap3A_1198 : vector<1x1x16xf32> to vector<16xf32>
        %swap3A_1200 = vector.shape_cast %get3A_465 : vector<16xf32> to vector<1x1x16xf32>
        tpu.vector_store %arg8[%swap3A_1195, %swap3A_1196, %swap3A_1197], %swap3A_1200 {add = true, strides = array<i32>} : memref<4x128x128xf32, #tpu.memory_space<vmem>>, vector<1x1x16xf32>,
        %swap3A_1201 = arith.constant 0 : i32
        %swap3A_1202 = arith.index_cast %swap3A_1201 : i32 to index
        %swap3A_1203 = arith.index_cast %add3A_1165 : i32 to index
        %swap3A_1204 = arith.constant 80 : index
        %swap3A_1205 = tpu.vector_load %arg8[%swap3A_1202, %swap3A_1203, %swap3A_1204] {strides = array<i32>} : memref<4x128x128xf32, #tpu.memory_space<vmem>>, vector<1x1x16xf32>,
        %swap3A_1206 = vector.shape_cast %swap3A_1205 : vector<1x1x16xf32> to vector<16xf32>
        %swap3A_1207 = vector.shape_cast %get3A_469 : vector<16xf32> to vector<1x1x16xf32>
        tpu.vector_store %arg8[%swap3A_1202, %swap3A_1203, %swap3A_1204], %swap3A_1207 {add = true, strides = array<i32>} : memref<4x128x128xf32, #tpu.memory_space<vmem>>, vector<1x1x16xf32>,
        %swap3A_1208 = arith.constant 0 : i32
        %swap3A_1209 = arith.index_cast %swap3A_1208 : i32 to index
        %swap3A_1210 = arith.index_cast %add3A_1165 : i32 to index
        %swap3A_1211 = arith.constant 96 : index
        %swap3A_1212 = tpu.vector_load %arg8[%swap3A_1209, %swap3A_1210, %swap3A_1211] {strides = array<i32>} : memref<4x128x128xf32, #tpu.memory_space<vmem>>, vector<1x1x16xf32>,
        %swap3A_1213 = vector.shape_cast %swap3A_1212 : vector<1x1x16xf32> to vector<16xf32>
        %swap3A_1214 = vector.shape_cast %get3A_473 : vector<16xf32> to vector<1x1x16xf32>
        tpu.vector_store %arg8[%swap3A_1209, %swap3A_1210, %swap3A_1211], %swap3A_1214 {add = true, strides = array<i32>} : memref<4x128x128xf32, #tpu.memory_space<vmem>>, vector<1x1x16xf32>,
        %swap3A_1215 = arith.constant 0 : i32
        %swap3A_1216 = arith.index_cast %swap3A_1215 : i32 to index
        %swap3A_1217 = arith.index_cast %add3A_1165 : i32 to index
        %swap3A_1218 = arith.constant 112 : index
        %swap3A_1219 = tpu.vector_load %arg8[%swap3A_1216, %swap3A_1217, %swap3A_1218] {strides = array<i32>} : memref<4x128x128xf32, #tpu.memory_space<vmem>>, vector<1x1x16xf32>,
        %swap3A_1220 = vector.shape_cast %swap3A_1219 : vector<1x1x16xf32> to vector<16xf32>
        %swap3A_1221 = vector.shape_cast %get3A_477 : vector<16xf32> to vector<1x1x16xf32>
        tpu.vector_store %arg8[%swap3A_1216, %swap3A_1217, %swap3A_1218], %swap3A_1221 {add = true, strides = array<i32>} : memref<4x128x128xf32, #tpu.memory_space<vmem>>, vector<1x1x16xf32>,
        %mul3A_1222 = arith.constant 8 : i32
        %mul3A_1223 = arith.muli %scan3A_1102, %mul3A_1222 : i32
        %add3A_1224 = arith.constant 2 : i32
        %add3A_1225 = arith.addi %mul3A_1223, %add3A_1224 : i32
        %swap3A_1226 = arith.constant 0 : i32
        %swap3A_1227 = arith.index_cast %swap3A_1226 : i32 to index
        %swap3A_1228 = arith.index_cast %add3A_1225 : i32 to index
        %swap3A_1229 = arith.constant 0 : index
        %swap3A_1230 = tpu.vector_load %arg8[%swap3A_1227, %swap3A_1228, %swap3A_1229] {strides = array<i32>} : memref<4x128x128xf32, #tpu.memory_space<vmem>>, vector<1x1x16xf32>,
        %swap3A_1231 = vector.shape_cast %swap3A_1230 : vector<1x1x16xf32> to vector<16xf32>
        %swap3A_1232 = vector.shape_cast %get3A_449 : vector<16xf32> to vector<1x1x16xf32>
        tpu.vector_store %arg8[%swap3A_1227, %swap3A_1228, %swap3A_1229], %swap3A_1232 {add = true, strides = array<i32>} : memref<4x128x128xf32, #tpu.memory_space<vmem>>, vector<1x1x16xf32>,
        %swap3A_1233 = arith.constant 0 : i32
        %swap3A_1234 = arith.index_cast %swap3A_1233 : i32 to index
        %swap3A_1235 = arith.index_cast %add3A_1225 : i32 to index
        %swap3A_1236 = arith.constant 16 : index
        %swap3A_1237 = tpu.vector_load %arg8[%swap3A_1234, %swap3A_1235, %swap3A_1236] {strides = array<i32>} : memref<4x128x128xf32, #tpu.memory_space<vmem>>, vector<1x1x16xf32>,
        %swap3A_1238 = vector.shape_cast %swap3A_1237 : vector<1x1x16xf32> to vector<16xf32>
        %swap3A_1239 = vector.shape_cast %get3A_453 : vector<16xf32> to vector<1x1x16xf32>
        tpu.vector_store %arg8[%swap3A_1234, %swap3A_1235, %swap3A_1236], %swap3A_1239 {add = true, strides = array<i32>} : memref<4x128x128xf32, #tpu.memory_space<vmem>>, vector<1x1x16xf32>,
        %swap3A_1240 = arith.constant 0 : i32
        %swap3A_1241 = arith.index_cast %swap3A_1240 : i32 to index
        %swap3A_1242 = arith.index_cast %add3A_1225 : i32 to index
        %swap3A_1243 = arith.constant 32 : index
        %swap3A_1244 = tpu.vector_load %arg8[%swap3A_1241, %swap3A_1242, %swap3A_1243] {strides = array<i32>} : memref<4x128x128xf32, #tpu.memory_space<vmem>>, vector<1x1x16xf32>,
        %swap3A_1245 = vector.shape_cast %swap3A_1244 : vector<1x1x16xf32> to vector<16xf32>
        %swap3A_1246 = vector.shape_cast %get3A_457 : vector<16xf32> to vector<1x1x16xf32>
        tpu.vector_store %arg8[%swap3A_1241, %swap3A_1242, %swap3A_1243], %swap3A_1246 {add = true, strides = array<i32>} : memref<4x128x128xf32, #tpu.memory_space<vmem>>, vector<1x1x16xf32>,
        %swap3A_1247 = arith.constant 0 : i32
        %swap3A_1248 = arith.index_cast %swap3A_1247 : i32 to index
        %swap3A_1249 = arith.index_cast %add3A_1225 : i32 to index
        %swap3A_1250 = arith.constant 48 : index
        %swap3A_1251 = tpu.vector_load %arg8[%swap3A_1248, %swap3A_1249, %swap3A_1250] {strides = array<i32>} : memref<4x128x128xf32, #tpu.memory_space<vmem>>, vector<1x1x16xf32>,
        %swap3A_1252 = vector.shape_cast %swap3A_1251 : vector<1x1x16xf32> to vector<16xf32>
        %swap3A_1253 = vector.shape_cast %get3A_461 : vector<16xf32> to vector<1x1x16xf32>
        tpu.vector_store %arg8[%swap3A_1248, %swap3A_1249, %swap3A_1250], %swap3A_1253 {add = true, strides = array<i32>} : memref<4x128x128xf32, #tpu.memory_space<vmem>>, vector<1x1x16xf32>,
        %swap3A_1254 = arith.constant 0 : i32
        %swap3A_1255 = arith.index_cast %swap3A_1254 : i32 to index
        %swap3A_1256 = arith.index_cast %add3A_1225 : i32 to index
        %swap3A_1257 = arith.constant 64 : index
        %swap3A_1258 = tpu.vector_load %arg8[%swap3A_1255, %swap3A_1256, %swap3A_1257] {strides = array<i32>} : memref<4x128x128xf32, #tpu.memory_space<vmem>>, vector<1x1x16xf32>,
        %swap3A_1259 = vector.shape_cast %swap3A_1258 : vector<1x1x16xf32> to vector<16xf32>
        %swap3A_1260 = vector.shape_cast %get3A_465 : vector<16xf32> to vector<1x1x16xf32>
        tpu.vector_store %arg8[%swap3A_1255, %swap3A_1256, %swap3A_1257], %swap3A_1260 {add = true, strides = array<i32>} : memref<4x128x128xf32, #tpu.memory_space<vmem>>, vector<1x1x16xf32>,
        %swap3A_1261 = arith.constant 0 : i32
        %swap3A_1262 = arith.index_cast %swap3A_1261 : i32 to index
        %swap3A_1263 = arith.index_cast %add3A_1225 : i32 to index
        %swap3A_1264 = arith.constant 80 : index
        %swap3A_1265 = tpu.vector_load %arg8[%swap3A_1262, %swap3A_1263, %swap3A_1264] {strides = array<i32>} : memref<4x128x128xf32, #tpu.memory_space<vmem>>, vector<1x1x16xf32>,
        %swap3A_1266 = vector.shape_cast %swap3A_1265 : vector<1x1x16xf32> to vector<16xf32>
        %swap3A_1267 = vector.shape_cast %get3A_469 : vector<16xf32> to vector<1x1x16xf32>
        tpu.vector_store %arg8[%swap3A_1262, %swap3A_1263, %swap3A_1264], %swap3A_1267 {add = true, strides = array<i32>} : memref<4x128x128xf32, #tpu.memory_space<vmem>>, vector<1x1x16xf32>,
        %swap3A_1268 = arith.constant 0 : i32
        %swap3A_1269 = arith.index_cast %swap3A_1268 : i32 to index
        %swap3A_1270 = arith.index_cast %add3A_1225 : i32 to index
        %swap3A_1271 = arith.constant 96 : index
        %swap3A_1272 = tpu.vector_load %arg8[%swap3A_1269, %swap3A_1270, %swap3A_1271] {strides = array<i32>} : memref<4x128x128xf32, #tpu.memory_space<vmem>>, vector<1x1x16xf32>,
        %swap3A_1273 = vector.shape_cast %swap3A_1272 : vector<1x1x16xf32> to vector<16xf32>
        %swap3A_1274 = vector.shape_cast %get3A_473 : vector<16xf32> to vector<1x1x16xf32>
        tpu.vector_store %arg8[%swap3A_1269, %swap3A_1270, %swap3A_1271], %swap3A_1274 {add = true, strides = array<i32>} : memref<4x128x128xf32, #tpu.memory_space<vmem>>, vector<1x1x16xf32>,
        %swap3A_1275 = arith.constant 0 : i32
        %swap3A_1276 = arith.index_cast %swap3A_1275 : i32 to index
        %swap3A_1277 = arith.index_cast %add3A_1225 : i32 to index
        %swap3A_1278 = arith.constant 112 : index
        %swap3A_1279 = tpu.vector_load %arg8[%swap3A_1276, %swap3A_1277, %swap3A_1278] {strides = array<i32>} : memref<4x128x128xf32, #tpu.memory_space<vmem>>, vector<1x1x16xf32>,
        %swap3A_1280 = vector.shape_cast %swap3A_1279 : vector<1x1x16xf32> to vector<16xf32>
        %swap3A_1281 = vector.shape_cast %get3A_477 : vector<16xf32> to vector<1x1x16xf32>
        tpu.vector_store %arg8[%swap3A_1276, %swap3A_1277, %swap3A_1278], %swap3A_1281 {add = true, strides = array<i32>} : memref<4x128x128xf32, #tpu.memory_space<vmem>>, vector<1x1x16xf32>,
        %mul3A_1282 = arith.constant 8 : i32
        %mul3A_1283 = arith.muli %scan3A_1102, %mul3A_1282 : i32
        %add3A_1284 = arith.constant 3 : i32
        %add3A_1285 = arith.addi %mul3A_1283, %add3A_1284 : i32
        %swap3A_1286 = arith.constant 0 : i32
        %swap3A_1287 = arith.index_cast %swap3A_1286 : i32 to index
        %swap3A_1288 = arith.index_cast %add3A_1285 : i32 to index
        %swap3A_1289 = arith.constant 0 : index
        %swap3A_1290 = tpu.vector_load %arg8[%swap3A_1287, %swap3A_1288, %swap3A_1289] {strides = array<i32>} : memref<4x128x128xf32, #tpu.memory_space<vmem>>, vector<1x1x16xf32>,
        %swap3A_1291 = vector.shape_cast %swap3A_1290 : vector<1x1x16xf32> to vector<16xf32>
        %swap3A_1292 = vector.shape_cast %get3A_449 : vector<16xf32> to vector<1x1x16xf32>
        tpu.vector_store %arg8[%swap3A_1287, %swap3A_1288, %swap3A_1289], %swap3A_1292 {add = true, strides = array<i32>} : memref<4x128x128xf32, #tpu.memory_space<vmem>>, vector<1x1x16xf32>,
        %swap3A_1293 = arith.constant 0 : i32
        %swap3A_1294 = arith.index_cast %swap3A_1293 : i32 to index
        %swap3A_1295 = arith.index_cast %add3A_1285 : i32 to index
        %swap3A_1296 = arith.constant 16 : index
        %swap3A_1297 = tpu.vector_load %arg8[%swap3A_1294, %swap3A_1295, %swap3A_1296] {strides = array<i32>} : memref<4x128x128xf32, #tpu.memory_space<vmem>>, vector<1x1x16xf32>,
        %swap3A_1298 = vector.shape_cast %swap3A_1297 : vector<1x1x16xf32> to vector<16xf32>
        %swap3A_1299 = vector.shape_cast %get3A_453 : vector<16xf32> to vector<1x1x16xf32>
        tpu.vector_store %arg8[%swap3A_1294, %swap3A_1295, %swap3A_1296], %swap3A_1299 {add = true, strides = array<i32>} : memref<4x128x128xf32, #tpu.memory_space<vmem>>, vector<1x1x16xf32>,
        %swap3A_1300 = arith.constant 0 : i32
        %swap3A_1301 = arith.index_cast %swap3A_1300 : i32 to index
        %swap3A_1302 = arith.index_cast %add3A_1285 : i32 to index
        %swap3A_1303 = arith.constant 32 : index
        %swap3A_1304 = tpu.vector_load %arg8[%swap3A_1301, %swap3A_1302, %swap3A_1303] {strides = array<i32>} : memref<4x128x128xf32, #tpu.memory_space<vmem>>, vector<1x1x16xf32>,
        %swap3A_1305 = vector.shape_cast %swap3A_1304 : vector<1x1x16xf32> to vector<16xf32>
        %swap3A_1306 = vector.shape_cast %get3A_457 : vector<16xf32> to vector<1x1x16xf32>
        tpu.vector_store %arg8[%swap3A_1301, %swap3A_1302, %swap3A_1303], %swap3A_1306 {add = true, strides = array<i32>} : memref<4x128x128xf32, #tpu.memory_space<vmem>>, vector<1x1x16xf32>,
        %swap3A_1307 = arith.constant 0 : i32
        %swap3A_1308 = arith.index_cast %swap3A_1307 : i32 to index
        %swap3A_1309 = arith.index_cast %add3A_1285 : i32 to index
        %swap3A_1310 = arith.constant 48 : index
        %swap3A_1311 = tpu.vector_load %arg8[%swap3A_1308, %swap3A_1309, %swap3A_1310] {strides = array<i32>} : memref<4x128x128xf32, #tpu.memory_space<vmem>>, vector<1x1x16xf32>,
        %swap3A_1312 = vector.shape_cast %swap3A_1311 : vector<1x1x16xf32> to vector<16xf32>
        %swap3A_1313 = vector.shape_cast %get3A_461 : vector<16xf32> to vector<1x1x16xf32>
        tpu.vector_store %arg8[%swap3A_1308, %swap3A_1309, %swap3A_1310], %swap3A_1313 {add = true, strides = array<i32>} : memref<4x128x128xf32, #tpu.memory_space<vmem>>, vector<1x1x16xf32>,
        %swap3A_1314 = arith.constant 0 : i32
        %swap3A_1315 = arith.index_cast %swap3A_1314 : i32 to index
        %swap3A_1316 = arith.index_cast %add3A_1285 : i32 to index
        %swap3A_1317 = arith.constant 64 : index
        %swap3A_1318 = tpu.vector_load %arg8[%swap3A_1315, %swap3A_1316, %swap3A_1317] {strides = array<i32>} : memref<4x128x128xf32, #tpu.memory_space<vmem>>, vector<1x1x16xf32>,
        %swap3A_1319 = vector.shape_cast %swap3A_1318 : vector<1x1x16xf32> to vector<16xf32>
        %swap3A_1320 = vector.shape_cast %get3A_465 : vector<16xf32> to vector<1x1x16xf32>
        tpu.vector_store %arg8[%swap3A_1315, %swap3A_1316, %swap3A_1317], %swap3A_1320 {add = true, strides = array<i32>} : memref<4x128x128xf32, #tpu.memory_space<vmem>>, vector<1x1x16xf32>,
        %swap3A_1321 = arith.constant 0 : i32
        %swap3A_1322 = arith.index_cast %swap3A_1321 : i32 to index
        %swap3A_1323 = arith.index_cast %add3A_1285 : i32 to index
        %swap3A_1324 = arith.constant 80 : index
        %swap3A_1325 = tpu.vector_load %arg8[%swap3A_1322, %swap3A_1323, %swap3A_1324] {strides = array<i32>} : memref<4x128x128xf32, #tpu.memory_space<vmem>>, vector<1x1x16xf32>,
        %swap3A_1326 = vector.shape_cast %swap3A_1325 : vector<1x1x16xf32> to vector<16xf32>
        %swap3A_1327 = vector.shape_cast %get3A_469 : vector<16xf32> to vector<1x1x16xf32>
        tpu.vector_store %arg8[%swap3A_1322, %swap3A_1323, %swap3A_1324], %swap3A_1327 {add = true, strides = array<i32>} : memref<4x128x128xf32, #tpu.memory_space<vmem>>, vector<1x1x16xf32>,
        %swap3A_1328 = arith.constant 0 : i32
        %swap3A_1329 = arith.index_cast %swap3A_1328 : i32 to index
        %swap3A_1330 = arith.index_cast %add3A_1285 : i32 to index
        %swap3A_1331 = arith.constant 96 : index
        %swap3A_1332 = tpu.vector_load %arg8[%swap3A_1329, %swap3A_1330, %swap3A_1331] {strides = array<i32>} : memref<4x128x128xf32, #tpu.memory_space<vmem>>, vector<1x1x16xf32>,
        %swap3A_1333 = vector.shape_cast %swap3A_1332 : vector<1x1x16xf32> to vector<16xf32>
        %swap3A_1334 = vector.shape_cast %get3A_473 : vector<16xf32> to vector<1x1x16xf32>
        tpu.vector_store %arg8[%swap3A_1329, %swap3A_1330, %swap3A_1331], %swap3A_1334 {add = true, strides = array<i32>} : memref<4x128x128xf32, #tpu.memory_space<vmem>>, vector<1x1x16xf32>,
        %swap3A_1335 = arith.constant 0 : i32
        %swap3A_1336 = arith.index_cast %swap3A_1335 : i32 to index
        %swap3A_1337 = arith.index_cast %add3A_1285 : i32 to index
        %swap3A_1338 = arith.constant 112 : index
        %swap3A_1339 = tpu.vector_load %arg8[%swap3A_1336, %swap3A_1337, %swap3A_1338] {strides = array<i32>} : memref<4x128x128xf32, #tpu.memory_space<vmem>>, vector<1x1x16xf32>,
        %swap3A_1340 = vector.shape_cast %swap3A_1339 : vector<1x1x16xf32> to vector<16xf32>
        %swap3A_1341 = vector.shape_cast %get3A_477 : vector<16xf32> to vector<1x1x16xf32>
        tpu.vector_store %arg8[%swap3A_1336, %swap3A_1337, %swap3A_1338], %swap3A_1341 {add = true, strides = array<i32>} : memref<4x128x128xf32, #tpu.memory_space<vmem>>, vector<1x1x16xf32>,
        %mul3A_1342 = arith.constant 8 : i32
        %mul3A_1343 = arith.muli %scan3A_1102, %mul3A_1342 : i32
        %add3A_1344 = arith.constant 4 : i32
        %add3A_1345 = arith.addi %mul3A_1343, %add3A_1344 : i32
        %swap3A_1346 = arith.constant 0 : i32
        %swap3A_1347 = arith.index_cast %swap3A_1346 : i32 to index
        %swap3A_1348 = arith.index_cast %add3A_1345 : i32 to index
        %swap3A_1349 = arith.constant 0 : index
        %swap3A_1350 = tpu.vector_load %arg8[%swap3A_1347, %swap3A_1348, %swap3A_1349] {strides = array<i32>} : memref<4x128x128xf32, #tpu.memory_space<vmem>>, vector<1x1x16xf32>,
        %swap3A_1351 = vector.shape_cast %swap3A_1350 : vector<1x1x16xf32> to vector<16xf32>
        %swap3A_1352 = vector.shape_cast %get3A_449 : vector<16xf32> to vector<1x1x16xf32>
        tpu.vector_store %arg8[%swap3A_1347, %swap3A_1348, %swap3A_1349], %swap3A_1352 {add = true, strides = array<i32>} : memref<4x128x128xf32, #tpu.memory_space<vmem>>, vector<1x1x16xf32>,
        %swap3A_1353 = arith.constant 0 : i32
        %swap3A_1354 = arith.index_cast %swap3A_1353 : i32 to index
        %swap3A_1355 = arith.index_cast %add3A_1345 : i32 to index
        %swap3A_1356 = arith.constant 16 : index
        %swap3A_1357 = tpu.vector_load %arg8[%swap3A_1354, %swap3A_1355, %swap3A_1356] {strides = array<i32>} : memref<4x128x128xf32, #tpu.memory_space<vmem>>, vector<1x1x16xf32>,
        %swap3A_1358 = vector.shape_cast %swap3A_1357 : vector<1x1x16xf32> to vector<16xf32>
        %swap3A_1359 = vector.shape_cast %get3A_453 : vector<16xf32> to vector<1x1x16xf32>
        tpu.vector_store %arg8[%swap3A_1354, %swap3A_1355, %swap3A_1356], %swap3A_1359 {add = true, strides = array<i32>} : memref<4x128x128xf32, #tpu.memory_space<vmem>>, vector<1x1x16xf32>,
        %swap3A_1360 = arith.constant 0 : i32
        %swap3A_1361 = arith.index_cast %swap3A_1360 : i32 to index
        %swap3A_1362 = arith.index_cast %add3A_1345 : i32 to index
        %swap3A_1363 = arith.constant 32 : index
        %swap3A_1364 = tpu.vector_load %arg8[%swap3A_1361, %swap3A_1362, %swap3A_1363] {strides = array<i32>} : memref<4x128x128xf32, #tpu.memory_space<vmem>>, vector<1x1x16xf32>,
        %swap3A_1365 = vector.shape_cast %swap3A_1364 : vector<1x1x16xf32> to vector<16xf32>
        %swap3A_1366 = vector.shape_cast %get3A_457 : vector<16xf32> to vector<1x1x16xf32>
        tpu.vector_store %arg8[%swap3A_1361, %swap3A_1362, %swap3A_1363], %swap3A_1366 {add = true, strides = array<i32>} : memref<4x128x128xf32, #tpu.memory_space<vmem>>, vector<1x1x16xf32>,
        %swap3A_1367 = arith.constant 0 : i32
        %swap3A_1368 = arith.index_cast %swap3A_1367 : i32 to index
        %swap3A_1369 = arith.index_cast %add3A_1345 : i32 to index
        %swap3A_1370 = arith.constant 48 : index
        %swap3A_1371 = tpu.vector_load %arg8[%swap3A_1368, %swap3A_1369, %swap3A_1370] {strides = array<i32>} : memref<4x128x128xf32, #tpu.memory_space<vmem>>, vector<1x1x16xf32>,
        %swap3A_1372 = vector.shape_cast %swap3A_1371 : vector<1x1x16xf32> to vector<16xf32>
        %swap3A_1373 = vector.shape_cast %get3A_461 : vector<16xf32> to vector<1x1x16xf32>
        tpu.vector_store %arg8[%swap3A_1368, %swap3A_1369, %swap3A_1370], %swap3A_1373 {add = true, strides = array<i32>} : memref<4x128x128xf32, #tpu.memory_space<vmem>>, vector<1x1x16xf32>,
        %swap3A_1374 = arith.constant 0 : i32
        %swap3A_1375 = arith.index_cast %swap3A_1374 : i32 to index
        %swap3A_1376 = arith.index_cast %add3A_1345 : i32 to index
        %swap3A_1377 = arith.constant 64 : index
        %swap3A_1378 = tpu.vector_load %arg8[%swap3A_1375, %swap3A_1376, %swap3A_1377] {strides = array<i32>} : memref<4x128x128xf32, #tpu.memory_space<vmem>>, vector<1x1x16xf32>,
        %swap3A_1379 = vector.shape_cast %swap3A_1378 : vector<1x1x16xf32> to vector<16xf32>
        %swap3A_1380 = vector.shape_cast %get3A_465 : vector<16xf32> to vector<1x1x16xf32>
        tpu.vector_store %arg8[%swap3A_1375, %swap3A_1376, %swap3A_1377], %swap3A_1380 {add = true, strides = array<i32>} : memref<4x128x128xf32, #tpu.memory_space<vmem>>, vector<1x1x16xf32>,
        %swap3A_1381 = arith.constant 0 : i32
        %swap3A_1382 = arith.index_cast %swap3A_1381 : i32 to index
        %swap3A_1383 = arith.index_cast %add3A_1345 : i32 to index
        %swap3A_1384 = arith.constant 80 : index
        %swap3A_1385 = tpu.vector_load %arg8[%swap3A_1382, %swap3A_1383, %swap3A_1384] {strides = array<i32>} : memref<4x128x128xf32, #tpu.memory_space<vmem>>, vector<1x1x16xf32>,
        %swap3A_1386 = vector.shape_cast %swap3A_1385 : vector<1x1x16xf32> to vector<16xf32>
        %swap3A_1387 = vector.shape_cast %get3A_469 : vector<16xf32> to vector<1x1x16xf32>
        tpu.vector_store %arg8[%swap3A_1382, %swap3A_1383, %swap3A_1384], %swap3A_1387 {add = true, strides = array<i32>} : memref<4x128x128xf32, #tpu.memory_space<vmem>>, vector<1x1x16xf32>,
        %swap3A_1388 = arith.constant 0 : i32
        %swap3A_1389 = arith.index_cast %swap3A_1388 : i32 to index
        %swap3A_1390 = arith.index_cast %add3A_1345 : i32 to index
        %swap3A_1391 = arith.constant 96 : index
        %swap3A_1392 = tpu.vector_load %arg8[%swap3A_1389, %swap3A_1390, %swap3A_1391] {strides = array<i32>} : memref<4x128x128xf32, #tpu.memory_space<vmem>>, vector<1x1x16xf32>,
        %swap3A_1393 = vector.shape_cast %swap3A_1392 : vector<1x1x16xf32> to vector<16xf32>
        %swap3A_1394 = vector.shape_cast %get3A_473 : vector<16xf32> to vector<1x1x16xf32>
        tpu.vector_store %arg8[%swap3A_1389, %swap3A_1390, %swap3A_1391], %swap3A_1394 {add = true, strides = array<i32>} : memref<4x128x128xf32, #tpu.memory_space<vmem>>, vector<1x1x16xf32>,
        %swap3A_1395 = arith.constant 0 : i32
        %swap3A_1396 = arith.index_cast %swap3A_1395 : i32 to index
        %swap3A_1397 = arith.index_cast %add3A_1345 : i32 to index
        %swap3A_1398 = arith.constant 112 : index
        %swap3A_1399 = tpu.vector_load %arg8[%swap3A_1396, %swap3A_1397, %swap3A_1398] {strides = array<i32>} : memref<4x128x128xf32, #tpu.memory_space<vmem>>, vector<1x1x16xf32>,
        %swap3A_1400 = vector.shape_cast %swap3A_1399 : vector<1x1x16xf32> to vector<16xf32>
        %swap3A_1401 = vector.shape_cast %get3A_477 : vector<16xf32> to vector<1x1x16xf32>
        tpu.vector_store %arg8[%swap3A_1396, %swap3A_1397, %swap3A_1398], %swap3A_1401 {add = true, strides = array<i32>} : memref<4x128x128xf32, #tpu.memory_space<vmem>>, vector<1x1x16xf32>,
        %mul3A_1402 = arith.constant 8 : i32
        %mul3A_1403 = arith.muli %scan3A_1102, %mul3A_1402 : i32
        %add3A_1404 = arith.constant 5 : i32
        %add3A_1405 = arith.addi %mul3A_1403, %add3A_1404 : i32
        %swap3A_1406 = arith.constant 0 : i32
        %swap3A_1407 = arith.index_cast %swap3A_1406 : i32 to index
        %swap3A_1408 = arith.index_cast %add3A_1405 : i32 to index
        %swap3A_1409 = arith.constant 0 : index
        %swap3A_1410 = tpu.vector_load %arg8[%swap3A_1407, %swap3A_1408, %swap3A_1409] {strides = array<i32>} : memref<4x128x128xf32, #tpu.memory_space<vmem>>, vector<1x1x16xf32>,
        %swap3A_1411 = vector.shape_cast %swap3A_1410 : vector<1x1x16xf32> to vector<16xf32>
        %swap3A_1412 = vector.shape_cast %get3A_449 : vector<16xf32> to vector<1x1x16xf32>
        tpu.vector_store %arg8[%swap3A_1407, %swap3A_1408, %swap3A_1409], %swap3A_1412 {add = true, strides = array<i32>} : memref<4x128x128xf32, #tpu.memory_space<vmem>>, vector<1x1x16xf32>,
        %swap3A_1413 = arith.constant 0 : i32
        %swap3A_1414 = arith.index_cast %swap3A_1413 : i32 to index
        %swap3A_1415 = arith.index_cast %add3A_1405 : i32 to index
        %swap3A_1416 = arith.constant 16 : index
        %swap3A_1417 = tpu.vector_load %arg8[%swap3A_1414, %swap3A_1415, %swap3A_1416] {strides = array<i32>} : memref<4x128x128xf32, #tpu.memory_space<vmem>>, vector<1x1x16xf32>,
        %swap3A_1418 = vector.shape_cast %swap3A_1417 : vector<1x1x16xf32> to vector<16xf32>
        %swap3A_1419 = vector.shape_cast %get3A_453 : vector<16xf32> to vector<1x1x16xf32>
        tpu.vector_store %arg8[%swap3A_1414, %swap3A_1415, %swap3A_1416], %swap3A_1419 {add = true, strides = array<i32>} : memref<4x128x128xf32, #tpu.memory_space<vmem>>, vector<1x1x16xf32>,
        %swap3A_1420 = arith.constant 0 : i32
        %swap3A_1421 = arith.index_cast %swap3A_1420 : i32 to index
        %swap3A_1422 = arith.index_cast %add3A_1405 : i32 to index
        %swap3A_1423 = arith.constant 32 : index
        %swap3A_1424 = tpu.vector_load %arg8[%swap3A_1421, %swap3A_1422, %swap3A_1423] {strides = array<i32>} : memref<4x128x128xf32, #tpu.memory_space<vmem>>, vector<1x1x16xf32>,
        %swap3A_1425 = vector.shape_cast %swap3A_1424 : vector<1x1x16xf32> to vector<16xf32>
        %swap3A_1426 = vector.shape_cast %get3A_457 : vector<16xf32> to vector<1x1x16xf32>
        tpu.vector_store %arg8[%swap3A_1421, %swap3A_1422, %swap3A_1423], %swap3A_1426 {add = true, strides = array<i32>} : memref<4x128x128xf32, #tpu.memory_space<vmem>>, vector<1x1x16xf32>,
        %swap3A_1427 = arith.constant 0 : i32
        %swap3A_1428 = arith.index_cast %swap3A_1427 : i32 to index
        %swap3A_1429 = arith.index_cast %add3A_1405 : i32 to index
        %swap3A_1430 = arith.constant 48 : index
        %swap3A_1431 = tpu.vector_load %arg8[%swap3A_1428, %swap3A_1429, %swap3A_1430] {strides = array<i32>} : memref<4x128x128xf32, #tpu.memory_space<vmem>>, vector<1x1x16xf32>,
        %swap3A_1432 = vector.shape_cast %swap3A_1431 : vector<1x1x16xf32> to vector<16xf32>
        %swap3A_1433 = vector.shape_cast %get3A_461 : vector<16xf32> to vector<1x1x16xf32>
        tpu.vector_store %arg8[%swap3A_1428, %swap3A_1429, %swap3A_1430], %swap3A_1433 {add = true, strides = array<i32>} : memref<4x128x128xf32, #tpu.memory_space<vmem>>, vector<1x1x16xf32>,
        %swap3A_1434 = arith.constant 0 : i32
        %swap3A_1435 = arith.index_cast %swap3A_1434 : i32 to index
        %swap3A_1436 = arith.index_cast %add3A_1405 : i32 to index
        %swap3A_1437 = arith.constant 64 : index
        %swap3A_1438 = tpu.vector_load %arg8[%swap3A_1435, %swap3A_1436, %swap3A_1437] {strides = array<i32>} : memref<4x128x128xf32, #tpu.memory_space<vmem>>, vector<1x1x16xf32>,
        %swap3A_1439 = vector.shape_cast %swap3A_1438 : vector<1x1x16xf32> to vector<16xf32>
        %swap3A_1440 = vector.shape_cast %get3A_465 : vector<16xf32> to vector<1x1x16xf32>
        tpu.vector_store %arg8[%swap3A_1435, %swap3A_1436, %swap3A_1437], %swap3A_1440 {add = true, strides = array<i32>} : memref<4x128x128xf32, #tpu.memory_space<vmem>>, vector<1x1x16xf32>,
        %swap3A_1441 = arith.constant 0 : i32
        %swap3A_1442 = arith.index_cast %swap3A_1441 : i32 to index
        %swap3A_1443 = arith.index_cast %add3A_1405 : i32 to index
        %swap3A_1444 = arith.constant 80 : index
        %swap3A_1445 = tpu.vector_load %arg8[%swap3A_1442, %swap3A_1443, %swap3A_1444] {strides = array<i32>} : memref<4x128x128xf32, #tpu.memory_space<vmem>>, vector<1x1x16xf32>,
        %swap3A_1446 = vector.shape_cast %swap3A_1445 : vector<1x1x16xf32> to vector<16xf32>
        %swap3A_1447 = vector.shape_cast %get3A_469 : vector<16xf32> to vector<1x1x16xf32>
        tpu.vector_store %arg8[%swap3A_1442, %swap3A_1443, %swap3A_1444], %swap3A_1447 {add = true, strides = array<i32>} : memref<4x128x128xf32, #tpu.memory_space<vmem>>, vector<1x1x16xf32>,
        %swap3A_1448 = arith.constant 0 : i32
        %swap3A_1449 = arith.index_cast %swap3A_1448 : i32 to index
        %swap3A_1450 = arith.index_cast %add3A_1405 : i32 to index
        %swap3A_1451 = arith.constant 96 : index
        %swap3A_1452 = tpu.vector_load %arg8[%swap3A_1449, %swap3A_1450, %swap3A_1451] {strides = array<i32>} : memref<4x128x128xf32, #tpu.memory_space<vmem>>, vector<1x1x16xf32>,
        %swap3A_1453 = vector.shape_cast %swap3A_1452 : vector<1x1x16xf32> to vector<16xf32>
        %swap3A_1454 = vector.shape_cast %get3A_473 : vector<16xf32> to vector<1x1x16xf32>
        tpu.vector_store %arg8[%swap3A_1449, %swap3A_1450, %swap3A_1451], %swap3A_1454 {add = true, strides = array<i32>} : memref<4x128x128xf32, #tpu.memory_space<vmem>>, vector<1x1x16xf32>,
        %swap3A_1455 = arith.constant 0 : i32
        %swap3A_1456 = arith.index_cast %swap3A_1455 : i32 to index
        %swap3A_1457 = arith.index_cast %add3A_1405 : i32 to index
        %swap3A_1458 = arith.constant 112 : index
        %swap3A_1459 = tpu.vector_load %arg8[%swap3A_1456, %swap3A_1457, %swap3A_1458] {strides = array<i32>} : memref<4x128x128xf32, #tpu.memory_space<vmem>>, vector<1x1x16xf32>,
        %swap3A_1460 = vector.shape_cast %swap3A_1459 : vector<1x1x16xf32> to vector<16xf32>
        %swap3A_1461 = vector.shape_cast %get3A_477 : vector<16xf32> to vector<1x1x16xf32>
        tpu.vector_store %arg8[%swap3A_1456, %swap3A_1457, %swap3A_1458], %swap3A_1461 {add = true, strides = array<i32>} : memref<4x128x128xf32, #tpu.memory_space<vmem>>, vector<1x1x16xf32>,
        %mul3A_1462 = arith.constant 8 : i32
        %mul3A_1463 = arith.muli %scan3A_1102, %mul3A_1462 : i32
        %add3A_1464 = arith.constant 6 : i32
        %add3A_1465 = arith.addi %mul3A_1463, %add3A_1464 : i32
        %swap3A_1466 = arith.constant 0 : i32
        %swap3A_1467 = arith.index_cast %swap3A_1466 : i32 to index
        %swap3A_1468 = arith.index_cast %add3A_1465 : i32 to index
        %swap3A_1469 = arith.constant 0 : index
        %swap3A_1470 = tpu.vector_load %arg8[%swap3A_1467, %swap3A_1468, %swap3A_1469] {strides = array<i32>} : memref<4x128x128xf32, #tpu.memory_space<vmem>>, vector<1x1x16xf32>,
        %swap3A_1471 = vector.shape_cast %swap3A_1470 : vector<1x1x16xf32> to vector<16xf32>
        %swap3A_1472 = vector.shape_cast %get3A_449 : vector<16xf32> to vector<1x1x16xf32>
        tpu.vector_store %arg8[%swap3A_1467, %swap3A_1468, %swap3A_1469], %swap3A_1472 {add = true, strides = array<i32>} : memref<4x128x128xf32, #tpu.memory_space<vmem>>, vector<1x1x16xf32>,
        %swap3A_1473 = arith.constant 0 : i32
        %swap3A_1474 = arith.index_cast %swap3A_1473 : i32 to index
        %swap3A_1475 = arith.index_cast %add3A_1465 : i32 to index
        %swap3A_1476 = arith.constant 16 : index
        %swap3A_1477 = tpu.vector_load %arg8[%swap3A_1474, %swap3A_1475, %swap3A_1476] {strides = array<i32>} : memref<4x128x128xf32, #tpu.memory_space<vmem>>, vector<1x1x16xf32>,
        %swap3A_1478 = vector.shape_cast %swap3A_1477 : vector<1x1x16xf32> to vector<16xf32>
        %swap3A_1479 = vector.shape_cast %get3A_453 : vector<16xf32> to vector<1x1x16xf32>
        tpu.vector_store %arg8[%swap3A_1474, %swap3A_1475, %swap3A_1476], %swap3A_1479 {add = true, strides = array<i32>} : memref<4x128x128xf32, #tpu.memory_space<vmem>>, vector<1x1x16xf32>,
        %swap3A_1480 = arith.constant 0 : i32
        %swap3A_1481 = arith.index_cast %swap3A_1480 : i32 to index
        %swap3A_1482 = arith.index_cast %add3A_1465 : i32 to index
        %swap3A_1483 = arith.constant 32 : index
        %swap3A_1484 = tpu.vector_load %arg8[%swap3A_1481, %swap3A_1482, %swap3A_1483] {strides = array<i32>} : memref<4x128x128xf32, #tpu.memory_space<vmem>>, vector<1x1x16xf32>,
        %swap3A_1485 = vector.shape_cast %swap3A_1484 : vector<1x1x16xf32> to vector<16xf32>
        %swap3A_1486 = vector.shape_cast %get3A_457 : vector<16xf32> to vector<1x1x16xf32>
        tpu.vector_store %arg8[%swap3A_1481, %swap3A_1482, %swap3A_1483], %swap3A_1486 {add = true, strides = array<i32>} : memref<4x128x128xf32, #tpu.memory_space<vmem>>, vector<1x1x16xf32>,
        %swap3A_1487 = arith.constant 0 : i32
        %swap3A_1488 = arith.index_cast %swap3A_1487 : i32 to index
        %swap3A_1489 = arith.index_cast %add3A_1465 : i32 to index
        %swap3A_1490 = arith.constant 48 : index
        %swap3A_1491 = tpu.vector_load %arg8[%swap3A_1488, %swap3A_1489, %swap3A_1490] {strides = array<i32>} : memref<4x128x128xf32, #tpu.memory_space<vmem>>, vector<1x1x16xf32>,
        %swap3A_1492 = vector.shape_cast %swap3A_1491 : vector<1x1x16xf32> to vector<16xf32>
        %swap3A_1493 = vector.shape_cast %get3A_461 : vector<16xf32> to vector<1x1x16xf32>
        tpu.vector_store %arg8[%swap3A_1488, %swap3A_1489, %swap3A_1490], %swap3A_1493 {add = true, strides = array<i32>} : memref<4x128x128xf32, #tpu.memory_space<vmem>>, vector<1x1x16xf32>,
        %swap3A_1494 = arith.constant 0 : i32
        %swap3A_1495 = arith.index_cast %swap3A_1494 : i32 to index
        %swap3A_1496 = arith.index_cast %add3A_1465 : i32 to index
        %swap3A_1497 = arith.constant 64 : index
        %swap3A_1498 = tpu.vector_load %arg8[%swap3A_1495, %swap3A_1496, %swap3A_1497] {strides = array<i32>} : memref<4x128x128xf32, #tpu.memory_space<vmem>>, vector<1x1x16xf32>,
        %swap3A_1499 = vector.shape_cast %swap3A_1498 : vector<1x1x16xf32> to vector<16xf32>
        %swap3A_1500 = vector.shape_cast %get3A_465 : vector<16xf32> to vector<1x1x16xf32>
        tpu.vector_store %arg8[%swap3A_1495, %swap3A_1496, %swap3A_1497], %swap3A_1500 {add = true, strides = array<i32>} : memref<4x128x128xf32, #tpu.memory_space<vmem>>, vector<1x1x16xf32>,
        %swap3A_1501 = arith.constant 0 : i32
        %swap3A_1502 = arith.index_cast %swap3A_1501 : i32 to index
        %swap3A_1503 = arith.index_cast %add3A_1465 : i32 to index
        %swap3A_1504 = arith.constant 80 : index
        %swap3A_1505 = tpu.vector_load %arg8[%swap3A_1502, %swap3A_1503, %swap3A_1504] {strides = array<i32>} : memref<4x128x128xf32, #tpu.memory_space<vmem>>, vector<1x1x16xf32>,
        %swap3A_1506 = vector.shape_cast %swap3A_1505 : vector<1x1x16xf32> to vector<16xf32>
        %swap3A_1507 = vector.shape_cast %get3A_469 : vector<16xf32> to vector<1x1x16xf32>
        tpu.vector_store %arg8[%swap3A_1502, %swap3A_1503, %swap3A_1504], %swap3A_1507 {add = true, strides = array<i32>} : memref<4x128x128xf32, #tpu.memory_space<vmem>>, vector<1x1x16xf32>,
        %swap3A_1508 = arith.constant 0 : i32
        %swap3A_1509 = arith.index_cast %swap3A_1508 : i32 to index
        %swap3A_1510 = arith.index_cast %add3A_1465 : i32 to index
        %swap3A_1511 = arith.constant 96 : index
        %swap3A_1512 = tpu.vector_load %arg8[%swap3A_1509, %swap3A_1510, %swap3A_1511] {strides = array<i32>} : memref<4x128x128xf32, #tpu.memory_space<vmem>>, vector<1x1x16xf32>,
        %swap3A_1513 = vector.shape_cast %swap3A_1512 : vector<1x1x16xf32> to vector<16xf32>
        %swap3A_1514 = vector.shape_cast %get3A_473 : vector<16xf32> to vector<1x1x16xf32>
        tpu.vector_store %arg8[%swap3A_1509, %swap3A_1510, %swap3A_1511], %swap3A_1514 {add = true, strides = array<i32>} : memref<4x128x128xf32, #tpu.memory_space<vmem>>, vector<1x1x16xf32>,
        %swap3A_1515 = arith.constant 0 : i32
        %swap3A_1516 = arith.index_cast %swap3A_1515 : i32 to index
        %swap3A_1517 = arith.index_cast %add3A_1465 : i32 to index
        %swap3A_1518 = arith.constant 112 : index
        %swap3A_1519 = tpu.vector_load %arg8[%swap3A_1516, %swap3A_1517, %swap3A_1518] {strides = array<i32>} : memref<4x128x128xf32, #tpu.memory_space<vmem>>, vector<1x1x16xf32>,
        %swap3A_1520 = vector.shape_cast %swap3A_1519 : vector<1x1x16xf32> to vector<16xf32>
        %swap3A_1521 = vector.shape_cast %get3A_477 : vector<16xf32> to vector<1x1x16xf32>
        tpu.vector_store %arg8[%swap3A_1516, %swap3A_1517, %swap3A_1518], %swap3A_1521 {add = true, strides = array<i32>} : memref<4x128x128xf32, #tpu.memory_space<vmem>>, vector<1x1x16xf32>,
        %mul3A_1522 = arith.constant 8 : i32
        %mul3A_1523 = arith.muli %scan3A_1102, %mul3A_1522 : i32
        %add3A_1524 = arith.constant 7 : i32
        %add3A_1525 = arith.addi %mul3A_1523, %add3A_1524 : i32
        %swap3A_1526 = arith.constant 0 : i32
        %swap3A_1527 = arith.index_cast %swap3A_1526 : i32 to index
        %swap3A_1528 = arith.index_cast %add3A_1525 : i32 to index
        %swap3A_1529 = arith.constant 0 : index
        %swap3A_1530 = tpu.vector_load %arg8[%swap3A_1527, %swap3A_1528, %swap3A_1529] {strides = array<i32>} : memref<4x128x128xf32, #tpu.memory_space<vmem>>, vector<1x1x16xf32>,
        %swap3A_1531 = vector.shape_cast %swap3A_1530 : vector<1x1x16xf32> to vector<16xf32>
        %swap3A_1532 = vector.shape_cast %get3A_449 : vector<16xf32> to vector<1x1x16xf32>
        tpu.vector_store %arg8[%swap3A_1527, %swap3A_1528, %swap3A_1529], %swap3A_1532 {add = true, strides = array<i32>} : memref<4x128x128xf32, #tpu.memory_space<vmem>>, vector<1x1x16xf32>,
        %swap3A_1533 = arith.constant 0 : i32
        %swap3A_1534 = arith.index_cast %swap3A_1533 : i32 to index
        %swap3A_1535 = arith.index_cast %add3A_1525 : i32 to index
        %swap3A_1536 = arith.constant 16 : index
        %swap3A_1537 = tpu.vector_load %arg8[%swap3A_1534, %swap3A_1535, %swap3A_1536] {strides = array<i32>} : memref<4x128x128xf32, #tpu.memory_space<vmem>>, vector<1x1x16xf32>,
        %swap3A_1538 = vector.shape_cast %swap3A_1537 : vector<1x1x16xf32> to vector<16xf32>
        %swap3A_1539 = vector.shape_cast %get3A_453 : vector<16xf32> to vector<1x1x16xf32>
        tpu.vector_store %arg8[%swap3A_1534, %swap3A_1535, %swap3A_1536], %swap3A_1539 {add = true, strides = array<i32>} : memref<4x128x128xf32, #tpu.memory_space<vmem>>, vector<1x1x16xf32>,
        %swap3A_1540 = arith.constant 0 : i32
        %swap3A_1541 = arith.index_cast %swap3A_1540 : i32 to index
        %swap3A_1542 = arith.index_cast %add3A_1525 : i32 to index
        %swap3A_1543 = arith.constant 32 : index
        %swap3A_1544 = tpu.vector_load %arg8[%swap3A_1541, %swap3A_1542, %swap3A_1543] {strides = array<i32>} : memref<4x128x128xf32, #tpu.memory_space<vmem>>, vector<1x1x16xf32>,
        %swap3A_1545 = vector.shape_cast %swap3A_1544 : vector<1x1x16xf32> to vector<16xf32>
        %swap3A_1546 = vector.shape_cast %get3A_457 : vector<16xf32> to vector<1x1x16xf32>
        tpu.vector_store %arg8[%swap3A_1541, %swap3A_1542, %swap3A_1543], %swap3A_1546 {add = true, strides = array<i32>} : memref<4x128x128xf32, #tpu.memory_space<vmem>>, vector<1x1x16xf32>,
        %swap3A_1547 = arith.constant 0 : i32
        %swap3A_1548 = arith.index_cast %swap3A_1547 : i32 to index
        %swap3A_1549 = arith.index_cast %add3A_1525 : i32 to index
        %swap3A_1550 = arith.constant 48 : index
        %swap3A_1551 = tpu.vector_load %arg8[%swap3A_1548, %swap3A_1549, %swap3A_1550] {strides = array<i32>} : memref<4x128x128xf32, #tpu.memory_space<vmem>>, vector<1x1x16xf32>,
        %swap3A_1552 = vector.shape_cast %swap3A_1551 : vector<1x1x16xf32> to vector<16xf32>
        %swap3A_1553 = vector.shape_cast %get3A_461 : vector<16xf32> to vector<1x1x16xf32>
        tpu.vector_store %arg8[%swap3A_1548, %swap3A_1549, %swap3A_1550], %swap3A_1553 {add = true, strides = array<i32>} : memref<4x128x128xf32, #tpu.memory_space<vmem>>, vector<1x1x16xf32>,
        %swap3A_1554 = arith.constant 0 : i32
        %swap3A_1555 = arith.index_cast %swap3A_1554 : i32 to index
        %swap3A_1556 = arith.index_cast %add3A_1525 : i32 to index
        %swap3A_1557 = arith.constant 64 : index
        %swap3A_1558 = tpu.vector_load %arg8[%swap3A_1555, %swap3A_1556, %swap3A_1557] {strides = array<i32>} : memref<4x128x128xf32, #tpu.memory_space<vmem>>, vector<1x1x16xf32>,
        %swap3A_1559 = vector.shape_cast %swap3A_1558 : vector<1x1x16xf32> to vector<16xf32>
        %swap3A_1560 = vector.shape_cast %get3A_465 : vector<16xf32> to vector<1x1x16xf32>
        tpu.vector_store %arg8[%swap3A_1555, %swap3A_1556, %swap3A_1557], %swap3A_1560 {add = true, strides = array<i32>} : memref<4x128x128xf32, #tpu.memory_space<vmem>>, vector<1x1x16xf32>,
        %swap3A_1561 = arith.constant 0 : i32
        %swap3A_1562 = arith.index_cast %swap3A_1561 : i32 to index
        %swap3A_1563 = arith.index_cast %add3A_1525 : i32 to index
        %swap3A_1564 = arith.constant 80 : index
        %swap3A_1565 = tpu.vector_load %arg8[%swap3A_1562, %swap3A_1563, %swap3A_1564] {strides = array<i32>} : memref<4x128x128xf32, #tpu.memory_space<vmem>>, vector<1x1x16xf32>,
        %swap3A_1566 = vector.shape_cast %swap3A_1565 : vector<1x1x16xf32> to vector<16xf32>
        %swap3A_1567 = vector.shape_cast %get3A_469 : vector<16xf32> to vector<1x1x16xf32>
        tpu.vector_store %arg8[%swap3A_1562, %swap3A_1563, %swap3A_1564], %swap3A_1567 {add = true, strides = array<i32>} : memref<4x128x128xf32, #tpu.memory_space<vmem>>, vector<1x1x16xf32>,
        %swap3A_1568 = arith.constant 0 : i32
        %swap3A_1569 = arith.index_cast %swap3A_1568 : i32 to index
        %swap3A_1570 = arith.index_cast %add3A_1525 : i32 to index
        %swap3A_1571 = arith.constant 96 : index
        %swap3A_1572 = tpu.vector_load %arg8[%swap3A_1569, %swap3A_1570, %swap3A_1571] {strides = array<i32>} : memref<4x128x128xf32, #tpu.memory_space<vmem>>, vector<1x1x16xf32>,
        %swap3A_1573 = vector.shape_cast %swap3A_1572 : vector<1x1x16xf32> to vector<16xf32>
        %swap3A_1574 = vector.shape_cast %get3A_473 : vector<16xf32> to vector<1x1x16xf32>
        tpu.vector_store %arg8[%swap3A_1569, %swap3A_1570, %swap3A_1571], %swap3A_1574 {add = true, strides = array<i32>} : memref<4x128x128xf32, #tpu.memory_space<vmem>>, vector<1x1x16xf32>,
        %swap3A_1575 = arith.constant 0 : i32
        %swap3A_1576 = arith.index_cast %swap3A_1575 : i32 to index
        %swap3A_1577 = arith.index_cast %add3A_1525 : i32 to index
        %swap3A_1578 = arith.constant 112 : index
        %swap3A_1579 = tpu.vector_load %arg8[%swap3A_1576, %swap3A_1577, %swap3A_1578] {strides = array<i32>} : memref<4x128x128xf32, #tpu.memory_space<vmem>>, vector<1x1x16xf32>,
        %swap3A_1580 = vector.shape_cast %swap3A_1579 : vector<1x1x16xf32> to vector<16xf32>
        %swap3A_1581 = vector.shape_cast %get3A_477 : vector<16xf32> to vector<1x1x16xf32>
        tpu.vector_store %arg8[%swap3A_1576, %swap3A_1577, %swap3A_1578], %swap3A_1581 {add = true, strides = array<i32>} : memref<4x128x128xf32, #tpu.memory_space<vmem>>, vector<1x1x16xf32>,
      }
      %scan3A_483 = arith.constant 16 : i32
      %dma_start3A_484 = arith.constant 0 : i32
      %dma_start3A_485 = arith.constant 0 : i32
      %dma_start3A_486 = arith.constant 0 : i32
      %dma_start3A_487 = tpu.memref_slice %arg8[%dma_start3A_484, %dma_start3A_485, %dma_start3A_486] : memref<4x128x128xf32, #tpu.memory_space<vmem>> -> memref<1x128x128xf32, #tpu.memory_space<vmem>>
      %dma_start3A_488 = tpu.memref_squeeze %dma_start3A_487 : memref<1x128x128xf32, #tpu.memory_space<vmem>> -> memref<128x128xf32, #tpu.memory_space<vmem>>
      %dma_start3A_489 = arith.constant 0 : i32
      %dma_start3A_490 = tpu.memref_slice %arg5[%mul3A_2, %add3A_249, %dma_start3A_489] : memref<4096x200x128xf32, #tpu.memory_space<hbm>> -> memref<128x1x128xf32, #tpu.memory_space<hbm>>
      %dma_start3A_491 = tpu.memref_squeeze %dma_start3A_490 : memref<128x1x128xf32, #tpu.memory_space<hbm>> -> memref<128x128xf32, #tpu.memory_space<hbm>>
      %dma_start3A_492 = arith.constant 0 : i32
      %dma_start3A_493 = tpu.memref_slice %arg5[%mul3A_2, %add3A_249, %dma_start3A_492] : memref<4096x200x128xf32, #tpu.memory_space<hbm>> -> memref<128x1x128xf32, #tpu.memory_space<hbm>>
      %dma_start3A_494 = tpu.memref_squeeze %dma_start3A_493 : memref<128x1x128xf32, #tpu.memory_space<hbm>> -> memref<128x128xf32, #tpu.memory_space<hbm>>
      %dma_start3A_495 = arith.constant 0 : i32
      %dma_start3A_496 = arith.constant 0 : i32
      %dma_start3A_497 = tpu.memref_slice %arg8[%dma_start3A_484, %dma_start3A_495, %dma_start3A_496] : memref<4x128x128xf32, #tpu.memory_space<vmem>> -> memref<1x128x128xf32, #tpu.memory_space<vmem>>
      %dma_start3A_498 = tpu.memref_squeeze %dma_start3A_497 : memref<1x128x128xf32, #tpu.memory_space<vmem>> -> memref<128x128xf32, #tpu.memory_space<vmem>>
      tpu.enqueue_dma source(%dma_start3A_498 : memref<128x128xf32, #tpu.memory_space<vmem>>) target(%dma_start3A_494 : memref<128x128xf32, #tpu.memory_space<hbm>>) target_semaphore(%arg13 : memref<!tpu.dma_semaphore, #tpu.memory_space<semaphore_mem>>)
      %mul3A_499 = arith.constant 4 : i32
      %mul3A_500 = arith.muli %mul3A_499, %scan3A_245 : i32
      %add3A_501 = arith.constant 1 : i32
      %add3A_502 = arith.addi %mul3A_500, %add3A_501 : i32
      %gt3A_503 = arith.constant 0 : i32
      %gt3A_504 = arith.cmpi sgt, %scan3A_245, %gt3A_503 : i32
      %convert_element_type3A_505 = arith.extui %gt3A_504 : i1 to i32
      %cond3A_506 = arith.constant 0 : i32
      %cond3A_507 = arith.cmpi ne, %convert_element_type3A_505, %cond3A_506 : i32
      scf.if %cond3A_507 {
        %dma_wait3A_1102 = arith.constant 3 : i32
        %dma_wait3A_1103 = arith.constant 0 : i32
        %dma_wait3A_1104 = arith.constant 0 : i32
        %dma_wait3A_1105 = arith.constant 0 : i32
        %dma_wait3A_1106 = tpu.memref_slice %arg8[%dma_wait3A_1102, %dma_wait3A_1104, %dma_wait3A_1105] : memref<4x128x128xf32, #tpu.memory_space<vmem>> -> memref<1x128x128xf32, #tpu.memory_space<vmem>>
        %dma_wait3A_1107 = tpu.memref_squeeze %dma_wait3A_1106 : memref<1x128x128xf32, #tpu.memory_space<vmem>> -> memref<128x128xf32, #tpu.memory_space<vmem>>
        %dma_wait3A_1108 = arith.constant 0 : i32
        %dma_wait3A_1109 = tpu.memref_slice %arg5[%mul3A_2, %dma_wait3A_1103, %dma_wait3A_1108] : memref<4096x200x128xf32, #tpu.memory_space<hbm>> -> memref<128x1x128xf32, #tpu.memory_space<hbm>>
        %dma_wait3A_1110 = tpu.memref_squeeze %dma_wait3A_1109 : memref<128x1x128xf32, #tpu.memory_space<hbm>> -> memref<128x128xf32, #tpu.memory_space<hbm>>
        %dma_wait3A_1111 = arith.constant 0 : i32
        %dma_wait3A_1112 = tpu.memref_slice %arg5[%mul3A_2, %dma_wait3A_1103, %dma_wait3A_1111] : memref<4096x200x128xf32, #tpu.memory_space<hbm>> -> memref<128x1x128xf32, #tpu.memory_space<hbm>>
        %dma_wait3A_1113 = tpu.memref_squeeze %dma_wait3A_1112 : memref<128x1x128xf32, #tpu.memory_space<hbm>> -> memref<128x128xf32, #tpu.memory_space<hbm>>
        %dma_wait3A_1114 = arith.constant 0 : i32
        %dma_wait3A_1115 = arith.constant 0 : i32
        %dma_wait3A_1116 = tpu.memref_slice %arg8[%dma_wait3A_1102, %dma_wait3A_1114, %dma_wait3A_1115] : memref<4x128x128xf32, #tpu.memory_space<vmem>> -> memref<1x128x128xf32, #tpu.memory_space<vmem>>
        %dma_wait3A_1117 = tpu.memref_squeeze %dma_wait3A_1116 : memref<1x128x128xf32, #tpu.memory_space<vmem>> -> memref<128x128xf32, #tpu.memory_space<vmem>>
        tpu.wait_dma2 semaphore(%arg16 : memref<!tpu.dma_semaphore, #tpu.memory_space<semaphore_mem>>) src(%dma_wait3A_1117 : memref<128x128xf32, #tpu.memory_space<vmem>>) dst(%dma_wait3A_1113 : memref<128x128xf32, #tpu.memory_space<hbm>>)
      } else {
      }
      %add3A_508 = arith.constant 2 : i32
      %add3A_509 = arith.addi %add3A_502, %add3A_508 : i32
      %get3A_510 = arith.index_cast %add3A_509 : i32 to index
      %get3A_511 = arith.constant 0 : index
      %get3A_512 = tpu.vector_load %arg6[%get3A_510, %get3A_511] {strides = array<i32>} : memref<200x128xi32, #tpu.memory_space<vmem>>, vector<1x16xi32>,
      %get3A_513 = vector.shape_cast %get3A_512 : vector<1x16xi32> to vector<16xi32>
      %dma_start3A_514 = arith.constant 3 : i32
      %dma_start3A_515 = arith.constant 0 : i32
      %dma_start3A_516 = arith.constant 0 : i32
      %dma_start3A_517 = tpu.memref_slice %arg8[%dma_start3A_514, %dma_start3A_515, %dma_start3A_516] : memref<4x128x128xf32, #tpu.memory_space<vmem>> -> memref<1x16x128xf32, #tpu.memory_space<vmem>>
      %dma_start3A_518 = tpu.memref_squeeze %dma_start3A_517 : memref<1x16x128xf32, #tpu.memory_space<vmem>> -> memref<16x128xf32, #tpu.memory_space<vmem>>
      %dma_start3A_519 = arith.constant 0 : i32
      %dma_start3A_520 = arith.constant 0 : i32
      %dma_start3A_521 = tpu.memref_slice %arg3[%dma_start3A_519, %dma_start3A_520] : memref<1000000x128xf32, #tpu.memory_space<hbm>> -> memref<1000000x128xf32, #tpu.memory_space<hbm>>
      tpu.enqueue_indirect_dma source(%dma_start3A_521 : memref<1000000x128xf32, #tpu.memory_space<hbm>>) target(%dma_start3A_518 : memref<16x128xf32, #tpu.memory_space<vmem>>) offsets(%get3A_513 : vector<16xi32>) semaphore(%arg12 : memref<!tpu.dma_semaphore, #tpu.memory_space<semaphore_mem>>)
      %get3A_522 = arith.index_cast %add3A_509 : i32 to index
      %get3A_523 = arith.constant 16 : index
      %get3A_524 = tpu.vector_load %arg6[%get3A_522, %get3A_523] {strides = array<i32>} : memref<200x128xi32, #tpu.memory_space<vmem>>, vector<1x16xi32>,
      %get3A_525 = vector.shape_cast %get3A_524 : vector<1x16xi32> to vector<16xi32>
      %dma_start3A_526 = arith.constant 3 : i32
      %dma_start3A_527 = arith.constant 16 : i32
      %dma_start3A_528 = arith.constant 0 : i32
      %dma_start3A_529 = tpu.memref_slice %arg8[%dma_start3A_526, %dma_start3A_527, %dma_start3A_528] : memref<4x128x128xf32, #tpu.memory_space<vmem>> -> memref<1x16x128xf32, #tpu.memory_space<vmem>>
      %dma_start3A_530 = tpu.memref_squeeze %dma_start3A_529 : memref<1x16x128xf32, #tpu.memory_space<vmem>> -> memref<16x128xf32, #tpu.memory_space<vmem>>
      %dma_start3A_531 = arith.constant 0 : i32
      %dma_start3A_532 = arith.constant 0 : i32
      %dma_start3A_533 = tpu.memref_slice %arg3[%dma_start3A_531, %dma_start3A_532] : memref<1000000x128xf32, #tpu.memory_space<hbm>> -> memref<1000000x128xf32, #tpu.memory_space<hbm>>
      tpu.enqueue_indirect_dma source(%dma_start3A_533 : memref<1000000x128xf32, #tpu.memory_space<hbm>>) target(%dma_start3A_530 : memref<16x128xf32, #tpu.memory_space<vmem>>) offsets(%get3A_525 : vector<16xi32>) semaphore(%arg12 : memref<!tpu.dma_semaphore, #tpu.memory_space<semaphore_mem>>)
      %get3A_534 = arith.index_cast %add3A_509 : i32 to index
      %get3A_535 = arith.constant 32 : index
      %get3A_536 = tpu.vector_load %arg6[%get3A_534, %get3A_535] {strides = array<i32>} : memref<200x128xi32, #tpu.memory_space<vmem>>, vector<1x16xi32>,
      %get3A_537 = vector.shape_cast %get3A_536 : vector<1x16xi32> to vector<16xi32>
      %dma_start3A_538 = arith.constant 3 : i32
      %dma_start3A_539 = arith.constant 32 : i32
      %dma_start3A_540 = arith.constant 0 : i32
      %dma_start3A_541 = tpu.memref_slice %arg8[%dma_start3A_538, %dma_start3A_539, %dma_start3A_540] : memref<4x128x128xf32, #tpu.memory_space<vmem>> -> memref<1x16x128xf32, #tpu.memory_space<vmem>>
      %dma_start3A_542 = tpu.memref_squeeze %dma_start3A_541 : memref<1x16x128xf32, #tpu.memory_space<vmem>> -> memref<16x128xf32, #tpu.memory_space<vmem>>
      %dma_start3A_543 = arith.constant 0 : i32
      %dma_start3A_544 = arith.constant 0 : i32
      %dma_start3A_545 = tpu.memref_slice %arg3[%dma_start3A_543, %dma_start3A_544] : memref<1000000x128xf32, #tpu.memory_space<hbm>> -> memref<1000000x128xf32, #tpu.memory_space<hbm>>
      tpu.enqueue_indirect_dma source(%dma_start3A_545 : memref<1000000x128xf32, #tpu.memory_space<hbm>>) target(%dma_start3A_542 : memref<16x128xf32, #tpu.memory_space<vmem>>) offsets(%get3A_537 : vector<16xi32>) semaphore(%arg12 : memref<!tpu.dma_semaphore, #tpu.memory_space<semaphore_mem>>)
      %get3A_546 = arith.index_cast %add3A_509 : i32 to index
      %get3A_547 = arith.constant 48 : index
      %get3A_548 = tpu.vector_load %arg6[%get3A_546, %get3A_547] {strides = array<i32>} : memref<200x128xi32, #tpu.memory_space<vmem>>, vector<1x16xi32>,
      %get3A_549 = vector.shape_cast %get3A_548 : vector<1x16xi32> to vector<16xi32>
      %dma_start3A_550 = arith.constant 3 : i32
      %dma_start3A_551 = arith.constant 48 : i32
      %dma_start3A_552 = arith.constant 0 : i32
      %dma_start3A_553 = tpu.memref_slice %arg8[%dma_start3A_550, %dma_start3A_551, %dma_start3A_552] : memref<4x128x128xf32, #tpu.memory_space<vmem>> -> memref<1x16x128xf32, #tpu.memory_space<vmem>>
      %dma_start3A_554 = tpu.memref_squeeze %dma_start3A_553 : memref<1x16x128xf32, #tpu.memory_space<vmem>> -> memref<16x128xf32, #tpu.memory_space<vmem>>
      %dma_start3A_555 = arith.constant 0 : i32
      %dma_start3A_556 = arith.constant 0 : i32
      %dma_start3A_557 = tpu.memref_slice %arg3[%dma_start3A_555, %dma_start3A_556] : memref<1000000x128xf32, #tpu.memory_space<hbm>> -> memref<1000000x128xf32, #tpu.memory_space<hbm>>
      tpu.enqueue_indirect_dma source(%dma_start3A_557 : memref<1000000x128xf32, #tpu.memory_space<hbm>>) target(%dma_start3A_554 : memref<16x128xf32, #tpu.memory_space<vmem>>) offsets(%get3A_549 : vector<16xi32>) semaphore(%arg12 : memref<!tpu.dma_semaphore, #tpu.memory_space<semaphore_mem>>)
      %get3A_558 = arith.index_cast %add3A_509 : i32 to index
      %get3A_559 = arith.constant 64 : index
      %get3A_560 = tpu.vector_load %arg6[%get3A_558, %get3A_559] {strides = array<i32>} : memref<200x128xi32, #tpu.memory_space<vmem>>, vector<1x16xi32>,
      %get3A_561 = vector.shape_cast %get3A_560 : vector<1x16xi32> to vector<16xi32>
      %dma_start3A_562 = arith.constant 3 : i32
      %dma_start3A_563 = arith.constant 64 : i32
      %dma_start3A_564 = arith.constant 0 : i32
      %dma_start3A_565 = tpu.memref_slice %arg8[%dma_start3A_562, %dma_start3A_563, %dma_start3A_564] : memref<4x128x128xf32, #tpu.memory_space<vmem>> -> memref<1x16x128xf32, #tpu.memory_space<vmem>>
      %dma_start3A_566 = tpu.memref_squeeze %dma_start3A_565 : memref<1x16x128xf32, #tpu.memory_space<vmem>> -> memref<16x128xf32, #tpu.memory_space<vmem>>
      %dma_start3A_567 = arith.constant 0 : i32
      %dma_start3A_568 = arith.constant 0 : i32
      %dma_start3A_569 = tpu.memref_slice %arg3[%dma_start3A_567, %dma_start3A_568] : memref<1000000x128xf32, #tpu.memory_space<hbm>> -> memref<1000000x128xf32, #tpu.memory_space<hbm>>
      tpu.enqueue_indirect_dma source(%dma_start3A_569 : memref<1000000x128xf32, #tpu.memory_space<hbm>>) target(%dma_start3A_566 : memref<16x128xf32, #tpu.memory_space<vmem>>) offsets(%get3A_561 : vector<16xi32>) semaphore(%arg12 : memref<!tpu.dma_semaphore, #tpu.memory_space<semaphore_mem>>)
      %get3A_570 = arith.index_cast %add3A_509 : i32 to index
      %get3A_571 = arith.constant 80 : index
      %get3A_572 = tpu.vector_load %arg6[%get3A_570, %get3A_571] {strides = array<i32>} : memref<200x128xi32, #tpu.memory_space<vmem>>, vector<1x16xi32>,
      %get3A_573 = vector.shape_cast %get3A_572 : vector<1x16xi32> to vector<16xi32>
      %dma_start3A_574 = arith.constant 3 : i32
      %dma_start3A_575 = arith.constant 80 : i32
      %dma_start3A_576 = arith.constant 0 : i32
      %dma_start3A_577 = tpu.memref_slice %arg8[%dma_start3A_574, %dma_start3A_575, %dma_start3A_576] : memref<4x128x128xf32, #tpu.memory_space<vmem>> -> memref<1x16x128xf32, #tpu.memory_space<vmem>>
      %dma_start3A_578 = tpu.memref_squeeze %dma_start3A_577 : memref<1x16x128xf32, #tpu.memory_space<vmem>> -> memref<16x128xf32, #tpu.memory_space<vmem>>
      %dma_start3A_579 = arith.constant 0 : i32
      %dma_start3A_580 = arith.constant 0 : i32
      %dma_start3A_581 = tpu.memref_slice %arg3[%dma_start3A_579, %dma_start3A_580] : memref<1000000x128xf32, #tpu.memory_space<hbm>> -> memref<1000000x128xf32, #tpu.memory_space<hbm>>
      tpu.enqueue_indirect_dma source(%dma_start3A_581 : memref<1000000x128xf32, #tpu.memory_space<hbm>>) target(%dma_start3A_578 : memref<16x128xf32, #tpu.memory_space<vmem>>) offsets(%get3A_573 : vector<16xi32>) semaphore(%arg12 : memref<!tpu.dma_semaphore, #tpu.memory_space<semaphore_mem>>)
      %get3A_582 = arith.index_cast %add3A_509 : i32 to index
      %get3A_583 = arith.constant 96 : index
      %get3A_584 = tpu.vector_load %arg6[%get3A_582, %get3A_583] {strides = array<i32>} : memref<200x128xi32, #tpu.memory_space<vmem>>, vector<1x16xi32>,
      %get3A_585 = vector.shape_cast %get3A_584 : vector<1x16xi32> to vector<16xi32>
      %dma_start3A_586 = arith.constant 3 : i32
      %dma_start3A_587 = arith.constant 96 : i32
      %dma_start3A_588 = arith.constant 0 : i32
      %dma_start3A_589 = tpu.memref_slice %arg8[%dma_start3A_586, %dma_start3A_587, %dma_start3A_588] : memref<4x128x128xf32, #tpu.memory_space<vmem>> -> memref<1x16x128xf32, #tpu.memory_space<vmem>>
      %dma_start3A_590 = tpu.memref_squeeze %dma_start3A_589 : memref<1x16x128xf32, #tpu.memory_space<vmem>> -> memref<16x128xf32, #tpu.memory_space<vmem>>
      %dma_start3A_591 = arith.constant 0 : i32
      %dma_start3A_592 = arith.constant 0 : i32
      %dma_start3A_593 = tpu.memref_slice %arg3[%dma_start3A_591, %dma_start3A_592] : memref<1000000x128xf32, #tpu.memory_space<hbm>> -> memref<1000000x128xf32, #tpu.memory_space<hbm>>
      tpu.enqueue_indirect_dma source(%dma_start3A_593 : memref<1000000x128xf32, #tpu.memory_space<hbm>>) target(%dma_start3A_590 : memref<16x128xf32, #tpu.memory_space<vmem>>) offsets(%get3A_585 : vector<16xi32>) semaphore(%arg12 : memref<!tpu.dma_semaphore, #tpu.memory_space<semaphore_mem>>)
      %get3A_594 = arith.index_cast %add3A_509 : i32 to index
      %get3A_595 = arith.constant 112 : index
      %get3A_596 = tpu.vector_load %arg6[%get3A_594, %get3A_595] {strides = array<i32>} : memref<200x128xi32, #tpu.memory_space<vmem>>, vector<1x16xi32>,
      %get3A_597 = vector.shape_cast %get3A_596 : vector<1x16xi32> to vector<16xi32>
      %dma_start3A_598 = arith.constant 3 : i32
      %dma_start3A_599 = arith.constant 112 : i32
      %dma_start3A_600 = arith.constant 0 : i32
      %dma_start3A_601 = tpu.memref_slice %arg8[%dma_start3A_598, %dma_start3A_599, %dma_start3A_600] : memref<4x128x128xf32, #tpu.memory_space<vmem>> -> memref<1x16x128xf32, #tpu.memory_space<vmem>>
      %dma_start3A_602 = tpu.memref_squeeze %dma_start3A_601 : memref<1x16x128xf32, #tpu.memory_space<vmem>> -> memref<16x128xf32, #tpu.memory_space<vmem>>
      %dma_start3A_603 = arith.constant 0 : i32
      %dma_start3A_604 = arith.constant 0 : i32
      %dma_start3A_605 = tpu.memref_slice %arg3[%dma_start3A_603, %dma_start3A_604] : memref<1000000x128xf32, #tpu.memory_space<hbm>> -> memref<1000000x128xf32, #tpu.memory_space<hbm>>
      tpu.enqueue_indirect_dma source(%dma_start3A_605 : memref<1000000x128xf32, #tpu.memory_space<hbm>>) target(%dma_start3A_602 : memref<16x128xf32, #tpu.memory_space<vmem>>) offsets(%get3A_597 : vector<16xi32>) semaphore(%arg12 : memref<!tpu.dma_semaphore, #tpu.memory_space<semaphore_mem>>)
      %get3A_606 = arith.index_cast %add3A_502 : i32 to index
      %get3A_607 = arith.constant 0 : index
      %get3A_608 = tpu.vector_load %arg6[%get3A_606, %get3A_607] {strides = array<i32>} : memref<200x128xi32, #tpu.memory_space<vmem>>, vector<1x16xi32>,
      %get3A_609 = vector.shape_cast %get3A_608 : vector<1x16xi32> to vector<16xi32>
      %dma_wait3A_610 = arith.constant 1 : i32
      %dma_wait3A_611 = arith.constant 0 : i32
      %dma_wait3A_612 = arith.constant 0 : i32
      %dma_wait3A_613 = tpu.memref_slice %arg8[%dma_wait3A_610, %dma_wait3A_611, %dma_wait3A_612] : memref<4x128x128xf32, #tpu.memory_space<vmem>> -> memref<1x16x128xf32, #tpu.memory_space<vmem>>
      %dma_wait3A_614 = tpu.memref_squeeze %dma_wait3A_613 : memref<1x16x128xf32, #tpu.memory_space<vmem>> -> memref<16x128xf32, #tpu.memory_space<vmem>>
      %dma_wait3A_615 = arith.constant 0 : i32
      %dma_wait3A_616 = arith.constant 0 : i32
      %dma_wait3A_617 = tpu.memref_slice %arg3[%dma_wait3A_615, %dma_wait3A_616] : memref<1000000x128xf32, #tpu.memory_space<hbm>> -> memref<1000000x128xf32, #tpu.memory_space<hbm>>
      tpu.wait_indirect_dma semaphore(%arg10 : memref<!tpu.dma_semaphore, #tpu.memory_space<semaphore_mem>>) src(%dma_wait3A_617 : memref<1000000x128xf32, #tpu.memory_space<hbm>>) dst(%dma_wait3A_614 : memref<16x128xf32, #tpu.memory_space<vmem>>)
      %get3A_618 = arith.index_cast %add3A_502 : i32 to index
      %get3A_619 = arith.constant 16 : index
      %get3A_620 = tpu.vector_load %arg6[%get3A_618, %get3A_619] {strides = array<i32>} : memref<200x128xi32, #tpu.memory_space<vmem>>, vector<1x16xi32>,
      %get3A_621 = vector.shape_cast %get3A_620 : vector<1x16xi32> to vector<16xi32>
      %dma_wait3A_622 = arith.constant 1 : i32
      %dma_wait3A_623 = arith.constant 16 : i32
      %dma_wait3A_624 = arith.constant 0 : i32
      %dma_wait3A_625 = tpu.memref_slice %arg8[%dma_wait3A_622, %dma_wait3A_623, %dma_wait3A_624] : memref<4x128x128xf32, #tpu.memory_space<vmem>> -> memref<1x16x128xf32, #tpu.memory_space<vmem>>
      %dma_wait3A_626 = tpu.memref_squeeze %dma_wait3A_625 : memref<1x16x128xf32, #tpu.memory_space<vmem>> -> memref<16x128xf32, #tpu.memory_space<vmem>>
      %dma_wait3A_627 = arith.constant 0 : i32
      %dma_wait3A_628 = arith.constant 0 : i32
      %dma_wait3A_629 = tpu.memref_slice %arg3[%dma_wait3A_627, %dma_wait3A_628] : memref<1000000x128xf32, #tpu.memory_space<hbm>> -> memref<1000000x128xf32, #tpu.memory_space<hbm>>
      tpu.wait_indirect_dma semaphore(%arg10 : memref<!tpu.dma_semaphore, #tpu.memory_space<semaphore_mem>>) src(%dma_wait3A_629 : memref<1000000x128xf32, #tpu.memory_space<hbm>>) dst(%dma_wait3A_626 : memref<16x128xf32, #tpu.memory_space<vmem>>)
      %get3A_630 = arith.index_cast %add3A_502 : i32 to index
      %get3A_631 = arith.constant 32 : index
      %get3A_632 = tpu.vector_load %arg6[%get3A_630, %get3A_631] {strides = array<i32>} : memref<200x128xi32, #tpu.memory_space<vmem>>, vector<1x16xi32>,
      %get3A_633 = vector.shape_cast %get3A_632 : vector<1x16xi32> to vector<16xi32>
      %dma_wait3A_634 = arith.constant 1 : i32
      %dma_wait3A_635 = arith.constant 32 : i32
      %dma_wait3A_636 = arith.constant 0 : i32
      %dma_wait3A_637 = tpu.memref_slice %arg8[%dma_wait3A_634, %dma_wait3A_635, %dma_wait3A_636] : memref<4x128x128xf32, #tpu.memory_space<vmem>> -> memref<1x16x128xf32, #tpu.memory_space<vmem>>
      %dma_wait3A_638 = tpu.memref_squeeze %dma_wait3A_637 : memref<1x16x128xf32, #tpu.memory_space<vmem>> -> memref<16x128xf32, #tpu.memory_space<vmem>>
      %dma_wait3A_639 = arith.constant 0 : i32
      %dma_wait3A_640 = arith.constant 0 : i32
      %dma_wait3A_641 = tpu.memref_slice %arg3[%dma_wait3A_639, %dma_wait3A_640] : memref<1000000x128xf32, #tpu.memory_space<hbm>> -> memref<1000000x128xf32, #tpu.memory_space<hbm>>
      tpu.wait_indirect_dma semaphore(%arg10 : memref<!tpu.dma_semaphore, #tpu.memory_space<semaphore_mem>>) src(%dma_wait3A_641 : memref<1000000x128xf32, #tpu.memory_space<hbm>>) dst(%dma_wait3A_638 : memref<16x128xf32, #tpu.memory_space<vmem>>)
      %get3A_642 = arith.index_cast %add3A_502 : i32 to index
      %get3A_643 = arith.constant 48 : index
      %get3A_644 = tpu.vector_load %arg6[%get3A_642, %get3A_643] {strides = array<i32>} : memref<200x128xi32, #tpu.memory_space<vmem>>, vector<1x16xi32>,
      %get3A_645 = vector.shape_cast %get3A_644 : vector<1x16xi32> to vector<16xi32>
      %dma_wait3A_646 = arith.constant 1 : i32
      %dma_wait3A_647 = arith.constant 48 : i32
      %dma_wait3A_648 = arith.constant 0 : i32
      %dma_wait3A_649 = tpu.memref_slice %arg8[%dma_wait3A_646, %dma_wait3A_647, %dma_wait3A_648] : memref<4x128x128xf32, #tpu.memory_space<vmem>> -> memref<1x16x128xf32, #tpu.memory_space<vmem>>
      %dma_wait3A_650 = tpu.memref_squeeze %dma_wait3A_649 : memref<1x16x128xf32, #tpu.memory_space<vmem>> -> memref<16x128xf32, #tpu.memory_space<vmem>>
      %dma_wait3A_651 = arith.constant 0 : i32
      %dma_wait3A_652 = arith.constant 0 : i32
      %dma_wait3A_653 = tpu.memref_slice %arg3[%dma_wait3A_651, %dma_wait3A_652] : memref<1000000x128xf32, #tpu.memory_space<hbm>> -> memref<1000000x128xf32, #tpu.memory_space<hbm>>
      tpu.wait_indirect_dma semaphore(%arg10 : memref<!tpu.dma_semaphore, #tpu.memory_space<semaphore_mem>>) src(%dma_wait3A_653 : memref<1000000x128xf32, #tpu.memory_space<hbm>>) dst(%dma_wait3A_650 : memref<16x128xf32, #tpu.memory_space<vmem>>)
      %get3A_654 = arith.index_cast %add3A_502 : i32 to index
      %get3A_655 = arith.constant 64 : index
      %get3A_656 = tpu.vector_load %arg6[%get3A_654, %get3A_655] {strides = array<i32>} : memref<200x128xi32, #tpu.memory_space<vmem>>, vector<1x16xi32>,
      %get3A_657 = vector.shape_cast %get3A_656 : vector<1x16xi32> to vector<16xi32>
      %dma_wait3A_658 = arith.constant 1 : i32
      %dma_wait3A_659 = arith.constant 64 : i32
      %dma_wait3A_660 = arith.constant 0 : i32
      %dma_wait3A_661 = tpu.memref_slice %arg8[%dma_wait3A_658, %dma_wait3A_659, %dma_wait3A_660] : memref<4x128x128xf32, #tpu.memory_space<vmem>> -> memref<1x16x128xf32, #tpu.memory_space<vmem>>
      %dma_wait3A_662 = tpu.memref_squeeze %dma_wait3A_661 : memref<1x16x128xf32, #tpu.memory_space<vmem>> -> memref<16x128xf32, #tpu.memory_space<vmem>>
      %dma_wait3A_663 = arith.constant 0 : i32
      %dma_wait3A_664 = arith.constant 0 : i32
      %dma_wait3A_665 = tpu.memref_slice %arg3[%dma_wait3A_663, %dma_wait3A_664] : memref<1000000x128xf32, #tpu.memory_space<hbm>> -> memref<1000000x128xf32, #tpu.memory_space<hbm>>
      tpu.wait_indirect_dma semaphore(%arg10 : memref<!tpu.dma_semaphore, #tpu.memory_space<semaphore_mem>>) src(%dma_wait3A_665 : memref<1000000x128xf32, #tpu.memory_space<hbm>>) dst(%dma_wait3A_662 : memref<16x128xf32, #tpu.memory_space<vmem>>)
      %get3A_666 = arith.index_cast %add3A_502 : i32 to index
      %get3A_667 = arith.constant 80 : index
      %get3A_668 = tpu.vector_load %arg6[%get3A_666, %get3A_667] {strides = array<i32>} : memref<200x128xi32, #tpu.memory_space<vmem>>, vector<1x16xi32>,
      %get3A_669 = vector.shape_cast %get3A_668 : vector<1x16xi32> to vector<16xi32>
      %dma_wait3A_670 = arith.constant 1 : i32
      %dma_wait3A_671 = arith.constant 80 : i32
      %dma_wait3A_672 = arith.constant 0 : i32
      %dma_wait3A_673 = tpu.memref_slice %arg8[%dma_wait3A_670, %dma_wait3A_671, %dma_wait3A_672] : memref<4x128x128xf32, #tpu.memory_space<vmem>> -> memref<1x16x128xf32, #tpu.memory_space<vmem>>
      %dma_wait3A_674 = tpu.memref_squeeze %dma_wait3A_673 : memref<1x16x128xf32, #tpu.memory_space<vmem>> -> memref<16x128xf32, #tpu.memory_space<vmem>>
      %dma_wait3A_675 = arith.constant 0 : i32
      %dma_wait3A_676 = arith.constant 0 : i32
      %dma_wait3A_677 = tpu.memref_slice %arg3[%dma_wait3A_675, %dma_wait3A_676] : memref<1000000x128xf32, #tpu.memory_space<hbm>> -> memref<1000000x128xf32, #tpu.memory_space<hbm>>
      tpu.wait_indirect_dma semaphore(%arg10 : memref<!tpu.dma_semaphore, #tpu.memory_space<semaphore_mem>>) src(%dma_wait3A_677 : memref<1000000x128xf32, #tpu.memory_space<hbm>>) dst(%dma_wait3A_674 : memref<16x128xf32, #tpu.memory_space<vmem>>)
      %get3A_678 = arith.index_cast %add3A_502 : i32 to index
      %get3A_679 = arith.constant 96 : index
      %get3A_680 = tpu.vector_load %arg6[%get3A_678, %get3A_679] {strides = array<i32>} : memref<200x128xi32, #tpu.memory_space<vmem>>, vector<1x16xi32>,
      %get3A_681 = vector.shape_cast %get3A_680 : vector<1x16xi32> to vector<16xi32>
      %dma_wait3A_682 = arith.constant 1 : i32
      %dma_wait3A_683 = arith.constant 96 : i32
      %dma_wait3A_684 = arith.constant 0 : i32
      %dma_wait3A_685 = tpu.memref_slice %arg8[%dma_wait3A_682, %dma_wait3A_683, %dma_wait3A_684] : memref<4x128x128xf32, #tpu.memory_space<vmem>> -> memref<1x16x128xf32, #tpu.memory_space<vmem>>
      %dma_wait3A_686 = tpu.memref_squeeze %dma_wait3A_685 : memref<1x16x128xf32, #tpu.memory_space<vmem>> -> memref<16x128xf32, #tpu.memory_space<vmem>>
      %dma_wait3A_687 = arith.constant 0 : i32
      %dma_wait3A_688 = arith.constant 0 : i32
      %dma_wait3A_689 = tpu.memref_slice %arg3[%dma_wait3A_687, %dma_wait3A_688] : memref<1000000x128xf32, #tpu.memory_space<hbm>> -> memref<1000000x128xf32, #tpu.memory_space<hbm>>
      tpu.wait_indirect_dma semaphore(%arg10 : memref<!tpu.dma_semaphore, #tpu.memory_space<semaphore_mem>>) src(%dma_wait3A_689 : memref<1000000x128xf32, #tpu.memory_space<hbm>>) dst(%dma_wait3A_686 : memref<16x128xf32, #tpu.memory_space<vmem>>)
      %get3A_690 = arith.index_cast %add3A_502 : i32 to index
      %get3A_691 = arith.constant 112 : index
      %get3A_692 = tpu.vector_load %arg6[%get3A_690, %get3A_691] {strides = array<i32>} : memref<200x128xi32, #tpu.memory_space<vmem>>, vector<1x16xi32>,
      %get3A_693 = vector.shape_cast %get3A_692 : vector<1x16xi32> to vector<16xi32>
      %dma_wait3A_694 = arith.constant 1 : i32
      %dma_wait3A_695 = arith.constant 112 : i32
      %dma_wait3A_696 = arith.constant 0 : i32
      %dma_wait3A_697 = tpu.memref_slice %arg8[%dma_wait3A_694, %dma_wait3A_695, %dma_wait3A_696] : memref<4x128x128xf32, #tpu.memory_space<vmem>> -> memref<1x16x128xf32, #tpu.memory_space<vmem>>
      %dma_wait3A_698 = tpu.memref_squeeze %dma_wait3A_697 : memref<1x16x128xf32, #tpu.memory_space<vmem>> -> memref<16x128xf32, #tpu.memory_space<vmem>>
      %dma_wait3A_699 = arith.constant 0 : i32
      %dma_wait3A_700 = arith.constant 0 : i32
      %dma_wait3A_701 = tpu.memref_slice %arg3[%dma_wait3A_699, %dma_wait3A_700] : memref<1000000x128xf32, #tpu.memory_space<hbm>> -> memref<1000000x128xf32, #tpu.memory_space<hbm>>
      tpu.wait_indirect_dma semaphore(%arg10 : memref<!tpu.dma_semaphore, #tpu.memory_space<semaphore_mem>>) src(%dma_wait3A_701 : memref<1000000x128xf32, #tpu.memory_space<hbm>>) dst(%dma_wait3A_698 : memref<16x128xf32, #tpu.memory_space<vmem>>)
      %get3A_702 = arith.index_cast %add3A_502 : i32 to index
      %get3A_703 = arith.constant 0 : index
      %get3A_704 = tpu.vector_load %arg7[%get3A_702, %get3A_703] {strides = array<i32>} : memref<200x128xf32, #tpu.memory_space<vmem>>, vector<1x16xf32>,
      %get3A_705 = vector.shape_cast %get3A_704 : vector<1x16xf32> to vector<16xf32>
      %get3A_706 = arith.index_cast %add3A_502 : i32 to index
      %get3A_707 = arith.constant 16 : index
      %get3A_708 = tpu.vector_load %arg7[%get3A_706, %get3A_707] {strides = array<i32>} : memref<200x128xf32, #tpu.memory_space<vmem>>, vector<1x16xf32>,
      %get3A_709 = vector.shape_cast %get3A_708 : vector<1x16xf32> to vector<16xf32>
      %get3A_710 = arith.index_cast %add3A_502 : i32 to index
      %get3A_711 = arith.constant 32 : index
      %get3A_712 = tpu.vector_load %arg7[%get3A_710, %get3A_711] {strides = array<i32>} : memref<200x128xf32, #tpu.memory_space<vmem>>, vector<1x16xf32>,
      %get3A_713 = vector.shape_cast %get3A_712 : vector<1x16xf32> to vector<16xf32>
      %get3A_714 = arith.index_cast %add3A_502 : i32 to index
      %get3A_715 = arith.constant 48 : index
      %get3A_716 = tpu.vector_load %arg7[%get3A_714, %get3A_715] {strides = array<i32>} : memref<200x128xf32, #tpu.memory_space<vmem>>, vector<1x16xf32>,
      %get3A_717 = vector.shape_cast %get3A_716 : vector<1x16xf32> to vector<16xf32>
      %get3A_718 = arith.index_cast %add3A_502 : i32 to index
      %get3A_719 = arith.constant 64 : index
      %get3A_720 = tpu.vector_load %arg7[%get3A_718, %get3A_719] {strides = array<i32>} : memref<200x128xf32, #tpu.memory_space<vmem>>, vector<1x16xf32>,
      %get3A_721 = vector.shape_cast %get3A_720 : vector<1x16xf32> to vector<16xf32>
      %get3A_722 = arith.index_cast %add3A_502 : i32 to index
      %get3A_723 = arith.constant 80 : index
      %get3A_724 = tpu.vector_load %arg7[%get3A_722, %get3A_723] {strides = array<i32>} : memref<200x128xf32, #tpu.memory_space<vmem>>, vector<1x16xf32>,
      %get3A_725 = vector.shape_cast %get3A_724 : vector<1x16xf32> to vector<16xf32>
      %get3A_726 = arith.index_cast %add3A_502 : i32 to index
      %get3A_727 = arith.constant 96 : index
      %get3A_728 = tpu.vector_load %arg7[%get3A_726, %get3A_727] {strides = array<i32>} : memref<200x128xf32, #tpu.memory_space<vmem>>, vector<1x16xf32>,
      %get3A_729 = vector.shape_cast %get3A_728 : vector<1x16xf32> to vector<16xf32>
      %get3A_730 = arith.index_cast %add3A_502 : i32 to index
      %get3A_731 = arith.constant 112 : index
      %get3A_732 = tpu.vector_load %arg7[%get3A_730, %get3A_731] {strides = array<i32>} : memref<200x128xf32, #tpu.memory_space<vmem>>, vector<1x16xf32>,
      %get3A_733 = vector.shape_cast %get3A_732 : vector<1x16xf32> to vector<16xf32>
      %scan3A_734 = arith.constant 0 : i32
      %scan3A_735 = arith.constant 0 : i32
      %scan3A_736 = arith.constant 16 : i32
      %scan3A_737 = arith.addi %scan3A_735, %scan3A_736 : i32
      %scan3A_738 = arith.constant 1 : i32
      scf.for %scan3A_1102 = %scan3A_735 to %scan3A_737 step %scan3A_738  : i32 {
        %mul3A_1103 = arith.constant 8 : i32
        %mul3A_1104 = arith.muli %scan3A_1102, %mul3A_1103 : i32
        %add3A_1105 = arith.constant 0 : i32
        %add3A_1106 = arith.addi %mul3A_1104, %add3A_1105 : i32
        %swap3A = arith.constant 1 : i32
        %swap3A_1107 = arith.index_cast %swap3A : i32 to index
        %swap3A_1108 = arith.index_cast %add3A_1106 : i32 to index
        %swap3A_1109 = arith.constant 0 : index
        %swap3A_1110 = tpu.vector_load %arg8[%swap3A_1107, %swap3A_1108, %swap3A_1109] {strides = array<i32>} : memref<4x128x128xf32, #tpu.memory_space<vmem>>, vector<1x1x16xf32>,
        %swap3A_1111 = vector.shape_cast %swap3A_1110 : vector<1x1x16xf32> to vector<16xf32>
        %swap3A_1112 = vector.shape_cast %get3A_705 : vector<16xf32> to vector<1x1x16xf32>
        tpu.vector_store %arg8[%swap3A_1107, %swap3A_1108, %swap3A_1109], %swap3A_1112 {add = true, strides = array<i32>} : memref<4x128x128xf32, #tpu.memory_space<vmem>>, vector<1x1x16xf32>,
        %swap3A_1113 = arith.constant 1 : i32
        %swap3A_1114 = arith.index_cast %swap3A_1113 : i32 to index
        %swap3A_1115 = arith.index_cast %add3A_1106 : i32 to index
        %swap3A_1116 = arith.constant 16 : index
        %swap3A_1117 = tpu.vector_load %arg8[%swap3A_1114, %swap3A_1115, %swap3A_1116] {strides = array<i32>} : memref<4x128x128xf32, #tpu.memory_space<vmem>>, vector<1x1x16xf32>,
        %swap3A_1118 = vector.shape_cast %swap3A_1117 : vector<1x1x16xf32> to vector<16xf32>
        %swap3A_1119 = vector.shape_cast %get3A_709 : vector<16xf32> to vector<1x1x16xf32>
        tpu.vector_store %arg8[%swap3A_1114, %swap3A_1115, %swap3A_1116], %swap3A_1119 {add = true, strides = array<i32>} : memref<4x128x128xf32, #tpu.memory_space<vmem>>, vector<1x1x16xf32>,
        %swap3A_1120 = arith.constant 1 : i32
        %swap3A_1121 = arith.index_cast %swap3A_1120 : i32 to index
        %swap3A_1122 = arith.index_cast %add3A_1106 : i32 to index
        %swap3A_1123 = arith.constant 32 : index
        %swap3A_1124 = tpu.vector_load %arg8[%swap3A_1121, %swap3A_1122, %swap3A_1123] {strides = array<i32>} : memref<4x128x128xf32, #tpu.memory_space<vmem>>, vector<1x1x16xf32>,
        %swap3A_1125 = vector.shape_cast %swap3A_1124 : vector<1x1x16xf32> to vector<16xf32>
        %swap3A_1126 = vector.shape_cast %get3A_713 : vector<16xf32> to vector<1x1x16xf32>
        tpu.vector_store %arg8[%swap3A_1121, %swap3A_1122, %swap3A_1123], %swap3A_1126 {add = true, strides = array<i32>} : memref<4x128x128xf32, #tpu.memory_space<vmem>>, vector<1x1x16xf32>,
        %swap3A_1127 = arith.constant 1 : i32
        %swap3A_1128 = arith.index_cast %swap3A_1127 : i32 to index
        %swap3A_1129 = arith.index_cast %add3A_1106 : i32 to index
        %swap3A_1130 = arith.constant 48 : index
        %swap3A_1131 = tpu.vector_load %arg8[%swap3A_1128, %swap3A_1129, %swap3A_1130] {strides = array<i32>} : memref<4x128x128xf32, #tpu.memory_space<vmem>>, vector<1x1x16xf32>,
        %swap3A_1132 = vector.shape_cast %swap3A_1131 : vector<1x1x16xf32> to vector<16xf32>
        %swap3A_1133 = vector.shape_cast %get3A_717 : vector<16xf32> to vector<1x1x16xf32>
        tpu.vector_store %arg8[%swap3A_1128, %swap3A_1129, %swap3A_1130], %swap3A_1133 {add = true, strides = array<i32>} : memref<4x128x128xf32, #tpu.memory_space<vmem>>, vector<1x1x16xf32>,
        %swap3A_1134 = arith.constant 1 : i32
        %swap3A_1135 = arith.index_cast %swap3A_1134 : i32 to index
        %swap3A_1136 = arith.index_cast %add3A_1106 : i32 to index
        %swap3A_1137 = arith.constant 64 : index
        %swap3A_1138 = tpu.vector_load %arg8[%swap3A_1135, %swap3A_1136, %swap3A_1137] {strides = array<i32>} : memref<4x128x128xf32, #tpu.memory_space<vmem>>, vector<1x1x16xf32>,
        %swap3A_1139 = vector.shape_cast %swap3A_1138 : vector<1x1x16xf32> to vector<16xf32>
        %swap3A_1140 = vector.shape_cast %get3A_721 : vector<16xf32> to vector<1x1x16xf32>
        tpu.vector_store %arg8[%swap3A_1135, %swap3A_1136, %swap3A_1137], %swap3A_1140 {add = true, strides = array<i32>} : memref<4x128x128xf32, #tpu.memory_space<vmem>>, vector<1x1x16xf32>,
        %swap3A_1141 = arith.constant 1 : i32
        %swap3A_1142 = arith.index_cast %swap3A_1141 : i32 to index
        %swap3A_1143 = arith.index_cast %add3A_1106 : i32 to index
        %swap3A_1144 = arith.constant 80 : index
        %swap3A_1145 = tpu.vector_load %arg8[%swap3A_1142, %swap3A_1143, %swap3A_1144] {strides = array<i32>} : memref<4x128x128xf32, #tpu.memory_space<vmem>>, vector<1x1x16xf32>,
        %swap3A_1146 = vector.shape_cast %swap3A_1145 : vector<1x1x16xf32> to vector<16xf32>
        %swap3A_1147 = vector.shape_cast %get3A_725 : vector<16xf32> to vector<1x1x16xf32>
        tpu.vector_store %arg8[%swap3A_1142, %swap3A_1143, %swap3A_1144], %swap3A_1147 {add = true, strides = array<i32>} : memref<4x128x128xf32, #tpu.memory_space<vmem>>, vector<1x1x16xf32>,
        %swap3A_1148 = arith.constant 1 : i32
        %swap3A_1149 = arith.index_cast %swap3A_1148 : i32 to index
        %swap3A_1150 = arith.index_cast %add3A_1106 : i32 to index
        %swap3A_1151 = arith.constant 96 : index
        %swap3A_1152 = tpu.vector_load %arg8[%swap3A_1149, %swap3A_1150, %swap3A_1151] {strides = array<i32>} : memref<4x128x128xf32, #tpu.memory_space<vmem>>, vector<1x1x16xf32>,
        %swap3A_1153 = vector.shape_cast %swap3A_1152 : vector<1x1x16xf32> to vector<16xf32>
        %swap3A_1154 = vector.shape_cast %get3A_729 : vector<16xf32> to vector<1x1x16xf32>
        tpu.vector_store %arg8[%swap3A_1149, %swap3A_1150, %swap3A_1151], %swap3A_1154 {add = true, strides = array<i32>} : memref<4x128x128xf32, #tpu.memory_space<vmem>>, vector<1x1x16xf32>,
        %swap3A_1155 = arith.constant 1 : i32
        %swap3A_1156 = arith.index_cast %swap3A_1155 : i32 to index
        %swap3A_1157 = arith.index_cast %add3A_1106 : i32 to index
        %swap3A_1158 = arith.constant 112 : index
        %swap3A_1159 = tpu.vector_load %arg8[%swap3A_1156, %swap3A_1157, %swap3A_1158] {strides = array<i32>} : memref<4x128x128xf32, #tpu.memory_space<vmem>>, vector<1x1x16xf32>,
        %swap3A_1160 = vector.shape_cast %swap3A_1159 : vector<1x1x16xf32> to vector<16xf32>
        %swap3A_1161 = vector.shape_cast %get3A_733 : vector<16xf32> to vector<1x1x16xf32>
        tpu.vector_store %arg8[%swap3A_1156, %swap3A_1157, %swap3A_1158], %swap3A_1161 {add = true, strides = array<i32>} : memref<4x128x128xf32, #tpu.memory_space<vmem>>, vector<1x1x16xf32>,
        %mul3A_1162 = arith.constant 8 : i32
        %mul3A_1163 = arith.muli %scan3A_1102, %mul3A_1162 : i32
        %add3A_1164 = arith.constant 1 : i32
        %add3A_1165 = arith.addi %mul3A_1163, %add3A_1164 : i32
        %swap3A_1166 = arith.constant 1 : i32
        %swap3A_1167 = arith.index_cast %swap3A_1166 : i32 to index
        %swap3A_1168 = arith.index_cast %add3A_1165 : i32 to index
        %swap3A_1169 = arith.constant 0 : index
        %swap3A_1170 = tpu.vector_load %arg8[%swap3A_1167, %swap3A_1168, %swap3A_1169] {strides = array<i32>} : memref<4x128x128xf32, #tpu.memory_space<vmem>>, vector<1x1x16xf32>,
        %swap3A_1171 = vector.shape_cast %swap3A_1170 : vector<1x1x16xf32> to vector<16xf32>
        %swap3A_1172 = vector.shape_cast %get3A_705 : vector<16xf32> to vector<1x1x16xf32>
        tpu.vector_store %arg8[%swap3A_1167, %swap3A_1168, %swap3A_1169], %swap3A_1172 {add = true, strides = array<i32>} : memref<4x128x128xf32, #tpu.memory_space<vmem>>, vector<1x1x16xf32>,
        %swap3A_1173 = arith.constant 1 : i32
        %swap3A_1174 = arith.index_cast %swap3A_1173 : i32 to index
        %swap3A_1175 = arith.index_cast %add3A_1165 : i32 to index
        %swap3A_1176 = arith.constant 16 : index
        %swap3A_1177 = tpu.vector_load %arg8[%swap3A_1174, %swap3A_1175, %swap3A_1176] {strides = array<i32>} : memref<4x128x128xf32, #tpu.memory_space<vmem>>, vector<1x1x16xf32>,
        %swap3A_1178 = vector.shape_cast %swap3A_1177 : vector<1x1x16xf32> to vector<16xf32>
        %swap3A_1179 = vector.shape_cast %get3A_709 : vector<16xf32> to vector<1x1x16xf32>
        tpu.vector_store %arg8[%swap3A_1174, %swap3A_1175, %swap3A_1176], %swap3A_1179 {add = true, strides = array<i32>} : memref<4x128x128xf32, #tpu.memory_space<vmem>>, vector<1x1x16xf32>,
        %swap3A_1180 = arith.constant 1 : i32
        %swap3A_1181 = arith.index_cast %swap3A_1180 : i32 to index
        %swap3A_1182 = arith.index_cast %add3A_1165 : i32 to index
        %swap3A_1183 = arith.constant 32 : index
        %swap3A_1184 = tpu.vector_load %arg8[%swap3A_1181, %swap3A_1182, %swap3A_1183] {strides = array<i32>} : memref<4x128x128xf32, #tpu.memory_space<vmem>>, vector<1x1x16xf32>,
        %swap3A_1185 = vector.shape_cast %swap3A_1184 : vector<1x1x16xf32> to vector<16xf32>
        %swap3A_1186 = vector.shape_cast %get3A_713 : vector<16xf32> to vector<1x1x16xf32>
        tpu.vector_store %arg8[%swap3A_1181, %swap3A_1182, %swap3A_1183], %swap3A_1186 {add = true, strides = array<i32>} : memref<4x128x128xf32, #tpu.memory_space<vmem>>, vector<1x1x16xf32>,
        %swap3A_1187 = arith.constant 1 : i32
        %swap3A_1188 = arith.index_cast %swap3A_1187 : i32 to index
        %swap3A_1189 = arith.index_cast %add3A_1165 : i32 to index
        %swap3A_1190 = arith.constant 48 : index
        %swap3A_1191 = tpu.vector_load %arg8[%swap3A_1188, %swap3A_1189, %swap3A_1190] {strides = array<i32>} : memref<4x128x128xf32, #tpu.memory_space<vmem>>, vector<1x1x16xf32>,
        %swap3A_1192 = vector.shape_cast %swap3A_1191 : vector<1x1x16xf32> to vector<16xf32>
        %swap3A_1193 = vector.shape_cast %get3A_717 : vector<16xf32> to vector<1x1x16xf32>
        tpu.vector_store %arg8[%swap3A_1188, %swap3A_1189, %swap3A_1190], %swap3A_1193 {add = true, strides = array<i32>} : memref<4x128x128xf32, #tpu.memory_space<vmem>>, vector<1x1x16xf32>,
        %swap3A_1194 = arith.constant 1 : i32
        %swap3A_1195 = arith.index_cast %swap3A_1194 : i32 to index
        %swap3A_1196 = arith.index_cast %add3A_1165 : i32 to index
        %swap3A_1197 = arith.constant 64 : index
        %swap3A_1198 = tpu.vector_load %arg8[%swap3A_1195, %swap3A_1196, %swap3A_1197] {strides = array<i32>} : memref<4x128x128xf32, #tpu.memory_space<vmem>>, vector<1x1x16xf32>,
        %swap3A_1199 = vector.shape_cast %swap3A_1198 : vector<1x1x16xf32> to vector<16xf32>
        %swap3A_1200 = vector.shape_cast %get3A_721 : vector<16xf32> to vector<1x1x16xf32>
        tpu.vector_store %arg8[%swap3A_1195, %swap3A_1196, %swap3A_1197], %swap3A_1200 {add = true, strides = array<i32>} : memref<4x128x128xf32, #tpu.memory_space<vmem>>, vector<1x1x16xf32>,
        %swap3A_1201 = arith.constant 1 : i32
        %swap3A_1202 = arith.index_cast %swap3A_1201 : i32 to index
        %swap3A_1203 = arith.index_cast %add3A_1165 : i32 to index
        %swap3A_1204 = arith.constant 80 : index
        %swap3A_1205 = tpu.vector_load %arg8[%swap3A_1202, %swap3A_1203, %swap3A_1204] {strides = array<i32>} : memref<4x128x128xf32, #tpu.memory_space<vmem>>, vector<1x1x16xf32>,
        %swap3A_1206 = vector.shape_cast %swap3A_1205 : vector<1x1x16xf32> to vector<16xf32>
        %swap3A_1207 = vector.shape_cast %get3A_725 : vector<16xf32> to vector<1x1x16xf32>
        tpu.vector_store %arg8[%swap3A_1202, %swap3A_1203, %swap3A_1204], %swap3A_1207 {add = true, strides = array<i32>} : memref<4x128x128xf32, #tpu.memory_space<vmem>>, vector<1x1x16xf32>,
        %swap3A_1208 = arith.constant 1 : i32
        %swap3A_1209 = arith.index_cast %swap3A_1208 : i32 to index
        %swap3A_1210 = arith.index_cast %add3A_1165 : i32 to index
        %swap3A_1211 = arith.constant 96 : index
        %swap3A_1212 = tpu.vector_load %arg8[%swap3A_1209, %swap3A_1210, %swap3A_1211] {strides = array<i32>} : memref<4x128x128xf32, #tpu.memory_space<vmem>>, vector<1x1x16xf32>,
        %swap3A_1213 = vector.shape_cast %swap3A_1212 : vector<1x1x16xf32> to vector<16xf32>
        %swap3A_1214 = vector.shape_cast %get3A_729 : vector<16xf32> to vector<1x1x16xf32>
        tpu.vector_store %arg8[%swap3A_1209, %swap3A_1210, %swap3A_1211], %swap3A_1214 {add = true, strides = array<i32>} : memref<4x128x128xf32, #tpu.memory_space<vmem>>, vector<1x1x16xf32>,
        %swap3A_1215 = arith.constant 1 : i32
        %swap3A_1216 = arith.index_cast %swap3A_1215 : i32 to index
        %swap3A_1217 = arith.index_cast %add3A_1165 : i32 to index
        %swap3A_1218 = arith.constant 112 : index
        %swap3A_1219 = tpu.vector_load %arg8[%swap3A_1216, %swap3A_1217, %swap3A_1218] {strides = array<i32>} : memref<4x128x128xf32, #tpu.memory_space<vmem>>, vector<1x1x16xf32>,
        %swap3A_1220 = vector.shape_cast %swap3A_1219 : vector<1x1x16xf32> to vector<16xf32>
        %swap3A_1221 = vector.shape_cast %get3A_733 : vector<16xf32> to vector<1x1x16xf32>
        tpu.vector_store %arg8[%swap3A_1216, %swap3A_1217, %swap3A_1218], %swap3A_1221 {add = true, strides = array<i32>} : memref<4x128x128xf32, #tpu.memory_space<vmem>>, vector<1x1x16xf32>,
        %mul3A_1222 = arith.constant 8 : i32
        %mul3A_1223 = arith.muli %scan3A_1102, %mul3A_1222 : i32
        %add3A_1224 = arith.constant 2 : i32
        %add3A_1225 = arith.addi %mul3A_1223, %add3A_1224 : i32
        %swap3A_1226 = arith.constant 1 : i32
        %swap3A_1227 = arith.index_cast %swap3A_1226 : i32 to index
        %swap3A_1228 = arith.index_cast %add3A_1225 : i32 to index
        %swap3A_1229 = arith.constant 0 : index
        %swap3A_1230 = tpu.vector_load %arg8[%swap3A_1227, %swap3A_1228, %swap3A_1229] {strides = array<i32>} : memref<4x128x128xf32, #tpu.memory_space<vmem>>, vector<1x1x16xf32>,
        %swap3A_1231 = vector.shape_cast %swap3A_1230 : vector<1x1x16xf32> to vector<16xf32>
        %swap3A_1232 = vector.shape_cast %get3A_705 : vector<16xf32> to vector<1x1x16xf32>
        tpu.vector_store %arg8[%swap3A_1227, %swap3A_1228, %swap3A_1229], %swap3A_1232 {add = true, strides = array<i32>} : memref<4x128x128xf32, #tpu.memory_space<vmem>>, vector<1x1x16xf32>,
        %swap3A_1233 = arith.constant 1 : i32
        %swap3A_1234 = arith.index_cast %swap3A_1233 : i32 to index
        %swap3A_1235 = arith.index_cast %add3A_1225 : i32 to index
        %swap3A_1236 = arith.constant 16 : index
        %swap3A_1237 = tpu.vector_load %arg8[%swap3A_1234, %swap3A_1235, %swap3A_1236] {strides = array<i32>} : memref<4x128x128xf32, #tpu.memory_space<vmem>>, vector<1x1x16xf32>,
        %swap3A_1238 = vector.shape_cast %swap3A_1237 : vector<1x1x16xf32> to vector<16xf32>
        %swap3A_1239 = vector.shape_cast %get3A_709 : vector<16xf32> to vector<1x1x16xf32>
        tpu.vector_store %arg8[%swap3A_1234, %swap3A_1235, %swap3A_1236], %swap3A_1239 {add = true, strides = array<i32>} : memref<4x128x128xf32, #tpu.memory_space<vmem>>, vector<1x1x16xf32>,
        %swap3A_1240 = arith.constant 1 : i32
        %swap3A_1241 = arith.index_cast %swap3A_1240 : i32 to index
        %swap3A_1242 = arith.index_cast %add3A_1225 : i32 to index
        %swap3A_1243 = arith.constant 32 : index
        %swap3A_1244 = tpu.vector_load %arg8[%swap3A_1241, %swap3A_1242, %swap3A_1243] {strides = array<i32>} : memref<4x128x128xf32, #tpu.memory_space<vmem>>, vector<1x1x16xf32>,
        %swap3A_1245 = vector.shape_cast %swap3A_1244 : vector<1x1x16xf32> to vector<16xf32>
        %swap3A_1246 = vector.shape_cast %get3A_713 : vector<16xf32> to vector<1x1x16xf32>
        tpu.vector_store %arg8[%swap3A_1241, %swap3A_1242, %swap3A_1243], %swap3A_1246 {add = true, strides = array<i32>} : memref<4x128x128xf32, #tpu.memory_space<vmem>>, vector<1x1x16xf32>,
        %swap3A_1247 = arith.constant 1 : i32
        %swap3A_1248 = arith.index_cast %swap3A_1247 : i32 to index
        %swap3A_1249 = arith.index_cast %add3A_1225 : i32 to index
        %swap3A_1250 = arith.constant 48 : index
        %swap3A_1251 = tpu.vector_load %arg8[%swap3A_1248, %swap3A_1249, %swap3A_1250] {strides = array<i32>} : memref<4x128x128xf32, #tpu.memory_space<vmem>>, vector<1x1x16xf32>,
        %swap3A_1252 = vector.shape_cast %swap3A_1251 : vector<1x1x16xf32> to vector<16xf32>
        %swap3A_1253 = vector.shape_cast %get3A_717 : vector<16xf32> to vector<1x1x16xf32>
        tpu.vector_store %arg8[%swap3A_1248, %swap3A_1249, %swap3A_1250], %swap3A_1253 {add = true, strides = array<i32>} : memref<4x128x128xf32, #tpu.memory_space<vmem>>, vector<1x1x16xf32>,
        %swap3A_1254 = arith.constant 1 : i32
        %swap3A_1255 = arith.index_cast %swap3A_1254 : i32 to index
        %swap3A_1256 = arith.index_cast %add3A_1225 : i32 to index
        %swap3A_1257 = arith.constant 64 : index
        %swap3A_1258 = tpu.vector_load %arg8[%swap3A_1255, %swap3A_1256, %swap3A_1257] {strides = array<i32>} : memref<4x128x128xf32, #tpu.memory_space<vmem>>, vector<1x1x16xf32>,
        %swap3A_1259 = vector.shape_cast %swap3A_1258 : vector<1x1x16xf32> to vector<16xf32>
        %swap3A_1260 = vector.shape_cast %get3A_721 : vector<16xf32> to vector<1x1x16xf32>
        tpu.vector_store %arg8[%swap3A_1255, %swap3A_1256, %swap3A_1257], %swap3A_1260 {add = true, strides = array<i32>} : memref<4x128x128xf32, #tpu.memory_space<vmem>>, vector<1x1x16xf32>,
        %swap3A_1261 = arith.constant 1 : i32
        %swap3A_1262 = arith.index_cast %swap3A_1261 : i32 to index
        %swap3A_1263 = arith.index_cast %add3A_1225 : i32 to index
        %swap3A_1264 = arith.constant 80 : index
        %swap3A_1265 = tpu.vector_load %arg8[%swap3A_1262, %swap3A_1263, %swap3A_1264] {strides = array<i32>} : memref<4x128x128xf32, #tpu.memory_space<vmem>>, vector<1x1x16xf32>,
        %swap3A_1266 = vector.shape_cast %swap3A_1265 : vector<1x1x16xf32> to vector<16xf32>
        %swap3A_1267 = vector.shape_cast %get3A_725 : vector<16xf32> to vector<1x1x16xf32>
        tpu.vector_store %arg8[%swap3A_1262, %swap3A_1263, %swap3A_1264], %swap3A_1267 {add = true, strides = array<i32>} : memref<4x128x128xf32, #tpu.memory_space<vmem>>, vector<1x1x16xf32>,
        %swap3A_1268 = arith.constant 1 : i32
        %swap3A_1269 = arith.index_cast %swap3A_1268 : i32 to index
        %swap3A_1270 = arith.index_cast %add3A_1225 : i32 to index
        %swap3A_1271 = arith.constant 96 : index
        %swap3A_1272 = tpu.vector_load %arg8[%swap3A_1269, %swap3A_1270, %swap3A_1271] {strides = array<i32>} : memref<4x128x128xf32, #tpu.memory_space<vmem>>, vector<1x1x16xf32>,
        %swap3A_1273 = vector.shape_cast %swap3A_1272 : vector<1x1x16xf32> to vector<16xf32>
        %swap3A_1274 = vector.shape_cast %get3A_729 : vector<16xf32> to vector<1x1x16xf32>
        tpu.vector_store %arg8[%swap3A_1269, %swap3A_1270, %swap3A_1271], %swap3A_1274 {add = true, strides = array<i32>} : memref<4x128x128xf32, #tpu.memory_space<vmem>>, vector<1x1x16xf32>,
        %swap3A_1275 = arith.constant 1 : i32
        %swap3A_1276 = arith.index_cast %swap3A_1275 : i32 to index
        %swap3A_1277 = arith.index_cast %add3A_1225 : i32 to index
        %swap3A_1278 = arith.constant 112 : index
        %swap3A_1279 = tpu.vector_load %arg8[%swap3A_1276, %swap3A_1277, %swap3A_1278] {strides = array<i32>} : memref<4x128x128xf32, #tpu.memory_space<vmem>>, vector<1x1x16xf32>,
        %swap3A_1280 = vector.shape_cast %swap3A_1279 : vector<1x1x16xf32> to vector<16xf32>
        %swap3A_1281 = vector.shape_cast %get3A_733 : vector<16xf32> to vector<1x1x16xf32>
        tpu.vector_store %arg8[%swap3A_1276, %swap3A_1277, %swap3A_1278], %swap3A_1281 {add = true, strides = array<i32>} : memref<4x128x128xf32, #tpu.memory_space<vmem>>, vector<1x1x16xf32>,
        %mul3A_1282 = arith.constant 8 : i32
        %mul3A_1283 = arith.muli %scan3A_1102, %mul3A_1282 : i32
        %add3A_1284 = arith.constant 3 : i32
        %add3A_1285 = arith.addi %mul3A_1283, %add3A_1284 : i32
        %swap3A_1286 = arith.constant 1 : i32
        %swap3A_1287 = arith.index_cast %swap3A_1286 : i32 to index
        %swap3A_1288 = arith.index_cast %add3A_1285 : i32 to index
        %swap3A_1289 = arith.constant 0 : index
        %swap3A_1290 = tpu.vector_load %arg8[%swap3A_1287, %swap3A_1288, %swap3A_1289] {strides = array<i32>} : memref<4x128x128xf32, #tpu.memory_space<vmem>>, vector<1x1x16xf32>,
        %swap3A_1291 = vector.shape_cast %swap3A_1290 : vector<1x1x16xf32> to vector<16xf32>
        %swap3A_1292 = vector.shape_cast %get3A_705 : vector<16xf32> to vector<1x1x16xf32>
        tpu.vector_store %arg8[%swap3A_1287, %swap3A_1288, %swap3A_1289], %swap3A_1292 {add = true, strides = array<i32>} : memref<4x128x128xf32, #tpu.memory_space<vmem>>, vector<1x1x16xf32>,
        %swap3A_1293 = arith.constant 1 : i32
        %swap3A_1294 = arith.index_cast %swap3A_1293 : i32 to index
        %swap3A_1295 = arith.index_cast %add3A_1285 : i32 to index
        %swap3A_1296 = arith.constant 16 : index
        %swap3A_1297 = tpu.vector_load %arg8[%swap3A_1294, %swap3A_1295, %swap3A_1296] {strides = array<i32>} : memref<4x128x128xf32, #tpu.memory_space<vmem>>, vector<1x1x16xf32>,
        %swap3A_1298 = vector.shape_cast %swap3A_1297 : vector<1x1x16xf32> to vector<16xf32>
        %swap3A_1299 = vector.shape_cast %get3A_709 : vector<16xf32> to vector<1x1x16xf32>
        tpu.vector_store %arg8[%swap3A_1294, %swap3A_1295, %swap3A_1296], %swap3A_1299 {add = true, strides = array<i32>} : memref<4x128x128xf32, #tpu.memory_space<vmem>>, vector<1x1x16xf32>,
        %swap3A_1300 = arith.constant 1 : i32
        %swap3A_1301 = arith.index_cast %swap3A_1300 : i32 to index
        %swap3A_1302 = arith.index_cast %add3A_1285 : i32 to index
        %swap3A_1303 = arith.constant 32 : index
        %swap3A_1304 = tpu.vector_load %arg8[%swap3A_1301, %swap3A_1302, %swap3A_1303] {strides = array<i32>} : memref<4x128x128xf32, #tpu.memory_space<vmem>>, vector<1x1x16xf32>,
        %swap3A_1305 = vector.shape_cast %swap3A_1304 : vector<1x1x16xf32> to vector<16xf32>
        %swap3A_1306 = vector.shape_cast %get3A_713 : vector<16xf32> to vector<1x1x16xf32>
        tpu.vector_store %arg8[%swap3A_1301, %swap3A_1302, %swap3A_1303], %swap3A_1306 {add = true, strides = array<i32>} : memref<4x128x128xf32, #tpu.memory_space<vmem>>, vector<1x1x16xf32>,
        %swap3A_1307 = arith.constant 1 : i32
        %swap3A_1308 = arith.index_cast %swap3A_1307 : i32 to index
        %swap3A_1309 = arith.index_cast %add3A_1285 : i32 to index
        %swap3A_1310 = arith.constant 48 : index
        %swap3A_1311 = tpu.vector_load %arg8[%swap3A_1308, %swap3A_1309, %swap3A_1310] {strides = array<i32>} : memref<4x128x128xf32, #tpu.memory_space<vmem>>, vector<1x1x16xf32>,
        %swap3A_1312 = vector.shape_cast %swap3A_1311 : vector<1x1x16xf32> to vector<16xf32>
        %swap3A_1313 = vector.shape_cast %get3A_717 : vector<16xf32> to vector<1x1x16xf32>
        tpu.vector_store %arg8[%swap3A_1308, %swap3A_1309, %swap3A_1310], %swap3A_1313 {add = true, strides = array<i32>} : memref<4x128x128xf32, #tpu.memory_space<vmem>>, vector<1x1x16xf32>,
        %swap3A_1314 = arith.constant 1 : i32
        %swap3A_1315 = arith.index_cast %swap3A_1314 : i32 to index
        %swap3A_1316 = arith.index_cast %add3A_1285 : i32 to index
        %swap3A_1317 = arith.constant 64 : index
        %swap3A_1318 = tpu.vector_load %arg8[%swap3A_1315, %swap3A_1316, %swap3A_1317] {strides = array<i32>} : memref<4x128x128xf32, #tpu.memory_space<vmem>>, vector<1x1x16xf32>,
        %swap3A_1319 = vector.shape_cast %swap3A_1318 : vector<1x1x16xf32> to vector<16xf32>
        %swap3A_1320 = vector.shape_cast %get3A_721 : vector<16xf32> to vector<1x1x16xf32>
        tpu.vector_store %arg8[%swap3A_1315, %swap3A_1316, %swap3A_1317], %swap3A_1320 {add = true, strides = array<i32>} : memref<4x128x128xf32, #tpu.memory_space<vmem>>, vector<1x1x16xf32>,
        %swap3A_1321 = arith.constant 1 : i32
        %swap3A_1322 = arith.index_cast %swap3A_1321 : i32 to index
        %swap3A_1323 = arith.index_cast %add3A_1285 : i32 to index
        %swap3A_1324 = arith.constant 80 : index
        %swap3A_1325 = tpu.vector_load %arg8[%swap3A_1322, %swap3A_1323, %swap3A_1324] {strides = array<i32>} : memref<4x128x128xf32, #tpu.memory_space<vmem>>, vector<1x1x16xf32>,
        %swap3A_1326 = vector.shape_cast %swap3A_1325 : vector<1x1x16xf32> to vector<16xf32>
        %swap3A_1327 = vector.shape_cast %get3A_725 : vector<16xf32> to vector<1x1x16xf32>
        tpu.vector_store %arg8[%swap3A_1322, %swap3A_1323, %swap3A_1324], %swap3A_1327 {add = true, strides = array<i32>} : memref<4x128x128xf32, #tpu.memory_space<vmem>>, vector<1x1x16xf32>,
        %swap3A_1328 = arith.constant 1 : i32
        %swap3A_1329 = arith.index_cast %swap3A_1328 : i32 to index
        %swap3A_1330 = arith.index_cast %add3A_1285 : i32 to index
        %swap3A_1331 = arith.constant 96 : index
        %swap3A_1332 = tpu.vector_load %arg8[%swap3A_1329, %swap3A_1330, %swap3A_1331] {strides = array<i32>} : memref<4x128x128xf32, #tpu.memory_space<vmem>>, vector<1x1x16xf32>,
        %swap3A_1333 = vector.shape_cast %swap3A_1332 : vector<1x1x16xf32> to vector<16xf32>
        %swap3A_1334 = vector.shape_cast %get3A_729 : vector<16xf32> to vector<1x1x16xf32>
        tpu.vector_store %arg8[%swap3A_1329, %swap3A_1330, %swap3A_1331], %swap3A_1334 {add = true, strides = array<i32>} : memref<4x128x128xf32, #tpu.memory_space<vmem>>, vector<1x1x16xf32>,
        %swap3A_1335 = arith.constant 1 : i32
        %swap3A_1336 = arith.index_cast %swap3A_1335 : i32 to index
        %swap3A_1337 = arith.index_cast %add3A_1285 : i32 to index
        %swap3A_1338 = arith.constant 112 : index
        %swap3A_1339 = tpu.vector_load %arg8[%swap3A_1336, %swap3A_1337, %swap3A_1338] {strides = array<i32>} : memref<4x128x128xf32, #tpu.memory_space<vmem>>, vector<1x1x16xf32>,
        %swap3A_1340 = vector.shape_cast %swap3A_1339 : vector<1x1x16xf32> to vector<16xf32>
        %swap3A_1341 = vector.shape_cast %get3A_733 : vector<16xf32> to vector<1x1x16xf32>
        tpu.vector_store %arg8[%swap3A_1336, %swap3A_1337, %swap3A_1338], %swap3A_1341 {add = true, strides = array<i32>} : memref<4x128x128xf32, #tpu.memory_space<vmem>>, vector<1x1x16xf32>,
        %mul3A_1342 = arith.constant 8 : i32
        %mul3A_1343 = arith.muli %scan3A_1102, %mul3A_1342 : i32
        %add3A_1344 = arith.constant 4 : i32
        %add3A_1345 = arith.addi %mul3A_1343, %add3A_1344 : i32
        %swap3A_1346 = arith.constant 1 : i32
        %swap3A_1347 = arith.index_cast %swap3A_1346 : i32 to index
        %swap3A_1348 = arith.index_cast %add3A_1345 : i32 to index
        %swap3A_1349 = arith.constant 0 : index
        %swap3A_1350 = tpu.vector_load %arg8[%swap3A_1347, %swap3A_1348, %swap3A_1349] {strides = array<i32>} : memref<4x128x128xf32, #tpu.memory_space<vmem>>, vector<1x1x16xf32>,
        %swap3A_1351 = vector.shape_cast %swap3A_1350 : vector<1x1x16xf32> to vector<16xf32>
        %swap3A_1352 = vector.shape_cast %get3A_705 : vector<16xf32> to vector<1x1x16xf32>
        tpu.vector_store %arg8[%swap3A_1347, %swap3A_1348, %swap3A_1349], %swap3A_1352 {add = true, strides = array<i32>} : memref<4x128x128xf32, #tpu.memory_space<vmem>>, vector<1x1x16xf32>,
        %swap3A_1353 = arith.constant 1 : i32
        %swap3A_1354 = arith.index_cast %swap3A_1353 : i32 to index
        %swap3A_1355 = arith.index_cast %add3A_1345 : i32 to index
        %swap3A_1356 = arith.constant 16 : index
        %swap3A_1357 = tpu.vector_load %arg8[%swap3A_1354, %swap3A_1355, %swap3A_1356] {strides = array<i32>} : memref<4x128x128xf32, #tpu.memory_space<vmem>>, vector<1x1x16xf32>,
        %swap3A_1358 = vector.shape_cast %swap3A_1357 : vector<1x1x16xf32> to vector<16xf32>
        %swap3A_1359 = vector.shape_cast %get3A_709 : vector<16xf32> to vector<1x1x16xf32>
        tpu.vector_store %arg8[%swap3A_1354, %swap3A_1355, %swap3A_1356], %swap3A_1359 {add = true, strides = array<i32>} : memref<4x128x128xf32, #tpu.memory_space<vmem>>, vector<1x1x16xf32>,
        %swap3A_1360 = arith.constant 1 : i32
        %swap3A_1361 = arith.index_cast %swap3A_1360 : i32 to index
        %swap3A_1362 = arith.index_cast %add3A_1345 : i32 to index
        %swap3A_1363 = arith.constant 32 : index
        %swap3A_1364 = tpu.vector_load %arg8[%swap3A_1361, %swap3A_1362, %swap3A_1363] {strides = array<i32>} : memref<4x128x128xf32, #tpu.memory_space<vmem>>, vector<1x1x16xf32>,
        %swap3A_1365 = vector.shape_cast %swap3A_1364 : vector<1x1x16xf32> to vector<16xf32>
        %swap3A_1366 = vector.shape_cast %get3A_713 : vector<16xf32> to vector<1x1x16xf32>
        tpu.vector_store %arg8[%swap3A_1361, %swap3A_1362, %swap3A_1363], %swap3A_1366 {add = true, strides = array<i32>} : memref<4x128x128xf32, #tpu.memory_space<vmem>>, vector<1x1x16xf32>,
        %swap3A_1367 = arith.constant 1 : i32
        %swap3A_1368 = arith.index_cast %swap3A_1367 : i32 to index
        %swap3A_1369 = arith.index_cast %add3A_1345 : i32 to index
        %swap3A_1370 = arith.constant 48 : index
        %swap3A_1371 = tpu.vector_load %arg8[%swap3A_1368, %swap3A_1369, %swap3A_1370] {strides = array<i32>} : memref<4x128x128xf32, #tpu.memory_space<vmem>>, vector<1x1x16xf32>,
        %swap3A_1372 = vector.shape_cast %swap3A_1371 : vector<1x1x16xf32> to vector<16xf32>
        %swap3A_1373 = vector.shape_cast %get3A_717 : vector<16xf32> to vector<1x1x16xf32>
        tpu.vector_store %arg8[%swap3A_1368, %swap3A_1369, %swap3A_1370], %swap3A_1373 {add = true, strides = array<i32>} : memref<4x128x128xf32, #tpu.memory_space<vmem>>, vector<1x1x16xf32>,
        %swap3A_1374 = arith.constant 1 : i32
        %swap3A_1375 = arith.index_cast %swap3A_1374 : i32 to index
        %swap3A_1376 = arith.index_cast %add3A_1345 : i32 to index
        %swap3A_1377 = arith.constant 64 : index
        %swap3A_1378 = tpu.vector_load %arg8[%swap3A_1375, %swap3A_1376, %swap3A_1377] {strides = array<i32>} : memref<4x128x128xf32, #tpu.memory_space<vmem>>, vector<1x1x16xf32>,
        %swap3A_1379 = vector.shape_cast %swap3A_1378 : vector<1x1x16xf32> to vector<16xf32>
        %swap3A_1380 = vector.shape_cast %get3A_721 : vector<16xf32> to vector<1x1x16xf32>
        tpu.vector_store %arg8[%swap3A_1375, %swap3A_1376, %swap3A_1377], %swap3A_1380 {add = true, strides = array<i32>} : memref<4x128x128xf32, #tpu.memory_space<vmem>>, vector<1x1x16xf32>,
        %swap3A_1381 = arith.constant 1 : i32
        %swap3A_1382 = arith.index_cast %swap3A_1381 : i32 to index
        %swap3A_1383 = arith.index_cast %add3A_1345 : i32 to index
        %swap3A_1384 = arith.constant 80 : index
        %swap3A_1385 = tpu.vector_load %arg8[%swap3A_1382, %swap3A_1383, %swap3A_1384] {strides = array<i32>} : memref<4x128x128xf32, #tpu.memory_space<vmem>>, vector<1x1x16xf32>,
        %swap3A_1386 = vector.shape_cast %swap3A_1385 : vector<1x1x16xf32> to vector<16xf32>
        %swap3A_1387 = vector.shape_cast %get3A_725 : vector<16xf32> to vector<1x1x16xf32>
        tpu.vector_store %arg8[%swap3A_1382, %swap3A_1383, %swap3A_1384], %swap3A_1387 {add = true, strides = array<i32>} : memref<4x128x128xf32, #tpu.memory_space<vmem>>, vector<1x1x16xf32>,
        %swap3A_1388 = arith.constant 1 : i32
        %swap3A_1389 = arith.index_cast %swap3A_1388 : i32 to index
        %swap3A_1390 = arith.index_cast %add3A_1345 : i32 to index
        %swap3A_1391 = arith.constant 96 : index
        %swap3A_1392 = tpu.vector_load %arg8[%swap3A_1389, %swap3A_1390, %swap3A_1391] {strides = array<i32>} : memref<4x128x128xf32, #tpu.memory_space<vmem>>, vector<1x1x16xf32>,
        %swap3A_1393 = vector.shape_cast %swap3A_1392 : vector<1x1x16xf32> to vector<16xf32>
        %swap3A_1394 = vector.shape_cast %get3A_729 : vector<16xf32> to vector<1x1x16xf32>
        tpu.vector_store %arg8[%swap3A_1389, %swap3A_1390, %swap3A_1391], %swap3A_1394 {add = true, strides = array<i32>} : memref<4x128x128xf32, #tpu.memory_space<vmem>>, vector<1x1x16xf32>,
        %swap3A_1395 = arith.constant 1 : i32
        %swap3A_1396 = arith.index_cast %swap3A_1395 : i32 to index
        %swap3A_1397 = arith.index_cast %add3A_1345 : i32 to index
        %swap3A_1398 = arith.constant 112 : index
        %swap3A_1399 = tpu.vector_load %arg8[%swap3A_1396, %swap3A_1397, %swap3A_1398] {strides = array<i32>} : memref<4x128x128xf32, #tpu.memory_space<vmem>>, vector<1x1x16xf32>,
        %swap3A_1400 = vector.shape_cast %swap3A_1399 : vector<1x1x16xf32> to vector<16xf32>
        %swap3A_1401 = vector.shape_cast %get3A_733 : vector<16xf32> to vector<1x1x16xf32>
        tpu.vector_store %arg8[%swap3A_1396, %swap3A_1397, %swap3A_1398], %swap3A_1401 {add = true, strides = array<i32>} : memref<4x128x128xf32, #tpu.memory_space<vmem>>, vector<1x1x16xf32>,
        %mul3A_1402 = arith.constant 8 : i32
        %mul3A_1403 = arith.muli %scan3A_1102, %mul3A_1402 : i32
        %add3A_1404 = arith.constant 5 : i32
        %add3A_1405 = arith.addi %mul3A_1403, %add3A_1404 : i32
        %swap3A_1406 = arith.constant 1 : i32
        %swap3A_1407 = arith.index_cast %swap3A_1406 : i32 to index
        %swap3A_1408 = arith.index_cast %add3A_1405 : i32 to index
        %swap3A_1409 = arith.constant 0 : index
        %swap3A_1410 = tpu.vector_load %arg8[%swap3A_1407, %swap3A_1408, %swap3A_1409] {strides = array<i32>} : memref<4x128x128xf32, #tpu.memory_space<vmem>>, vector<1x1x16xf32>,
        %swap3A_1411 = vector.shape_cast %swap3A_1410 : vector<1x1x16xf32> to vector<16xf32>
        %swap3A_1412 = vector.shape_cast %get3A_705 : vector<16xf32> to vector<1x1x16xf32>
        tpu.vector_store %arg8[%swap3A_1407, %swap3A_1408, %swap3A_1409], %swap3A_1412 {add = true, strides = array<i32>} : memref<4x128x128xf32, #tpu.memory_space<vmem>>, vector<1x1x16xf32>,
        %swap3A_1413 = arith.constant 1 : i32
        %swap3A_1414 = arith.index_cast %swap3A_1413 : i32 to index
        %swap3A_1415 = arith.index_cast %add3A_1405 : i32 to index
        %swap3A_1416 = arith.constant 16 : index
        %swap3A_1417 = tpu.vector_load %arg8[%swap3A_1414, %swap3A_1415, %swap3A_1416] {strides = array<i32>} : memref<4x128x128xf32, #tpu.memory_space<vmem>>, vector<1x1x16xf32>,
        %swap3A_1418 = vector.shape_cast %swap3A_1417 : vector<1x1x16xf32> to vector<16xf32>
        %swap3A_1419 = vector.shape_cast %get3A_709 : vector<16xf32> to vector<1x1x16xf32>
        tpu.vector_store %arg8[%swap3A_1414, %swap3A_1415, %swap3A_1416], %swap3A_1419 {add = true, strides = array<i32>} : memref<4x128x128xf32, #tpu.memory_space<vmem>>, vector<1x1x16xf32>,
        %swap3A_1420 = arith.constant 1 : i32
        %swap3A_1421 = arith.index_cast %swap3A_1420 : i32 to index
        %swap3A_1422 = arith.index_cast %add3A_1405 : i32 to index
        %swap3A_1423 = arith.constant 32 : index
        %swap3A_1424 = tpu.vector_load %arg8[%swap3A_1421, %swap3A_1422, %swap3A_1423] {strides = array<i32>} : memref<4x128x128xf32, #tpu.memory_space<vmem>>, vector<1x1x16xf32>,
        %swap3A_1425 = vector.shape_cast %swap3A_1424 : vector<1x1x16xf32> to vector<16xf32>
        %swap3A_1426 = vector.shape_cast %get3A_713 : vector<16xf32> to vector<1x1x16xf32>
        tpu.vector_store %arg8[%swap3A_1421, %swap3A_1422, %swap3A_1423], %swap3A_1426 {add = true, strides = array<i32>} : memref<4x128x128xf32, #tpu.memory_space<vmem>>, vector<1x1x16xf32>,
        %swap3A_1427 = arith.constant 1 : i32
        %swap3A_1428 = arith.index_cast %swap3A_1427 : i32 to index
        %swap3A_1429 = arith.index_cast %add3A_1405 : i32 to index
        %swap3A_1430 = arith.constant 48 : index
        %swap3A_1431 = tpu.vector_load %arg8[%swap3A_1428, %swap3A_1429, %swap3A_1430] {strides = array<i32>} : memref<4x128x128xf32, #tpu.memory_space<vmem>>, vector<1x1x16xf32>,
        %swap3A_1432 = vector.shape_cast %swap3A_1431 : vector<1x1x16xf32> to vector<16xf32>
        %swap3A_1433 = vector.shape_cast %get3A_717 : vector<16xf32> to vector<1x1x16xf32>
        tpu.vector_store %arg8[%swap3A_1428, %swap3A_1429, %swap3A_1430], %swap3A_1433 {add = true, strides = array<i32>} : memref<4x128x128xf32, #tpu.memory_space<vmem>>, vector<1x1x16xf32>,
        %swap3A_1434 = arith.constant 1 : i32
        %swap3A_1435 = arith.index_cast %swap3A_1434 : i32 to index
        %swap3A_1436 = arith.index_cast %add3A_1405 : i32 to index
        %swap3A_1437 = arith.constant 64 : index
        %swap3A_1438 = tpu.vector_load %arg8[%swap3A_1435, %swap3A_1436, %swap3A_1437] {strides = array<i32>} : memref<4x128x128xf32, #tpu.memory_space<vmem>>, vector<1x1x16xf32>,
        %swap3A_1439 = vector.shape_cast %swap3A_1438 : vector<1x1x16xf32> to vector<16xf32>
        %swap3A_1440 = vector.shape_cast %get3A_721 : vector<16xf32> to vector<1x1x16xf32>
        tpu.vector_store %arg8[%swap3A_1435, %swap3A_1436, %swap3A_1437], %swap3A_1440 {add = true, strides = array<i32>} : memref<4x128x128xf32, #tpu.memory_space<vmem>>, vector<1x1x16xf32>,
        %swap3A_1441 = arith.constant 1 : i32
        %swap3A_1442 = arith.index_cast %swap3A_1441 : i32 to index
        %swap3A_1443 = arith.index_cast %add3A_1405 : i32 to index
        %swap3A_1444 = arith.constant 80 : index
        %swap3A_1445 = tpu.vector_load %arg8[%swap3A_1442, %swap3A_1443, %swap3A_1444] {strides = array<i32>} : memref<4x128x128xf32, #tpu.memory_space<vmem>>, vector<1x1x16xf32>,
        %swap3A_1446 = vector.shape_cast %swap3A_1445 : vector<1x1x16xf32> to vector<16xf32>
        %swap3A_1447 = vector.shape_cast %get3A_725 : vector<16xf32> to vector<1x1x16xf32>
        tpu.vector_store %arg8[%swap3A_1442, %swap3A_1443, %swap3A_1444], %swap3A_1447 {add = true, strides = array<i32>} : memref<4x128x128xf32, #tpu.memory_space<vmem>>, vector<1x1x16xf32>,
        %swap3A_1448 = arith.constant 1 : i32
        %swap3A_1449 = arith.index_cast %swap3A_1448 : i32 to index
        %swap3A_1450 = arith.index_cast %add3A_1405 : i32 to index
        %swap3A_1451 = arith.constant 96 : index
        %swap3A_1452 = tpu.vector_load %arg8[%swap3A_1449, %swap3A_1450, %swap3A_1451] {strides = array<i32>} : memref<4x128x128xf32, #tpu.memory_space<vmem>>, vector<1x1x16xf32>,
        %swap3A_1453 = vector.shape_cast %swap3A_1452 : vector<1x1x16xf32> to vector<16xf32>
        %swap3A_1454 = vector.shape_cast %get3A_729 : vector<16xf32> to vector<1x1x16xf32>
        tpu.vector_store %arg8[%swap3A_1449, %swap3A_1450, %swap3A_1451], %swap3A_1454 {add = true, strides = array<i32>} : memref<4x128x128xf32, #tpu.memory_space<vmem>>, vector<1x1x16xf32>,
        %swap3A_1455 = arith.constant 1 : i32
        %swap3A_1456 = arith.index_cast %swap3A_1455 : i32 to index
        %swap3A_1457 = arith.index_cast %add3A_1405 : i32 to index
        %swap3A_1458 = arith.constant 112 : index
        %swap3A_1459 = tpu.vector_load %arg8[%swap3A_1456, %swap3A_1457, %swap3A_1458] {strides = array<i32>} : memref<4x128x128xf32, #tpu.memory_space<vmem>>, vector<1x1x16xf32>,
        %swap3A_1460 = vector.shape_cast %swap3A_1459 : vector<1x1x16xf32> to vector<16xf32>
        %swap3A_1461 = vector.shape_cast %get3A_733 : vector<16xf32> to vector<1x1x16xf32>
        tpu.vector_store %arg8[%swap3A_1456, %swap3A_1457, %swap3A_1458], %swap3A_1461 {add = true, strides = array<i32>} : memref<4x128x128xf32, #tpu.memory_space<vmem>>, vector<1x1x16xf32>,
        %mul3A_1462 = arith.constant 8 : i32
        %mul3A_1463 = arith.muli %scan3A_1102, %mul3A_1462 : i32
        %add3A_1464 = arith.constant 6 : i32
        %add3A_1465 = arith.addi %mul3A_1463, %add3A_1464 : i32
        %swap3A_1466 = arith.constant 1 : i32
        %swap3A_1467 = arith.index_cast %swap3A_1466 : i32 to index
        %swap3A_1468 = arith.index_cast %add3A_1465 : i32 to index
        %swap3A_1469 = arith.constant 0 : index
        %swap3A_1470 = tpu.vector_load %arg8[%swap3A_1467, %swap3A_1468, %swap3A_1469] {strides = array<i32>} : memref<4x128x128xf32, #tpu.memory_space<vmem>>, vector<1x1x16xf32>,
        %swap3A_1471 = vector.shape_cast %swap3A_1470 : vector<1x1x16xf32> to vector<16xf32>
        %swap3A_1472 = vector.shape_cast %get3A_705 : vector<16xf32> to vector<1x1x16xf32>
        tpu.vector_store %arg8[%swap3A_1467, %swap3A_1468, %swap3A_1469], %swap3A_1472 {add = true, strides = array<i32>} : memref<4x128x128xf32, #tpu.memory_space<vmem>>, vector<1x1x16xf32>,
        %swap3A_1473 = arith.constant 1 : i32
        %swap3A_1474 = arith.index_cast %swap3A_1473 : i32 to index
        %swap3A_1475 = arith.index_cast %add3A_1465 : i32 to index
        %swap3A_1476 = arith.constant 16 : index
        %swap3A_1477 = tpu.vector_load %arg8[%swap3A_1474, %swap3A_1475, %swap3A_1476] {strides = array<i32>} : memref<4x128x128xf32, #tpu.memory_space<vmem>>, vector<1x1x16xf32>,
        %swap3A_1478 = vector.shape_cast %swap3A_1477 : vector<1x1x16xf32> to vector<16xf32>
        %swap3A_1479 = vector.shape_cast %get3A_709 : vector<16xf32> to vector<1x1x16xf32>
        tpu.vector_store %arg8[%swap3A_1474, %swap3A_1475, %swap3A_1476], %swap3A_1479 {add = true, strides = array<i32>} : memref<4x128x128xf32, #tpu.memory_space<vmem>>, vector<1x1x16xf32>,
        %swap3A_1480 = arith.constant 1 : i32
        %swap3A_1481 = arith.index_cast %swap3A_1480 : i32 to index
        %swap3A_1482 = arith.index_cast %add3A_1465 : i32 to index
        %swap3A_1483 = arith.constant 32 : index
        %swap3A_1484 = tpu.vector_load %arg8[%swap3A_1481, %swap3A_1482, %swap3A_1483] {strides = array<i32>} : memref<4x128x128xf32, #tpu.memory_space<vmem>>, vector<1x1x16xf32>,
        %swap3A_1485 = vector.shape_cast %swap3A_1484 : vector<1x1x16xf32> to vector<16xf32>
        %swap3A_1486 = vector.shape_cast %get3A_713 : vector<16xf32> to vector<1x1x16xf32>
        tpu.vector_store %arg8[%swap3A_1481, %swap3A_1482, %swap3A_1483], %swap3A_1486 {add = true, strides = array<i32>} : memref<4x128x128xf32, #tpu.memory_space<vmem>>, vector<1x1x16xf32>,
        %swap3A_1487 = arith.constant 1 : i32
        %swap3A_1488 = arith.index_cast %swap3A_1487 : i32 to index
        %swap3A_1489 = arith.index_cast %add3A_1465 : i32 to index
        %swap3A_1490 = arith.constant 48 : index
        %swap3A_1491 = tpu.vector_load %arg8[%swap3A_1488, %swap3A_1489, %swap3A_1490] {strides = array<i32>} : memref<4x128x128xf32, #tpu.memory_space<vmem>>, vector<1x1x16xf32>,
        %swap3A_1492 = vector.shape_cast %swap3A_1491 : vector<1x1x16xf32> to vector<16xf32>
        %swap3A_1493 = vector.shape_cast %get3A_717 : vector<16xf32> to vector<1x1x16xf32>
        tpu.vector_store %arg8[%swap3A_1488, %swap3A_1489, %swap3A_1490], %swap3A_1493 {add = true, strides = array<i32>} : memref<4x128x128xf32, #tpu.memory_space<vmem>>, vector<1x1x16xf32>,
        %swap3A_1494 = arith.constant 1 : i32
        %swap3A_1495 = arith.index_cast %swap3A_1494 : i32 to index
        %swap3A_1496 = arith.index_cast %add3A_1465 : i32 to index
        %swap3A_1497 = arith.constant 64 : index
        %swap3A_1498 = tpu.vector_load %arg8[%swap3A_1495, %swap3A_1496, %swap3A_1497] {strides = array<i32>} : memref<4x128x128xf32, #tpu.memory_space<vmem>>, vector<1x1x16xf32>,
        %swap3A_1499 = vector.shape_cast %swap3A_1498 : vector<1x1x16xf32> to vector<16xf32>
        %swap3A_1500 = vector.shape_cast %get3A_721 : vector<16xf32> to vector<1x1x16xf32>
        tpu.vector_store %arg8[%swap3A_1495, %swap3A_1496, %swap3A_1497], %swap3A_1500 {add = true, strides = array<i32>} : memref<4x128x128xf32, #tpu.memory_space<vmem>>, vector<1x1x16xf32>,
        %swap3A_1501 = arith.constant 1 : i32
        %swap3A_1502 = arith.index_cast %swap3A_1501 : i32 to index
        %swap3A_1503 = arith.index_cast %add3A_1465 : i32 to index
        %swap3A_1504 = arith.constant 80 : index
        %swap3A_1505 = tpu.vector_load %arg8[%swap3A_1502, %swap3A_1503, %swap3A_1504] {strides = array<i32>} : memref<4x128x128xf32, #tpu.memory_space<vmem>>, vector<1x1x16xf32>,
        %swap3A_1506 = vector.shape_cast %swap3A_1505 : vector<1x1x16xf32> to vector<16xf32>
        %swap3A_1507 = vector.shape_cast %get3A_725 : vector<16xf32> to vector<1x1x16xf32>
        tpu.vector_store %arg8[%swap3A_1502, %swap3A_1503, %swap3A_1504], %swap3A_1507 {add = true, strides = array<i32>} : memref<4x128x128xf32, #tpu.memory_space<vmem>>, vector<1x1x16xf32>,
        %swap3A_1508 = arith.constant 1 : i32
        %swap3A_1509 = arith.index_cast %swap3A_1508 : i32 to index
        %swap3A_1510 = arith.index_cast %add3A_1465 : i32 to index
        %swap3A_1511 = arith.constant 96 : index
        %swap3A_1512 = tpu.vector_load %arg8[%swap3A_1509, %swap3A_1510, %swap3A_1511] {strides = array<i32>} : memref<4x128x128xf32, #tpu.memory_space<vmem>>, vector<1x1x16xf32>,
        %swap3A_1513 = vector.shape_cast %swap3A_1512 : vector<1x1x16xf32> to vector<16xf32>
        %swap3A_1514 = vector.shape_cast %get3A_729 : vector<16xf32> to vector<1x1x16xf32>
        tpu.vector_store %arg8[%swap3A_1509, %swap3A_1510, %swap3A_1511], %swap3A_1514 {add = true, strides = array<i32>} : memref<4x128x128xf32, #tpu.memory_space<vmem>>, vector<1x1x16xf32>,
        %swap3A_1515 = arith.constant 1 : i32
        %swap3A_1516 = arith.index_cast %swap3A_1515 : i32 to index
        %swap3A_1517 = arith.index_cast %add3A_1465 : i32 to index
        %swap3A_1518 = arith.constant 112 : index
        %swap3A_1519 = tpu.vector_load %arg8[%swap3A_1516, %swap3A_1517, %swap3A_1518] {strides = array<i32>} : memref<4x128x128xf32, #tpu.memory_space<vmem>>, vector<1x1x16xf32>,
        %swap3A_1520 = vector.shape_cast %swap3A_1519 : vector<1x1x16xf32> to vector<16xf32>
        %swap3A_1521 = vector.shape_cast %get3A_733 : vector<16xf32> to vector<1x1x16xf32>
        tpu.vector_store %arg8[%swap3A_1516, %swap3A_1517, %swap3A_1518], %swap3A_1521 {add = true, strides = array<i32>} : memref<4x128x128xf32, #tpu.memory_space<vmem>>, vector<1x1x16xf32>,
        %mul3A_1522 = arith.constant 8 : i32
        %mul3A_1523 = arith.muli %scan3A_1102, %mul3A_1522 : i32
        %add3A_1524 = arith.constant 7 : i32
        %add3A_1525 = arith.addi %mul3A_1523, %add3A_1524 : i32
        %swap3A_1526 = arith.constant 1 : i32
        %swap3A_1527 = arith.index_cast %swap3A_1526 : i32 to index
        %swap3A_1528 = arith.index_cast %add3A_1525 : i32 to index
        %swap3A_1529 = arith.constant 0 : index
        %swap3A_1530 = tpu.vector_load %arg8[%swap3A_1527, %swap3A_1528, %swap3A_1529] {strides = array<i32>} : memref<4x128x128xf32, #tpu.memory_space<vmem>>, vector<1x1x16xf32>,
        %swap3A_1531 = vector.shape_cast %swap3A_1530 : vector<1x1x16xf32> to vector<16xf32>
        %swap3A_1532 = vector.shape_cast %get3A_705 : vector<16xf32> to vector<1x1x16xf32>
        tpu.vector_store %arg8[%swap3A_1527, %swap3A_1528, %swap3A_1529], %swap3A_1532 {add = true, strides = array<i32>} : memref<4x128x128xf32, #tpu.memory_space<vmem>>, vector<1x1x16xf32>,
        %swap3A_1533 = arith.constant 1 : i32
        %swap3A_1534 = arith.index_cast %swap3A_1533 : i32 to index
        %swap3A_1535 = arith.index_cast %add3A_1525 : i32 to index
        %swap3A_1536 = arith.constant 16 : index
        %swap3A_1537 = tpu.vector_load %arg8[%swap3A_1534, %swap3A_1535, %swap3A_1536] {strides = array<i32>} : memref<4x128x128xf32, #tpu.memory_space<vmem>>, vector<1x1x16xf32>,
        %swap3A_1538 = vector.shape_cast %swap3A_1537 : vector<1x1x16xf32> to vector<16xf32>
        %swap3A_1539 = vector.shape_cast %get3A_709 : vector<16xf32> to vector<1x1x16xf32>
        tpu.vector_store %arg8[%swap3A_1534, %swap3A_1535, %swap3A_1536], %swap3A_1539 {add = true, strides = array<i32>} : memref<4x128x128xf32, #tpu.memory_space<vmem>>, vector<1x1x16xf32>,
        %swap3A_1540 = arith.constant 1 : i32
        %swap3A_1541 = arith.index_cast %swap3A_1540 : i32 to index
        %swap3A_1542 = arith.index_cast %add3A_1525 : i32 to index
        %swap3A_1543 = arith.constant 32 : index
        %swap3A_1544 = tpu.vector_load %arg8[%swap3A_1541, %swap3A_1542, %swap3A_1543] {strides = array<i32>} : memref<4x128x128xf32, #tpu.memory_space<vmem>>, vector<1x1x16xf32>,
        %swap3A_1545 = vector.shape_cast %swap3A_1544 : vector<1x1x16xf32> to vector<16xf32>
        %swap3A_1546 = vector.shape_cast %get3A_713 : vector<16xf32> to vector<1x1x16xf32>
        tpu.vector_store %arg8[%swap3A_1541, %swap3A_1542, %swap3A_1543], %swap3A_1546 {add = true, strides = array<i32>} : memref<4x128x128xf32, #tpu.memory_space<vmem>>, vector<1x1x16xf32>,
        %swap3A_1547 = arith.constant 1 : i32
        %swap3A_1548 = arith.index_cast %swap3A_1547 : i32 to index
        %swap3A_1549 = arith.index_cast %add3A_1525 : i32 to index
        %swap3A_1550 = arith.constant 48 : index
        %swap3A_1551 = tpu.vector_load %arg8[%swap3A_1548, %swap3A_1549, %swap3A_1550] {strides = array<i32>} : memref<4x128x128xf32, #tpu.memory_space<vmem>>, vector<1x1x16xf32>,
        %swap3A_1552 = vector.shape_cast %swap3A_1551 : vector<1x1x16xf32> to vector<16xf32>
        %swap3A_1553 = vector.shape_cast %get3A_717 : vector<16xf32> to vector<1x1x16xf32>
        tpu.vector_store %arg8[%swap3A_1548, %swap3A_1549, %swap3A_1550], %swap3A_1553 {add = true, strides = array<i32>} : memref<4x128x128xf32, #tpu.memory_space<vmem>>, vector<1x1x16xf32>,
        %swap3A_1554 = arith.constant 1 : i32
        %swap3A_1555 = arith.index_cast %swap3A_1554 : i32 to index
        %swap3A_1556 = arith.index_cast %add3A_1525 : i32 to index
        %swap3A_1557 = arith.constant 64 : index
        %swap3A_1558 = tpu.vector_load %arg8[%swap3A_1555, %swap3A_1556, %swap3A_1557] {strides = array<i32>} : memref<4x128x128xf32, #tpu.memory_space<vmem>>, vector<1x1x16xf32>,
        %swap3A_1559 = vector.shape_cast %swap3A_1558 : vector<1x1x16xf32> to vector<16xf32>
        %swap3A_1560 = vector.shape_cast %get3A_721 : vector<16xf32> to vector<1x1x16xf32>
        tpu.vector_store %arg8[%swap3A_1555, %swap3A_1556, %swap3A_1557], %swap3A_1560 {add = true, strides = array<i32>} : memref<4x128x128xf32, #tpu.memory_space<vmem>>, vector<1x1x16xf32>,
        %swap3A_1561 = arith.constant 1 : i32
        %swap3A_1562 = arith.index_cast %swap3A_1561 : i32 to index
        %swap3A_1563 = arith.index_cast %add3A_1525 : i32 to index
        %swap3A_1564 = arith.constant 80 : index
        %swap3A_1565 = tpu.vector_load %arg8[%swap3A_1562, %swap3A_1563, %swap3A_1564] {strides = array<i32>} : memref<4x128x128xf32, #tpu.memory_space<vmem>>, vector<1x1x16xf32>,
        %swap3A_1566 = vector.shape_cast %swap3A_1565 : vector<1x1x16xf32> to vector<16xf32>
        %swap3A_1567 = vector.shape_cast %get3A_725 : vector<16xf32> to vector<1x1x16xf32>
        tpu.vector_store %arg8[%swap3A_1562, %swap3A_1563, %swap3A_1564], %swap3A_1567 {add = true, strides = array<i32>} : memref<4x128x128xf32, #tpu.memory_space<vmem>>, vector<1x1x16xf32>,
        %swap3A_1568 = arith.constant 1 : i32
        %swap3A_1569 = arith.index_cast %swap3A_1568 : i32 to index
        %swap3A_1570 = arith.index_cast %add3A_1525 : i32 to index
        %swap3A_1571 = arith.constant 96 : index
        %swap3A_1572 = tpu.vector_load %arg8[%swap3A_1569, %swap3A_1570, %swap3A_1571] {strides = array<i32>} : memref<4x128x128xf32, #tpu.memory_space<vmem>>, vector<1x1x16xf32>,
        %swap3A_1573 = vector.shape_cast %swap3A_1572 : vector<1x1x16xf32> to vector<16xf32>
        %swap3A_1574 = vector.shape_cast %get3A_729 : vector<16xf32> to vector<1x1x16xf32>
        tpu.vector_store %arg8[%swap3A_1569, %swap3A_1570, %swap3A_1571], %swap3A_1574 {add = true, strides = array<i32>} : memref<4x128x128xf32, #tpu.memory_space<vmem>>, vector<1x1x16xf32>,
        %swap3A_1575 = arith.constant 1 : i32
        %swap3A_1576 = arith.index_cast %swap3A_1575 : i32 to index
        %swap3A_1577 = arith.index_cast %add3A_1525 : i32 to index
        %swap3A_1578 = arith.constant 112 : index
        %swap3A_1579 = tpu.vector_load %arg8[%swap3A_1576, %swap3A_1577, %swap3A_1578] {strides = array<i32>} : memref<4x128x128xf32, #tpu.memory_space<vmem>>, vector<1x1x16xf32>,
        %swap3A_1580 = vector.shape_cast %swap3A_1579 : vector<1x1x16xf32> to vector<16xf32>
        %swap3A_1581 = vector.shape_cast %get3A_733 : vector<16xf32> to vector<1x1x16xf32>
        tpu.vector_store %arg8[%swap3A_1576, %swap3A_1577, %swap3A_1578], %swap3A_1581 {add = true, strides = array<i32>} : memref<4x128x128xf32, #tpu.memory_space<vmem>>, vector<1x1x16xf32>,
      }
      %scan3A_739 = arith.constant 16 : i32
      %dma_start3A_740 = arith.constant 1 : i32
      %dma_start3A_741 = arith.constant 0 : i32
      %dma_start3A_742 = arith.constant 0 : i32
      %dma_start3A_743 = tpu.memref_slice %arg8[%dma_start3A_740, %dma_start3A_741, %dma_start3A_742] : memref<4x128x128xf32, #tpu.memory_space<vmem>> -> memref<1x128x128xf32, #tpu.memory_space<vmem>>
      %dma_start3A_744 = tpu.memref_squeeze %dma_start3A_743 : memref<1x128x128xf32, #tpu.memory_space<vmem>> -> memref<128x128xf32, #tpu.memory_space<vmem>>
      %dma_start3A_745 = arith.constant 0 : i32
      %dma_start3A_746 = tpu.memref_slice %arg5[%mul3A_2, %add3A_502, %dma_start3A_745] : memref<4096x200x128xf32, #tpu.memory_space<hbm>> -> memref<128x1x128xf32, #tpu.memory_space<hbm>>
      %dma_start3A_747 = tpu.memref_squeeze %dma_start3A_746 : memref<128x1x128xf32, #tpu.memory_space<hbm>> -> memref<128x128xf32, #tpu.memory_space<hbm>>
      %dma_start3A_748 = arith.constant 0 : i32
      %dma_start3A_749 = tpu.memref_slice %arg5[%mul3A_2, %add3A_502, %dma_start3A_748] : memref<4096x200x128xf32, #tpu.memory_space<hbm>> -> memref<128x1x128xf32, #tpu.memory_space<hbm>>
      %dma_start3A_750 = tpu.memref_squeeze %dma_start3A_749 : memref<128x1x128xf32, #tpu.memory_space<hbm>> -> memref<128x128xf32, #tpu.memory_space<hbm>>
      %dma_start3A_751 = arith.constant 0 : i32
      %dma_start3A_752 = arith.constant 0 : i32
      %dma_start3A_753 = tpu.memref_slice %arg8[%dma_start3A_740, %dma_start3A_751, %dma_start3A_752] : memref<4x128x128xf32, #tpu.memory_space<vmem>> -> memref<1x128x128xf32, #tpu.memory_space<vmem>>
      %dma_start3A_754 = tpu.memref_squeeze %dma_start3A_753 : memref<1x128x128xf32, #tpu.memory_space<vmem>> -> memref<128x128xf32, #tpu.memory_space<vmem>>
      tpu.enqueue_dma source(%dma_start3A_754 : memref<128x128xf32, #tpu.memory_space<vmem>>) target(%dma_start3A_750 : memref<128x128xf32, #tpu.memory_space<hbm>>) target_semaphore(%arg14 : memref<!tpu.dma_semaphore, #tpu.memory_space<semaphore_mem>>)
      %mul3A_755 = arith.constant 4 : i32
      %mul3A_756 = arith.muli %mul3A_755, %scan3A_245 : i32
      %add3A_757 = arith.constant 2 : i32
      %add3A_758 = arith.addi %mul3A_756, %add3A_757 : i32
      %dma_wait3A_759 = arith.constant 0 : i32
      %dma_wait3A_760 = arith.constant 0 : i32
      %dma_wait3A_761 = arith.constant 0 : i32
      %dma_wait3A_762 = arith.constant 0 : i32
      %dma_wait3A_763 = tpu.memref_slice %arg8[%dma_wait3A_759, %dma_wait3A_761, %dma_wait3A_762] : memref<4x128x128xf32, #tpu.memory_space<vmem>> -> memref<1x128x128xf32, #tpu.memory_space<vmem>>
      %dma_wait3A_764 = tpu.memref_squeeze %dma_wait3A_763 : memref<1x128x128xf32, #tpu.memory_space<vmem>> -> memref<128x128xf32, #tpu.memory_space<vmem>>
      %dma_wait3A_765 = arith.constant 0 : i32
      %dma_wait3A_766 = tpu.memref_slice %arg5[%mul3A_2, %dma_wait3A_760, %dma_wait3A_765] : memref<4096x200x128xf32, #tpu.memory_space<hbm>> -> memref<128x1x128xf32, #tpu.memory_space<hbm>>
      %dma_wait3A_767 = tpu.memref_squeeze %dma_wait3A_766 : memref<128x1x128xf32, #tpu.memory_space<hbm>> -> memref<128x128xf32, #tpu.memory_space<hbm>>
      %dma_wait3A_768 = arith.constant 0 : i32
      %dma_wait3A_769 = tpu.memref_slice %arg5[%mul3A_2, %dma_wait3A_760, %dma_wait3A_768] : memref<4096x200x128xf32, #tpu.memory_space<hbm>> -> memref<128x1x128xf32, #tpu.memory_space<hbm>>
      %dma_wait3A_770 = tpu.memref_squeeze %dma_wait3A_769 : memref<128x1x128xf32, #tpu.memory_space<hbm>> -> memref<128x128xf32, #tpu.memory_space<hbm>>
      %dma_wait3A_771 = arith.constant 0 : i32
      %dma_wait3A_772 = arith.constant 0 : i32
      %dma_wait3A_773 = tpu.memref_slice %arg8[%dma_wait3A_759, %dma_wait3A_771, %dma_wait3A_772] : memref<4x128x128xf32, #tpu.memory_space<vmem>> -> memref<1x128x128xf32, #tpu.memory_space<vmem>>
      %dma_wait3A_774 = tpu.memref_squeeze %dma_wait3A_773 : memref<1x128x128xf32, #tpu.memory_space<vmem>> -> memref<128x128xf32, #tpu.memory_space<vmem>>
      tpu.wait_dma2 semaphore(%arg13 : memref<!tpu.dma_semaphore, #tpu.memory_space<semaphore_mem>>) src(%dma_wait3A_774 : memref<128x128xf32, #tpu.memory_space<vmem>>) dst(%dma_wait3A_770 : memref<128x128xf32, #tpu.memory_space<hbm>>)
      %lt3A = arith.constant 49 : i32
      %lt3A_775 = arith.cmpi slt, %scan3A_245, %lt3A : i32
      %convert_element_type3A_776 = arith.extui %lt3A_775 : i1 to i32
      %cond3A_777 = arith.constant 0 : i32
      %cond3A_778 = arith.cmpi ne, %convert_element_type3A_776, %cond3A_777 : i32
      scf.if %cond3A_778 {
        %add3A_1102 = arith.constant 2 : i32
        %add3A_1103 = arith.addi %add3A_758, %add3A_1102 : i32
        %get3A_1104 = arith.index_cast %add3A_1103 : i32 to index
        %get3A_1105 = arith.constant 0 : index
        %get3A_1106 = tpu.vector_load %arg6[%get3A_1104, %get3A_1105] {strides = array<i32>} : memref<200x128xi32, #tpu.memory_space<vmem>>, vector<1x16xi32>,
        %get3A_1107 = vector.shape_cast %get3A_1106 : vector<1x16xi32> to vector<16xi32>
        %dma_start3A_1108 = arith.constant 0 : i32
        %dma_start3A_1109 = arith.constant 0 : i32
        %dma_start3A_1110 = arith.constant 0 : i32
        %dma_start3A_1111 = tpu.memref_slice %arg8[%dma_start3A_1108, %dma_start3A_1109, %dma_start3A_1110] : memref<4x128x128xf32, #tpu.memory_space<vmem>> -> memref<1x16x128xf32, #tpu.memory_space<vmem>>
        %dma_start3A_1112 = tpu.memref_squeeze %dma_start3A_1111 : memref<1x16x128xf32, #tpu.memory_space<vmem>> -> memref<16x128xf32, #tpu.memory_space<vmem>>
        %dma_start3A_1113 = arith.constant 0 : i32
        %dma_start3A_1114 = arith.constant 0 : i32
        %dma_start3A_1115 = tpu.memref_slice %arg3[%dma_start3A_1113, %dma_start3A_1114] : memref<1000000x128xf32, #tpu.memory_space<hbm>> -> memref<1000000x128xf32, #tpu.memory_space<hbm>>
        tpu.enqueue_indirect_dma source(%dma_start3A_1115 : memref<1000000x128xf32, #tpu.memory_space<hbm>>) target(%dma_start3A_1112 : memref<16x128xf32, #tpu.memory_space<vmem>>) offsets(%get3A_1107 : vector<16xi32>) semaphore(%arg9 : memref<!tpu.dma_semaphore, #tpu.memory_space<semaphore_mem>>)
        %get3A_1116 = arith.index_cast %add3A_1103 : i32 to index
        %get3A_1117 = arith.constant 16 : index
        %get3A_1118 = tpu.vector_load %arg6[%get3A_1116, %get3A_1117] {strides = array<i32>} : memref<200x128xi32, #tpu.memory_space<vmem>>, vector<1x16xi32>,
        %get3A_1119 = vector.shape_cast %get3A_1118 : vector<1x16xi32> to vector<16xi32>
        %dma_start3A_1120 = arith.constant 0 : i32
        %dma_start3A_1121 = arith.constant 16 : i32
        %dma_start3A_1122 = arith.constant 0 : i32
        %dma_start3A_1123 = tpu.memref_slice %arg8[%dma_start3A_1120, %dma_start3A_1121, %dma_start3A_1122] : memref<4x128x128xf32, #tpu.memory_space<vmem>> -> memref<1x16x128xf32, #tpu.memory_space<vmem>>
        %dma_start3A_1124 = tpu.memref_squeeze %dma_start3A_1123 : memref<1x16x128xf32, #tpu.memory_space<vmem>> -> memref<16x128xf32, #tpu.memory_space<vmem>>
        %dma_start3A_1125 = arith.constant 0 : i32
        %dma_start3A_1126 = arith.constant 0 : i32
        %dma_start3A_1127 = tpu.memref_slice %arg3[%dma_start3A_1125, %dma_start3A_1126] : memref<1000000x128xf32, #tpu.memory_space<hbm>> -> memref<1000000x128xf32, #tpu.memory_space<hbm>>
        tpu.enqueue_indirect_dma source(%dma_start3A_1127 : memref<1000000x128xf32, #tpu.memory_space<hbm>>) target(%dma_start3A_1124 : memref<16x128xf32, #tpu.memory_space<vmem>>) offsets(%get3A_1119 : vector<16xi32>) semaphore(%arg9 : memref<!tpu.dma_semaphore, #tpu.memory_space<semaphore_mem>>)
        %get3A_1128 = arith.index_cast %add3A_1103 : i32 to index
        %get3A_1129 = arith.constant 32 : index
        %get3A_1130 = tpu.vector_load %arg6[%get3A_1128, %get3A_1129] {strides = array<i32>} : memref<200x128xi32, #tpu.memory_space<vmem>>, vector<1x16xi32>,
        %get3A_1131 = vector.shape_cast %get3A_1130 : vector<1x16xi32> to vector<16xi32>
        %dma_start3A_1132 = arith.constant 0 : i32
        %dma_start3A_1133 = arith.constant 32 : i32
        %dma_start3A_1134 = arith.constant 0 : i32
        %dma_start3A_1135 = tpu.memref_slice %arg8[%dma_start3A_1132, %dma_start3A_1133, %dma_start3A_1134] : memref<4x128x128xf32, #tpu.memory_space<vmem>> -> memref<1x16x128xf32, #tpu.memory_space<vmem>>
        %dma_start3A_1136 = tpu.memref_squeeze %dma_start3A_1135 : memref<1x16x128xf32, #tpu.memory_space<vmem>> -> memref<16x128xf32, #tpu.memory_space<vmem>>
        %dma_start3A_1137 = arith.constant 0 : i32
        %dma_start3A_1138 = arith.constant 0 : i32
        %dma_start3A_1139 = tpu.memref_slice %arg3[%dma_start3A_1137, %dma_start3A_1138] : memref<1000000x128xf32, #tpu.memory_space<hbm>> -> memref<1000000x128xf32, #tpu.memory_space<hbm>>
        tpu.enqueue_indirect_dma source(%dma_start3A_1139 : memref<1000000x128xf32, #tpu.memory_space<hbm>>) target(%dma_start3A_1136 : memref<16x128xf32, #tpu.memory_space<vmem>>) offsets(%get3A_1131 : vector<16xi32>) semaphore(%arg9 : memref<!tpu.dma_semaphore, #tpu.memory_space<semaphore_mem>>)
        %get3A_1140 = arith.index_cast %add3A_1103 : i32 to index
        %get3A_1141 = arith.constant 48 : index
        %get3A_1142 = tpu.vector_load %arg6[%get3A_1140, %get3A_1141] {strides = array<i32>} : memref<200x128xi32, #tpu.memory_space<vmem>>, vector<1x16xi32>,
        %get3A_1143 = vector.shape_cast %get3A_1142 : vector<1x16xi32> to vector<16xi32>
        %dma_start3A_1144 = arith.constant 0 : i32
        %dma_start3A_1145 = arith.constant 48 : i32
        %dma_start3A_1146 = arith.constant 0 : i32
        %dma_start3A_1147 = tpu.memref_slice %arg8[%dma_start3A_1144, %dma_start3A_1145, %dma_start3A_1146] : memref<4x128x128xf32, #tpu.memory_space<vmem>> -> memref<1x16x128xf32, #tpu.memory_space<vmem>>
        %dma_start3A_1148 = tpu.memref_squeeze %dma_start3A_1147 : memref<1x16x128xf32, #tpu.memory_space<vmem>> -> memref<16x128xf32, #tpu.memory_space<vmem>>
        %dma_start3A_1149 = arith.constant 0 : i32
        %dma_start3A_1150 = arith.constant 0 : i32
        %dma_start3A_1151 = tpu.memref_slice %arg3[%dma_start3A_1149, %dma_start3A_1150] : memref<1000000x128xf32, #tpu.memory_space<hbm>> -> memref<1000000x128xf32, #tpu.memory_space<hbm>>
        tpu.enqueue_indirect_dma source(%dma_start3A_1151 : memref<1000000x128xf32, #tpu.memory_space<hbm>>) target(%dma_start3A_1148 : memref<16x128xf32, #tpu.memory_space<vmem>>) offsets(%get3A_1143 : vector<16xi32>) semaphore(%arg9 : memref<!tpu.dma_semaphore, #tpu.memory_space<semaphore_mem>>)
        %get3A_1152 = arith.index_cast %add3A_1103 : i32 to index
        %get3A_1153 = arith.constant 64 : index
        %get3A_1154 = tpu.vector_load %arg6[%get3A_1152, %get3A_1153] {strides = array<i32>} : memref<200x128xi32, #tpu.memory_space<vmem>>, vector<1x16xi32>,
        %get3A_1155 = vector.shape_cast %get3A_1154 : vector<1x16xi32> to vector<16xi32>
        %dma_start3A_1156 = arith.constant 0 : i32
        %dma_start3A_1157 = arith.constant 64 : i32
        %dma_start3A_1158 = arith.constant 0 : i32
        %dma_start3A_1159 = tpu.memref_slice %arg8[%dma_start3A_1156, %dma_start3A_1157, %dma_start3A_1158] : memref<4x128x128xf32, #tpu.memory_space<vmem>> -> memref<1x16x128xf32, #tpu.memory_space<vmem>>
        %dma_start3A_1160 = tpu.memref_squeeze %dma_start3A_1159 : memref<1x16x128xf32, #tpu.memory_space<vmem>> -> memref<16x128xf32, #tpu.memory_space<vmem>>
        %dma_start3A_1161 = arith.constant 0 : i32
        %dma_start3A_1162 = arith.constant 0 : i32
        %dma_start3A_1163 = tpu.memref_slice %arg3[%dma_start3A_1161, %dma_start3A_1162] : memref<1000000x128xf32, #tpu.memory_space<hbm>> -> memref<1000000x128xf32, #tpu.memory_space<hbm>>
        tpu.enqueue_indirect_dma source(%dma_start3A_1163 : memref<1000000x128xf32, #tpu.memory_space<hbm>>) target(%dma_start3A_1160 : memref<16x128xf32, #tpu.memory_space<vmem>>) offsets(%get3A_1155 : vector<16xi32>) semaphore(%arg9 : memref<!tpu.dma_semaphore, #tpu.memory_space<semaphore_mem>>)
        %get3A_1164 = arith.index_cast %add3A_1103 : i32 to index
        %get3A_1165 = arith.constant 80 : index
        %get3A_1166 = tpu.vector_load %arg6[%get3A_1164, %get3A_1165] {strides = array<i32>} : memref<200x128xi32, #tpu.memory_space<vmem>>, vector<1x16xi32>,
        %get3A_1167 = vector.shape_cast %get3A_1166 : vector<1x16xi32> to vector<16xi32>
        %dma_start3A_1168 = arith.constant 0 : i32
        %dma_start3A_1169 = arith.constant 80 : i32
        %dma_start3A_1170 = arith.constant 0 : i32
        %dma_start3A_1171 = tpu.memref_slice %arg8[%dma_start3A_1168, %dma_start3A_1169, %dma_start3A_1170] : memref<4x128x128xf32, #tpu.memory_space<vmem>> -> memref<1x16x128xf32, #tpu.memory_space<vmem>>
        %dma_start3A_1172 = tpu.memref_squeeze %dma_start3A_1171 : memref<1x16x128xf32, #tpu.memory_space<vmem>> -> memref<16x128xf32, #tpu.memory_space<vmem>>
        %dma_start3A_1173 = arith.constant 0 : i32
        %dma_start3A_1174 = arith.constant 0 : i32
        %dma_start3A_1175 = tpu.memref_slice %arg3[%dma_start3A_1173, %dma_start3A_1174] : memref<1000000x128xf32, #tpu.memory_space<hbm>> -> memref<1000000x128xf32, #tpu.memory_space<hbm>>
        tpu.enqueue_indirect_dma source(%dma_start3A_1175 : memref<1000000x128xf32, #tpu.memory_space<hbm>>) target(%dma_start3A_1172 : memref<16x128xf32, #tpu.memory_space<vmem>>) offsets(%get3A_1167 : vector<16xi32>) semaphore(%arg9 : memref<!tpu.dma_semaphore, #tpu.memory_space<semaphore_mem>>)
        %get3A_1176 = arith.index_cast %add3A_1103 : i32 to index
        %get3A_1177 = arith.constant 96 : index
        %get3A_1178 = tpu.vector_load %arg6[%get3A_1176, %get3A_1177] {strides = array<i32>} : memref<200x128xi32, #tpu.memory_space<vmem>>, vector<1x16xi32>,
        %get3A_1179 = vector.shape_cast %get3A_1178 : vector<1x16xi32> to vector<16xi32>
        %dma_start3A_1180 = arith.constant 0 : i32
        %dma_start3A_1181 = arith.constant 96 : i32
        %dma_start3A_1182 = arith.constant 0 : i32
        %dma_start3A_1183 = tpu.memref_slice %arg8[%dma_start3A_1180, %dma_start3A_1181, %dma_start3A_1182] : memref<4x128x128xf32, #tpu.memory_space<vmem>> -> memref<1x16x128xf32, #tpu.memory_space<vmem>>
        %dma_start3A_1184 = tpu.memref_squeeze %dma_start3A_1183 : memref<1x16x128xf32, #tpu.memory_space<vmem>> -> memref<16x128xf32, #tpu.memory_space<vmem>>
        %dma_start3A_1185 = arith.constant 0 : i32
        %dma_start3A_1186 = arith.constant 0 : i32
        %dma_start3A_1187 = tpu.memref_slice %arg3[%dma_start3A_1185, %dma_start3A_1186] : memref<1000000x128xf32, #tpu.memory_space<hbm>> -> memref<1000000x128xf32, #tpu.memory_space<hbm>>
        tpu.enqueue_indirect_dma source(%dma_start3A_1187 : memref<1000000x128xf32, #tpu.memory_space<hbm>>) target(%dma_start3A_1184 : memref<16x128xf32, #tpu.memory_space<vmem>>) offsets(%get3A_1179 : vector<16xi32>) semaphore(%arg9 : memref<!tpu.dma_semaphore, #tpu.memory_space<semaphore_mem>>)
        %get3A_1188 = arith.index_cast %add3A_1103 : i32 to index
        %get3A_1189 = arith.constant 112 : index
        %get3A_1190 = tpu.vector_load %arg6[%get3A_1188, %get3A_1189] {strides = array<i32>} : memref<200x128xi32, #tpu.memory_space<vmem>>, vector<1x16xi32>,
        %get3A_1191 = vector.shape_cast %get3A_1190 : vector<1x16xi32> to vector<16xi32>
        %dma_start3A_1192 = arith.constant 0 : i32
        %dma_start3A_1193 = arith.constant 112 : i32
        %dma_start3A_1194 = arith.constant 0 : i32
        %dma_start3A_1195 = tpu.memref_slice %arg8[%dma_start3A_1192, %dma_start3A_1193, %dma_start3A_1194] : memref<4x128x128xf32, #tpu.memory_space<vmem>> -> memref<1x16x128xf32, #tpu.memory_space<vmem>>
        %dma_start3A_1196 = tpu.memref_squeeze %dma_start3A_1195 : memref<1x16x128xf32, #tpu.memory_space<vmem>> -> memref<16x128xf32, #tpu.memory_space<vmem>>
        %dma_start3A_1197 = arith.constant 0 : i32
        %dma_start3A_1198 = arith.constant 0 : i32
        %dma_start3A_1199 = tpu.memref_slice %arg3[%dma_start3A_1197, %dma_start3A_1198] : memref<1000000x128xf32, #tpu.memory_space<hbm>> -> memref<1000000x128xf32, #tpu.memory_space<hbm>>
        tpu.enqueue_indirect_dma source(%dma_start3A_1199 : memref<1000000x128xf32, #tpu.memory_space<hbm>>) target(%dma_start3A_1196 : memref<16x128xf32, #tpu.memory_space<vmem>>) offsets(%get3A_1191 : vector<16xi32>) semaphore(%arg9 : memref<!tpu.dma_semaphore, #tpu.memory_space<semaphore_mem>>)
      } else {
      }
      %get3A_779 = arith.index_cast %add3A_758 : i32 to index
      %get3A_780 = arith.constant 0 : index
      %get3A_781 = tpu.vector_load %arg6[%get3A_779, %get3A_780] {strides = array<i32>} : memref<200x128xi32, #tpu.memory_space<vmem>>, vector<1x16xi32>,
      %get3A_782 = vector.shape_cast %get3A_781 : vector<1x16xi32> to vector<16xi32>
      %dma_wait3A_783 = arith.constant 2 : i32
      %dma_wait3A_784 = arith.constant 0 : i32
      %dma_wait3A_785 = arith.constant 0 : i32
      %dma_wait3A_786 = tpu.memref_slice %arg8[%dma_wait3A_783, %dma_wait3A_784, %dma_wait3A_785] : memref<4x128x128xf32, #tpu.memory_space<vmem>> -> memref<1x16x128xf32, #tpu.memory_space<vmem>>
      %dma_wait3A_787 = tpu.memref_squeeze %dma_wait3A_786 : memref<1x16x128xf32, #tpu.memory_space<vmem>> -> memref<16x128xf32, #tpu.memory_space<vmem>>
      %dma_wait3A_788 = arith.constant 0 : i32
      %dma_wait3A_789 = arith.constant 0 : i32
      %dma_wait3A_790 = tpu.memref_slice %arg3[%dma_wait3A_788, %dma_wait3A_789] : memref<1000000x128xf32, #tpu.memory_space<hbm>> -> memref<1000000x128xf32, #tpu.memory_space<hbm>>
      tpu.wait_indirect_dma semaphore(%arg11 : memref<!tpu.dma_semaphore, #tpu.memory_space<semaphore_mem>>) src(%dma_wait3A_790 : memref<1000000x128xf32, #tpu.memory_space<hbm>>) dst(%dma_wait3A_787 : memref<16x128xf32, #tpu.memory_space<vmem>>)
      %get3A_791 = arith.index_cast %add3A_758 : i32 to index
      %get3A_792 = arith.constant 16 : index
      %get3A_793 = tpu.vector_load %arg6[%get3A_791, %get3A_792] {strides = array<i32>} : memref<200x128xi32, #tpu.memory_space<vmem>>, vector<1x16xi32>,
      %get3A_794 = vector.shape_cast %get3A_793 : vector<1x16xi32> to vector<16xi32>
      %dma_wait3A_795 = arith.constant 2 : i32
      %dma_wait3A_796 = arith.constant 16 : i32
      %dma_wait3A_797 = arith.constant 0 : i32
      %dma_wait3A_798 = tpu.memref_slice %arg8[%dma_wait3A_795, %dma_wait3A_796, %dma_wait3A_797] : memref<4x128x128xf32, #tpu.memory_space<vmem>> -> memref<1x16x128xf32, #tpu.memory_space<vmem>>
      %dma_wait3A_799 = tpu.memref_squeeze %dma_wait3A_798 : memref<1x16x128xf32, #tpu.memory_space<vmem>> -> memref<16x128xf32, #tpu.memory_space<vmem>>
      %dma_wait3A_800 = arith.constant 0 : i32
      %dma_wait3A_801 = arith.constant 0 : i32
      %dma_wait3A_802 = tpu.memref_slice %arg3[%dma_wait3A_800, %dma_wait3A_801] : memref<1000000x128xf32, #tpu.memory_space<hbm>> -> memref<1000000x128xf32, #tpu.memory_space<hbm>>
      tpu.wait_indirect_dma semaphore(%arg11 : memref<!tpu.dma_semaphore, #tpu.memory_space<semaphore_mem>>) src(%dma_wait3A_802 : memref<1000000x128xf32, #tpu.memory_space<hbm>>) dst(%dma_wait3A_799 : memref<16x128xf32, #tpu.memory_space<vmem>>)
      %get3A_803 = arith.index_cast %add3A_758 : i32 to index
      %get3A_804 = arith.constant 32 : index
      %get3A_805 = tpu.vector_load %arg6[%get3A_803, %get3A_804] {strides = array<i32>} : memref<200x128xi32, #tpu.memory_space<vmem>>, vector<1x16xi32>,
      %get3A_806 = vector.shape_cast %get3A_805 : vector<1x16xi32> to vector<16xi32>
      %dma_wait3A_807 = arith.constant 2 : i32
      %dma_wait3A_808 = arith.constant 32 : i32
      %dma_wait3A_809 = arith.constant 0 : i32
      %dma_wait3A_810 = tpu.memref_slice %arg8[%dma_wait3A_807, %dma_wait3A_808, %dma_wait3A_809] : memref<4x128x128xf32, #tpu.memory_space<vmem>> -> memref<1x16x128xf32, #tpu.memory_space<vmem>>
      %dma_wait3A_811 = tpu.memref_squeeze %dma_wait3A_810 : memref<1x16x128xf32, #tpu.memory_space<vmem>> -> memref<16x128xf32, #tpu.memory_space<vmem>>
      %dma_wait3A_812 = arith.constant 0 : i32
      %dma_wait3A_813 = arith.constant 0 : i32
      %dma_wait3A_814 = tpu.memref_slice %arg3[%dma_wait3A_812, %dma_wait3A_813] : memref<1000000x128xf32, #tpu.memory_space<hbm>> -> memref<1000000x128xf32, #tpu.memory_space<hbm>>
      tpu.wait_indirect_dma semaphore(%arg11 : memref<!tpu.dma_semaphore, #tpu.memory_space<semaphore_mem>>) src(%dma_wait3A_814 : memref<1000000x128xf32, #tpu.memory_space<hbm>>) dst(%dma_wait3A_811 : memref<16x128xf32, #tpu.memory_space<vmem>>)
      %get3A_815 = arith.index_cast %add3A_758 : i32 to index
      %get3A_816 = arith.constant 48 : index
      %get3A_817 = tpu.vector_load %arg6[%get3A_815, %get3A_816] {strides = array<i32>} : memref<200x128xi32, #tpu.memory_space<vmem>>, vector<1x16xi32>,
      %get3A_818 = vector.shape_cast %get3A_817 : vector<1x16xi32> to vector<16xi32>
      %dma_wait3A_819 = arith.constant 2 : i32
      %dma_wait3A_820 = arith.constant 48 : i32
      %dma_wait3A_821 = arith.constant 0 : i32
      %dma_wait3A_822 = tpu.memref_slice %arg8[%dma_wait3A_819, %dma_wait3A_820, %dma_wait3A_821] : memref<4x128x128xf32, #tpu.memory_space<vmem>> -> memref<1x16x128xf32, #tpu.memory_space<vmem>>
      %dma_wait3A_823 = tpu.memref_squeeze %dma_wait3A_822 : memref<1x16x128xf32, #tpu.memory_space<vmem>> -> memref<16x128xf32, #tpu.memory_space<vmem>>
      %dma_wait3A_824 = arith.constant 0 : i32
      %dma_wait3A_825 = arith.constant 0 : i32
      %dma_wait3A_826 = tpu.memref_slice %arg3[%dma_wait3A_824, %dma_wait3A_825] : memref<1000000x128xf32, #tpu.memory_space<hbm>> -> memref<1000000x128xf32, #tpu.memory_space<hbm>>
      tpu.wait_indirect_dma semaphore(%arg11 : memref<!tpu.dma_semaphore, #tpu.memory_space<semaphore_mem>>) src(%dma_wait3A_826 : memref<1000000x128xf32, #tpu.memory_space<hbm>>) dst(%dma_wait3A_823 : memref<16x128xf32, #tpu.memory_space<vmem>>)
      %get3A_827 = arith.index_cast %add3A_758 : i32 to index
      %get3A_828 = arith.constant 64 : index
      %get3A_829 = tpu.vector_load %arg6[%get3A_827, %get3A_828] {strides = array<i32>} : memref<200x128xi32, #tpu.memory_space<vmem>>, vector<1x16xi32>,
      %get3A_830 = vector.shape_cast %get3A_829 : vector<1x16xi32> to vector<16xi32>
      %dma_wait3A_831 = arith.constant 2 : i32
      %dma_wait3A_832 = arith.constant 64 : i32
      %dma_wait3A_833 = arith.constant 0 : i32
      %dma_wait3A_834 = tpu.memref_slice %arg8[%dma_wait3A_831, %dma_wait3A_832, %dma_wait3A_833] : memref<4x128x128xf32, #tpu.memory_space<vmem>> -> memref<1x16x128xf32, #tpu.memory_space<vmem>>
      %dma_wait3A_835 = tpu.memref_squeeze %dma_wait3A_834 : memref<1x16x128xf32, #tpu.memory_space<vmem>> -> memref<16x128xf32, #tpu.memory_space<vmem>>
      %dma_wait3A_836 = arith.constant 0 : i32
      %dma_wait3A_837 = arith.constant 0 : i32
      %dma_wait3A_838 = tpu.memref_slice %arg3[%dma_wait3A_836, %dma_wait3A_837] : memref<1000000x128xf32, #tpu.memory_space<hbm>> -> memref<1000000x128xf32, #tpu.memory_space<hbm>>
      tpu.wait_indirect_dma semaphore(%arg11 : memref<!tpu.dma_semaphore, #tpu.memory_space<semaphore_mem>>) src(%dma_wait3A_838 : memref<1000000x128xf32, #tpu.memory_space<hbm>>) dst(%dma_wait3A_835 : memref<16x128xf32, #tpu.memory_space<vmem>>)
      %get3A_839 = arith.index_cast %add3A_758 : i32 to index
      %get3A_840 = arith.constant 80 : index
      %get3A_841 = tpu.vector_load %arg6[%get3A_839, %get3A_840] {strides = array<i32>} : memref<200x128xi32, #tpu.memory_space<vmem>>, vector<1x16xi32>,
      %get3A_842 = vector.shape_cast %get3A_841 : vector<1x16xi32> to vector<16xi32>
      %dma_wait3A_843 = arith.constant 2 : i32
      %dma_wait3A_844 = arith.constant 80 : i32
      %dma_wait3A_845 = arith.constant 0 : i32
      %dma_wait3A_846 = tpu.memref_slice %arg8[%dma_wait3A_843, %dma_wait3A_844, %dma_wait3A_845] : memref<4x128x128xf32, #tpu.memory_space<vmem>> -> memref<1x16x128xf32, #tpu.memory_space<vmem>>
      %dma_wait3A_847 = tpu.memref_squeeze %dma_wait3A_846 : memref<1x16x128xf32, #tpu.memory_space<vmem>> -> memref<16x128xf32, #tpu.memory_space<vmem>>
      %dma_wait3A_848 = arith.constant 0 : i32
      %dma_wait3A_849 = arith.constant 0 : i32
      %dma_wait3A_850 = tpu.memref_slice %arg3[%dma_wait3A_848, %dma_wait3A_849] : memref<1000000x128xf32, #tpu.memory_space<hbm>> -> memref<1000000x128xf32, #tpu.memory_space<hbm>>
      tpu.wait_indirect_dma semaphore(%arg11 : memref<!tpu.dma_semaphore, #tpu.memory_space<semaphore_mem>>) src(%dma_wait3A_850 : memref<1000000x128xf32, #tpu.memory_space<hbm>>) dst(%dma_wait3A_847 : memref<16x128xf32, #tpu.memory_space<vmem>>)
      %get3A_851 = arith.index_cast %add3A_758 : i32 to index
      %get3A_852 = arith.constant 96 : index
      %get3A_853 = tpu.vector_load %arg6[%get3A_851, %get3A_852] {strides = array<i32>} : memref<200x128xi32, #tpu.memory_space<vmem>>, vector<1x16xi32>,
      %get3A_854 = vector.shape_cast %get3A_853 : vector<1x16xi32> to vector<16xi32>
      %dma_wait3A_855 = arith.constant 2 : i32
      %dma_wait3A_856 = arith.constant 96 : i32
      %dma_wait3A_857 = arith.constant 0 : i32
      %dma_wait3A_858 = tpu.memref_slice %arg8[%dma_wait3A_855, %dma_wait3A_856, %dma_wait3A_857] : memref<4x128x128xf32, #tpu.memory_space<vmem>> -> memref<1x16x128xf32, #tpu.memory_space<vmem>>
      %dma_wait3A_859 = tpu.memref_squeeze %dma_wait3A_858 : memref<1x16x128xf32, #tpu.memory_space<vmem>> -> memref<16x128xf32, #tpu.memory_space<vmem>>
      %dma_wait3A_860 = arith.constant 0 : i32
      %dma_wait3A_861 = arith.constant 0 : i32
      %dma_wait3A_862 = tpu.memref_slice %arg3[%dma_wait3A_860, %dma_wait3A_861] : memref<1000000x128xf32, #tpu.memory_space<hbm>> -> memref<1000000x128xf32, #tpu.memory_space<hbm>>
      tpu.wait_indirect_dma semaphore(%arg11 : memref<!tpu.dma_semaphore, #tpu.memory_space<semaphore_mem>>) src(%dma_wait3A_862 : memref<1000000x128xf32, #tpu.memory_space<hbm>>) dst(%dma_wait3A_859 : memref<16x128xf32, #tpu.memory_space<vmem>>)
      %get3A_863 = arith.index_cast %add3A_758 : i32 to index
      %get3A_864 = arith.constant 112 : index
      %get3A_865 = tpu.vector_load %arg6[%get3A_863, %get3A_864] {strides = array<i32>} : memref<200x128xi32, #tpu.memory_space<vmem>>, vector<1x16xi32>,
      %get3A_866 = vector.shape_cast %get3A_865 : vector<1x16xi32> to vector<16xi32>
      %dma_wait3A_867 = arith.constant 2 : i32
      %dma_wait3A_868 = arith.constant 112 : i32
      %dma_wait3A_869 = arith.constant 0 : i32
      %dma_wait3A_870 = tpu.memref_slice %arg8[%dma_wait3A_867, %dma_wait3A_868, %dma_wait3A_869] : memref<4x128x128xf32, #tpu.memory_space<vmem>> -> memref<1x16x128xf32, #tpu.memory_space<vmem>>
      %dma_wait3A_871 = tpu.memref_squeeze %dma_wait3A_870 : memref<1x16x128xf32, #tpu.memory_space<vmem>> -> memref<16x128xf32, #tpu.memory_space<vmem>>
      %dma_wait3A_872 = arith.constant 0 : i32
      %dma_wait3A_873 = arith.constant 0 : i32
      %dma_wait3A_874 = tpu.memref_slice %arg3[%dma_wait3A_872, %dma_wait3A_873] : memref<1000000x128xf32, #tpu.memory_space<hbm>> -> memref<1000000x128xf32, #tpu.memory_space<hbm>>
      tpu.wait_indirect_dma semaphore(%arg11 : memref<!tpu.dma_semaphore, #tpu.memory_space<semaphore_mem>>) src(%dma_wait3A_874 : memref<1000000x128xf32, #tpu.memory_space<hbm>>) dst(%dma_wait3A_871 : memref<16x128xf32, #tpu.memory_space<vmem>>)
      %get3A_875 = arith.index_cast %add3A_758 : i32 to index
      %get3A_876 = arith.constant 0 : index
      %get3A_877 = tpu.vector_load %arg7[%get3A_875, %get3A_876] {strides = array<i32>} : memref<200x128xf32, #tpu.memory_space<vmem>>, vector<1x16xf32>,
      %get3A_878 = vector.shape_cast %get3A_877 : vector<1x16xf32> to vector<16xf32>
      %get3A_879 = arith.index_cast %add3A_758 : i32 to index
      %get3A_880 = arith.constant 16 : index
      %get3A_881 = tpu.vector_load %arg7[%get3A_879, %get3A_880] {strides = array<i32>} : memref<200x128xf32, #tpu.memory_space<vmem>>, vector<1x16xf32>,
      %get3A_882 = vector.shape_cast %get3A_881 : vector<1x16xf32> to vector<16xf32>
      %get3A_883 = arith.index_cast %add3A_758 : i32 to index
      %get3A_884 = arith.constant 32 : index
      %get3A_885 = tpu.vector_load %arg7[%get3A_883, %get3A_884] {strides = array<i32>} : memref<200x128xf32, #tpu.memory_space<vmem>>, vector<1x16xf32>,
      %get3A_886 = vector.shape_cast %get3A_885 : vector<1x16xf32> to vector<16xf32>
      %get3A_887 = arith.index_cast %add3A_758 : i32 to index
      %get3A_888 = arith.constant 48 : index
      %get3A_889 = tpu.vector_load %arg7[%get3A_887, %get3A_888] {strides = array<i32>} : memref<200x128xf32, #tpu.memory_space<vmem>>, vector<1x16xf32>,
      %get3A_890 = vector.shape_cast %get3A_889 : vector<1x16xf32> to vector<16xf32>
      %get3A_891 = arith.index_cast %add3A_758 : i32 to index
      %get3A_892 = arith.constant 64 : index
      %get3A_893 = tpu.vector_load %arg7[%get3A_891, %get3A_892] {strides = array<i32>} : memref<200x128xf32, #tpu.memory_space<vmem>>, vector<1x16xf32>,
      %get3A_894 = vector.shape_cast %get3A_893 : vector<1x16xf32> to vector<16xf32>
      %get3A_895 = arith.index_cast %add3A_758 : i32 to index
      %get3A_896 = arith.constant 80 : index
      %get3A_897 = tpu.vector_load %arg7[%get3A_895, %get3A_896] {strides = array<i32>} : memref<200x128xf32, #tpu.memory_space<vmem>>, vector<1x16xf32>,
      %get3A_898 = vector.shape_cast %get3A_897 : vector<1x16xf32> to vector<16xf32>
      %get3A_899 = arith.index_cast %add3A_758 : i32 to index
      %get3A_900 = arith.constant 96 : index
      %get3A_901 = tpu.vector_load %arg7[%get3A_899, %get3A_900] {strides = array<i32>} : memref<200x128xf32, #tpu.memory_space<vmem>>, vector<1x16xf32>,
      %get3A_902 = vector.shape_cast %get3A_901 : vector<1x16xf32> to vector<16xf32>
      %get3A_903 = arith.index_cast %add3A_758 : i32 to index
      %get3A_904 = arith.constant 112 : index
      %get3A_905 = tpu.vector_load %arg7[%get3A_903, %get3A_904] {strides = array<i32>} : memref<200x128xf32, #tpu.memory_space<vmem>>, vector<1x16xf32>,
      %get3A_906 = vector.shape_cast %get3A_905 : vector<1x16xf32> to vector<16xf32>
      %scan3A_907 = arith.constant 0 : i32
      %scan3A_908 = arith.constant 0 : i32
      %scan3A_909 = arith.constant 16 : i32
      %scan3A_910 = arith.addi %scan3A_908, %scan3A_909 : i32
      %scan3A_911 = arith.constant 1 : i32
      scf.for %scan3A_1102 = %scan3A_908 to %scan3A_910 step %scan3A_911  : i32 {
        %mul3A_1103 = arith.constant 8 : i32
        %mul3A_1104 = arith.muli %scan3A_1102, %mul3A_1103 : i32
        %add3A_1105 = arith.constant 0 : i32
        %add3A_1106 = arith.addi %mul3A_1104, %add3A_1105 : i32
        %swap3A = arith.constant 2 : i32
        %swap3A_1107 = arith.index_cast %swap3A : i32 to index
        %swap3A_1108 = arith.index_cast %add3A_1106 : i32 to index
        %swap3A_1109 = arith.constant 0 : index
        %swap3A_1110 = tpu.vector_load %arg8[%swap3A_1107, %swap3A_1108, %swap3A_1109] {strides = array<i32>} : memref<4x128x128xf32, #tpu.memory_space<vmem>>, vector<1x1x16xf32>,
        %swap3A_1111 = vector.shape_cast %swap3A_1110 : vector<1x1x16xf32> to vector<16xf32>
        %swap3A_1112 = vector.shape_cast %get3A_878 : vector<16xf32> to vector<1x1x16xf32>
        tpu.vector_store %arg8[%swap3A_1107, %swap3A_1108, %swap3A_1109], %swap3A_1112 {add = true, strides = array<i32>} : memref<4x128x128xf32, #tpu.memory_space<vmem>>, vector<1x1x16xf32>,
        %swap3A_1113 = arith.constant 2 : i32
        %swap3A_1114 = arith.index_cast %swap3A_1113 : i32 to index
        %swap3A_1115 = arith.index_cast %add3A_1106 : i32 to index
        %swap3A_1116 = arith.constant 16 : index
        %swap3A_1117 = tpu.vector_load %arg8[%swap3A_1114, %swap3A_1115, %swap3A_1116] {strides = array<i32>} : memref<4x128x128xf32, #tpu.memory_space<vmem>>, vector<1x1x16xf32>,
        %swap3A_1118 = vector.shape_cast %swap3A_1117 : vector<1x1x16xf32> to vector<16xf32>
        %swap3A_1119 = vector.shape_cast %get3A_882 : vector<16xf32> to vector<1x1x16xf32>
        tpu.vector_store %arg8[%swap3A_1114, %swap3A_1115, %swap3A_1116], %swap3A_1119 {add = true, strides = array<i32>} : memref<4x128x128xf32, #tpu.memory_space<vmem>>, vector<1x1x16xf32>,
        %swap3A_1120 = arith.constant 2 : i32
        %swap3A_1121 = arith.index_cast %swap3A_1120 : i32 to index
        %swap3A_1122 = arith.index_cast %add3A_1106 : i32 to index
        %swap3A_1123 = arith.constant 32 : index
        %swap3A_1124 = tpu.vector_load %arg8[%swap3A_1121, %swap3A_1122, %swap3A_1123] {strides = array<i32>} : memref<4x128x128xf32, #tpu.memory_space<vmem>>, vector<1x1x16xf32>,
        %swap3A_1125 = vector.shape_cast %swap3A_1124 : vector<1x1x16xf32> to vector<16xf32>
        %swap3A_1126 = vector.shape_cast %get3A_886 : vector<16xf32> to vector<1x1x16xf32>
        tpu.vector_store %arg8[%swap3A_1121, %swap3A_1122, %swap3A_1123], %swap3A_1126 {add = true, strides = array<i32>} : memref<4x128x128xf32, #tpu.memory_space<vmem>>, vector<1x1x16xf32>,
        %swap3A_1127 = arith.constant 2 : i32
        %swap3A_1128 = arith.index_cast %swap3A_1127 : i32 to index
        %swap3A_1129 = arith.index_cast %add3A_1106 : i32 to index
        %swap3A_1130 = arith.constant 48 : index
        %swap3A_1131 = tpu.vector_load %arg8[%swap3A_1128, %swap3A_1129, %swap3A_1130] {strides = array<i32>} : memref<4x128x128xf32, #tpu.memory_space<vmem>>, vector<1x1x16xf32>,
        %swap3A_1132 = vector.shape_cast %swap3A_1131 : vector<1x1x16xf32> to vector<16xf32>
        %swap3A_1133 = vector.shape_cast %get3A_890 : vector<16xf32> to vector<1x1x16xf32>
        tpu.vector_store %arg8[%swap3A_1128, %swap3A_1129, %swap3A_1130], %swap3A_1133 {add = true, strides = array<i32>} : memref<4x128x128xf32, #tpu.memory_space<vmem>>, vector<1x1x16xf32>,
        %swap3A_1134 = arith.constant 2 : i32
        %swap3A_1135 = arith.index_cast %swap3A_1134 : i32 to index
        %swap3A_1136 = arith.index_cast %add3A_1106 : i32 to index
        %swap3A_1137 = arith.constant 64 : index
        %swap3A_1138 = tpu.vector_load %arg8[%swap3A_1135, %swap3A_1136, %swap3A_1137] {strides = array<i32>} : memref<4x128x128xf32, #tpu.memory_space<vmem>>, vector<1x1x16xf32>,
        %swap3A_1139 = vector.shape_cast %swap3A_1138 : vector<1x1x16xf32> to vector<16xf32>
        %swap3A_1140 = vector.shape_cast %get3A_894 : vector<16xf32> to vector<1x1x16xf32>
        tpu.vector_store %arg8[%swap3A_1135, %swap3A_1136, %swap3A_1137], %swap3A_1140 {add = true, strides = array<i32>} : memref<4x128x128xf32, #tpu.memory_space<vmem>>, vector<1x1x16xf32>,
        %swap3A_1141 = arith.constant 2 : i32
        %swap3A_1142 = arith.index_cast %swap3A_1141 : i32 to index
        %swap3A_1143 = arith.index_cast %add3A_1106 : i32 to index
        %swap3A_1144 = arith.constant 80 : index
        %swap3A_1145 = tpu.vector_load %arg8[%swap3A_1142, %swap3A_1143, %swap3A_1144] {strides = array<i32>} : memref<4x128x128xf32, #tpu.memory_space<vmem>>, vector<1x1x16xf32>,
        %swap3A_1146 = vector.shape_cast %swap3A_1145 : vector<1x1x16xf32> to vector<16xf32>
        %swap3A_1147 = vector.shape_cast %get3A_898 : vector<16xf32> to vector<1x1x16xf32>
        tpu.vector_store %arg8[%swap3A_1142, %swap3A_1143, %swap3A_1144], %swap3A_1147 {add = true, strides = array<i32>} : memref<4x128x128xf32, #tpu.memory_space<vmem>>, vector<1x1x16xf32>,
        %swap3A_1148 = arith.constant 2 : i32
        %swap3A_1149 = arith.index_cast %swap3A_1148 : i32 to index
        %swap3A_1150 = arith.index_cast %add3A_1106 : i32 to index
        %swap3A_1151 = arith.constant 96 : index
        %swap3A_1152 = tpu.vector_load %arg8[%swap3A_1149, %swap3A_1150, %swap3A_1151] {strides = array<i32>} : memref<4x128x128xf32, #tpu.memory_space<vmem>>, vector<1x1x16xf32>,
        %swap3A_1153 = vector.shape_cast %swap3A_1152 : vector<1x1x16xf32> to vector<16xf32>
        %swap3A_1154 = vector.shape_cast %get3A_902 : vector<16xf32> to vector<1x1x16xf32>
        tpu.vector_store %arg8[%swap3A_1149, %swap3A_1150, %swap3A_1151], %swap3A_1154 {add = true, strides = array<i32>} : memref<4x128x128xf32, #tpu.memory_space<vmem>>, vector<1x1x16xf32>,
        %swap3A_1155 = arith.constant 2 : i32
        %swap3A_1156 = arith.index_cast %swap3A_1155 : i32 to index
        %swap3A_1157 = arith.index_cast %add3A_1106 : i32 to index
        %swap3A_1158 = arith.constant 112 : index
        %swap3A_1159 = tpu.vector_load %arg8[%swap3A_1156, %swap3A_1157, %swap3A_1158] {strides = array<i32>} : memref<4x128x128xf32, #tpu.memory_space<vmem>>, vector<1x1x16xf32>,
        %swap3A_1160 = vector.shape_cast %swap3A_1159 : vector<1x1x16xf32> to vector<16xf32>
        %swap3A_1161 = vector.shape_cast %get3A_906 : vector<16xf32> to vector<1x1x16xf32>
        tpu.vector_store %arg8[%swap3A_1156, %swap3A_1157, %swap3A_1158], %swap3A_1161 {add = true, strides = array<i32>} : memref<4x128x128xf32, #tpu.memory_space<vmem>>, vector<1x1x16xf32>,
        %mul3A_1162 = arith.constant 8 : i32
        %mul3A_1163 = arith.muli %scan3A_1102, %mul3A_1162 : i32
        %add3A_1164 = arith.constant 1 : i32
        %add3A_1165 = arith.addi %mul3A_1163, %add3A_1164 : i32
        %swap3A_1166 = arith.constant 2 : i32
        %swap3A_1167 = arith.index_cast %swap3A_1166 : i32 to index
        %swap3A_1168 = arith.index_cast %add3A_1165 : i32 to index
        %swap3A_1169 = arith.constant 0 : index
        %swap3A_1170 = tpu.vector_load %arg8[%swap3A_1167, %swap3A_1168, %swap3A_1169] {strides = array<i32>} : memref<4x128x128xf32, #tpu.memory_space<vmem>>, vector<1x1x16xf32>,
        %swap3A_1171 = vector.shape_cast %swap3A_1170 : vector<1x1x16xf32> to vector<16xf32>
        %swap3A_1172 = vector.shape_cast %get3A_878 : vector<16xf32> to vector<1x1x16xf32>
        tpu.vector_store %arg8[%swap3A_1167, %swap3A_1168, %swap3A_1169], %swap3A_1172 {add = true, strides = array<i32>} : memref<4x128x128xf32, #tpu.memory_space<vmem>>, vector<1x1x16xf32>,
        %swap3A_1173 = arith.constant 2 : i32
        %swap3A_1174 = arith.index_cast %swap3A_1173 : i32 to index
        %swap3A_1175 = arith.index_cast %add3A_1165 : i32 to index
        %swap3A_1176 = arith.constant 16 : index
        %swap3A_1177 = tpu.vector_load %arg8[%swap3A_1174, %swap3A_1175, %swap3A_1176] {strides = array<i32>} : memref<4x128x128xf32, #tpu.memory_space<vmem>>, vector<1x1x16xf32>,
        %swap3A_1178 = vector.shape_cast %swap3A_1177 : vector<1x1x16xf32> to vector<16xf32>
        %swap3A_1179 = vector.shape_cast %get3A_882 : vector<16xf32> to vector<1x1x16xf32>
        tpu.vector_store %arg8[%swap3A_1174, %swap3A_1175, %swap3A_1176], %swap3A_1179 {add = true, strides = array<i32>} : memref<4x128x128xf32, #tpu.memory_space<vmem>>, vector<1x1x16xf32>,
        %swap3A_1180 = arith.constant 2 : i32
        %swap3A_1181 = arith.index_cast %swap3A_1180 : i32 to index
        %swap3A_1182 = arith.index_cast %add3A_1165 : i32 to index
        %swap3A_1183 = arith.constant 32 : index
        %swap3A_1184 = tpu.vector_load %arg8[%swap3A_1181, %swap3A_1182, %swap3A_1183] {strides = array<i32>} : memref<4x128x128xf32, #tpu.memory_space<vmem>>, vector<1x1x16xf32>,
        %swap3A_1185 = vector.shape_cast %swap3A_1184 : vector<1x1x16xf32> to vector<16xf32>
        %swap3A_1186 = vector.shape_cast %get3A_886 : vector<16xf32> to vector<1x1x16xf32>
        tpu.vector_store %arg8[%swap3A_1181, %swap3A_1182, %swap3A_1183], %swap3A_1186 {add = true, strides = array<i32>} : memref<4x128x128xf32, #tpu.memory_space<vmem>>, vector<1x1x16xf32>,
        %swap3A_1187 = arith.constant 2 : i32
        %swap3A_1188 = arith.index_cast %swap3A_1187 : i32 to index
        %swap3A_1189 = arith.index_cast %add3A_1165 : i32 to index
        %swap3A_1190 = arith.constant 48 : index
        %swap3A_1191 = tpu.vector_load %arg8[%swap3A_1188, %swap3A_1189, %swap3A_1190] {strides = array<i32>} : memref<4x128x128xf32, #tpu.memory_space<vmem>>, vector<1x1x16xf32>,
        %swap3A_1192 = vector.shape_cast %swap3A_1191 : vector<1x1x16xf32> to vector<16xf32>
        %swap3A_1193 = vector.shape_cast %get3A_890 : vector<16xf32> to vector<1x1x16xf32>
        tpu.vector_store %arg8[%swap3A_1188, %swap3A_1189, %swap3A_1190], %swap3A_1193 {add = true, strides = array<i32>} : memref<4x128x128xf32, #tpu.memory_space<vmem>>, vector<1x1x16xf32>,
        %swap3A_1194 = arith.constant 2 : i32
        %swap3A_1195 = arith.index_cast %swap3A_1194 : i32 to index
        %swap3A_1196 = arith.index_cast %add3A_1165 : i32 to index
        %swap3A_1197 = arith.constant 64 : index
        %swap3A_1198 = tpu.vector_load %arg8[%swap3A_1195, %swap3A_1196, %swap3A_1197] {strides = array<i32>} : memref<4x128x128xf32, #tpu.memory_space<vmem>>, vector<1x1x16xf32>,
        %swap3A_1199 = vector.shape_cast %swap3A_1198 : vector<1x1x16xf32> to vector<16xf32>
        %swap3A_1200 = vector.shape_cast %get3A_894 : vector<16xf32> to vector<1x1x16xf32>
        tpu.vector_store %arg8[%swap3A_1195, %swap3A_1196, %swap3A_1197], %swap3A_1200 {add = true, strides = array<i32>} : memref<4x128x128xf32, #tpu.memory_space<vmem>>, vector<1x1x16xf32>,
        %swap3A_1201 = arith.constant 2 : i32
        %swap3A_1202 = arith.index_cast %swap3A_1201 : i32 to index
        %swap3A_1203 = arith.index_cast %add3A_1165 : i32 to index
        %swap3A_1204 = arith.constant 80 : index
        %swap3A_1205 = tpu.vector_load %arg8[%swap3A_1202, %swap3A_1203, %swap3A_1204] {strides = array<i32>} : memref<4x128x128xf32, #tpu.memory_space<vmem>>, vector<1x1x16xf32>,
        %swap3A_1206 = vector.shape_cast %swap3A_1205 : vector<1x1x16xf32> to vector<16xf32>
        %swap3A_1207 = vector.shape_cast %get3A_898 : vector<16xf32> to vector<1x1x16xf32>
        tpu.vector_store %arg8[%swap3A_1202, %swap3A_1203, %swap3A_1204], %swap3A_1207 {add = true, strides = array<i32>} : memref<4x128x128xf32, #tpu.memory_space<vmem>>, vector<1x1x16xf32>,
        %swap3A_1208 = arith.constant 2 : i32
        %swap3A_1209 = arith.index_cast %swap3A_1208 : i32 to index
        %swap3A_1210 = arith.index_cast %add3A_1165 : i32 to index
        %swap3A_1211 = arith.constant 96 : index
        %swap3A_1212 = tpu.vector_load %arg8[%swap3A_1209, %swap3A_1210, %swap3A_1211] {strides = array<i32>} : memref<4x128x128xf32, #tpu.memory_space<vmem>>, vector<1x1x16xf32>,
        %swap3A_1213 = vector.shape_cast %swap3A_1212 : vector<1x1x16xf32> to vector<16xf32>
        %swap3A_1214 = vector.shape_cast %get3A_902 : vector<16xf32> to vector<1x1x16xf32>
        tpu.vector_store %arg8[%swap3A_1209, %swap3A_1210, %swap3A_1211], %swap3A_1214 {add = true, strides = array<i32>} : memref<4x128x128xf32, #tpu.memory_space<vmem>>, vector<1x1x16xf32>,
        %swap3A_1215 = arith.constant 2 : i32
        %swap3A_1216 = arith.index_cast %swap3A_1215 : i32 to index
        %swap3A_1217 = arith.index_cast %add3A_1165 : i32 to index
        %swap3A_1218 = arith.constant 112 : index
        %swap3A_1219 = tpu.vector_load %arg8[%swap3A_1216, %swap3A_1217, %swap3A_1218] {strides = array<i32>} : memref<4x128x128xf32, #tpu.memory_space<vmem>>, vector<1x1x16xf32>,
        %swap3A_1220 = vector.shape_cast %swap3A_1219 : vector<1x1x16xf32> to vector<16xf32>
        %swap3A_1221 = vector.shape_cast %get3A_906 : vector<16xf32> to vector<1x1x16xf32>
        tpu.vector_store %arg8[%swap3A_1216, %swap3A_1217, %swap3A_1218], %swap3A_1221 {add = true, strides = array<i32>} : memref<4x128x128xf32, #tpu.memory_space<vmem>>, vector<1x1x16xf32>,
        %mul3A_1222 = arith.constant 8 : i32
        %mul3A_1223 = arith.muli %scan3A_1102, %mul3A_1222 : i32
        %add3A_1224 = arith.constant 2 : i32
        %add3A_1225 = arith.addi %mul3A_1223, %add3A_1224 : i32
        %swap3A_1226 = arith.constant 2 : i32
        %swap3A_1227 = arith.index_cast %swap3A_1226 : i32 to index
        %swap3A_1228 = arith.index_cast %add3A_1225 : i32 to index
        %swap3A_1229 = arith.constant 0 : index
        %swap3A_1230 = tpu.vector_load %arg8[%swap3A_1227, %swap3A_1228, %swap3A_1229] {strides = array<i32>} : memref<4x128x128xf32, #tpu.memory_space<vmem>>, vector<1x1x16xf32>,
        %swap3A_1231 = vector.shape_cast %swap3A_1230 : vector<1x1x16xf32> to vector<16xf32>
        %swap3A_1232 = vector.shape_cast %get3A_878 : vector<16xf32> to vector<1x1x16xf32>
        tpu.vector_store %arg8[%swap3A_1227, %swap3A_1228, %swap3A_1229], %swap3A_1232 {add = true, strides = array<i32>} : memref<4x128x128xf32, #tpu.memory_space<vmem>>, vector<1x1x16xf32>,
        %swap3A_1233 = arith.constant 2 : i32
        %swap3A_1234 = arith.index_cast %swap3A_1233 : i32 to index
        %swap3A_1235 = arith.index_cast %add3A_1225 : i32 to index
        %swap3A_1236 = arith.constant 16 : index
        %swap3A_1237 = tpu.vector_load %arg8[%swap3A_1234, %swap3A_1235, %swap3A_1236] {strides = array<i32>} : memref<4x128x128xf32, #tpu.memory_space<vmem>>, vector<1x1x16xf32>,
        %swap3A_1238 = vector.shape_cast %swap3A_1237 : vector<1x1x16xf32> to vector<16xf32>
        %swap3A_1239 = vector.shape_cast %get3A_882 : vector<16xf32> to vector<1x1x16xf32>
        tpu.vector_store %arg8[%swap3A_1234, %swap3A_1235, %swap3A_1236], %swap3A_1239 {add = true, strides = array<i32>} : memref<4x128x128xf32, #tpu.memory_space<vmem>>, vector<1x1x16xf32>,
        %swap3A_1240 = arith.constant 2 : i32
        %swap3A_1241 = arith.index_cast %swap3A_1240 : i32 to index
        %swap3A_1242 = arith.index_cast %add3A_1225 : i32 to index
        %swap3A_1243 = arith.constant 32 : index
        %swap3A_1244 = tpu.vector_load %arg8[%swap3A_1241, %swap3A_1242, %swap3A_1243] {strides = array<i32>} : memref<4x128x128xf32, #tpu.memory_space<vmem>>, vector<1x1x16xf32>,
        %swap3A_1245 = vector.shape_cast %swap3A_1244 : vector<1x1x16xf32> to vector<16xf32>
        %swap3A_1246 = vector.shape_cast %get3A_886 : vector<16xf32> to vector<1x1x16xf32>
        tpu.vector_store %arg8[%swap3A_1241, %swap3A_1242, %swap3A_1243], %swap3A_1246 {add = true, strides = array<i32>} : memref<4x128x128xf32, #tpu.memory_space<vmem>>, vector<1x1x16xf32>,
        %swap3A_1247 = arith.constant 2 : i32
        %swap3A_1248 = arith.index_cast %swap3A_1247 : i32 to index
        %swap3A_1249 = arith.index_cast %add3A_1225 : i32 to index
        %swap3A_1250 = arith.constant 48 : index
        %swap3A_1251 = tpu.vector_load %arg8[%swap3A_1248, %swap3A_1249, %swap3A_1250] {strides = array<i32>} : memref<4x128x128xf32, #tpu.memory_space<vmem>>, vector<1x1x16xf32>,
        %swap3A_1252 = vector.shape_cast %swap3A_1251 : vector<1x1x16xf32> to vector<16xf32>
        %swap3A_1253 = vector.shape_cast %get3A_890 : vector<16xf32> to vector<1x1x16xf32>
        tpu.vector_store %arg8[%swap3A_1248, %swap3A_1249, %swap3A_1250], %swap3A_1253 {add = true, strides = array<i32>} : memref<4x128x128xf32, #tpu.memory_space<vmem>>, vector<1x1x16xf32>,
        %swap3A_1254 = arith.constant 2 : i32
        %swap3A_1255 = arith.index_cast %swap3A_1254 : i32 to index
        %swap3A_1256 = arith.index_cast %add3A_1225 : i32 to index
        %swap3A_1257 = arith.constant 64 : index
        %swap3A_1258 = tpu.vector_load %arg8[%swap3A_1255, %swap3A_1256, %swap3A_1257] {strides = array<i32>} : memref<4x128x128xf32, #tpu.memory_space<vmem>>, vector<1x1x16xf32>,
        %swap3A_1259 = vector.shape_cast %swap3A_1258 : vector<1x1x16xf32> to vector<16xf32>
        %swap3A_1260 = vector.shape_cast %get3A_894 : vector<16xf32> to vector<1x1x16xf32>
        tpu.vector_store %arg8[%swap3A_1255, %swap3A_1256, %swap3A_1257], %swap3A_1260 {add = true, strides = array<i32>} : memref<4x128x128xf32, #tpu.memory_space<vmem>>, vector<1x1x16xf32>,
        %swap3A_1261 = arith.constant 2 : i32
        %swap3A_1262 = arith.index_cast %swap3A_1261 : i32 to index
        %swap3A_1263 = arith.index_cast %add3A_1225 : i32 to index
        %swap3A_1264 = arith.constant 80 : index
        %swap3A_1265 = tpu.vector_load %arg8[%swap3A_1262, %swap3A_1263, %swap3A_1264] {strides = array<i32>} : memref<4x128x128xf32, #tpu.memory_space<vmem>>, vector<1x1x16xf32>,
        %swap3A_1266 = vector.shape_cast %swap3A_1265 : vector<1x1x16xf32> to vector<16xf32>
        %swap3A_1267 = vector.shape_cast %get3A_898 : vector<16xf32> to vector<1x1x16xf32>
        tpu.vector_store %arg8[%swap3A_1262, %swap3A_1263, %swap3A_1264], %swap3A_1267 {add = true, strides = array<i32>} : memref<4x128x128xf32, #tpu.memory_space<vmem>>, vector<1x1x16xf32>,
        %swap3A_1268 = arith.constant 2 : i32
        %swap3A_1269 = arith.index_cast %swap3A_1268 : i32 to index
        %swap3A_1270 = arith.index_cast %add3A_1225 : i32 to index
        %swap3A_1271 = arith.constant 96 : index
        %swap3A_1272 = tpu.vector_load %arg8[%swap3A_1269, %swap3A_1270, %swap3A_1271] {strides = array<i32>} : memref<4x128x128xf32, #tpu.memory_space<vmem>>, vector<1x1x16xf32>,
        %swap3A_1273 = vector.shape_cast %swap3A_1272 : vector<1x1x16xf32> to vector<16xf32>
        %swap3A_1274 = vector.shape_cast %get3A_902 : vector<16xf32> to vector<1x1x16xf32>
        tpu.vector_store %arg8[%swap3A_1269, %swap3A_1270, %swap3A_1271], %swap3A_1274 {add = true, strides = array<i32>} : memref<4x128x128xf32, #tpu.memory_space<vmem>>, vector<1x1x16xf32>,
        %swap3A_1275 = arith.constant 2 : i32
        %swap3A_1276 = arith.index_cast %swap3A_1275 : i32 to index
        %swap3A_1277 = arith.index_cast %add3A_1225 : i32 to index
        %swap3A_1278 = arith.constant 112 : index
        %swap3A_1279 = tpu.vector_load %arg8[%swap3A_1276, %swap3A_1277, %swap3A_1278] {strides = array<i32>} : memref<4x128x128xf32, #tpu.memory_space<vmem>>, vector<1x1x16xf32>,
        %swap3A_1280 = vector.shape_cast %swap3A_1279 : vector<1x1x16xf32> to vector<16xf32>
        %swap3A_1281 = vector.shape_cast %get3A_906 : vector<16xf32> to vector<1x1x16xf32>
        tpu.vector_store %arg8[%swap3A_1276, %swap3A_1277, %swap3A_1278], %swap3A_1281 {add = true, strides = array<i32>} : memref<4x128x128xf32, #tpu.memory_space<vmem>>, vector<1x1x16xf32>,
        %mul3A_1282 = arith.constant 8 : i32
        %mul3A_1283 = arith.muli %scan3A_1102, %mul3A_1282 : i32
        %add3A_1284 = arith.constant 3 : i32
        %add3A_1285 = arith.addi %mul3A_1283, %add3A_1284 : i32
        %swap3A_1286 = arith.constant 2 : i32
        %swap3A_1287 = arith.index_cast %swap3A_1286 : i32 to index
        %swap3A_1288 = arith.index_cast %add3A_1285 : i32 to index
        %swap3A_1289 = arith.constant 0 : index
        %swap3A_1290 = tpu.vector_load %arg8[%swap3A_1287, %swap3A_1288, %swap3A_1289] {strides = array<i32>} : memref<4x128x128xf32, #tpu.memory_space<vmem>>, vector<1x1x16xf32>,
        %swap3A_1291 = vector.shape_cast %swap3A_1290 : vector<1x1x16xf32> to vector<16xf32>
        %swap3A_1292 = vector.shape_cast %get3A_878 : vector<16xf32> to vector<1x1x16xf32>
        tpu.vector_store %arg8[%swap3A_1287, %swap3A_1288, %swap3A_1289], %swap3A_1292 {add = true, strides = array<i32>} : memref<4x128x128xf32, #tpu.memory_space<vmem>>, vector<1x1x16xf32>,
        %swap3A_1293 = arith.constant 2 : i32
        %swap3A_1294 = arith.index_cast %swap3A_1293 : i32 to index
        %swap3A_1295 = arith.index_cast %add3A_1285 : i32 to index
        %swap3A_1296 = arith.constant 16 : index
        %swap3A_1297 = tpu.vector_load %arg8[%swap3A_1294, %swap3A_1295, %swap3A_1296] {strides = array<i32>} : memref<4x128x128xf32, #tpu.memory_space<vmem>>, vector<1x1x16xf32>,
        %swap3A_1298 = vector.shape_cast %swap3A_1297 : vector<1x1x16xf32> to vector<16xf32>
        %swap3A_1299 = vector.shape_cast %get3A_882 : vector<16xf32> to vector<1x1x16xf32>
        tpu.vector_store %arg8[%swap3A_1294, %swap3A_1295, %swap3A_1296], %swap3A_1299 {add = true, strides = array<i32>} : memref<4x128x128xf32, #tpu.memory_space<vmem>>, vector<1x1x16xf32>,
        %swap3A_1300 = arith.constant 2 : i32
        %swap3A_1301 = arith.index_cast %swap3A_1300 : i32 to index
        %swap3A_1302 = arith.index_cast %add3A_1285 : i32 to index
        %swap3A_1303 = arith.constant 32 : index
        %swap3A_1304 = tpu.vector_load %arg8[%swap3A_1301, %swap3A_1302, %swap3A_1303] {strides = array<i32>} : memref<4x128x128xf32, #tpu.memory_space<vmem>>, vector<1x1x16xf32>,
        %swap3A_1305 = vector.shape_cast %swap3A_1304 : vector<1x1x16xf32> to vector<16xf32>
        %swap3A_1306 = vector.shape_cast %get3A_886 : vector<16xf32> to vector<1x1x16xf32>
        tpu.vector_store %arg8[%swap3A_1301, %swap3A_1302, %swap3A_1303], %swap3A_1306 {add = true, strides = array<i32>} : memref<4x128x128xf32, #tpu.memory_space<vmem>>, vector<1x1x16xf32>,
        %swap3A_1307 = arith.constant 2 : i32
        %swap3A_1308 = arith.index_cast %swap3A_1307 : i32 to index
        %swap3A_1309 = arith.index_cast %add3A_1285 : i32 to index
        %swap3A_1310 = arith.constant 48 : index
        %swap3A_1311 = tpu.vector_load %arg8[%swap3A_1308, %swap3A_1309, %swap3A_1310] {strides = array<i32>} : memref<4x128x128xf32, #tpu.memory_space<vmem>>, vector<1x1x16xf32>,
        %swap3A_1312 = vector.shape_cast %swap3A_1311 : vector<1x1x16xf32> to vector<16xf32>
        %swap3A_1313 = vector.shape_cast %get3A_890 : vector<16xf32> to vector<1x1x16xf32>
        tpu.vector_store %arg8[%swap3A_1308, %swap3A_1309, %swap3A_1310], %swap3A_1313 {add = true, strides = array<i32>} : memref<4x128x128xf32, #tpu.memory_space<vmem>>, vector<1x1x16xf32>,
        %swap3A_1314 = arith.constant 2 : i32
        %swap3A_1315 = arith.index_cast %swap3A_1314 : i32 to index
        %swap3A_1316 = arith.index_cast %add3A_1285 : i32 to index
        %swap3A_1317 = arith.constant 64 : index
        %swap3A_1318 = tpu.vector_load %arg8[%swap3A_1315, %swap3A_1316, %swap3A_1317] {strides = array<i32>} : memref<4x128x128xf32, #tpu.memory_space<vmem>>, vector<1x1x16xf32>,
        %swap3A_1319 = vector.shape_cast %swap3A_1318 : vector<1x1x16xf32> to vector<16xf32>
        %swap3A_1320 = vector.shape_cast %get3A_894 : vector<16xf32> to vector<1x1x16xf32>
        tpu.vector_store %arg8[%swap3A_1315, %swap3A_1316, %swap3A_1317], %swap3A_1320 {add = true, strides = array<i32>} : memref<4x128x128xf32, #tpu.memory_space<vmem>>, vector<1x1x16xf32>,
        %swap3A_1321 = arith.constant 2 : i32
        %swap3A_1322 = arith.index_cast %swap3A_1321 : i32 to index
        %swap3A_1323 = arith.index_cast %add3A_1285 : i32 to index
        %swap3A_1324 = arith.constant 80 : index
        %swap3A_1325 = tpu.vector_load %arg8[%swap3A_1322, %swap3A_1323, %swap3A_1324] {strides = array<i32>} : memref<4x128x128xf32, #tpu.memory_space<vmem>>, vector<1x1x16xf32>,
        %swap3A_1326 = vector.shape_cast %swap3A_1325 : vector<1x1x16xf32> to vector<16xf32>
        %swap3A_1327 = vector.shape_cast %get3A_898 : vector<16xf32> to vector<1x1x16xf32>
        tpu.vector_store %arg8[%swap3A_1322, %swap3A_1323, %swap3A_1324], %swap3A_1327 {add = true, strides = array<i32>} : memref<4x128x128xf32, #tpu.memory_space<vmem>>, vector<1x1x16xf32>,
        %swap3A_1328 = arith.constant 2 : i32
        %swap3A_1329 = arith.index_cast %swap3A_1328 : i32 to index
        %swap3A_1330 = arith.index_cast %add3A_1285 : i32 to index
        %swap3A_1331 = arith.constant 96 : index
        %swap3A_1332 = tpu.vector_load %arg8[%swap3A_1329, %swap3A_1330, %swap3A_1331] {strides = array<i32>} : memref<4x128x128xf32, #tpu.memory_space<vmem>>, vector<1x1x16xf32>,
        %swap3A_1333 = vector.shape_cast %swap3A_1332 : vector<1x1x16xf32> to vector<16xf32>
        %swap3A_1334 = vector.shape_cast %get3A_902 : vector<16xf32> to vector<1x1x16xf32>
        tpu.vector_store %arg8[%swap3A_1329, %swap3A_1330, %swap3A_1331], %swap3A_1334 {add = true, strides = array<i32>} : memref<4x128x128xf32, #tpu.memory_space<vmem>>, vector<1x1x16xf32>,
        %swap3A_1335 = arith.constant 2 : i32
        %swap3A_1336 = arith.index_cast %swap3A_1335 : i32 to index
        %swap3A_1337 = arith.index_cast %add3A_1285 : i32 to index
        %swap3A_1338 = arith.constant 112 : index
        %swap3A_1339 = tpu.vector_load %arg8[%swap3A_1336, %swap3A_1337, %swap3A_1338] {strides = array<i32>} : memref<4x128x128xf32, #tpu.memory_space<vmem>>, vector<1x1x16xf32>,
        %swap3A_1340 = vector.shape_cast %swap3A_1339 : vector<1x1x16xf32> to vector<16xf32>
        %swap3A_1341 = vector.shape_cast %get3A_906 : vector<16xf32> to vector<1x1x16xf32>
        tpu.vector_store %arg8[%swap3A_1336, %swap3A_1337, %swap3A_1338], %swap3A_1341 {add = true, strides = array<i32>} : memref<4x128x128xf32, #tpu.memory_space<vmem>>, vector<1x1x16xf32>,
        %mul3A_1342 = arith.constant 8 : i32
        %mul3A_1343 = arith.muli %scan3A_1102, %mul3A_1342 : i32
        %add3A_1344 = arith.constant 4 : i32
        %add3A_1345 = arith.addi %mul3A_1343, %add3A_1344 : i32
        %swap3A_1346 = arith.constant 2 : i32
        %swap3A_1347 = arith.index_cast %swap3A_1346 : i32 to index
        %swap3A_1348 = arith.index_cast %add3A_1345 : i32 to index
        %swap3A_1349 = arith.constant 0 : index
        %swap3A_1350 = tpu.vector_load %arg8[%swap3A_1347, %swap3A_1348, %swap3A_1349] {strides = array<i32>} : memref<4x128x128xf32, #tpu.memory_space<vmem>>, vector<1x1x16xf32>,
        %swap3A_1351 = vector.shape_cast %swap3A_1350 : vector<1x1x16xf32> to vector<16xf32>
        %swap3A_1352 = vector.shape_cast %get3A_878 : vector<16xf32> to vector<1x1x16xf32>
        tpu.vector_store %arg8[%swap3A_1347, %swap3A_1348, %swap3A_1349], %swap3A_1352 {add = true, strides = array<i32>} : memref<4x128x128xf32, #tpu.memory_space<vmem>>, vector<1x1x16xf32>,
        %swap3A_1353 = arith.constant 2 : i32
        %swap3A_1354 = arith.index_cast %swap3A_1353 : i32 to index
        %swap3A_1355 = arith.index_cast %add3A_1345 : i32 to index
        %swap3A_1356 = arith.constant 16 : index
        %swap3A_1357 = tpu.vector_load %arg8[%swap3A_1354, %swap3A_1355, %swap3A_1356] {strides = array<i32>} : memref<4x128x128xf32, #tpu.memory_space<vmem>>, vector<1x1x16xf32>,
        %swap3A_1358 = vector.shape_cast %swap3A_1357 : vector<1x1x16xf32> to vector<16xf32>
        %swap3A_1359 = vector.shape_cast %get3A_882 : vector<16xf32> to vector<1x1x16xf32>
        tpu.vector_store %arg8[%swap3A_1354, %swap3A_1355, %swap3A_1356], %swap3A_1359 {add = true, strides = array<i32>} : memref<4x128x128xf32, #tpu.memory_space<vmem>>, vector<1x1x16xf32>,
        %swap3A_1360 = arith.constant 2 : i32
        %swap3A_1361 = arith.index_cast %swap3A_1360 : i32 to index
        %swap3A_1362 = arith.index_cast %add3A_1345 : i32 to index
        %swap3A_1363 = arith.constant 32 : index
        %swap3A_1364 = tpu.vector_load %arg8[%swap3A_1361, %swap3A_1362, %swap3A_1363] {strides = array<i32>} : memref<4x128x128xf32, #tpu.memory_space<vmem>>, vector<1x1x16xf32>,
        %swap3A_1365 = vector.shape_cast %swap3A_1364 : vector<1x1x16xf32> to vector<16xf32>
        %swap3A_1366 = vector.shape_cast %get3A_886 : vector<16xf32> to vector<1x1x16xf32>
        tpu.vector_store %arg8[%swap3A_1361, %swap3A_1362, %swap3A_1363], %swap3A_1366 {add = true, strides = array<i32>} : memref<4x128x128xf32, #tpu.memory_space<vmem>>, vector<1x1x16xf32>,
        %swap3A_1367 = arith.constant 2 : i32
        %swap3A_1368 = arith.index_cast %swap3A_1367 : i32 to index
        %swap3A_1369 = arith.index_cast %add3A_1345 : i32 to index
        %swap3A_1370 = arith.constant 48 : index
        %swap3A_1371 = tpu.vector_load %arg8[%swap3A_1368, %swap3A_1369, %swap3A_1370] {strides = array<i32>} : memref<4x128x128xf32, #tpu.memory_space<vmem>>, vector<1x1x16xf32>,
        %swap3A_1372 = vector.shape_cast %swap3A_1371 : vector<1x1x16xf32> to vector<16xf32>
        %swap3A_1373 = vector.shape_cast %get3A_890 : vector<16xf32> to vector<1x1x16xf32>
        tpu.vector_store %arg8[%swap3A_1368, %swap3A_1369, %swap3A_1370], %swap3A_1373 {add = true, strides = array<i32>} : memref<4x128x128xf32, #tpu.memory_space<vmem>>, vector<1x1x16xf32>,
        %swap3A_1374 = arith.constant 2 : i32
        %swap3A_1375 = arith.index_cast %swap3A_1374 : i32 to index
        %swap3A_1376 = arith.index_cast %add3A_1345 : i32 to index
        %swap3A_1377 = arith.constant 64 : index
        %swap3A_1378 = tpu.vector_load %arg8[%swap3A_1375, %swap3A_1376, %swap3A_1377] {strides = array<i32>} : memref<4x128x128xf32, #tpu.memory_space<vmem>>, vector<1x1x16xf32>,
        %swap3A_1379 = vector.shape_cast %swap3A_1378 : vector<1x1x16xf32> to vector<16xf32>
        %swap3A_1380 = vector.shape_cast %get3A_894 : vector<16xf32> to vector<1x1x16xf32>
        tpu.vector_store %arg8[%swap3A_1375, %swap3A_1376, %swap3A_1377], %swap3A_1380 {add = true, strides = array<i32>} : memref<4x128x128xf32, #tpu.memory_space<vmem>>, vector<1x1x16xf32>,
        %swap3A_1381 = arith.constant 2 : i32
        %swap3A_1382 = arith.index_cast %swap3A_1381 : i32 to index
        %swap3A_1383 = arith.index_cast %add3A_1345 : i32 to index
        %swap3A_1384 = arith.constant 80 : index
        %swap3A_1385 = tpu.vector_load %arg8[%swap3A_1382, %swap3A_1383, %swap3A_1384] {strides = array<i32>} : memref<4x128x128xf32, #tpu.memory_space<vmem>>, vector<1x1x16xf32>,
        %swap3A_1386 = vector.shape_cast %swap3A_1385 : vector<1x1x16xf32> to vector<16xf32>
        %swap3A_1387 = vector.shape_cast %get3A_898 : vector<16xf32> to vector<1x1x16xf32>
        tpu.vector_store %arg8[%swap3A_1382, %swap3A_1383, %swap3A_1384], %swap3A_1387 {add = true, strides = array<i32>} : memref<4x128x128xf32, #tpu.memory_space<vmem>>, vector<1x1x16xf32>,
        %swap3A_1388 = arith.constant 2 : i32
        %swap3A_1389 = arith.index_cast %swap3A_1388 : i32 to index
        %swap3A_1390 = arith.index_cast %add3A_1345 : i32 to index
        %swap3A_1391 = arith.constant 96 : index
        %swap3A_1392 = tpu.vector_load %arg8[%swap3A_1389, %swap3A_1390, %swap3A_1391] {strides = array<i32>} : memref<4x128x128xf32, #tpu.memory_space<vmem>>, vector<1x1x16xf32>,
        %swap3A_1393 = vector.shape_cast %swap3A_1392 : vector<1x1x16xf32> to vector<16xf32>
        %swap3A_1394 = vector.shape_cast %get3A_902 : vector<16xf32> to vector<1x1x16xf32>
        tpu.vector_store %arg8[%swap3A_1389, %swap3A_1390, %swap3A_1391], %swap3A_1394 {add = true, strides = array<i32>} : memref<4x128x128xf32, #tpu.memory_space<vmem>>, vector<1x1x16xf32>,
        %swap3A_1395 = arith.constant 2 : i32
        %swap3A_1396 = arith.index_cast %swap3A_1395 : i32 to index
        %swap3A_1397 = arith.index_cast %add3A_1345 : i32 to index
        %swap3A_1398 = arith.constant 112 : index
        %swap3A_1399 = tpu.vector_load %arg8[%swap3A_1396, %swap3A_1397, %swap3A_1398] {strides = array<i32>} : memref<4x128x128xf32, #tpu.memory_space<vmem>>, vector<1x1x16xf32>,
        %swap3A_1400 = vector.shape_cast %swap3A_1399 : vector<1x1x16xf32> to vector<16xf32>
        %swap3A_1401 = vector.shape_cast %get3A_906 : vector<16xf32> to vector<1x1x16xf32>
        tpu.vector_store %arg8[%swap3A_1396, %swap3A_1397, %swap3A_1398], %swap3A_1401 {add = true, strides = array<i32>} : memref<4x128x128xf32, #tpu.memory_space<vmem>>, vector<1x1x16xf32>,
        %mul3A_1402 = arith.constant 8 : i32
        %mul3A_1403 = arith.muli %scan3A_1102, %mul3A_1402 : i32
        %add3A_1404 = arith.constant 5 : i32
        %add3A_1405 = arith.addi %mul3A_1403, %add3A_1404 : i32
        %swap3A_1406 = arith.constant 2 : i32
        %swap3A_1407 = arith.index_cast %swap3A_1406 : i32 to index
        %swap3A_1408 = arith.index_cast %add3A_1405 : i32 to index
        %swap3A_1409 = arith.constant 0 : index
        %swap3A_1410 = tpu.vector_load %arg8[%swap3A_1407, %swap3A_1408, %swap3A_1409] {strides = array<i32>} : memref<4x128x128xf32, #tpu.memory_space<vmem>>, vector<1x1x16xf32>,
        %swap3A_1411 = vector.shape_cast %swap3A_1410 : vector<1x1x16xf32> to vector<16xf32>
        %swap3A_1412 = vector.shape_cast %get3A_878 : vector<16xf32> to vector<1x1x16xf32>
        tpu.vector_store %arg8[%swap3A_1407, %swap3A_1408, %swap3A_1409], %swap3A_1412 {add = true, strides = array<i32>} : memref<4x128x128xf32, #tpu.memory_space<vmem>>, vector<1x1x16xf32>,
        %swap3A_1413 = arith.constant 2 : i32
        %swap3A_1414 = arith.index_cast %swap3A_1413 : i32 to index
        %swap3A_1415 = arith.index_cast %add3A_1405 : i32 to index
        %swap3A_1416 = arith.constant 16 : index
        %swap3A_1417 = tpu.vector_load %arg8[%swap3A_1414, %swap3A_1415, %swap3A_1416] {strides = array<i32>} : memref<4x128x128xf32, #tpu.memory_space<vmem>>, vector<1x1x16xf32>,
        %swap3A_1418 = vector.shape_cast %swap3A_1417 : vector<1x1x16xf32> to vector<16xf32>
        %swap3A_1419 = vector.shape_cast %get3A_882 : vector<16xf32> to vector<1x1x16xf32>
        tpu.vector_store %arg8[%swap3A_1414, %swap3A_1415, %swap3A_1416], %swap3A_1419 {add = true, strides = array<i32>} : memref<4x128x128xf32, #tpu.memory_space<vmem>>, vector<1x1x16xf32>,
        %swap3A_1420 = arith.constant 2 : i32
        %swap3A_1421 = arith.index_cast %swap3A_1420 : i32 to index
        %swap3A_1422 = arith.index_cast %add3A_1405 : i32 to index
        %swap3A_1423 = arith.constant 32 : index
        %swap3A_1424 = tpu.vector_load %arg8[%swap3A_1421, %swap3A_1422, %swap3A_1423] {strides = array<i32>} : memref<4x128x128xf32, #tpu.memory_space<vmem>>, vector<1x1x16xf32>,
        %swap3A_1425 = vector.shape_cast %swap3A_1424 : vector<1x1x16xf32> to vector<16xf32>
        %swap3A_1426 = vector.shape_cast %get3A_886 : vector<16xf32> to vector<1x1x16xf32>
        tpu.vector_store %arg8[%swap3A_1421, %swap3A_1422, %swap3A_1423], %swap3A_1426 {add = true, strides = array<i32>} : memref<4x128x128xf32, #tpu.memory_space<vmem>>, vector<1x1x16xf32>,
        %swap3A_1427 = arith.constant 2 : i32
        %swap3A_1428 = arith.index_cast %swap3A_1427 : i32 to index
        %swap3A_1429 = arith.index_cast %add3A_1405 : i32 to index
        %swap3A_1430 = arith.constant 48 : index
        %swap3A_1431 = tpu.vector_load %arg8[%swap3A_1428, %swap3A_1429, %swap3A_1430] {strides = array<i32>} : memref<4x128x128xf32, #tpu.memory_space<vmem>>, vector<1x1x16xf32>,
        %swap3A_1432 = vector.shape_cast %swap3A_1431 : vector<1x1x16xf32> to vector<16xf32>
        %swap3A_1433 = vector.shape_cast %get3A_890 : vector<16xf32> to vector<1x1x16xf32>
        tpu.vector_store %arg8[%swap3A_1428, %swap3A_1429, %swap3A_1430], %swap3A_1433 {add = true, strides = array<i32>} : memref<4x128x128xf32, #tpu.memory_space<vmem>>, vector<1x1x16xf32>,
        %swap3A_1434 = arith.constant 2 : i32
        %swap3A_1435 = arith.index_cast %swap3A_1434 : i32 to index
        %swap3A_1436 = arith.index_cast %add3A_1405 : i32 to index
        %swap3A_1437 = arith.constant 64 : index
        %swap3A_1438 = tpu.vector_load %arg8[%swap3A_1435, %swap3A_1436, %swap3A_1437] {strides = array<i32>} : memref<4x128x128xf32, #tpu.memory_space<vmem>>, vector<1x1x16xf32>,
        %swap3A_1439 = vector.shape_cast %swap3A_1438 : vector<1x1x16xf32> to vector<16xf32>
        %swap3A_1440 = vector.shape_cast %get3A_894 : vector<16xf32> to vector<1x1x16xf32>
        tpu.vector_store %arg8[%swap3A_1435, %swap3A_1436, %swap3A_1437], %swap3A_1440 {add = true, strides = array<i32>} : memref<4x128x128xf32, #tpu.memory_space<vmem>>, vector<1x1x16xf32>,
        %swap3A_1441 = arith.constant 2 : i32
        %swap3A_1442 = arith.index_cast %swap3A_1441 : i32 to index
        %swap3A_1443 = arith.index_cast %add3A_1405 : i32 to index
        %swap3A_1444 = arith.constant 80 : index
        %swap3A_1445 = tpu.vector_load %arg8[%swap3A_1442, %swap3A_1443, %swap3A_1444] {strides = array<i32>} : memref<4x128x128xf32, #tpu.memory_space<vmem>>, vector<1x1x16xf32>,
        %swap3A_1446 = vector.shape_cast %swap3A_1445 : vector<1x1x16xf32> to vector<16xf32>
        %swap3A_1447 = vector.shape_cast %get3A_898 : vector<16xf32> to vector<1x1x16xf32>
        tpu.vector_store %arg8[%swap3A_1442, %swap3A_1443, %swap3A_1444], %swap3A_1447 {add = true, strides = array<i32>} : memref<4x128x128xf32, #tpu.memory_space<vmem>>, vector<1x1x16xf32>,
        %swap3A_1448 = arith.constant 2 : i32
        %swap3A_1449 = arith.index_cast %swap3A_1448 : i32 to index
        %swap3A_1450 = arith.index_cast %add3A_1405 : i32 to index
        %swap3A_1451 = arith.constant 96 : index
        %swap3A_1452 = tpu.vector_load %arg8[%swap3A_1449, %swap3A_1450, %swap3A_1451] {strides = array<i32>} : memref<4x128x128xf32, #tpu.memory_space<vmem>>, vector<1x1x16xf32>,
        %swap3A_1453 = vector.shape_cast %swap3A_1452 : vector<1x1x16xf32> to vector<16xf32>
        %swap3A_1454 = vector.shape_cast %get3A_902 : vector<16xf32> to vector<1x1x16xf32>
        tpu.vector_store %arg8[%swap3A_1449, %swap3A_1450, %swap3A_1451], %swap3A_1454 {add = true, strides = array<i32>} : memref<4x128x128xf32, #tpu.memory_space<vmem>>, vector<1x1x16xf32>,
        %swap3A_1455 = arith.constant 2 : i32
        %swap3A_1456 = arith.index_cast %swap3A_1455 : i32 to index
        %swap3A_1457 = arith.index_cast %add3A_1405 : i32 to index
        %swap3A_1458 = arith.constant 112 : index
        %swap3A_1459 = tpu.vector_load %arg8[%swap3A_1456, %swap3A_1457, %swap3A_1458] {strides = array<i32>} : memref<4x128x128xf32, #tpu.memory_space<vmem>>, vector<1x1x16xf32>,
        %swap3A_1460 = vector.shape_cast %swap3A_1459 : vector<1x1x16xf32> to vector<16xf32>
        %swap3A_1461 = vector.shape_cast %get3A_906 : vector<16xf32> to vector<1x1x16xf32>
        tpu.vector_store %arg8[%swap3A_1456, %swap3A_1457, %swap3A_1458], %swap3A_1461 {add = true, strides = array<i32>} : memref<4x128x128xf32, #tpu.memory_space<vmem>>, vector<1x1x16xf32>,
        %mul3A_1462 = arith.constant 8 : i32
        %mul3A_1463 = arith.muli %scan3A_1102, %mul3A_1462 : i32
        %add3A_1464 = arith.constant 6 : i32
        %add3A_1465 = arith.addi %mul3A_1463, %add3A_1464 : i32
        %swap3A_1466 = arith.constant 2 : i32
        %swap3A_1467 = arith.index_cast %swap3A_1466 : i32 to index
        %swap3A_1468 = arith.index_cast %add3A_1465 : i32 to index
        %swap3A_1469 = arith.constant 0 : index
        %swap3A_1470 = tpu.vector_load %arg8[%swap3A_1467, %swap3A_1468, %swap3A_1469] {strides = array<i32>} : memref<4x128x128xf32, #tpu.memory_space<vmem>>, vector<1x1x16xf32>,
        %swap3A_1471 = vector.shape_cast %swap3A_1470 : vector<1x1x16xf32> to vector<16xf32>
        %swap3A_1472 = vector.shape_cast %get3A_878 : vector<16xf32> to vector<1x1x16xf32>
        tpu.vector_store %arg8[%swap3A_1467, %swap3A_1468, %swap3A_1469], %swap3A_1472 {add = true, strides = array<i32>} : memref<4x128x128xf32, #tpu.memory_space<vmem>>, vector<1x1x16xf32>,
        %swap3A_1473 = arith.constant 2 : i32
        %swap3A_1474 = arith.index_cast %swap3A_1473 : i32 to index
        %swap3A_1475 = arith.index_cast %add3A_1465 : i32 to index
        %swap3A_1476 = arith.constant 16 : index
        %swap3A_1477 = tpu.vector_load %arg8[%swap3A_1474, %swap3A_1475, %swap3A_1476] {strides = array<i32>} : memref<4x128x128xf32, #tpu.memory_space<vmem>>, vector<1x1x16xf32>,
        %swap3A_1478 = vector.shape_cast %swap3A_1477 : vector<1x1x16xf32> to vector<16xf32>
        %swap3A_1479 = vector.shape_cast %get3A_882 : vector<16xf32> to vector<1x1x16xf32>
        tpu.vector_store %arg8[%swap3A_1474, %swap3A_1475, %swap3A_1476], %swap3A_1479 {add = true, strides = array<i32>} : memref<4x128x128xf32, #tpu.memory_space<vmem>>, vector<1x1x16xf32>,
        %swap3A_1480 = arith.constant 2 : i32
        %swap3A_1481 = arith.index_cast %swap3A_1480 : i32 to index
        %swap3A_1482 = arith.index_cast %add3A_1465 : i32 to index
        %swap3A_1483 = arith.constant 32 : index
        %swap3A_1484 = tpu.vector_load %arg8[%swap3A_1481, %swap3A_1482, %swap3A_1483] {strides = array<i32>} : memref<4x128x128xf32, #tpu.memory_space<vmem>>, vector<1x1x16xf32>,
        %swap3A_1485 = vector.shape_cast %swap3A_1484 : vector<1x1x16xf32> to vector<16xf32>
        %swap3A_1486 = vector.shape_cast %get3A_886 : vector<16xf32> to vector<1x1x16xf32>
        tpu.vector_store %arg8[%swap3A_1481, %swap3A_1482, %swap3A_1483], %swap3A_1486 {add = true, strides = array<i32>} : memref<4x128x128xf32, #tpu.memory_space<vmem>>, vector<1x1x16xf32>,
        %swap3A_1487 = arith.constant 2 : i32
        %swap3A_1488 = arith.index_cast %swap3A_1487 : i32 to index
        %swap3A_1489 = arith.index_cast %add3A_1465 : i32 to index
        %swap3A_1490 = arith.constant 48 : index
        %swap3A_1491 = tpu.vector_load %arg8[%swap3A_1488, %swap3A_1489, %swap3A_1490] {strides = array<i32>} : memref<4x128x128xf32, #tpu.memory_space<vmem>>, vector<1x1x16xf32>,
        %swap3A_1492 = vector.shape_cast %swap3A_1491 : vector<1x1x16xf32> to vector<16xf32>
        %swap3A_1493 = vector.shape_cast %get3A_890 : vector<16xf32> to vector<1x1x16xf32>
        tpu.vector_store %arg8[%swap3A_1488, %swap3A_1489, %swap3A_1490], %swap3A_1493 {add = true, strides = array<i32>} : memref<4x128x128xf32, #tpu.memory_space<vmem>>, vector<1x1x16xf32>,
        %swap3A_1494 = arith.constant 2 : i32
        %swap3A_1495 = arith.index_cast %swap3A_1494 : i32 to index
        %swap3A_1496 = arith.index_cast %add3A_1465 : i32 to index
        %swap3A_1497 = arith.constant 64 : index
        %swap3A_1498 = tpu.vector_load %arg8[%swap3A_1495, %swap3A_1496, %swap3A_1497] {strides = array<i32>} : memref<4x128x128xf32, #tpu.memory_space<vmem>>, vector<1x1x16xf32>,
        %swap3A_1499 = vector.shape_cast %swap3A_1498 : vector<1x1x16xf32> to vector<16xf32>
        %swap3A_1500 = vector.shape_cast %get3A_894 : vector<16xf32> to vector<1x1x16xf32>
        tpu.vector_store %arg8[%swap3A_1495, %swap3A_1496, %swap3A_1497], %swap3A_1500 {add = true, strides = array<i32>} : memref<4x128x128xf32, #tpu.memory_space<vmem>>, vector<1x1x16xf32>,
        %swap3A_1501 = arith.constant 2 : i32
        %swap3A_1502 = arith.index_cast %swap3A_1501 : i32 to index
        %swap3A_1503 = arith.index_cast %add3A_1465 : i32 to index
        %swap3A_1504 = arith.constant 80 : index
        %swap3A_1505 = tpu.vector_load %arg8[%swap3A_1502, %swap3A_1503, %swap3A_1504] {strides = array<i32>} : memref<4x128x128xf32, #tpu.memory_space<vmem>>, vector<1x1x16xf32>,
        %swap3A_1506 = vector.shape_cast %swap3A_1505 : vector<1x1x16xf32> to vector<16xf32>
        %swap3A_1507 = vector.shape_cast %get3A_898 : vector<16xf32> to vector<1x1x16xf32>
        tpu.vector_store %arg8[%swap3A_1502, %swap3A_1503, %swap3A_1504], %swap3A_1507 {add = true, strides = array<i32>} : memref<4x128x128xf32, #tpu.memory_space<vmem>>, vector<1x1x16xf32>,
        %swap3A_1508 = arith.constant 2 : i32
        %swap3A_1509 = arith.index_cast %swap3A_1508 : i32 to index
        %swap3A_1510 = arith.index_cast %add3A_1465 : i32 to index
        %swap3A_1511 = arith.constant 96 : index
        %swap3A_1512 = tpu.vector_load %arg8[%swap3A_1509, %swap3A_1510, %swap3A_1511] {strides = array<i32>} : memref<4x128x128xf32, #tpu.memory_space<vmem>>, vector<1x1x16xf32>,
        %swap3A_1513 = vector.shape_cast %swap3A_1512 : vector<1x1x16xf32> to vector<16xf32>
        %swap3A_1514 = vector.shape_cast %get3A_902 : vector<16xf32> to vector<1x1x16xf32>
        tpu.vector_store %arg8[%swap3A_1509, %swap3A_1510, %swap3A_1511], %swap3A_1514 {add = true, strides = array<i32>} : memref<4x128x128xf32, #tpu.memory_space<vmem>>, vector<1x1x16xf32>,
        %swap3A_1515 = arith.constant 2 : i32
        %swap3A_1516 = arith.index_cast %swap3A_1515 : i32 to index
        %swap3A_1517 = arith.index_cast %add3A_1465 : i32 to index
        %swap3A_1518 = arith.constant 112 : index
        %swap3A_1519 = tpu.vector_load %arg8[%swap3A_1516, %swap3A_1517, %swap3A_1518] {strides = array<i32>} : memref<4x128x128xf32, #tpu.memory_space<vmem>>, vector<1x1x16xf32>,
        %swap3A_1520 = vector.shape_cast %swap3A_1519 : vector<1x1x16xf32> to vector<16xf32>
        %swap3A_1521 = vector.shape_cast %get3A_906 : vector<16xf32> to vector<1x1x16xf32>
        tpu.vector_store %arg8[%swap3A_1516, %swap3A_1517, %swap3A_1518], %swap3A_1521 {add = true, strides = array<i32>} : memref<4x128x128xf32, #tpu.memory_space<vmem>>, vector<1x1x16xf32>,
        %mul3A_1522 = arith.constant 8 : i32
        %mul3A_1523 = arith.muli %scan3A_1102, %mul3A_1522 : i32
        %add3A_1524 = arith.constant 7 : i32
        %add3A_1525 = arith.addi %mul3A_1523, %add3A_1524 : i32
        %swap3A_1526 = arith.constant 2 : i32
        %swap3A_1527 = arith.index_cast %swap3A_1526 : i32 to index
        %swap3A_1528 = arith.index_cast %add3A_1525 : i32 to index
        %swap3A_1529 = arith.constant 0 : index
        %swap3A_1530 = tpu.vector_load %arg8[%swap3A_1527, %swap3A_1528, %swap3A_1529] {strides = array<i32>} : memref<4x128x128xf32, #tpu.memory_space<vmem>>, vector<1x1x16xf32>,
        %swap3A_1531 = vector.shape_cast %swap3A_1530 : vector<1x1x16xf32> to vector<16xf32>
        %swap3A_1532 = vector.shape_cast %get3A_878 : vector<16xf32> to vector<1x1x16xf32>
        tpu.vector_store %arg8[%swap3A_1527, %swap3A_1528, %swap3A_1529], %swap3A_1532 {add = true, strides = array<i32>} : memref<4x128x128xf32, #tpu.memory_space<vmem>>, vector<1x1x16xf32>,
        %swap3A_1533 = arith.constant 2 : i32
        %swap3A_1534 = arith.index_cast %swap3A_1533 : i32 to index
        %swap3A_1535 = arith.index_cast %add3A_1525 : i32 to index
        %swap3A_1536 = arith.constant 16 : index
        %swap3A_1537 = tpu.vector_load %arg8[%swap3A_1534, %swap3A_1535, %swap3A_1536] {strides = array<i32>} : memref<4x128x128xf32, #tpu.memory_space<vmem>>, vector<1x1x16xf32>,
        %swap3A_1538 = vector.shape_cast %swap3A_1537 : vector<1x1x16xf32> to vector<16xf32>
        %swap3A_1539 = vector.shape_cast %get3A_882 : vector<16xf32> to vector<1x1x16xf32>
        tpu.vector_store %arg8[%swap3A_1534, %swap3A_1535, %swap3A_1536], %swap3A_1539 {add = true, strides = array<i32>} : memref<4x128x128xf32, #tpu.memory_space<vmem>>, vector<1x1x16xf32>,
        %swap3A_1540 = arith.constant 2 : i32
        %swap3A_1541 = arith.index_cast %swap3A_1540 : i32 to index
        %swap3A_1542 = arith.index_cast %add3A_1525 : i32 to index
        %swap3A_1543 = arith.constant 32 : index
        %swap3A_1544 = tpu.vector_load %arg8[%swap3A_1541, %swap3A_1542, %swap3A_1543] {strides = array<i32>} : memref<4x128x128xf32, #tpu.memory_space<vmem>>, vector<1x1x16xf32>,
        %swap3A_1545 = vector.shape_cast %swap3A_1544 : vector<1x1x16xf32> to vector<16xf32>
        %swap3A_1546 = vector.shape_cast %get3A_886 : vector<16xf32> to vector<1x1x16xf32>
        tpu.vector_store %arg8[%swap3A_1541, %swap3A_1542, %swap3A_1543], %swap3A_1546 {add = true, strides = array<i32>} : memref<4x128x128xf32, #tpu.memory_space<vmem>>, vector<1x1x16xf32>,
        %swap3A_1547 = arith.constant 2 : i32
        %swap3A_1548 = arith.index_cast %swap3A_1547 : i32 to index
        %swap3A_1549 = arith.index_cast %add3A_1525 : i32 to index
        %swap3A_1550 = arith.constant 48 : index
        %swap3A_1551 = tpu.vector_load %arg8[%swap3A_1548, %swap3A_1549, %swap3A_1550] {strides = array<i32>} : memref<4x128x128xf32, #tpu.memory_space<vmem>>, vector<1x1x16xf32>,
        %swap3A_1552 = vector.shape_cast %swap3A_1551 : vector<1x1x16xf32> to vector<16xf32>
        %swap3A_1553 = vector.shape_cast %get3A_890 : vector<16xf32> to vector<1x1x16xf32>
        tpu.vector_store %arg8[%swap3A_1548, %swap3A_1549, %swap3A_1550], %swap3A_1553 {add = true, strides = array<i32>} : memref<4x128x128xf32, #tpu.memory_space<vmem>>, vector<1x1x16xf32>,
        %swap3A_1554 = arith.constant 2 : i32
        %swap3A_1555 = arith.index_cast %swap3A_1554 : i32 to index
        %swap3A_1556 = arith.index_cast %add3A_1525 : i32 to index
        %swap3A_1557 = arith.constant 64 : index
        %swap3A_1558 = tpu.vector_load %arg8[%swap3A_1555, %swap3A_1556, %swap3A_1557] {strides = array<i32>} : memref<4x128x128xf32, #tpu.memory_space<vmem>>, vector<1x1x16xf32>,
        %swap3A_1559 = vector.shape_cast %swap3A_1558 : vector<1x1x16xf32> to vector<16xf32>
        %swap3A_1560 = vector.shape_cast %get3A_894 : vector<16xf32> to vector<1x1x16xf32>
        tpu.vector_store %arg8[%swap3A_1555, %swap3A_1556, %swap3A_1557], %swap3A_1560 {add = true, strides = array<i32>} : memref<4x128x128xf32, #tpu.memory_space<vmem>>, vector<1x1x16xf32>,
        %swap3A_1561 = arith.constant 2 : i32
        %swap3A_1562 = arith.index_cast %swap3A_1561 : i32 to index
        %swap3A_1563 = arith.index_cast %add3A_1525 : i32 to index
        %swap3A_1564 = arith.constant 80 : index
        %swap3A_1565 = tpu.vector_load %arg8[%swap3A_1562, %swap3A_1563, %swap3A_1564] {strides = array<i32>} : memref<4x128x128xf32, #tpu.memory_space<vmem>>, vector<1x1x16xf32>,
        %swap3A_1566 = vector.shape_cast %swap3A_1565 : vector<1x1x16xf32> to vector<16xf32>
        %swap3A_1567 = vector.shape_cast %get3A_898 : vector<16xf32> to vector<1x1x16xf32>
        tpu.vector_store %arg8[%swap3A_1562, %swap3A_1563, %swap3A_1564], %swap3A_1567 {add = true, strides = array<i32>} : memref<4x128x128xf32, #tpu.memory_space<vmem>>, vector<1x1x16xf32>,
        %swap3A_1568 = arith.constant 2 : i32
        %swap3A_1569 = arith.index_cast %swap3A_1568 : i32 to index
        %swap3A_1570 = arith.index_cast %add3A_1525 : i32 to index
        %swap3A_1571 = arith.constant 96 : index
        %swap3A_1572 = tpu.vector_load %arg8[%swap3A_1569, %swap3A_1570, %swap3A_1571] {strides = array<i32>} : memref<4x128x128xf32, #tpu.memory_space<vmem>>, vector<1x1x16xf32>,
        %swap3A_1573 = vector.shape_cast %swap3A_1572 : vector<1x1x16xf32> to vector<16xf32>
        %swap3A_1574 = vector.shape_cast %get3A_902 : vector<16xf32> to vector<1x1x16xf32>
        tpu.vector_store %arg8[%swap3A_1569, %swap3A_1570, %swap3A_1571], %swap3A_1574 {add = true, strides = array<i32>} : memref<4x128x128xf32, #tpu.memory_space<vmem>>, vector<1x1x16xf32>,
        %swap3A_1575 = arith.constant 2 : i32
        %swap3A_1576 = arith.index_cast %swap3A_1575 : i32 to index
        %swap3A_1577 = arith.index_cast %add3A_1525 : i32 to index
        %swap3A_1578 = arith.constant 112 : index
        %swap3A_1579 = tpu.vector_load %arg8[%swap3A_1576, %swap3A_1577, %swap3A_1578] {strides = array<i32>} : memref<4x128x128xf32, #tpu.memory_space<vmem>>, vector<1x1x16xf32>,
        %swap3A_1580 = vector.shape_cast %swap3A_1579 : vector<1x1x16xf32> to vector<16xf32>
        %swap3A_1581 = vector.shape_cast %get3A_906 : vector<16xf32> to vector<1x1x16xf32>
        tpu.vector_store %arg8[%swap3A_1576, %swap3A_1577, %swap3A_1578], %swap3A_1581 {add = true, strides = array<i32>} : memref<4x128x128xf32, #tpu.memory_space<vmem>>, vector<1x1x16xf32>,
      }
      %scan3A_912 = arith.constant 16 : i32
      %dma_start3A_913 = arith.constant 2 : i32
      %dma_start3A_914 = arith.constant 0 : i32
      %dma_start3A_915 = arith.constant 0 : i32
      %dma_start3A_916 = tpu.memref_slice %arg8[%dma_start3A_913, %dma_start3A_914, %dma_start3A_915] : memref<4x128x128xf32, #tpu.memory_space<vmem>> -> memref<1x128x128xf32, #tpu.memory_space<vmem>>
      %dma_start3A_917 = tpu.memref_squeeze %dma_start3A_916 : memref<1x128x128xf32, #tpu.memory_space<vmem>> -> memref<128x128xf32, #tpu.memory_space<vmem>>
      %dma_start3A_918 = arith.constant 0 : i32
      %dma_start3A_919 = tpu.memref_slice %arg5[%mul3A_2, %add3A_758, %dma_start3A_918] : memref<4096x200x128xf32, #tpu.memory_space<hbm>> -> memref<128x1x128xf32, #tpu.memory_space<hbm>>
      %dma_start3A_920 = tpu.memref_squeeze %dma_start3A_919 : memref<128x1x128xf32, #tpu.memory_space<hbm>> -> memref<128x128xf32, #tpu.memory_space<hbm>>
      %dma_start3A_921 = arith.constant 0 : i32
      %dma_start3A_922 = tpu.memref_slice %arg5[%mul3A_2, %add3A_758, %dma_start3A_921] : memref<4096x200x128xf32, #tpu.memory_space<hbm>> -> memref<128x1x128xf32, #tpu.memory_space<hbm>>
      %dma_start3A_923 = tpu.memref_squeeze %dma_start3A_922 : memref<128x1x128xf32, #tpu.memory_space<hbm>> -> memref<128x128xf32, #tpu.memory_space<hbm>>
      %dma_start3A_924 = arith.constant 0 : i32
      %dma_start3A_925 = arith.constant 0 : i32
      %dma_start3A_926 = tpu.memref_slice %arg8[%dma_start3A_913, %dma_start3A_924, %dma_start3A_925] : memref<4x128x128xf32, #tpu.memory_space<vmem>> -> memref<1x128x128xf32, #tpu.memory_space<vmem>>
      %dma_start3A_927 = tpu.memref_squeeze %dma_start3A_926 : memref<1x128x128xf32, #tpu.memory_space<vmem>> -> memref<128x128xf32, #tpu.memory_space<vmem>>
      tpu.enqueue_dma source(%dma_start3A_927 : memref<128x128xf32, #tpu.memory_space<vmem>>) target(%dma_start3A_923 : memref<128x128xf32, #tpu.memory_space<hbm>>) target_semaphore(%arg15 : memref<!tpu.dma_semaphore, #tpu.memory_space<semaphore_mem>>)
      %mul3A_928 = arith.constant 4 : i32
      %mul3A_929 = arith.muli %mul3A_928, %scan3A_245 : i32
      %add3A_930 = arith.constant 3 : i32
      %add3A_931 = arith.addi %mul3A_929, %add3A_930 : i32
      %dma_wait3A_932 = arith.constant 1 : i32
      %dma_wait3A_933 = arith.constant 0 : i32
      %dma_wait3A_934 = arith.constant 0 : i32
      %dma_wait3A_935 = arith.constant 0 : i32
      %dma_wait3A_936 = tpu.memref_slice %arg8[%dma_wait3A_932, %dma_wait3A_934, %dma_wait3A_935] : memref<4x128x128xf32, #tpu.memory_space<vmem>> -> memref<1x128x128xf32, #tpu.memory_space<vmem>>
      %dma_wait3A_937 = tpu.memref_squeeze %dma_wait3A_936 : memref<1x128x128xf32, #tpu.memory_space<vmem>> -> memref<128x128xf32, #tpu.memory_space<vmem>>
      %dma_wait3A_938 = arith.constant 0 : i32
      %dma_wait3A_939 = tpu.memref_slice %arg5[%mul3A_2, %dma_wait3A_933, %dma_wait3A_938] : memref<4096x200x128xf32, #tpu.memory_space<hbm>> -> memref<128x1x128xf32, #tpu.memory_space<hbm>>
      %dma_wait3A_940 = tpu.memref_squeeze %dma_wait3A_939 : memref<128x1x128xf32, #tpu.memory_space<hbm>> -> memref<128x128xf32, #tpu.memory_space<hbm>>
      %dma_wait3A_941 = arith.constant 0 : i32
      %dma_wait3A_942 = tpu.memref_slice %arg5[%mul3A_2, %dma_wait3A_933, %dma_wait3A_941] : memref<4096x200x128xf32, #tpu.memory_space<hbm>> -> memref<128x1x128xf32, #tpu.memory_space<hbm>>
      %dma_wait3A_943 = tpu.memref_squeeze %dma_wait3A_942 : memref<128x1x128xf32, #tpu.memory_space<hbm>> -> memref<128x128xf32, #tpu.memory_space<hbm>>
      %dma_wait3A_944 = arith.constant 0 : i32
      %dma_wait3A_945 = arith.constant 0 : i32
      %dma_wait3A_946 = tpu.memref_slice %arg8[%dma_wait3A_932, %dma_wait3A_944, %dma_wait3A_945] : memref<4x128x128xf32, #tpu.memory_space<vmem>> -> memref<1x128x128xf32, #tpu.memory_space<vmem>>
      %dma_wait3A_947 = tpu.memref_squeeze %dma_wait3A_946 : memref<1x128x128xf32, #tpu.memory_space<vmem>> -> memref<128x128xf32, #tpu.memory_space<vmem>>
      tpu.wait_dma2 semaphore(%arg14 : memref<!tpu.dma_semaphore, #tpu.memory_space<semaphore_mem>>) src(%dma_wait3A_947 : memref<128x128xf32, #tpu.memory_space<vmem>>) dst(%dma_wait3A_943 : memref<128x128xf32, #tpu.memory_space<hbm>>)
      %lt3A_948 = arith.constant 49 : i32
      %lt3A_949 = arith.cmpi slt, %scan3A_245, %lt3A_948 : i32
      %convert_element_type3A_950 = arith.extui %lt3A_949 : i1 to i32
      %cond3A_951 = arith.constant 0 : i32
      %cond3A_952 = arith.cmpi ne, %convert_element_type3A_950, %cond3A_951 : i32
      scf.if %cond3A_952 {
        %add3A_1102 = arith.constant 2 : i32
        %add3A_1103 = arith.addi %add3A_931, %add3A_1102 : i32
        %get3A_1104 = arith.index_cast %add3A_1103 : i32 to index
        %get3A_1105 = arith.constant 0 : index
        %get3A_1106 = tpu.vector_load %arg6[%get3A_1104, %get3A_1105] {strides = array<i32>} : memref<200x128xi32, #tpu.memory_space<vmem>>, vector<1x16xi32>,
        %get3A_1107 = vector.shape_cast %get3A_1106 : vector<1x16xi32> to vector<16xi32>
        %dma_start3A_1108 = arith.constant 1 : i32
        %dma_start3A_1109 = arith.constant 0 : i32
        %dma_start3A_1110 = arith.constant 0 : i32
        %dma_start3A_1111 = tpu.memref_slice %arg8[%dma_start3A_1108, %dma_start3A_1109, %dma_start3A_1110] : memref<4x128x128xf32, #tpu.memory_space<vmem>> -> memref<1x16x128xf32, #tpu.memory_space<vmem>>
        %dma_start3A_1112 = tpu.memref_squeeze %dma_start3A_1111 : memref<1x16x128xf32, #tpu.memory_space<vmem>> -> memref<16x128xf32, #tpu.memory_space<vmem>>
        %dma_start3A_1113 = arith.constant 0 : i32
        %dma_start3A_1114 = arith.constant 0 : i32
        %dma_start3A_1115 = tpu.memref_slice %arg3[%dma_start3A_1113, %dma_start3A_1114] : memref<1000000x128xf32, #tpu.memory_space<hbm>> -> memref<1000000x128xf32, #tpu.memory_space<hbm>>
        tpu.enqueue_indirect_dma source(%dma_start3A_1115 : memref<1000000x128xf32, #tpu.memory_space<hbm>>) target(%dma_start3A_1112 : memref<16x128xf32, #tpu.memory_space<vmem>>) offsets(%get3A_1107 : vector<16xi32>) semaphore(%arg10 : memref<!tpu.dma_semaphore, #tpu.memory_space<semaphore_mem>>)
        %get3A_1116 = arith.index_cast %add3A_1103 : i32 to index
        %get3A_1117 = arith.constant 16 : index
        %get3A_1118 = tpu.vector_load %arg6[%get3A_1116, %get3A_1117] {strides = array<i32>} : memref<200x128xi32, #tpu.memory_space<vmem>>, vector<1x16xi32>,
        %get3A_1119 = vector.shape_cast %get3A_1118 : vector<1x16xi32> to vector<16xi32>
        %dma_start3A_1120 = arith.constant 1 : i32
        %dma_start3A_1121 = arith.constant 16 : i32
        %dma_start3A_1122 = arith.constant 0 : i32
        %dma_start3A_1123 = tpu.memref_slice %arg8[%dma_start3A_1120, %dma_start3A_1121, %dma_start3A_1122] : memref<4x128x128xf32, #tpu.memory_space<vmem>> -> memref<1x16x128xf32, #tpu.memory_space<vmem>>
        %dma_start3A_1124 = tpu.memref_squeeze %dma_start3A_1123 : memref<1x16x128xf32, #tpu.memory_space<vmem>> -> memref<16x128xf32, #tpu.memory_space<vmem>>
        %dma_start3A_1125 = arith.constant 0 : i32
        %dma_start3A_1126 = arith.constant 0 : i32
        %dma_start3A_1127 = tpu.memref_slice %arg3[%dma_start3A_1125, %dma_start3A_1126] : memref<1000000x128xf32, #tpu.memory_space<hbm>> -> memref<1000000x128xf32, #tpu.memory_space<hbm>>
        tpu.enqueue_indirect_dma source(%dma_start3A_1127 : memref<1000000x128xf32, #tpu.memory_space<hbm>>) target(%dma_start3A_1124 : memref<16x128xf32, #tpu.memory_space<vmem>>) offsets(%get3A_1119 : vector<16xi32>) semaphore(%arg10 : memref<!tpu.dma_semaphore, #tpu.memory_space<semaphore_mem>>)
        %get3A_1128 = arith.index_cast %add3A_1103 : i32 to index
        %get3A_1129 = arith.constant 32 : index
        %get3A_1130 = tpu.vector_load %arg6[%get3A_1128, %get3A_1129] {strides = array<i32>} : memref<200x128xi32, #tpu.memory_space<vmem>>, vector<1x16xi32>,
        %get3A_1131 = vector.shape_cast %get3A_1130 : vector<1x16xi32> to vector<16xi32>
        %dma_start3A_1132 = arith.constant 1 : i32
        %dma_start3A_1133 = arith.constant 32 : i32
        %dma_start3A_1134 = arith.constant 0 : i32
        %dma_start3A_1135 = tpu.memref_slice %arg8[%dma_start3A_1132, %dma_start3A_1133, %dma_start3A_1134] : memref<4x128x128xf32, #tpu.memory_space<vmem>> -> memref<1x16x128xf32, #tpu.memory_space<vmem>>
        %dma_start3A_1136 = tpu.memref_squeeze %dma_start3A_1135 : memref<1x16x128xf32, #tpu.memory_space<vmem>> -> memref<16x128xf32, #tpu.memory_space<vmem>>
        %dma_start3A_1137 = arith.constant 0 : i32
        %dma_start3A_1138 = arith.constant 0 : i32
        %dma_start3A_1139 = tpu.memref_slice %arg3[%dma_start3A_1137, %dma_start3A_1138] : memref<1000000x128xf32, #tpu.memory_space<hbm>> -> memref<1000000x128xf32, #tpu.memory_space<hbm>>
        tpu.enqueue_indirect_dma source(%dma_start3A_1139 : memref<1000000x128xf32, #tpu.memory_space<hbm>>) target(%dma_start3A_1136 : memref<16x128xf32, #tpu.memory_space<vmem>>) offsets(%get3A_1131 : vector<16xi32>) semaphore(%arg10 : memref<!tpu.dma_semaphore, #tpu.memory_space<semaphore_mem>>)
        %get3A_1140 = arith.index_cast %add3A_1103 : i32 to index
        %get3A_1141 = arith.constant 48 : index
        %get3A_1142 = tpu.vector_load %arg6[%get3A_1140, %get3A_1141] {strides = array<i32>} : memref<200x128xi32, #tpu.memory_space<vmem>>, vector<1x16xi32>,
        %get3A_1143 = vector.shape_cast %get3A_1142 : vector<1x16xi32> to vector<16xi32>
        %dma_start3A_1144 = arith.constant 1 : i32
        %dma_start3A_1145 = arith.constant 48 : i32
        %dma_start3A_1146 = arith.constant 0 : i32
        %dma_start3A_1147 = tpu.memref_slice %arg8[%dma_start3A_1144, %dma_start3A_1145, %dma_start3A_1146] : memref<4x128x128xf32, #tpu.memory_space<vmem>> -> memref<1x16x128xf32, #tpu.memory_space<vmem>>
        %dma_start3A_1148 = tpu.memref_squeeze %dma_start3A_1147 : memref<1x16x128xf32, #tpu.memory_space<vmem>> -> memref<16x128xf32, #tpu.memory_space<vmem>>
        %dma_start3A_1149 = arith.constant 0 : i32
        %dma_start3A_1150 = arith.constant 0 : i32
        %dma_start3A_1151 = tpu.memref_slice %arg3[%dma_start3A_1149, %dma_start3A_1150] : memref<1000000x128xf32, #tpu.memory_space<hbm>> -> memref<1000000x128xf32, #tpu.memory_space<hbm>>
        tpu.enqueue_indirect_dma source(%dma_start3A_1151 : memref<1000000x128xf32, #tpu.memory_space<hbm>>) target(%dma_start3A_1148 : memref<16x128xf32, #tpu.memory_space<vmem>>) offsets(%get3A_1143 : vector<16xi32>) semaphore(%arg10 : memref<!tpu.dma_semaphore, #tpu.memory_space<semaphore_mem>>)
        %get3A_1152 = arith.index_cast %add3A_1103 : i32 to index
        %get3A_1153 = arith.constant 64 : index
        %get3A_1154 = tpu.vector_load %arg6[%get3A_1152, %get3A_1153] {strides = array<i32>} : memref<200x128xi32, #tpu.memory_space<vmem>>, vector<1x16xi32>,
        %get3A_1155 = vector.shape_cast %get3A_1154 : vector<1x16xi32> to vector<16xi32>
        %dma_start3A_1156 = arith.constant 1 : i32
        %dma_start3A_1157 = arith.constant 64 : i32
        %dma_start3A_1158 = arith.constant 0 : i32
        %dma_start3A_1159 = tpu.memref_slice %arg8[%dma_start3A_1156, %dma_start3A_1157, %dma_start3A_1158] : memref<4x128x128xf32, #tpu.memory_space<vmem>> -> memref<1x16x128xf32, #tpu.memory_space<vmem>>
        %dma_start3A_1160 = tpu.memref_squeeze %dma_start3A_1159 : memref<1x16x128xf32, #tpu.memory_space<vmem>> -> memref<16x128xf32, #tpu.memory_space<vmem>>
        %dma_start3A_1161 = arith.constant 0 : i32
        %dma_start3A_1162 = arith.constant 0 : i32
        %dma_start3A_1163 = tpu.memref_slice %arg3[%dma_start3A_1161, %dma_start3A_1162] : memref<1000000x128xf32, #tpu.memory_space<hbm>> -> memref<1000000x128xf32, #tpu.memory_space<hbm>>
        tpu.enqueue_indirect_dma source(%dma_start3A_1163 : memref<1000000x128xf32, #tpu.memory_space<hbm>>) target(%dma_start3A_1160 : memref<16x128xf32, #tpu.memory_space<vmem>>) offsets(%get3A_1155 : vector<16xi32>) semaphore(%arg10 : memref<!tpu.dma_semaphore, #tpu.memory_space<semaphore_mem>>)
        %get3A_1164 = arith.index_cast %add3A_1103 : i32 to index
        %get3A_1165 = arith.constant 80 : index
        %get3A_1166 = tpu.vector_load %arg6[%get3A_1164, %get3A_1165] {strides = array<i32>} : memref<200x128xi32, #tpu.memory_space<vmem>>, vector<1x16xi32>,
        %get3A_1167 = vector.shape_cast %get3A_1166 : vector<1x16xi32> to vector<16xi32>
        %dma_start3A_1168 = arith.constant 1 : i32
        %dma_start3A_1169 = arith.constant 80 : i32
        %dma_start3A_1170 = arith.constant 0 : i32
        %dma_start3A_1171 = tpu.memref_slice %arg8[%dma_start3A_1168, %dma_start3A_1169, %dma_start3A_1170] : memref<4x128x128xf32, #tpu.memory_space<vmem>> -> memref<1x16x128xf32, #tpu.memory_space<vmem>>
        %dma_start3A_1172 = tpu.memref_squeeze %dma_start3A_1171 : memref<1x16x128xf32, #tpu.memory_space<vmem>> -> memref<16x128xf32, #tpu.memory_space<vmem>>
        %dma_start3A_1173 = arith.constant 0 : i32
        %dma_start3A_1174 = arith.constant 0 : i32
        %dma_start3A_1175 = tpu.memref_slice %arg3[%dma_start3A_1173, %dma_start3A_1174] : memref<1000000x128xf32, #tpu.memory_space<hbm>> -> memref<1000000x128xf32, #tpu.memory_space<hbm>>
        tpu.enqueue_indirect_dma source(%dma_start3A_1175 : memref<1000000x128xf32, #tpu.memory_space<hbm>>) target(%dma_start3A_1172 : memref<16x128xf32, #tpu.memory_space<vmem>>) offsets(%get3A_1167 : vector<16xi32>) semaphore(%arg10 : memref<!tpu.dma_semaphore, #tpu.memory_space<semaphore_mem>>)
        %get3A_1176 = arith.index_cast %add3A_1103 : i32 to index
        %get3A_1177 = arith.constant 96 : index
        %get3A_1178 = tpu.vector_load %arg6[%get3A_1176, %get3A_1177] {strides = array<i32>} : memref<200x128xi32, #tpu.memory_space<vmem>>, vector<1x16xi32>,
        %get3A_1179 = vector.shape_cast %get3A_1178 : vector<1x16xi32> to vector<16xi32>
        %dma_start3A_1180 = arith.constant 1 : i32
        %dma_start3A_1181 = arith.constant 96 : i32
        %dma_start3A_1182 = arith.constant 0 : i32
        %dma_start3A_1183 = tpu.memref_slice %arg8[%dma_start3A_1180, %dma_start3A_1181, %dma_start3A_1182] : memref<4x128x128xf32, #tpu.memory_space<vmem>> -> memref<1x16x128xf32, #tpu.memory_space<vmem>>
        %dma_start3A_1184 = tpu.memref_squeeze %dma_start3A_1183 : memref<1x16x128xf32, #tpu.memory_space<vmem>> -> memref<16x128xf32, #tpu.memory_space<vmem>>
        %dma_start3A_1185 = arith.constant 0 : i32
        %dma_start3A_1186 = arith.constant 0 : i32
        %dma_start3A_1187 = tpu.memref_slice %arg3[%dma_start3A_1185, %dma_start3A_1186] : memref<1000000x128xf32, #tpu.memory_space<hbm>> -> memref<1000000x128xf32, #tpu.memory_space<hbm>>
        tpu.enqueue_indirect_dma source(%dma_start3A_1187 : memref<1000000x128xf32, #tpu.memory_space<hbm>>) target(%dma_start3A_1184 : memref<16x128xf32, #tpu.memory_space<vmem>>) offsets(%get3A_1179 : vector<16xi32>) semaphore(%arg10 : memref<!tpu.dma_semaphore, #tpu.memory_space<semaphore_mem>>)
        %get3A_1188 = arith.index_cast %add3A_1103 : i32 to index
        %get3A_1189 = arith.constant 112 : index
        %get3A_1190 = tpu.vector_load %arg6[%get3A_1188, %get3A_1189] {strides = array<i32>} : memref<200x128xi32, #tpu.memory_space<vmem>>, vector<1x16xi32>,
        %get3A_1191 = vector.shape_cast %get3A_1190 : vector<1x16xi32> to vector<16xi32>
        %dma_start3A_1192 = arith.constant 1 : i32
        %dma_start3A_1193 = arith.constant 112 : i32
        %dma_start3A_1194 = arith.constant 0 : i32
        %dma_start3A_1195 = tpu.memref_slice %arg8[%dma_start3A_1192, %dma_start3A_1193, %dma_start3A_1194] : memref<4x128x128xf32, #tpu.memory_space<vmem>> -> memref<1x16x128xf32, #tpu.memory_space<vmem>>
        %dma_start3A_1196 = tpu.memref_squeeze %dma_start3A_1195 : memref<1x16x128xf32, #tpu.memory_space<vmem>> -> memref<16x128xf32, #tpu.memory_space<vmem>>
        %dma_start3A_1197 = arith.constant 0 : i32
        %dma_start3A_1198 = arith.constant 0 : i32
        %dma_start3A_1199 = tpu.memref_slice %arg3[%dma_start3A_1197, %dma_start3A_1198] : memref<1000000x128xf32, #tpu.memory_space<hbm>> -> memref<1000000x128xf32, #tpu.memory_space<hbm>>
        tpu.enqueue_indirect_dma source(%dma_start3A_1199 : memref<1000000x128xf32, #tpu.memory_space<hbm>>) target(%dma_start3A_1196 : memref<16x128xf32, #tpu.memory_space<vmem>>) offsets(%get3A_1191 : vector<16xi32>) semaphore(%arg10 : memref<!tpu.dma_semaphore, #tpu.memory_space<semaphore_mem>>)
      } else {
      }
      %get3A_953 = arith.index_cast %add3A_931 : i32 to index
      %get3A_954 = arith.constant 0 : index
      %get3A_955 = tpu.vector_load %arg6[%get3A_953, %get3A_954] {strides = array<i32>} : memref<200x128xi32, #tpu.memory_space<vmem>>, vector<1x16xi32>,
      %get3A_956 = vector.shape_cast %get3A_955 : vector<1x16xi32> to vector<16xi32>
      %dma_wait3A_957 = arith.constant 3 : i32
      %dma_wait3A_958 = arith.constant 0 : i32
      %dma_wait3A_959 = arith.constant 0 : i32
      %dma_wait3A_960 = tpu.memref_slice %arg8[%dma_wait3A_957, %dma_wait3A_958, %dma_wait3A_959] : memref<4x128x128xf32, #tpu.memory_space<vmem>> -> memref<1x16x128xf32, #tpu.memory_space<vmem>>
      %dma_wait3A_961 = tpu.memref_squeeze %dma_wait3A_960 : memref<1x16x128xf32, #tpu.memory_space<vmem>> -> memref<16x128xf32, #tpu.memory_space<vmem>>
      %dma_wait3A_962 = arith.constant 0 : i32
      %dma_wait3A_963 = arith.constant 0 : i32
      %dma_wait3A_964 = tpu.memref_slice %arg3[%dma_wait3A_962, %dma_wait3A_963] : memref<1000000x128xf32, #tpu.memory_space<hbm>> -> memref<1000000x128xf32, #tpu.memory_space<hbm>>
      tpu.wait_indirect_dma semaphore(%arg12 : memref<!tpu.dma_semaphore, #tpu.memory_space<semaphore_mem>>) src(%dma_wait3A_964 : memref<1000000x128xf32, #tpu.memory_space<hbm>>) dst(%dma_wait3A_961 : memref<16x128xf32, #tpu.memory_space<vmem>>)
      %get3A_965 = arith.index_cast %add3A_931 : i32 to index
      %get3A_966 = arith.constant 16 : index
      %get3A_967 = tpu.vector_load %arg6[%get3A_965, %get3A_966] {strides = array<i32>} : memref<200x128xi32, #tpu.memory_space<vmem>>, vector<1x16xi32>,
      %get3A_968 = vector.shape_cast %get3A_967 : vector<1x16xi32> to vector<16xi32>
      %dma_wait3A_969 = arith.constant 3 : i32
      %dma_wait3A_970 = arith.constant 16 : i32
      %dma_wait3A_971 = arith.constant 0 : i32
      %dma_wait3A_972 = tpu.memref_slice %arg8[%dma_wait3A_969, %dma_wait3A_970, %dma_wait3A_971] : memref<4x128x128xf32, #tpu.memory_space<vmem>> -> memref<1x16x128xf32, #tpu.memory_space<vmem>>
      %dma_wait3A_973 = tpu.memref_squeeze %dma_wait3A_972 : memref<1x16x128xf32, #tpu.memory_space<vmem>> -> memref<16x128xf32, #tpu.memory_space<vmem>>
      %dma_wait3A_974 = arith.constant 0 : i32
      %dma_wait3A_975 = arith.constant 0 : i32
      %dma_wait3A_976 = tpu.memref_slice %arg3[%dma_wait3A_974, %dma_wait3A_975] : memref<1000000x128xf32, #tpu.memory_space<hbm>> -> memref<1000000x128xf32, #tpu.memory_space<hbm>>
      tpu.wait_indirect_dma semaphore(%arg12 : memref<!tpu.dma_semaphore, #tpu.memory_space<semaphore_mem>>) src(%dma_wait3A_976 : memref<1000000x128xf32, #tpu.memory_space<hbm>>) dst(%dma_wait3A_973 : memref<16x128xf32, #tpu.memory_space<vmem>>)
      %get3A_977 = arith.index_cast %add3A_931 : i32 to index
      %get3A_978 = arith.constant 32 : index
      %get3A_979 = tpu.vector_load %arg6[%get3A_977, %get3A_978] {strides = array<i32>} : memref<200x128xi32, #tpu.memory_space<vmem>>, vector<1x16xi32>,
      %get3A_980 = vector.shape_cast %get3A_979 : vector<1x16xi32> to vector<16xi32>
      %dma_wait3A_981 = arith.constant 3 : i32
      %dma_wait3A_982 = arith.constant 32 : i32
      %dma_wait3A_983 = arith.constant 0 : i32
      %dma_wait3A_984 = tpu.memref_slice %arg8[%dma_wait3A_981, %dma_wait3A_982, %dma_wait3A_983] : memref<4x128x128xf32, #tpu.memory_space<vmem>> -> memref<1x16x128xf32, #tpu.memory_space<vmem>>
      %dma_wait3A_985 = tpu.memref_squeeze %dma_wait3A_984 : memref<1x16x128xf32, #tpu.memory_space<vmem>> -> memref<16x128xf32, #tpu.memory_space<vmem>>
      %dma_wait3A_986 = arith.constant 0 : i32
      %dma_wait3A_987 = arith.constant 0 : i32
      %dma_wait3A_988 = tpu.memref_slice %arg3[%dma_wait3A_986, %dma_wait3A_987] : memref<1000000x128xf32, #tpu.memory_space<hbm>> -> memref<1000000x128xf32, #tpu.memory_space<hbm>>
      tpu.wait_indirect_dma semaphore(%arg12 : memref<!tpu.dma_semaphore, #tpu.memory_space<semaphore_mem>>) src(%dma_wait3A_988 : memref<1000000x128xf32, #tpu.memory_space<hbm>>) dst(%dma_wait3A_985 : memref<16x128xf32, #tpu.memory_space<vmem>>)
      %get3A_989 = arith.index_cast %add3A_931 : i32 to index
      %get3A_990 = arith.constant 48 : index
      %get3A_991 = tpu.vector_load %arg6[%get3A_989, %get3A_990] {strides = array<i32>} : memref<200x128xi32, #tpu.memory_space<vmem>>, vector<1x16xi32>,
      %get3A_992 = vector.shape_cast %get3A_991 : vector<1x16xi32> to vector<16xi32>
      %dma_wait3A_993 = arith.constant 3 : i32
      %dma_wait3A_994 = arith.constant 48 : i32
      %dma_wait3A_995 = arith.constant 0 : i32
      %dma_wait3A_996 = tpu.memref_slice %arg8[%dma_wait3A_993, %dma_wait3A_994, %dma_wait3A_995] : memref<4x128x128xf32, #tpu.memory_space<vmem>> -> memref<1x16x128xf32, #tpu.memory_space<vmem>>
      %dma_wait3A_997 = tpu.memref_squeeze %dma_wait3A_996 : memref<1x16x128xf32, #tpu.memory_space<vmem>> -> memref<16x128xf32, #tpu.memory_space<vmem>>
      %dma_wait3A_998 = arith.constant 0 : i32
      %dma_wait3A_999 = arith.constant 0 : i32
      %dma_wait3A_1000 = tpu.memref_slice %arg3[%dma_wait3A_998, %dma_wait3A_999] : memref<1000000x128xf32, #tpu.memory_space<hbm>> -> memref<1000000x128xf32, #tpu.memory_space<hbm>>
      tpu.wait_indirect_dma semaphore(%arg12 : memref<!tpu.dma_semaphore, #tpu.memory_space<semaphore_mem>>) src(%dma_wait3A_1000 : memref<1000000x128xf32, #tpu.memory_space<hbm>>) dst(%dma_wait3A_997 : memref<16x128xf32, #tpu.memory_space<vmem>>)
      %get3A_1001 = arith.index_cast %add3A_931 : i32 to index
      %get3A_1002 = arith.constant 64 : index
      %get3A_1003 = tpu.vector_load %arg6[%get3A_1001, %get3A_1002] {strides = array<i32>} : memref<200x128xi32, #tpu.memory_space<vmem>>, vector<1x16xi32>,
      %get3A_1004 = vector.shape_cast %get3A_1003 : vector<1x16xi32> to vector<16xi32>
      %dma_wait3A_1005 = arith.constant 3 : i32
      %dma_wait3A_1006 = arith.constant 64 : i32
      %dma_wait3A_1007 = arith.constant 0 : i32
      %dma_wait3A_1008 = tpu.memref_slice %arg8[%dma_wait3A_1005, %dma_wait3A_1006, %dma_wait3A_1007] : memref<4x128x128xf32, #tpu.memory_space<vmem>> -> memref<1x16x128xf32, #tpu.memory_space<vmem>>
      %dma_wait3A_1009 = tpu.memref_squeeze %dma_wait3A_1008 : memref<1x16x128xf32, #tpu.memory_space<vmem>> -> memref<16x128xf32, #tpu.memory_space<vmem>>
      %dma_wait3A_1010 = arith.constant 0 : i32
      %dma_wait3A_1011 = arith.constant 0 : i32
      %dma_wait3A_1012 = tpu.memref_slice %arg3[%dma_wait3A_1010, %dma_wait3A_1011] : memref<1000000x128xf32, #tpu.memory_space<hbm>> -> memref<1000000x128xf32, #tpu.memory_space<hbm>>
      tpu.wait_indirect_dma semaphore(%arg12 : memref<!tpu.dma_semaphore, #tpu.memory_space<semaphore_mem>>) src(%dma_wait3A_1012 : memref<1000000x128xf32, #tpu.memory_space<hbm>>) dst(%dma_wait3A_1009 : memref<16x128xf32, #tpu.memory_space<vmem>>)
      %get3A_1013 = arith.index_cast %add3A_931 : i32 to index
      %get3A_1014 = arith.constant 80 : index
      %get3A_1015 = tpu.vector_load %arg6[%get3A_1013, %get3A_1014] {strides = array<i32>} : memref<200x128xi32, #tpu.memory_space<vmem>>, vector<1x16xi32>,
      %get3A_1016 = vector.shape_cast %get3A_1015 : vector<1x16xi32> to vector<16xi32>
      %dma_wait3A_1017 = arith.constant 3 : i32
      %dma_wait3A_1018 = arith.constant 80 : i32
      %dma_wait3A_1019 = arith.constant 0 : i32
      %dma_wait3A_1020 = tpu.memref_slice %arg8[%dma_wait3A_1017, %dma_wait3A_1018, %dma_wait3A_1019] : memref<4x128x128xf32, #tpu.memory_space<vmem>> -> memref<1x16x128xf32, #tpu.memory_space<vmem>>
      %dma_wait3A_1021 = tpu.memref_squeeze %dma_wait3A_1020 : memref<1x16x128xf32, #tpu.memory_space<vmem>> -> memref<16x128xf32, #tpu.memory_space<vmem>>
      %dma_wait3A_1022 = arith.constant 0 : i32
      %dma_wait3A_1023 = arith.constant 0 : i32
      %dma_wait3A_1024 = tpu.memref_slice %arg3[%dma_wait3A_1022, %dma_wait3A_1023] : memref<1000000x128xf32, #tpu.memory_space<hbm>> -> memref<1000000x128xf32, #tpu.memory_space<hbm>>
      tpu.wait_indirect_dma semaphore(%arg12 : memref<!tpu.dma_semaphore, #tpu.memory_space<semaphore_mem>>) src(%dma_wait3A_1024 : memref<1000000x128xf32, #tpu.memory_space<hbm>>) dst(%dma_wait3A_1021 : memref<16x128xf32, #tpu.memory_space<vmem>>)
      %get3A_1025 = arith.index_cast %add3A_931 : i32 to index
      %get3A_1026 = arith.constant 96 : index
      %get3A_1027 = tpu.vector_load %arg6[%get3A_1025, %get3A_1026] {strides = array<i32>} : memref<200x128xi32, #tpu.memory_space<vmem>>, vector<1x16xi32>,
      %get3A_1028 = vector.shape_cast %get3A_1027 : vector<1x16xi32> to vector<16xi32>
      %dma_wait3A_1029 = arith.constant 3 : i32
      %dma_wait3A_1030 = arith.constant 96 : i32
      %dma_wait3A_1031 = arith.constant 0 : i32
      %dma_wait3A_1032 = tpu.memref_slice %arg8[%dma_wait3A_1029, %dma_wait3A_1030, %dma_wait3A_1031] : memref<4x128x128xf32, #tpu.memory_space<vmem>> -> memref<1x16x128xf32, #tpu.memory_space<vmem>>
      %dma_wait3A_1033 = tpu.memref_squeeze %dma_wait3A_1032 : memref<1x16x128xf32, #tpu.memory_space<vmem>> -> memref<16x128xf32, #tpu.memory_space<vmem>>
      %dma_wait3A_1034 = arith.constant 0 : i32
      %dma_wait3A_1035 = arith.constant 0 : i32
      %dma_wait3A_1036 = tpu.memref_slice %arg3[%dma_wait3A_1034, %dma_wait3A_1035] : memref<1000000x128xf32, #tpu.memory_space<hbm>> -> memref<1000000x128xf32, #tpu.memory_space<hbm>>
      tpu.wait_indirect_dma semaphore(%arg12 : memref<!tpu.dma_semaphore, #tpu.memory_space<semaphore_mem>>) src(%dma_wait3A_1036 : memref<1000000x128xf32, #tpu.memory_space<hbm>>) dst(%dma_wait3A_1033 : memref<16x128xf32, #tpu.memory_space<vmem>>)
      %get3A_1037 = arith.index_cast %add3A_931 : i32 to index
      %get3A_1038 = arith.constant 112 : index
      %get3A_1039 = tpu.vector_load %arg6[%get3A_1037, %get3A_1038] {strides = array<i32>} : memref<200x128xi32, #tpu.memory_space<vmem>>, vector<1x16xi32>,
      %get3A_1040 = vector.shape_cast %get3A_1039 : vector<1x16xi32> to vector<16xi32>
      %dma_wait3A_1041 = arith.constant 3 : i32
      %dma_wait3A_1042 = arith.constant 112 : i32
      %dma_wait3A_1043 = arith.constant 0 : i32
      %dma_wait3A_1044 = tpu.memref_slice %arg8[%dma_wait3A_1041, %dma_wait3A_1042, %dma_wait3A_1043] : memref<4x128x128xf32, #tpu.memory_space<vmem>> -> memref<1x16x128xf32, #tpu.memory_space<vmem>>
      %dma_wait3A_1045 = tpu.memref_squeeze %dma_wait3A_1044 : memref<1x16x128xf32, #tpu.memory_space<vmem>> -> memref<16x128xf32, #tpu.memory_space<vmem>>
      %dma_wait3A_1046 = arith.constant 0 : i32
      %dma_wait3A_1047 = arith.constant 0 : i32
      %dma_wait3A_1048 = tpu.memref_slice %arg3[%dma_wait3A_1046, %dma_wait3A_1047] : memref<1000000x128xf32, #tpu.memory_space<hbm>> -> memref<1000000x128xf32, #tpu.memory_space<hbm>>
      tpu.wait_indirect_dma semaphore(%arg12 : memref<!tpu.dma_semaphore, #tpu.memory_space<semaphore_mem>>) src(%dma_wait3A_1048 : memref<1000000x128xf32, #tpu.memory_space<hbm>>) dst(%dma_wait3A_1045 : memref<16x128xf32, #tpu.memory_space<vmem>>)
      %get3A_1049 = arith.index_cast %add3A_931 : i32 to index
      %get3A_1050 = arith.constant 0 : index
      %get3A_1051 = tpu.vector_load %arg7[%get3A_1049, %get3A_1050] {strides = array<i32>} : memref<200x128xf32, #tpu.memory_space<vmem>>, vector<1x16xf32>,
      %get3A_1052 = vector.shape_cast %get3A_1051 : vector<1x16xf32> to vector<16xf32>
      %get3A_1053 = arith.index_cast %add3A_931 : i32 to index
      %get3A_1054 = arith.constant 16 : index
      %get3A_1055 = tpu.vector_load %arg7[%get3A_1053, %get3A_1054] {strides = array<i32>} : memref<200x128xf32, #tpu.memory_space<vmem>>, vector<1x16xf32>,
      %get3A_1056 = vector.shape_cast %get3A_1055 : vector<1x16xf32> to vector<16xf32>
      %get3A_1057 = arith.index_cast %add3A_931 : i32 to index
      %get3A_1058 = arith.constant 32 : index
      %get3A_1059 = tpu.vector_load %arg7[%get3A_1057, %get3A_1058] {strides = array<i32>} : memref<200x128xf32, #tpu.memory_space<vmem>>, vector<1x16xf32>,
      %get3A_1060 = vector.shape_cast %get3A_1059 : vector<1x16xf32> to vector<16xf32>
      %get3A_1061 = arith.index_cast %add3A_931 : i32 to index
      %get3A_1062 = arith.constant 48 : index
      %get3A_1063 = tpu.vector_load %arg7[%get3A_1061, %get3A_1062] {strides = array<i32>} : memref<200x128xf32, #tpu.memory_space<vmem>>, vector<1x16xf32>,
      %get3A_1064 = vector.shape_cast %get3A_1063 : vector<1x16xf32> to vector<16xf32>
      %get3A_1065 = arith.index_cast %add3A_931 : i32 to index
      %get3A_1066 = arith.constant 64 : index
      %get3A_1067 = tpu.vector_load %arg7[%get3A_1065, %get3A_1066] {strides = array<i32>} : memref<200x128xf32, #tpu.memory_space<vmem>>, vector<1x16xf32>,
      %get3A_1068 = vector.shape_cast %get3A_1067 : vector<1x16xf32> to vector<16xf32>
      %get3A_1069 = arith.index_cast %add3A_931 : i32 to index
      %get3A_1070 = arith.constant 80 : index
      %get3A_1071 = tpu.vector_load %arg7[%get3A_1069, %get3A_1070] {strides = array<i32>} : memref<200x128xf32, #tpu.memory_space<vmem>>, vector<1x16xf32>,
      %get3A_1072 = vector.shape_cast %get3A_1071 : vector<1x16xf32> to vector<16xf32>
      %get3A_1073 = arith.index_cast %add3A_931 : i32 to index
      %get3A_1074 = arith.constant 96 : index
      %get3A_1075 = tpu.vector_load %arg7[%get3A_1073, %get3A_1074] {strides = array<i32>} : memref<200x128xf32, #tpu.memory_space<vmem>>, vector<1x16xf32>,
      %get3A_1076 = vector.shape_cast %get3A_1075 : vector<1x16xf32> to vector<16xf32>
      %get3A_1077 = arith.index_cast %add3A_931 : i32 to index
      %get3A_1078 = arith.constant 112 : index
      %get3A_1079 = tpu.vector_load %arg7[%get3A_1077, %get3A_1078] {strides = array<i32>} : memref<200x128xf32, #tpu.memory_space<vmem>>, vector<1x16xf32>,
      %get3A_1080 = vector.shape_cast %get3A_1079 : vector<1x16xf32> to vector<16xf32>
      %scan3A_1081 = arith.constant 0 : i32
      %scan3A_1082 = arith.constant 0 : i32
      %scan3A_1083 = arith.constant 16 : i32
      %scan3A_1084 = arith.addi %scan3A_1082, %scan3A_1083 : i32
      %scan3A_1085 = arith.constant 1 : i32
      scf.for %scan3A_1102 = %scan3A_1082 to %scan3A_1084 step %scan3A_1085  : i32 {
        %mul3A_1103 = arith.constant 8 : i32
        %mul3A_1104 = arith.muli %scan3A_1102, %mul3A_1103 : i32
        %add3A_1105 = arith.constant 0 : i32
        %add3A_1106 = arith.addi %mul3A_1104, %add3A_1105 : i32
        %swap3A = arith.constant 3 : i32
        %swap3A_1107 = arith.index_cast %swap3A : i32 to index
        %swap3A_1108 = arith.index_cast %add3A_1106 : i32 to index
        %swap3A_1109 = arith.constant 0 : index
        %swap3A_1110 = tpu.vector_load %arg8[%swap3A_1107, %swap3A_1108, %swap3A_1109] {strides = array<i32>} : memref<4x128x128xf32, #tpu.memory_space<vmem>>, vector<1x1x16xf32>,
        %swap3A_1111 = vector.shape_cast %swap3A_1110 : vector<1x1x16xf32> to vector<16xf32>
        %swap3A_1112 = vector.shape_cast %get3A_1052 : vector<16xf32> to vector<1x1x16xf32>
        tpu.vector_store %arg8[%swap3A_1107, %swap3A_1108, %swap3A_1109], %swap3A_1112 {add = true, strides = array<i32>} : memref<4x128x128xf32, #tpu.memory_space<vmem>>, vector<1x1x16xf32>,
        %swap3A_1113 = arith.constant 3 : i32
        %swap3A_1114 = arith.index_cast %swap3A_1113 : i32 to index
        %swap3A_1115 = arith.index_cast %add3A_1106 : i32 to index
        %swap3A_1116 = arith.constant 16 : index
        %swap3A_1117 = tpu.vector_load %arg8[%swap3A_1114, %swap3A_1115, %swap3A_1116] {strides = array<i32>} : memref<4x128x128xf32, #tpu.memory_space<vmem>>, vector<1x1x16xf32>,
        %swap3A_1118 = vector.shape_cast %swap3A_1117 : vector<1x1x16xf32> to vector<16xf32>
        %swap3A_1119 = vector.shape_cast %get3A_1056 : vector<16xf32> to vector<1x1x16xf32>
        tpu.vector_store %arg8[%swap3A_1114, %swap3A_1115, %swap3A_1116], %swap3A_1119 {add = true, strides = array<i32>} : memref<4x128x128xf32, #tpu.memory_space<vmem>>, vector<1x1x16xf32>,
        %swap3A_1120 = arith.constant 3 : i32
        %swap3A_1121 = arith.index_cast %swap3A_1120 : i32 to index
        %swap3A_1122 = arith.index_cast %add3A_1106 : i32 to index
        %swap3A_1123 = arith.constant 32 : index
        %swap3A_1124 = tpu.vector_load %arg8[%swap3A_1121, %swap3A_1122, %swap3A_1123] {strides = array<i32>} : memref<4x128x128xf32, #tpu.memory_space<vmem>>, vector<1x1x16xf32>,
        %swap3A_1125 = vector.shape_cast %swap3A_1124 : vector<1x1x16xf32> to vector<16xf32>
        %swap3A_1126 = vector.shape_cast %get3A_1060 : vector<16xf32> to vector<1x1x16xf32>
        tpu.vector_store %arg8[%swap3A_1121, %swap3A_1122, %swap3A_1123], %swap3A_1126 {add = true, strides = array<i32>} : memref<4x128x128xf32, #tpu.memory_space<vmem>>, vector<1x1x16xf32>,
        %swap3A_1127 = arith.constant 3 : i32
        %swap3A_1128 = arith.index_cast %swap3A_1127 : i32 to index
        %swap3A_1129 = arith.index_cast %add3A_1106 : i32 to index
        %swap3A_1130 = arith.constant 48 : index
        %swap3A_1131 = tpu.vector_load %arg8[%swap3A_1128, %swap3A_1129, %swap3A_1130] {strides = array<i32>} : memref<4x128x128xf32, #tpu.memory_space<vmem>>, vector<1x1x16xf32>,
        %swap3A_1132 = vector.shape_cast %swap3A_1131 : vector<1x1x16xf32> to vector<16xf32>
        %swap3A_1133 = vector.shape_cast %get3A_1064 : vector<16xf32> to vector<1x1x16xf32>
        tpu.vector_store %arg8[%swap3A_1128, %swap3A_1129, %swap3A_1130], %swap3A_1133 {add = true, strides = array<i32>} : memref<4x128x128xf32, #tpu.memory_space<vmem>>, vector<1x1x16xf32>,
        %swap3A_1134 = arith.constant 3 : i32
        %swap3A_1135 = arith.index_cast %swap3A_1134 : i32 to index
        %swap3A_1136 = arith.index_cast %add3A_1106 : i32 to index
        %swap3A_1137 = arith.constant 64 : index
        %swap3A_1138 = tpu.vector_load %arg8[%swap3A_1135, %swap3A_1136, %swap3A_1137] {strides = array<i32>} : memref<4x128x128xf32, #tpu.memory_space<vmem>>, vector<1x1x16xf32>,
        %swap3A_1139 = vector.shape_cast %swap3A_1138 : vector<1x1x16xf32> to vector<16xf32>
        %swap3A_1140 = vector.shape_cast %get3A_1068 : vector<16xf32> to vector<1x1x16xf32>
        tpu.vector_store %arg8[%swap3A_1135, %swap3A_1136, %swap3A_1137], %swap3A_1140 {add = true, strides = array<i32>} : memref<4x128x128xf32, #tpu.memory_space<vmem>>, vector<1x1x16xf32>,
        %swap3A_1141 = arith.constant 3 : i32
        %swap3A_1142 = arith.index_cast %swap3A_1141 : i32 to index
        %swap3A_1143 = arith.index_cast %add3A_1106 : i32 to index
        %swap3A_1144 = arith.constant 80 : index
        %swap3A_1145 = tpu.vector_load %arg8[%swap3A_1142, %swap3A_1143, %swap3A_1144] {strides = array<i32>} : memref<4x128x128xf32, #tpu.memory_space<vmem>>, vector<1x1x16xf32>,
        %swap3A_1146 = vector.shape_cast %swap3A_1145 : vector<1x1x16xf32> to vector<16xf32>
        %swap3A_1147 = vector.shape_cast %get3A_1072 : vector<16xf32> to vector<1x1x16xf32>
        tpu.vector_store %arg8[%swap3A_1142, %swap3A_1143, %swap3A_1144], %swap3A_1147 {add = true, strides = array<i32>} : memref<4x128x128xf32, #tpu.memory_space<vmem>>, vector<1x1x16xf32>,
        %swap3A_1148 = arith.constant 3 : i32
        %swap3A_1149 = arith.index_cast %swap3A_1148 : i32 to index
        %swap3A_1150 = arith.index_cast %add3A_1106 : i32 to index
        %swap3A_1151 = arith.constant 96 : index
        %swap3A_1152 = tpu.vector_load %arg8[%swap3A_1149, %swap3A_1150, %swap3A_1151] {strides = array<i32>} : memref<4x128x128xf32, #tpu.memory_space<vmem>>, vector<1x1x16xf32>,
        %swap3A_1153 = vector.shape_cast %swap3A_1152 : vector<1x1x16xf32> to vector<16xf32>
        %swap3A_1154 = vector.shape_cast %get3A_1076 : vector<16xf32> to vector<1x1x16xf32>
        tpu.vector_store %arg8[%swap3A_1149, %swap3A_1150, %swap3A_1151], %swap3A_1154 {add = true, strides = array<i32>} : memref<4x128x128xf32, #tpu.memory_space<vmem>>, vector<1x1x16xf32>,
        %swap3A_1155 = arith.constant 3 : i32
        %swap3A_1156 = arith.index_cast %swap3A_1155 : i32 to index
        %swap3A_1157 = arith.index_cast %add3A_1106 : i32 to index
        %swap3A_1158 = arith.constant 112 : index
        %swap3A_1159 = tpu.vector_load %arg8[%swap3A_1156, %swap3A_1157, %swap3A_1158] {strides = array<i32>} : memref<4x128x128xf32, #tpu.memory_space<vmem>>, vector<1x1x16xf32>,
        %swap3A_1160 = vector.shape_cast %swap3A_1159 : vector<1x1x16xf32> to vector<16xf32>
        %swap3A_1161 = vector.shape_cast %get3A_1080 : vector<16xf32> to vector<1x1x16xf32>
        tpu.vector_store %arg8[%swap3A_1156, %swap3A_1157, %swap3A_1158], %swap3A_1161 {add = true, strides = array<i32>} : memref<4x128x128xf32, #tpu.memory_space<vmem>>, vector<1x1x16xf32>,
        %mul3A_1162 = arith.constant 8 : i32
        %mul3A_1163 = arith.muli %scan3A_1102, %mul3A_1162 : i32
        %add3A_1164 = arith.constant 1 : i32
        %add3A_1165 = arith.addi %mul3A_1163, %add3A_1164 : i32
        %swap3A_1166 = arith.constant 3 : i32
        %swap3A_1167 = arith.index_cast %swap3A_1166 : i32 to index
        %swap3A_1168 = arith.index_cast %add3A_1165 : i32 to index
        %swap3A_1169 = arith.constant 0 : index
        %swap3A_1170 = tpu.vector_load %arg8[%swap3A_1167, %swap3A_1168, %swap3A_1169] {strides = array<i32>} : memref<4x128x128xf32, #tpu.memory_space<vmem>>, vector<1x1x16xf32>,
        %swap3A_1171 = vector.shape_cast %swap3A_1170 : vector<1x1x16xf32> to vector<16xf32>
        %swap3A_1172 = vector.shape_cast %get3A_1052 : vector<16xf32> to vector<1x1x16xf32>
        tpu.vector_store %arg8[%swap3A_1167, %swap3A_1168, %swap3A_1169], %swap3A_1172 {add = true, strides = array<i32>} : memref<4x128x128xf32, #tpu.memory_space<vmem>>, vector<1x1x16xf32>,
        %swap3A_1173 = arith.constant 3 : i32
        %swap3A_1174 = arith.index_cast %swap3A_1173 : i32 to index
        %swap3A_1175 = arith.index_cast %add3A_1165 : i32 to index
        %swap3A_1176 = arith.constant 16 : index
        %swap3A_1177 = tpu.vector_load %arg8[%swap3A_1174, %swap3A_1175, %swap3A_1176] {strides = array<i32>} : memref<4x128x128xf32, #tpu.memory_space<vmem>>, vector<1x1x16xf32>,
        %swap3A_1178 = vector.shape_cast %swap3A_1177 : vector<1x1x16xf32> to vector<16xf32>
        %swap3A_1179 = vector.shape_cast %get3A_1056 : vector<16xf32> to vector<1x1x16xf32>
        tpu.vector_store %arg8[%swap3A_1174, %swap3A_1175, %swap3A_1176], %swap3A_1179 {add = true, strides = array<i32>} : memref<4x128x128xf32, #tpu.memory_space<vmem>>, vector<1x1x16xf32>,
        %swap3A_1180 = arith.constant 3 : i32
        %swap3A_1181 = arith.index_cast %swap3A_1180 : i32 to index
        %swap3A_1182 = arith.index_cast %add3A_1165 : i32 to index
        %swap3A_1183 = arith.constant 32 : index
        %swap3A_1184 = tpu.vector_load %arg8[%swap3A_1181, %swap3A_1182, %swap3A_1183] {strides = array<i32>} : memref<4x128x128xf32, #tpu.memory_space<vmem>>, vector<1x1x16xf32>,
        %swap3A_1185 = vector.shape_cast %swap3A_1184 : vector<1x1x16xf32> to vector<16xf32>
        %swap3A_1186 = vector.shape_cast %get3A_1060 : vector<16xf32> to vector<1x1x16xf32>
        tpu.vector_store %arg8[%swap3A_1181, %swap3A_1182, %swap3A_1183], %swap3A_1186 {add = true, strides = array<i32>} : memref<4x128x128xf32, #tpu.memory_space<vmem>>, vector<1x1x16xf32>,
        %swap3A_1187 = arith.constant 3 : i32
        %swap3A_1188 = arith.index_cast %swap3A_1187 : i32 to index
        %swap3A_1189 = arith.index_cast %add3A_1165 : i32 to index
        %swap3A_1190 = arith.constant 48 : index
        %swap3A_1191 = tpu.vector_load %arg8[%swap3A_1188, %swap3A_1189, %swap3A_1190] {strides = array<i32>} : memref<4x128x128xf32, #tpu.memory_space<vmem>>, vector<1x1x16xf32>,
        %swap3A_1192 = vector.shape_cast %swap3A_1191 : vector<1x1x16xf32> to vector<16xf32>
        %swap3A_1193 = vector.shape_cast %get3A_1064 : vector<16xf32> to vector<1x1x16xf32>
        tpu.vector_store %arg8[%swap3A_1188, %swap3A_1189, %swap3A_1190], %swap3A_1193 {add = true, strides = array<i32>} : memref<4x128x128xf32, #tpu.memory_space<vmem>>, vector<1x1x16xf32>,
        %swap3A_1194 = arith.constant 3 : i32
        %swap3A_1195 = arith.index_cast %swap3A_1194 : i32 to index
        %swap3A_1196 = arith.index_cast %add3A_1165 : i32 to index
        %swap3A_1197 = arith.constant 64 : index
        %swap3A_1198 = tpu.vector_load %arg8[%swap3A_1195, %swap3A_1196, %swap3A_1197] {strides = array<i32>} : memref<4x128x128xf32, #tpu.memory_space<vmem>>, vector<1x1x16xf32>,
        %swap3A_1199 = vector.shape_cast %swap3A_1198 : vector<1x1x16xf32> to vector<16xf32>
        %swap3A_1200 = vector.shape_cast %get3A_1068 : vector<16xf32> to vector<1x1x16xf32>
        tpu.vector_store %arg8[%swap3A_1195, %swap3A_1196, %swap3A_1197], %swap3A_1200 {add = true, strides = array<i32>} : memref<4x128x128xf32, #tpu.memory_space<vmem>>, vector<1x1x16xf32>,
        %swap3A_1201 = arith.constant 3 : i32
        %swap3A_1202 = arith.index_cast %swap3A_1201 : i32 to index
        %swap3A_1203 = arith.index_cast %add3A_1165 : i32 to index
        %swap3A_1204 = arith.constant 80 : index
        %swap3A_1205 = tpu.vector_load %arg8[%swap3A_1202, %swap3A_1203, %swap3A_1204] {strides = array<i32>} : memref<4x128x128xf32, #tpu.memory_space<vmem>>, vector<1x1x16xf32>,
        %swap3A_1206 = vector.shape_cast %swap3A_1205 : vector<1x1x16xf32> to vector<16xf32>
        %swap3A_1207 = vector.shape_cast %get3A_1072 : vector<16xf32> to vector<1x1x16xf32>
        tpu.vector_store %arg8[%swap3A_1202, %swap3A_1203, %swap3A_1204], %swap3A_1207 {add = true, strides = array<i32>} : memref<4x128x128xf32, #tpu.memory_space<vmem>>, vector<1x1x16xf32>,
        %swap3A_1208 = arith.constant 3 : i32
        %swap3A_1209 = arith.index_cast %swap3A_1208 : i32 to index
        %swap3A_1210 = arith.index_cast %add3A_1165 : i32 to index
        %swap3A_1211 = arith.constant 96 : index
        %swap3A_1212 = tpu.vector_load %arg8[%swap3A_1209, %swap3A_1210, %swap3A_1211] {strides = array<i32>} : memref<4x128x128xf32, #tpu.memory_space<vmem>>, vector<1x1x16xf32>,
        %swap3A_1213 = vector.shape_cast %swap3A_1212 : vector<1x1x16xf32> to vector<16xf32>
        %swap3A_1214 = vector.shape_cast %get3A_1076 : vector<16xf32> to vector<1x1x16xf32>
        tpu.vector_store %arg8[%swap3A_1209, %swap3A_1210, %swap3A_1211], %swap3A_1214 {add = true, strides = array<i32>} : memref<4x128x128xf32, #tpu.memory_space<vmem>>, vector<1x1x16xf32>,
        %swap3A_1215 = arith.constant 3 : i32
        %swap3A_1216 = arith.index_cast %swap3A_1215 : i32 to index
        %swap3A_1217 = arith.index_cast %add3A_1165 : i32 to index
        %swap3A_1218 = arith.constant 112 : index
        %swap3A_1219 = tpu.vector_load %arg8[%swap3A_1216, %swap3A_1217, %swap3A_1218] {strides = array<i32>} : memref<4x128x128xf32, #tpu.memory_space<vmem>>, vector<1x1x16xf32>,
        %swap3A_1220 = vector.shape_cast %swap3A_1219 : vector<1x1x16xf32> to vector<16xf32>
        %swap3A_1221 = vector.shape_cast %get3A_1080 : vector<16xf32> to vector<1x1x16xf32>
        tpu.vector_store %arg8[%swap3A_1216, %swap3A_1217, %swap3A_1218], %swap3A_1221 {add = true, strides = array<i32>} : memref<4x128x128xf32, #tpu.memory_space<vmem>>, vector<1x1x16xf32>,
        %mul3A_1222 = arith.constant 8 : i32
        %mul3A_1223 = arith.muli %scan3A_1102, %mul3A_1222 : i32
        %add3A_1224 = arith.constant 2 : i32
        %add3A_1225 = arith.addi %mul3A_1223, %add3A_1224 : i32
        %swap3A_1226 = arith.constant 3 : i32
        %swap3A_1227 = arith.index_cast %swap3A_1226 : i32 to index
        %swap3A_1228 = arith.index_cast %add3A_1225 : i32 to index
        %swap3A_1229 = arith.constant 0 : index
        %swap3A_1230 = tpu.vector_load %arg8[%swap3A_1227, %swap3A_1228, %swap3A_1229] {strides = array<i32>} : memref<4x128x128xf32, #tpu.memory_space<vmem>>, vector<1x1x16xf32>,
        %swap3A_1231 = vector.shape_cast %swap3A_1230 : vector<1x1x16xf32> to vector<16xf32>
        %swap3A_1232 = vector.shape_cast %get3A_1052 : vector<16xf32> to vector<1x1x16xf32>
        tpu.vector_store %arg8[%swap3A_1227, %swap3A_1228, %swap3A_1229], %swap3A_1232 {add = true, strides = array<i32>} : memref<4x128x128xf32, #tpu.memory_space<vmem>>, vector<1x1x16xf32>,
        %swap3A_1233 = arith.constant 3 : i32
        %swap3A_1234 = arith.index_cast %swap3A_1233 : i32 to index
        %swap3A_1235 = arith.index_cast %add3A_1225 : i32 to index
        %swap3A_1236 = arith.constant 16 : index
        %swap3A_1237 = tpu.vector_load %arg8[%swap3A_1234, %swap3A_1235, %swap3A_1236] {strides = array<i32>} : memref<4x128x128xf32, #tpu.memory_space<vmem>>, vector<1x1x16xf32>,
        %swap3A_1238 = vector.shape_cast %swap3A_1237 : vector<1x1x16xf32> to vector<16xf32>
        %swap3A_1239 = vector.shape_cast %get3A_1056 : vector<16xf32> to vector<1x1x16xf32>
        tpu.vector_store %arg8[%swap3A_1234, %swap3A_1235, %swap3A_1236], %swap3A_1239 {add = true, strides = array<i32>} : memref<4x128x128xf32, #tpu.memory_space<vmem>>, vector<1x1x16xf32>,
        %swap3A_1240 = arith.constant 3 : i32
        %swap3A_1241 = arith.index_cast %swap3A_1240 : i32 to index
        %swap3A_1242 = arith.index_cast %add3A_1225 : i32 to index
        %swap3A_1243 = arith.constant 32 : index
        %swap3A_1244 = tpu.vector_load %arg8[%swap3A_1241, %swap3A_1242, %swap3A_1243] {strides = array<i32>} : memref<4x128x128xf32, #tpu.memory_space<vmem>>, vector<1x1x16xf32>,
        %swap3A_1245 = vector.shape_cast %swap3A_1244 : vector<1x1x16xf32> to vector<16xf32>
        %swap3A_1246 = vector.shape_cast %get3A_1060 : vector<16xf32> to vector<1x1x16xf32>
        tpu.vector_store %arg8[%swap3A_1241, %swap3A_1242, %swap3A_1243], %swap3A_1246 {add = true, strides = array<i32>} : memref<4x128x128xf32, #tpu.memory_space<vmem>>, vector<1x1x16xf32>,
        %swap3A_1247 = arith.constant 3 : i32
        %swap3A_1248 = arith.index_cast %swap3A_1247 : i32 to index
        %swap3A_1249 = arith.index_cast %add3A_1225 : i32 to index
        %swap3A_1250 = arith.constant 48 : index
        %swap3A_1251 = tpu.vector_load %arg8[%swap3A_1248, %swap3A_1249, %swap3A_1250] {strides = array<i32>} : memref<4x128x128xf32, #tpu.memory_space<vmem>>, vector<1x1x16xf32>,
        %swap3A_1252 = vector.shape_cast %swap3A_1251 : vector<1x1x16xf32> to vector<16xf32>
        %swap3A_1253 = vector.shape_cast %get3A_1064 : vector<16xf32> to vector<1x1x16xf32>
        tpu.vector_store %arg8[%swap3A_1248, %swap3A_1249, %swap3A_1250], %swap3A_1253 {add = true, strides = array<i32>} : memref<4x128x128xf32, #tpu.memory_space<vmem>>, vector<1x1x16xf32>,
        %swap3A_1254 = arith.constant 3 : i32
        %swap3A_1255 = arith.index_cast %swap3A_1254 : i32 to index
        %swap3A_1256 = arith.index_cast %add3A_1225 : i32 to index
        %swap3A_1257 = arith.constant 64 : index
        %swap3A_1258 = tpu.vector_load %arg8[%swap3A_1255, %swap3A_1256, %swap3A_1257] {strides = array<i32>} : memref<4x128x128xf32, #tpu.memory_space<vmem>>, vector<1x1x16xf32>,
        %swap3A_1259 = vector.shape_cast %swap3A_1258 : vector<1x1x16xf32> to vector<16xf32>
        %swap3A_1260 = vector.shape_cast %get3A_1068 : vector<16xf32> to vector<1x1x16xf32>
        tpu.vector_store %arg8[%swap3A_1255, %swap3A_1256, %swap3A_1257], %swap3A_1260 {add = true, strides = array<i32>} : memref<4x128x128xf32, #tpu.memory_space<vmem>>, vector<1x1x16xf32>,
        %swap3A_1261 = arith.constant 3 : i32
        %swap3A_1262 = arith.index_cast %swap3A_1261 : i32 to index
        %swap3A_1263 = arith.index_cast %add3A_1225 : i32 to index
        %swap3A_1264 = arith.constant 80 : index
        %swap3A_1265 = tpu.vector_load %arg8[%swap3A_1262, %swap3A_1263, %swap3A_1264] {strides = array<i32>} : memref<4x128x128xf32, #tpu.memory_space<vmem>>, vector<1x1x16xf32>,
        %swap3A_1266 = vector.shape_cast %swap3A_1265 : vector<1x1x16xf32> to vector<16xf32>
        %swap3A_1267 = vector.shape_cast %get3A_1072 : vector<16xf32> to vector<1x1x16xf32>
        tpu.vector_store %arg8[%swap3A_1262, %swap3A_1263, %swap3A_1264], %swap3A_1267 {add = true, strides = array<i32>} : memref<4x128x128xf32, #tpu.memory_space<vmem>>, vector<1x1x16xf32>,
        %swap3A_1268 = arith.constant 3 : i32
        %swap3A_1269 = arith.index_cast %swap3A_1268 : i32 to index
        %swap3A_1270 = arith.index_cast %add3A_1225 : i32 to index
        %swap3A_1271 = arith.constant 96 : index
        %swap3A_1272 = tpu.vector_load %arg8[%swap3A_1269, %swap3A_1270, %swap3A_1271] {strides = array<i32>} : memref<4x128x128xf32, #tpu.memory_space<vmem>>, vector<1x1x16xf32>,
        %swap3A_1273 = vector.shape_cast %swap3A_1272 : vector<1x1x16xf32> to vector<16xf32>
        %swap3A_1274 = vector.shape_cast %get3A_1076 : vector<16xf32> to vector<1x1x16xf32>
        tpu.vector_store %arg8[%swap3A_1269, %swap3A_1270, %swap3A_1271], %swap3A_1274 {add = true, strides = array<i32>} : memref<4x128x128xf32, #tpu.memory_space<vmem>>, vector<1x1x16xf32>,
        %swap3A_1275 = arith.constant 3 : i32
        %swap3A_1276 = arith.index_cast %swap3A_1275 : i32 to index
        %swap3A_1277 = arith.index_cast %add3A_1225 : i32 to index
        %swap3A_1278 = arith.constant 112 : index
        %swap3A_1279 = tpu.vector_load %arg8[%swap3A_1276, %swap3A_1277, %swap3A_1278] {strides = array<i32>} : memref<4x128x128xf32, #tpu.memory_space<vmem>>, vector<1x1x16xf32>,
        %swap3A_1280 = vector.shape_cast %swap3A_1279 : vector<1x1x16xf32> to vector<16xf32>
        %swap3A_1281 = vector.shape_cast %get3A_1080 : vector<16xf32> to vector<1x1x16xf32>
        tpu.vector_store %arg8[%swap3A_1276, %swap3A_1277, %swap3A_1278], %swap3A_1281 {add = true, strides = array<i32>} : memref<4x128x128xf32, #tpu.memory_space<vmem>>, vector<1x1x16xf32>,
        %mul3A_1282 = arith.constant 8 : i32
        %mul3A_1283 = arith.muli %scan3A_1102, %mul3A_1282 : i32
        %add3A_1284 = arith.constant 3 : i32
        %add3A_1285 = arith.addi %mul3A_1283, %add3A_1284 : i32
        %swap3A_1286 = arith.constant 3 : i32
        %swap3A_1287 = arith.index_cast %swap3A_1286 : i32 to index
        %swap3A_1288 = arith.index_cast %add3A_1285 : i32 to index
        %swap3A_1289 = arith.constant 0 : index
        %swap3A_1290 = tpu.vector_load %arg8[%swap3A_1287, %swap3A_1288, %swap3A_1289] {strides = array<i32>} : memref<4x128x128xf32, #tpu.memory_space<vmem>>, vector<1x1x16xf32>,
        %swap3A_1291 = vector.shape_cast %swap3A_1290 : vector<1x1x16xf32> to vector<16xf32>
        %swap3A_1292 = vector.shape_cast %get3A_1052 : vector<16xf32> to vector<1x1x16xf32>
        tpu.vector_store %arg8[%swap3A_1287, %swap3A_1288, %swap3A_1289], %swap3A_1292 {add = true, strides = array<i32>} : memref<4x128x128xf32, #tpu.memory_space<vmem>>, vector<1x1x16xf32>,
        %swap3A_1293 = arith.constant 3 : i32
        %swap3A_1294 = arith.index_cast %swap3A_1293 : i32 to index
        %swap3A_1295 = arith.index_cast %add3A_1285 : i32 to index
        %swap3A_1296 = arith.constant 16 : index
        %swap3A_1297 = tpu.vector_load %arg8[%swap3A_1294, %swap3A_1295, %swap3A_1296] {strides = array<i32>} : memref<4x128x128xf32, #tpu.memory_space<vmem>>, vector<1x1x16xf32>,
        %swap3A_1298 = vector.shape_cast %swap3A_1297 : vector<1x1x16xf32> to vector<16xf32>
        %swap3A_1299 = vector.shape_cast %get3A_1056 : vector<16xf32> to vector<1x1x16xf32>
        tpu.vector_store %arg8[%swap3A_1294, %swap3A_1295, %swap3A_1296], %swap3A_1299 {add = true, strides = array<i32>} : memref<4x128x128xf32, #tpu.memory_space<vmem>>, vector<1x1x16xf32>,
        %swap3A_1300 = arith.constant 3 : i32
        %swap3A_1301 = arith.index_cast %swap3A_1300 : i32 to index
        %swap3A_1302 = arith.index_cast %add3A_1285 : i32 to index
        %swap3A_1303 = arith.constant 32 : index
        %swap3A_1304 = tpu.vector_load %arg8[%swap3A_1301, %swap3A_1302, %swap3A_1303] {strides = array<i32>} : memref<4x128x128xf32, #tpu.memory_space<vmem>>, vector<1x1x16xf32>,
        %swap3A_1305 = vector.shape_cast %swap3A_1304 : vector<1x1x16xf32> to vector<16xf32>
        %swap3A_1306 = vector.shape_cast %get3A_1060 : vector<16xf32> to vector<1x1x16xf32>
        tpu.vector_store %arg8[%swap3A_1301, %swap3A_1302, %swap3A_1303], %swap3A_1306 {add = true, strides = array<i32>} : memref<4x128x128xf32, #tpu.memory_space<vmem>>, vector<1x1x16xf32>,
        %swap3A_1307 = arith.constant 3 : i32
        %swap3A_1308 = arith.index_cast %swap3A_1307 : i32 to index
        %swap3A_1309 = arith.index_cast %add3A_1285 : i32 to index
        %swap3A_1310 = arith.constant 48 : index
        %swap3A_1311 = tpu.vector_load %arg8[%swap3A_1308, %swap3A_1309, %swap3A_1310] {strides = array<i32>} : memref<4x128x128xf32, #tpu.memory_space<vmem>>, vector<1x1x16xf32>,
        %swap3A_1312 = vector.shape_cast %swap3A_1311 : vector<1x1x16xf32> to vector<16xf32>
        %swap3A_1313 = vector.shape_cast %get3A_1064 : vector<16xf32> to vector<1x1x16xf32>
        tpu.vector_store %arg8[%swap3A_1308, %swap3A_1309, %swap3A_1310], %swap3A_1313 {add = true, strides = array<i32>} : memref<4x128x128xf32, #tpu.memory_space<vmem>>, vector<1x1x16xf32>,
        %swap3A_1314 = arith.constant 3 : i32
        %swap3A_1315 = arith.index_cast %swap3A_1314 : i32 to index
        %swap3A_1316 = arith.index_cast %add3A_1285 : i32 to index
        %swap3A_1317 = arith.constant 64 : index
        %swap3A_1318 = tpu.vector_load %arg8[%swap3A_1315, %swap3A_1316, %swap3A_1317] {strides = array<i32>} : memref<4x128x128xf32, #tpu.memory_space<vmem>>, vector<1x1x16xf32>,
        %swap3A_1319 = vector.shape_cast %swap3A_1318 : vector<1x1x16xf32> to vector<16xf32>
        %swap3A_1320 = vector.shape_cast %get3A_1068 : vector<16xf32> to vector<1x1x16xf32>
        tpu.vector_store %arg8[%swap3A_1315, %swap3A_1316, %swap3A_1317], %swap3A_1320 {add = true, strides = array<i32>} : memref<4x128x128xf32, #tpu.memory_space<vmem>>, vector<1x1x16xf32>,
        %swap3A_1321 = arith.constant 3 : i32
        %swap3A_1322 = arith.index_cast %swap3A_1321 : i32 to index
        %swap3A_1323 = arith.index_cast %add3A_1285 : i32 to index
        %swap3A_1324 = arith.constant 80 : index
        %swap3A_1325 = tpu.vector_load %arg8[%swap3A_1322, %swap3A_1323, %swap3A_1324] {strides = array<i32>} : memref<4x128x128xf32, #tpu.memory_space<vmem>>, vector<1x1x16xf32>,
        %swap3A_1326 = vector.shape_cast %swap3A_1325 : vector<1x1x16xf32> to vector<16xf32>
        %swap3A_1327 = vector.shape_cast %get3A_1072 : vector<16xf32> to vector<1x1x16xf32>
        tpu.vector_store %arg8[%swap3A_1322, %swap3A_1323, %swap3A_1324], %swap3A_1327 {add = true, strides = array<i32>} : memref<4x128x128xf32, #tpu.memory_space<vmem>>, vector<1x1x16xf32>,
        %swap3A_1328 = arith.constant 3 : i32
        %swap3A_1329 = arith.index_cast %swap3A_1328 : i32 to index
        %swap3A_1330 = arith.index_cast %add3A_1285 : i32 to index
        %swap3A_1331 = arith.constant 96 : index
        %swap3A_1332 = tpu.vector_load %arg8[%swap3A_1329, %swap3A_1330, %swap3A_1331] {strides = array<i32>} : memref<4x128x128xf32, #tpu.memory_space<vmem>>, vector<1x1x16xf32>,
        %swap3A_1333 = vector.shape_cast %swap3A_1332 : vector<1x1x16xf32> to vector<16xf32>
        %swap3A_1334 = vector.shape_cast %get3A_1076 : vector<16xf32> to vector<1x1x16xf32>
        tpu.vector_store %arg8[%swap3A_1329, %swap3A_1330, %swap3A_1331], %swap3A_1334 {add = true, strides = array<i32>} : memref<4x128x128xf32, #tpu.memory_space<vmem>>, vector<1x1x16xf32>,
        %swap3A_1335 = arith.constant 3 : i32
        %swap3A_1336 = arith.index_cast %swap3A_1335 : i32 to index
        %swap3A_1337 = arith.index_cast %add3A_1285 : i32 to index
        %swap3A_1338 = arith.constant 112 : index
        %swap3A_1339 = tpu.vector_load %arg8[%swap3A_1336, %swap3A_1337, %swap3A_1338] {strides = array<i32>} : memref<4x128x128xf32, #tpu.memory_space<vmem>>, vector<1x1x16xf32>,
        %swap3A_1340 = vector.shape_cast %swap3A_1339 : vector<1x1x16xf32> to vector<16xf32>
        %swap3A_1341 = vector.shape_cast %get3A_1080 : vector<16xf32> to vector<1x1x16xf32>
        tpu.vector_store %arg8[%swap3A_1336, %swap3A_1337, %swap3A_1338], %swap3A_1341 {add = true, strides = array<i32>} : memref<4x128x128xf32, #tpu.memory_space<vmem>>, vector<1x1x16xf32>,
        %mul3A_1342 = arith.constant 8 : i32
        %mul3A_1343 = arith.muli %scan3A_1102, %mul3A_1342 : i32
        %add3A_1344 = arith.constant 4 : i32
        %add3A_1345 = arith.addi %mul3A_1343, %add3A_1344 : i32
        %swap3A_1346 = arith.constant 3 : i32
        %swap3A_1347 = arith.index_cast %swap3A_1346 : i32 to index
        %swap3A_1348 = arith.index_cast %add3A_1345 : i32 to index
        %swap3A_1349 = arith.constant 0 : index
        %swap3A_1350 = tpu.vector_load %arg8[%swap3A_1347, %swap3A_1348, %swap3A_1349] {strides = array<i32>} : memref<4x128x128xf32, #tpu.memory_space<vmem>>, vector<1x1x16xf32>,
        %swap3A_1351 = vector.shape_cast %swap3A_1350 : vector<1x1x16xf32> to vector<16xf32>
        %swap3A_1352 = vector.shape_cast %get3A_1052 : vector<16xf32> to vector<1x1x16xf32>
        tpu.vector_store %arg8[%swap3A_1347, %swap3A_1348, %swap3A_1349], %swap3A_1352 {add = true, strides = array<i32>} : memref<4x128x128xf32, #tpu.memory_space<vmem>>, vector<1x1x16xf32>,
        %swap3A_1353 = arith.constant 3 : i32
        %swap3A_1354 = arith.index_cast %swap3A_1353 : i32 to index
        %swap3A_1355 = arith.index_cast %add3A_1345 : i32 to index
        %swap3A_1356 = arith.constant 16 : index
        %swap3A_1357 = tpu.vector_load %arg8[%swap3A_1354, %swap3A_1355, %swap3A_1356] {strides = array<i32>} : memref<4x128x128xf32, #tpu.memory_space<vmem>>, vector<1x1x16xf32>,
        %swap3A_1358 = vector.shape_cast %swap3A_1357 : vector<1x1x16xf32> to vector<16xf32>
        %swap3A_1359 = vector.shape_cast %get3A_1056 : vector<16xf32> to vector<1x1x16xf32>
        tpu.vector_store %arg8[%swap3A_1354, %swap3A_1355, %swap3A_1356], %swap3A_1359 {add = true, strides = array<i32>} : memref<4x128x128xf32, #tpu.memory_space<vmem>>, vector<1x1x16xf32>,
        %swap3A_1360 = arith.constant 3 : i32
        %swap3A_1361 = arith.index_cast %swap3A_1360 : i32 to index
        %swap3A_1362 = arith.index_cast %add3A_1345 : i32 to index
        %swap3A_1363 = arith.constant 32 : index
        %swap3A_1364 = tpu.vector_load %arg8[%swap3A_1361, %swap3A_1362, %swap3A_1363] {strides = array<i32>} : memref<4x128x128xf32, #tpu.memory_space<vmem>>, vector<1x1x16xf32>,
        %swap3A_1365 = vector.shape_cast %swap3A_1364 : vector<1x1x16xf32> to vector<16xf32>
        %swap3A_1366 = vector.shape_cast %get3A_1060 : vector<16xf32> to vector<1x1x16xf32>
        tpu.vector_store %arg8[%swap3A_1361, %swap3A_1362, %swap3A_1363], %swap3A_1366 {add = true, strides = array<i32>} : memref<4x128x128xf32, #tpu.memory_space<vmem>>, vector<1x1x16xf32>,
        %swap3A_1367 = arith.constant 3 : i32
        %swap3A_1368 = arith.index_cast %swap3A_1367 : i32 to index
        %swap3A_1369 = arith.index_cast %add3A_1345 : i32 to index
        %swap3A_1370 = arith.constant 48 : index
        %swap3A_1371 = tpu.vector_load %arg8[%swap3A_1368, %swap3A_1369, %swap3A_1370] {strides = array<i32>} : memref<4x128x128xf32, #tpu.memory_space<vmem>>, vector<1x1x16xf32>,
        %swap3A_1372 = vector.shape_cast %swap3A_1371 : vector<1x1x16xf32> to vector<16xf32>
        %swap3A_1373 = vector.shape_cast %get3A_1064 : vector<16xf32> to vector<1x1x16xf32>
        tpu.vector_store %arg8[%swap3A_1368, %swap3A_1369, %swap3A_1370], %swap3A_1373 {add = true, strides = array<i32>} : memref<4x128x128xf32, #tpu.memory_space<vmem>>, vector<1x1x16xf32>,
        %swap3A_1374 = arith.constant 3 : i32
        %swap3A_1375 = arith.index_cast %swap3A_1374 : i32 to index
        %swap3A_1376 = arith.index_cast %add3A_1345 : i32 to index
        %swap3A_1377 = arith.constant 64 : index
        %swap3A_1378 = tpu.vector_load %arg8[%swap3A_1375, %swap3A_1376, %swap3A_1377] {strides = array<i32>} : memref<4x128x128xf32, #tpu.memory_space<vmem>>, vector<1x1x16xf32>,
        %swap3A_1379 = vector.shape_cast %swap3A_1378 : vector<1x1x16xf32> to vector<16xf32>
        %swap3A_1380 = vector.shape_cast %get3A_1068 : vector<16xf32> to vector<1x1x16xf32>
        tpu.vector_store %arg8[%swap3A_1375, %swap3A_1376, %swap3A_1377], %swap3A_1380 {add = true, strides = array<i32>} : memref<4x128x128xf32, #tpu.memory_space<vmem>>, vector<1x1x16xf32>,
        %swap3A_1381 = arith.constant 3 : i32
        %swap3A_1382 = arith.index_cast %swap3A_1381 : i32 to index
        %swap3A_1383 = arith.index_cast %add3A_1345 : i32 to index
        %swap3A_1384 = arith.constant 80 : index
        %swap3A_1385 = tpu.vector_load %arg8[%swap3A_1382, %swap3A_1383, %swap3A_1384] {strides = array<i32>} : memref<4x128x128xf32, #tpu.memory_space<vmem>>, vector<1x1x16xf32>,
        %swap3A_1386 = vector.shape_cast %swap3A_1385 : vector<1x1x16xf32> to vector<16xf32>
        %swap3A_1387 = vector.shape_cast %get3A_1072 : vector<16xf32> to vector<1x1x16xf32>
        tpu.vector_store %arg8[%swap3A_1382, %swap3A_1383, %swap3A_1384], %swap3A_1387 {add = true, strides = array<i32>} : memref<4x128x128xf32, #tpu.memory_space<vmem>>, vector<1x1x16xf32>,
        %swap3A_1388 = arith.constant 3 : i32
        %swap3A_1389 = arith.index_cast %swap3A_1388 : i32 to index
        %swap3A_1390 = arith.index_cast %add3A_1345 : i32 to index
        %swap3A_1391 = arith.constant 96 : index
        %swap3A_1392 = tpu.vector_load %arg8[%swap3A_1389, %swap3A_1390, %swap3A_1391] {strides = array<i32>} : memref<4x128x128xf32, #tpu.memory_space<vmem>>, vector<1x1x16xf32>,
        %swap3A_1393 = vector.shape_cast %swap3A_1392 : vector<1x1x16xf32> to vector<16xf32>
        %swap3A_1394 = vector.shape_cast %get3A_1076 : vector<16xf32> to vector<1x1x16xf32>
        tpu.vector_store %arg8[%swap3A_1389, %swap3A_1390, %swap3A_1391], %swap3A_1394 {add = true, strides = array<i32>} : memref<4x128x128xf32, #tpu.memory_space<vmem>>, vector<1x1x16xf32>,
        %swap3A_1395 = arith.constant 3 : i32
        %swap3A_1396 = arith.index_cast %swap3A_1395 : i32 to index
        %swap3A_1397 = arith.index_cast %add3A_1345 : i32 to index
        %swap3A_1398 = arith.constant 112 : index
        %swap3A_1399 = tpu.vector_load %arg8[%swap3A_1396, %swap3A_1397, %swap3A_1398] {strides = array<i32>} : memref<4x128x128xf32, #tpu.memory_space<vmem>>, vector<1x1x16xf32>,
        %swap3A_1400 = vector.shape_cast %swap3A_1399 : vector<1x1x16xf32> to vector<16xf32>
        %swap3A_1401 = vector.shape_cast %get3A_1080 : vector<16xf32> to vector<1x1x16xf32>
        tpu.vector_store %arg8[%swap3A_1396, %swap3A_1397, %swap3A_1398], %swap3A_1401 {add = true, strides = array<i32>} : memref<4x128x128xf32, #tpu.memory_space<vmem>>, vector<1x1x16xf32>,
        %mul3A_1402 = arith.constant 8 : i32
        %mul3A_1403 = arith.muli %scan3A_1102, %mul3A_1402 : i32
        %add3A_1404 = arith.constant 5 : i32
        %add3A_1405 = arith.addi %mul3A_1403, %add3A_1404 : i32
        %swap3A_1406 = arith.constant 3 : i32
        %swap3A_1407 = arith.index_cast %swap3A_1406 : i32 to index
        %swap3A_1408 = arith.index_cast %add3A_1405 : i32 to index
        %swap3A_1409 = arith.constant 0 : index
        %swap3A_1410 = tpu.vector_load %arg8[%swap3A_1407, %swap3A_1408, %swap3A_1409] {strides = array<i32>} : memref<4x128x128xf32, #tpu.memory_space<vmem>>, vector<1x1x16xf32>,
        %swap3A_1411 = vector.shape_cast %swap3A_1410 : vector<1x1x16xf32> to vector<16xf32>
        %swap3A_1412 = vector.shape_cast %get3A_1052 : vector<16xf32> to vector<1x1x16xf32>
        tpu.vector_store %arg8[%swap3A_1407, %swap3A_1408, %swap3A_1409], %swap3A_1412 {add = true, strides = array<i32>} : memref<4x128x128xf32, #tpu.memory_space<vmem>>, vector<1x1x16xf32>,
        %swap3A_1413 = arith.constant 3 : i32
        %swap3A_1414 = arith.index_cast %swap3A_1413 : i32 to index
        %swap3A_1415 = arith.index_cast %add3A_1405 : i32 to index
        %swap3A_1416 = arith.constant 16 : index
        %swap3A_1417 = tpu.vector_load %arg8[%swap3A_1414, %swap3A_1415, %swap3A_1416] {strides = array<i32>} : memref<4x128x128xf32, #tpu.memory_space<vmem>>, vector<1x1x16xf32>,
        %swap3A_1418 = vector.shape_cast %swap3A_1417 : vector<1x1x16xf32> to vector<16xf32>
        %swap3A_1419 = vector.shape_cast %get3A_1056 : vector<16xf32> to vector<1x1x16xf32>
        tpu.vector_store %arg8[%swap3A_1414, %swap3A_1415, %swap3A_1416], %swap3A_1419 {add = true, strides = array<i32>} : memref<4x128x128xf32, #tpu.memory_space<vmem>>, vector<1x1x16xf32>,
        %swap3A_1420 = arith.constant 3 : i32
        %swap3A_1421 = arith.index_cast %swap3A_1420 : i32 to index
        %swap3A_1422 = arith.index_cast %add3A_1405 : i32 to index
        %swap3A_1423 = arith.constant 32 : index
        %swap3A_1424 = tpu.vector_load %arg8[%swap3A_1421, %swap3A_1422, %swap3A_1423] {strides = array<i32>} : memref<4x128x128xf32, #tpu.memory_space<vmem>>, vector<1x1x16xf32>,
        %swap3A_1425 = vector.shape_cast %swap3A_1424 : vector<1x1x16xf32> to vector<16xf32>
        %swap3A_1426 = vector.shape_cast %get3A_1060 : vector<16xf32> to vector<1x1x16xf32>
        tpu.vector_store %arg8[%swap3A_1421, %swap3A_1422, %swap3A_1423], %swap3A_1426 {add = true, strides = array<i32>} : memref<4x128x128xf32, #tpu.memory_space<vmem>>, vector<1x1x16xf32>,
        %swap3A_1427 = arith.constant 3 : i32
        %swap3A_1428 = arith.index_cast %swap3A_1427 : i32 to index
        %swap3A_1429 = arith.index_cast %add3A_1405 : i32 to index
        %swap3A_1430 = arith.constant 48 : index
        %swap3A_1431 = tpu.vector_load %arg8[%swap3A_1428, %swap3A_1429, %swap3A_1430] {strides = array<i32>} : memref<4x128x128xf32, #tpu.memory_space<vmem>>, vector<1x1x16xf32>,
        %swap3A_1432 = vector.shape_cast %swap3A_1431 : vector<1x1x16xf32> to vector<16xf32>
        %swap3A_1433 = vector.shape_cast %get3A_1064 : vector<16xf32> to vector<1x1x16xf32>
        tpu.vector_store %arg8[%swap3A_1428, %swap3A_1429, %swap3A_1430], %swap3A_1433 {add = true, strides = array<i32>} : memref<4x128x128xf32, #tpu.memory_space<vmem>>, vector<1x1x16xf32>,
        %swap3A_1434 = arith.constant 3 : i32
        %swap3A_1435 = arith.index_cast %swap3A_1434 : i32 to index
        %swap3A_1436 = arith.index_cast %add3A_1405 : i32 to index
        %swap3A_1437 = arith.constant 64 : index
        %swap3A_1438 = tpu.vector_load %arg8[%swap3A_1435, %swap3A_1436, %swap3A_1437] {strides = array<i32>} : memref<4x128x128xf32, #tpu.memory_space<vmem>>, vector<1x1x16xf32>,
        %swap3A_1439 = vector.shape_cast %swap3A_1438 : vector<1x1x16xf32> to vector<16xf32>
        %swap3A_1440 = vector.shape_cast %get3A_1068 : vector<16xf32> to vector<1x1x16xf32>
        tpu.vector_store %arg8[%swap3A_1435, %swap3A_1436, %swap3A_1437], %swap3A_1440 {add = true, strides = array<i32>} : memref<4x128x128xf32, #tpu.memory_space<vmem>>, vector<1x1x16xf32>,
        %swap3A_1441 = arith.constant 3 : i32
        %swap3A_1442 = arith.index_cast %swap3A_1441 : i32 to index
        %swap3A_1443 = arith.index_cast %add3A_1405 : i32 to index
        %swap3A_1444 = arith.constant 80 : index
        %swap3A_1445 = tpu.vector_load %arg8[%swap3A_1442, %swap3A_1443, %swap3A_1444] {strides = array<i32>} : memref<4x128x128xf32, #tpu.memory_space<vmem>>, vector<1x1x16xf32>,
        %swap3A_1446 = vector.shape_cast %swap3A_1445 : vector<1x1x16xf32> to vector<16xf32>
        %swap3A_1447 = vector.shape_cast %get3A_1072 : vector<16xf32> to vector<1x1x16xf32>
        tpu.vector_store %arg8[%swap3A_1442, %swap3A_1443, %swap3A_1444], %swap3A_1447 {add = true, strides = array<i32>} : memref<4x128x128xf32, #tpu.memory_space<vmem>>, vector<1x1x16xf32>,
        %swap3A_1448 = arith.constant 3 : i32
        %swap3A_1449 = arith.index_cast %swap3A_1448 : i32 to index
        %swap3A_1450 = arith.index_cast %add3A_1405 : i32 to index
        %swap3A_1451 = arith.constant 96 : index
        %swap3A_1452 = tpu.vector_load %arg8[%swap3A_1449, %swap3A_1450, %swap3A_1451] {strides = array<i32>} : memref<4x128x128xf32, #tpu.memory_space<vmem>>, vector<1x1x16xf32>,
        %swap3A_1453 = vector.shape_cast %swap3A_1452 : vector<1x1x16xf32> to vector<16xf32>
        %swap3A_1454 = vector.shape_cast %get3A_1076 : vector<16xf32> to vector<1x1x16xf32>
        tpu.vector_store %arg8[%swap3A_1449, %swap3A_1450, %swap3A_1451], %swap3A_1454 {add = true, strides = array<i32>} : memref<4x128x128xf32, #tpu.memory_space<vmem>>, vector<1x1x16xf32>,
        %swap3A_1455 = arith.constant 3 : i32
        %swap3A_1456 = arith.index_cast %swap3A_1455 : i32 to index
        %swap3A_1457 = arith.index_cast %add3A_1405 : i32 to index
        %swap3A_1458 = arith.constant 112 : index
        %swap3A_1459 = tpu.vector_load %arg8[%swap3A_1456, %swap3A_1457, %swap3A_1458] {strides = array<i32>} : memref<4x128x128xf32, #tpu.memory_space<vmem>>, vector<1x1x16xf32>,
        %swap3A_1460 = vector.shape_cast %swap3A_1459 : vector<1x1x16xf32> to vector<16xf32>
        %swap3A_1461 = vector.shape_cast %get3A_1080 : vector<16xf32> to vector<1x1x16xf32>
        tpu.vector_store %arg8[%swap3A_1456, %swap3A_1457, %swap3A_1458], %swap3A_1461 {add = true, strides = array<i32>} : memref<4x128x128xf32, #tpu.memory_space<vmem>>, vector<1x1x16xf32>,
        %mul3A_1462 = arith.constant 8 : i32
        %mul3A_1463 = arith.muli %scan3A_1102, %mul3A_1462 : i32
        %add3A_1464 = arith.constant 6 : i32
        %add3A_1465 = arith.addi %mul3A_1463, %add3A_1464 : i32
        %swap3A_1466 = arith.constant 3 : i32
        %swap3A_1467 = arith.index_cast %swap3A_1466 : i32 to index
        %swap3A_1468 = arith.index_cast %add3A_1465 : i32 to index
        %swap3A_1469 = arith.constant 0 : index
        %swap3A_1470 = tpu.vector_load %arg8[%swap3A_1467, %swap3A_1468, %swap3A_1469] {strides = array<i32>} : memref<4x128x128xf32, #tpu.memory_space<vmem>>, vector<1x1x16xf32>,
        %swap3A_1471 = vector.shape_cast %swap3A_1470 : vector<1x1x16xf32> to vector<16xf32>
        %swap3A_1472 = vector.shape_cast %get3A_1052 : vector<16xf32> to vector<1x1x16xf32>
        tpu.vector_store %arg8[%swap3A_1467, %swap3A_1468, %swap3A_1469], %swap3A_1472 {add = true, strides = array<i32>} : memref<4x128x128xf32, #tpu.memory_space<vmem>>, vector<1x1x16xf32>,
        %swap3A_1473 = arith.constant 3 : i32
        %swap3A_1474 = arith.index_cast %swap3A_1473 : i32 to index
        %swap3A_1475 = arith.index_cast %add3A_1465 : i32 to index
        %swap3A_1476 = arith.constant 16 : index
        %swap3A_1477 = tpu.vector_load %arg8[%swap3A_1474, %swap3A_1475, %swap3A_1476] {strides = array<i32>} : memref<4x128x128xf32, #tpu.memory_space<vmem>>, vector<1x1x16xf32>,
        %swap3A_1478 = vector.shape_cast %swap3A_1477 : vector<1x1x16xf32> to vector<16xf32>
        %swap3A_1479 = vector.shape_cast %get3A_1056 : vector<16xf32> to vector<1x1x16xf32>
        tpu.vector_store %arg8[%swap3A_1474, %swap3A_1475, %swap3A_1476], %swap3A_1479 {add = true, strides = array<i32>} : memref<4x128x128xf32, #tpu.memory_space<vmem>>, vector<1x1x16xf32>,
        %swap3A_1480 = arith.constant 3 : i32
        %swap3A_1481 = arith.index_cast %swap3A_1480 : i32 to index
        %swap3A_1482 = arith.index_cast %add3A_1465 : i32 to index
        %swap3A_1483 = arith.constant 32 : index
        %swap3A_1484 = tpu.vector_load %arg8[%swap3A_1481, %swap3A_1482, %swap3A_1483] {strides = array<i32>} : memref<4x128x128xf32, #tpu.memory_space<vmem>>, vector<1x1x16xf32>,
        %swap3A_1485 = vector.shape_cast %swap3A_1484 : vector<1x1x16xf32> to vector<16xf32>
        %swap3A_1486 = vector.shape_cast %get3A_1060 : vector<16xf32> to vector<1x1x16xf32>
        tpu.vector_store %arg8[%swap3A_1481, %swap3A_1482, %swap3A_1483], %swap3A_1486 {add = true, strides = array<i32>} : memref<4x128x128xf32, #tpu.memory_space<vmem>>, vector<1x1x16xf32>,
        %swap3A_1487 = arith.constant 3 : i32
        %swap3A_1488 = arith.index_cast %swap3A_1487 : i32 to index
        %swap3A_1489 = arith.index_cast %add3A_1465 : i32 to index
        %swap3A_1490 = arith.constant 48 : index
        %swap3A_1491 = tpu.vector_load %arg8[%swap3A_1488, %swap3A_1489, %swap3A_1490] {strides = array<i32>} : memref<4x128x128xf32, #tpu.memory_space<vmem>>, vector<1x1x16xf32>,
        %swap3A_1492 = vector.shape_cast %swap3A_1491 : vector<1x1x16xf32> to vector<16xf32>
        %swap3A_1493 = vector.shape_cast %get3A_1064 : vector<16xf32> to vector<1x1x16xf32>
        tpu.vector_store %arg8[%swap3A_1488, %swap3A_1489, %swap3A_1490], %swap3A_1493 {add = true, strides = array<i32>} : memref<4x128x128xf32, #tpu.memory_space<vmem>>, vector<1x1x16xf32>,
        %swap3A_1494 = arith.constant 3 : i32
        %swap3A_1495 = arith.index_cast %swap3A_1494 : i32 to index
        %swap3A_1496 = arith.index_cast %add3A_1465 : i32 to index
        %swap3A_1497 = arith.constant 64 : index
        %swap3A_1498 = tpu.vector_load %arg8[%swap3A_1495, %swap3A_1496, %swap3A_1497] {strides = array<i32>} : memref<4x128x128xf32, #tpu.memory_space<vmem>>, vector<1x1x16xf32>,
        %swap3A_1499 = vector.shape_cast %swap3A_1498 : vector<1x1x16xf32> to vector<16xf32>
        %swap3A_1500 = vector.shape_cast %get3A_1068 : vector<16xf32> to vector<1x1x16xf32>
        tpu.vector_store %arg8[%swap3A_1495, %swap3A_1496, %swap3A_1497], %swap3A_1500 {add = true, strides = array<i32>} : memref<4x128x128xf32, #tpu.memory_space<vmem>>, vector<1x1x16xf32>,
        %swap3A_1501 = arith.constant 3 : i32
        %swap3A_1502 = arith.index_cast %swap3A_1501 : i32 to index
        %swap3A_1503 = arith.index_cast %add3A_1465 : i32 to index
        %swap3A_1504 = arith.constant 80 : index
        %swap3A_1505 = tpu.vector_load %arg8[%swap3A_1502, %swap3A_1503, %swap3A_1504] {strides = array<i32>} : memref<4x128x128xf32, #tpu.memory_space<vmem>>, vector<1x1x16xf32>,
        %swap3A_1506 = vector.shape_cast %swap3A_1505 : vector<1x1x16xf32> to vector<16xf32>
        %swap3A_1507 = vector.shape_cast %get3A_1072 : vector<16xf32> to vector<1x1x16xf32>
        tpu.vector_store %arg8[%swap3A_1502, %swap3A_1503, %swap3A_1504], %swap3A_1507 {add = true, strides = array<i32>} : memref<4x128x128xf32, #tpu.memory_space<vmem>>, vector<1x1x16xf32>,
        %swap3A_1508 = arith.constant 3 : i32
        %swap3A_1509 = arith.index_cast %swap3A_1508 : i32 to index
        %swap3A_1510 = arith.index_cast %add3A_1465 : i32 to index
        %swap3A_1511 = arith.constant 96 : index
        %swap3A_1512 = tpu.vector_load %arg8[%swap3A_1509, %swap3A_1510, %swap3A_1511] {strides = array<i32>} : memref<4x128x128xf32, #tpu.memory_space<vmem>>, vector<1x1x16xf32>,
        %swap3A_1513 = vector.shape_cast %swap3A_1512 : vector<1x1x16xf32> to vector<16xf32>
        %swap3A_1514 = vector.shape_cast %get3A_1076 : vector<16xf32> to vector<1x1x16xf32>
        tpu.vector_store %arg8[%swap3A_1509, %swap3A_1510, %swap3A_1511], %swap3A_1514 {add = true, strides = array<i32>} : memref<4x128x128xf32, #tpu.memory_space<vmem>>, vector<1x1x16xf32>,
        %swap3A_1515 = arith.constant 3 : i32
        %swap3A_1516 = arith.index_cast %swap3A_1515 : i32 to index
        %swap3A_1517 = arith.index_cast %add3A_1465 : i32 to index
        %swap3A_1518 = arith.constant 112 : index
        %swap3A_1519 = tpu.vector_load %arg8[%swap3A_1516, %swap3A_1517, %swap3A_1518] {strides = array<i32>} : memref<4x128x128xf32, #tpu.memory_space<vmem>>, vector<1x1x16xf32>,
        %swap3A_1520 = vector.shape_cast %swap3A_1519 : vector<1x1x16xf32> to vector<16xf32>
        %swap3A_1521 = vector.shape_cast %get3A_1080 : vector<16xf32> to vector<1x1x16xf32>
        tpu.vector_store %arg8[%swap3A_1516, %swap3A_1517, %swap3A_1518], %swap3A_1521 {add = true, strides = array<i32>} : memref<4x128x128xf32, #tpu.memory_space<vmem>>, vector<1x1x16xf32>,
        %mul3A_1522 = arith.constant 8 : i32
        %mul3A_1523 = arith.muli %scan3A_1102, %mul3A_1522 : i32
        %add3A_1524 = arith.constant 7 : i32
        %add3A_1525 = arith.addi %mul3A_1523, %add3A_1524 : i32
        %swap3A_1526 = arith.constant 3 : i32
        %swap3A_1527 = arith.index_cast %swap3A_1526 : i32 to index
        %swap3A_1528 = arith.index_cast %add3A_1525 : i32 to index
        %swap3A_1529 = arith.constant 0 : index
        %swap3A_1530 = tpu.vector_load %arg8[%swap3A_1527, %swap3A_1528, %swap3A_1529] {strides = array<i32>} : memref<4x128x128xf32, #tpu.memory_space<vmem>>, vector<1x1x16xf32>,
        %swap3A_1531 = vector.shape_cast %swap3A_1530 : vector<1x1x16xf32> to vector<16xf32>
        %swap3A_1532 = vector.shape_cast %get3A_1052 : vector<16xf32> to vector<1x1x16xf32>
        tpu.vector_store %arg8[%swap3A_1527, %swap3A_1528, %swap3A_1529], %swap3A_1532 {add = true, strides = array<i32>} : memref<4x128x128xf32, #tpu.memory_space<vmem>>, vector<1x1x16xf32>,
        %swap3A_1533 = arith.constant 3 : i32
        %swap3A_1534 = arith.index_cast %swap3A_1533 : i32 to index
        %swap3A_1535 = arith.index_cast %add3A_1525 : i32 to index
        %swap3A_1536 = arith.constant 16 : index
        %swap3A_1537 = tpu.vector_load %arg8[%swap3A_1534, %swap3A_1535, %swap3A_1536] {strides = array<i32>} : memref<4x128x128xf32, #tpu.memory_space<vmem>>, vector<1x1x16xf32>,
        %swap3A_1538 = vector.shape_cast %swap3A_1537 : vector<1x1x16xf32> to vector<16xf32>
        %swap3A_1539 = vector.shape_cast %get3A_1056 : vector<16xf32> to vector<1x1x16xf32>
        tpu.vector_store %arg8[%swap3A_1534, %swap3A_1535, %swap3A_1536], %swap3A_1539 {add = true, strides = array<i32>} : memref<4x128x128xf32, #tpu.memory_space<vmem>>, vector<1x1x16xf32>,
        %swap3A_1540 = arith.constant 3 : i32
        %swap3A_1541 = arith.index_cast %swap3A_1540 : i32 to index
        %swap3A_1542 = arith.index_cast %add3A_1525 : i32 to index
        %swap3A_1543 = arith.constant 32 : index
        %swap3A_1544 = tpu.vector_load %arg8[%swap3A_1541, %swap3A_1542, %swap3A_1543] {strides = array<i32>} : memref<4x128x128xf32, #tpu.memory_space<vmem>>, vector<1x1x16xf32>,
        %swap3A_1545 = vector.shape_cast %swap3A_1544 : vector<1x1x16xf32> to vector<16xf32>
        %swap3A_1546 = vector.shape_cast %get3A_1060 : vector<16xf32> to vector<1x1x16xf32>
        tpu.vector_store %arg8[%swap3A_1541, %swap3A_1542, %swap3A_1543], %swap3A_1546 {add = true, strides = array<i32>} : memref<4x128x128xf32, #tpu.memory_space<vmem>>, vector<1x1x16xf32>,
        %swap3A_1547 = arith.constant 3 : i32
        %swap3A_1548 = arith.index_cast %swap3A_1547 : i32 to index
        %swap3A_1549 = arith.index_cast %add3A_1525 : i32 to index
        %swap3A_1550 = arith.constant 48 : index
        %swap3A_1551 = tpu.vector_load %arg8[%swap3A_1548, %swap3A_1549, %swap3A_1550] {strides = array<i32>} : memref<4x128x128xf32, #tpu.memory_space<vmem>>, vector<1x1x16xf32>,
        %swap3A_1552 = vector.shape_cast %swap3A_1551 : vector<1x1x16xf32> to vector<16xf32>
        %swap3A_1553 = vector.shape_cast %get3A_1064 : vector<16xf32> to vector<1x1x16xf32>
        tpu.vector_store %arg8[%swap3A_1548, %swap3A_1549, %swap3A_1550], %swap3A_1553 {add = true, strides = array<i32>} : memref<4x128x128xf32, #tpu.memory_space<vmem>>, vector<1x1x16xf32>,
        %swap3A_1554 = arith.constant 3 : i32
        %swap3A_1555 = arith.index_cast %swap3A_1554 : i32 to index
        %swap3A_1556 = arith.index_cast %add3A_1525 : i32 to index
        %swap3A_1557 = arith.constant 64 : index
        %swap3A_1558 = tpu.vector_load %arg8[%swap3A_1555, %swap3A_1556, %swap3A_1557] {strides = array<i32>} : memref<4x128x128xf32, #tpu.memory_space<vmem>>, vector<1x1x16xf32>,
        %swap3A_1559 = vector.shape_cast %swap3A_1558 : vector<1x1x16xf32> to vector<16xf32>
        %swap3A_1560 = vector.shape_cast %get3A_1068 : vector<16xf32> to vector<1x1x16xf32>
        tpu.vector_store %arg8[%swap3A_1555, %swap3A_1556, %swap3A_1557], %swap3A_1560 {add = true, strides = array<i32>} : memref<4x128x128xf32, #tpu.memory_space<vmem>>, vector<1x1x16xf32>,
        %swap3A_1561 = arith.constant 3 : i32
        %swap3A_1562 = arith.index_cast %swap3A_1561 : i32 to index
        %swap3A_1563 = arith.index_cast %add3A_1525 : i32 to index
        %swap3A_1564 = arith.constant 80 : index
        %swap3A_1565 = tpu.vector_load %arg8[%swap3A_1562, %swap3A_1563, %swap3A_1564] {strides = array<i32>} : memref<4x128x128xf32, #tpu.memory_space<vmem>>, vector<1x1x16xf32>,
        %swap3A_1566 = vector.shape_cast %swap3A_1565 : vector<1x1x16xf32> to vector<16xf32>
        %swap3A_1567 = vector.shape_cast %get3A_1072 : vector<16xf32> to vector<1x1x16xf32>
        tpu.vector_store %arg8[%swap3A_1562, %swap3A_1563, %swap3A_1564], %swap3A_1567 {add = true, strides = array<i32>} : memref<4x128x128xf32, #tpu.memory_space<vmem>>, vector<1x1x16xf32>,
        %swap3A_1568 = arith.constant 3 : i32
        %swap3A_1569 = arith.index_cast %swap3A_1568 : i32 to index
        %swap3A_1570 = arith.index_cast %add3A_1525 : i32 to index
        %swap3A_1571 = arith.constant 96 : index
        %swap3A_1572 = tpu.vector_load %arg8[%swap3A_1569, %swap3A_1570, %swap3A_1571] {strides = array<i32>} : memref<4x128x128xf32, #tpu.memory_space<vmem>>, vector<1x1x16xf32>,
        %swap3A_1573 = vector.shape_cast %swap3A_1572 : vector<1x1x16xf32> to vector<16xf32>
        %swap3A_1574 = vector.shape_cast %get3A_1076 : vector<16xf32> to vector<1x1x16xf32>
        tpu.vector_store %arg8[%swap3A_1569, %swap3A_1570, %swap3A_1571], %swap3A_1574 {add = true, strides = array<i32>} : memref<4x128x128xf32, #tpu.memory_space<vmem>>, vector<1x1x16xf32>,
        %swap3A_1575 = arith.constant 3 : i32
        %swap3A_1576 = arith.index_cast %swap3A_1575 : i32 to index
        %swap3A_1577 = arith.index_cast %add3A_1525 : i32 to index
        %swap3A_1578 = arith.constant 112 : index
        %swap3A_1579 = tpu.vector_load %arg8[%swap3A_1576, %swap3A_1577, %swap3A_1578] {strides = array<i32>} : memref<4x128x128xf32, #tpu.memory_space<vmem>>, vector<1x1x16xf32>,
        %swap3A_1580 = vector.shape_cast %swap3A_1579 : vector<1x1x16xf32> to vector<16xf32>
        %swap3A_1581 = vector.shape_cast %get3A_1080 : vector<16xf32> to vector<1x1x16xf32>
        tpu.vector_store %arg8[%swap3A_1576, %swap3A_1577, %swap3A_1578], %swap3A_1581 {add = true, strides = array<i32>} : memref<4x128x128xf32, #tpu.memory_space<vmem>>, vector<1x1x16xf32>,
      }
      %scan3A_1086 = arith.constant 16 : i32
      %dma_start3A_1087 = arith.constant 3 : i32
      %dma_start3A_1088 = arith.constant 0 : i32
      %dma_start3A_1089 = arith.constant 0 : i32
      %dma_start3A_1090 = tpu.memref_slice %arg8[%dma_start3A_1087, %dma_start3A_1088, %dma_start3A_1089] : memref<4x128x128xf32, #tpu.memory_space<vmem>> -> memref<1x128x128xf32, #tpu.memory_space<vmem>>
      %dma_start3A_1091 = tpu.memref_squeeze %dma_start3A_1090 : memref<1x128x128xf32, #tpu.memory_space<vmem>> -> memref<128x128xf32, #tpu.memory_space<vmem>>
      %dma_start3A_1092 = arith.constant 0 : i32
      %dma_start3A_1093 = tpu.memref_slice %arg5[%mul3A_2, %add3A_931, %dma_start3A_1092] : memref<4096x200x128xf32, #tpu.memory_space<hbm>> -> memref<128x1x128xf32, #tpu.memory_space<hbm>>
      %dma_start3A_1094 = tpu.memref_squeeze %dma_start3A_1093 : memref<128x1x128xf32, #tpu.memory_space<hbm>> -> memref<128x128xf32, #tpu.memory_space<hbm>>
      %dma_start3A_1095 = arith.constant 0 : i32
      %dma_start3A_1096 = tpu.memref_slice %arg5[%mul3A_2, %add3A_931, %dma_start3A_1095] : memref<4096x200x128xf32, #tpu.memory_space<hbm>> -> memref<128x1x128xf32, #tpu.memory_space<hbm>>
      %dma_start3A_1097 = tpu.memref_squeeze %dma_start3A_1096 : memref<128x1x128xf32, #tpu.memory_space<hbm>> -> memref<128x128xf32, #tpu.memory_space<hbm>>
      %dma_start3A_1098 = arith.constant 0 : i32
      %dma_start3A_1099 = arith.constant 0 : i32
      %dma_start3A_1100 = tpu.memref_slice %arg8[%dma_start3A_1087, %dma_start3A_1098, %dma_start3A_1099] : memref<4x128x128xf32, #tpu.memory_space<vmem>> -> memref<1x128x128xf32, #tpu.memory_space<vmem>>
      %dma_start3A_1101 = tpu.memref_squeeze %dma_start3A_1100 : memref<1x128x128xf32, #tpu.memory_space<vmem>> -> memref<128x128xf32, #tpu.memory_space<vmem>>
      tpu.enqueue_dma source(%dma_start3A_1101 : memref<128x128xf32, #tpu.memory_space<vmem>>) target(%dma_start3A_1097 : memref<128x128xf32, #tpu.memory_space<hbm>>) target_semaphore(%arg16 : memref<!tpu.dma_semaphore, #tpu.memory_space<semaphore_mem>>)
    }
    %scan3A_213 = arith.constant 50 : i32
    %dma_wait3A = arith.constant 2 : i32
    %dma_wait3A_214 = arith.constant 0 : i32
    %dma_wait3A_215 = arith.constant 0 : i32
    %dma_wait3A_216 = arith.constant 0 : i32
    %dma_wait3A_217 = tpu.memref_slice %arg8[%dma_wait3A, %dma_wait3A_215, %dma_wait3A_216] : memref<4x128x128xf32, #tpu.memory_space<vmem>> -> memref<1x128x128xf32, #tpu.memory_space<vmem>>
    %dma_wait3A_218 = tpu.memref_squeeze %dma_wait3A_217 : memref<1x128x128xf32, #tpu.memory_space<vmem>> -> memref<128x128xf32, #tpu.memory_space<vmem>>
    %dma_wait3A_219 = arith.constant 0 : i32
    %dma_wait3A_220 = tpu.memref_slice %arg5[%mul3A_2, %dma_wait3A_214, %dma_wait3A_219] : memref<4096x200x128xf32, #tpu.memory_space<hbm>> -> memref<128x1x128xf32, #tpu.memory_space<hbm>>
    %dma_wait3A_221 = tpu.memref_squeeze %dma_wait3A_220 : memref<128x1x128xf32, #tpu.memory_space<hbm>> -> memref<128x128xf32, #tpu.memory_space<hbm>>
    %dma_wait3A_222 = arith.constant 0 : i32
    %dma_wait3A_223 = tpu.memref_slice %arg5[%mul3A_2, %dma_wait3A_214, %dma_wait3A_222] : memref<4096x200x128xf32, #tpu.memory_space<hbm>> -> memref<128x1x128xf32, #tpu.memory_space<hbm>>
    %dma_wait3A_224 = tpu.memref_squeeze %dma_wait3A_223 : memref<128x1x128xf32, #tpu.memory_space<hbm>> -> memref<128x128xf32, #tpu.memory_space<hbm>>
    %dma_wait3A_225 = arith.constant 0 : i32
    %dma_wait3A_226 = arith.constant 0 : i32
    %dma_wait3A_227 = tpu.memref_slice %arg8[%dma_wait3A, %dma_wait3A_225, %dma_wait3A_226] : memref<4x128x128xf32, #tpu.memory_space<vmem>> -> memref<1x128x128xf32, #tpu.memory_space<vmem>>
    %dma_wait3A_228 = tpu.memref_squeeze %dma_wait3A_227 : memref<1x128x128xf32, #tpu.memory_space<vmem>> -> memref<128x128xf32, #tpu.memory_space<vmem>>
    tpu.wait_dma2 semaphore(%arg15 : memref<!tpu.dma_semaphore, #tpu.memory_space<semaphore_mem>>) src(%dma_wait3A_228 : memref<128x128xf32, #tpu.memory_space<vmem>>) dst(%dma_wait3A_224 : memref<128x128xf32, #tpu.memory_space<hbm>>)
    %dma_wait3A_229 = arith.constant 3 : i32
    %dma_wait3A_230 = arith.constant 0 : i32
    %dma_wait3A_231 = arith.constant 0 : i32
    %dma_wait3A_232 = arith.constant 0 : i32
    %dma_wait3A_233 = tpu.memref_slice %arg8[%dma_wait3A_229, %dma_wait3A_231, %dma_wait3A_232] : memref<4x128x128xf32, #tpu.memory_space<vmem>> -> memref<1x128x128xf32, #tpu.memory_space<vmem>>
    %dma_wait3A_234 = tpu.memref_squeeze %dma_wait3A_233 : memref<1x128x128xf32, #tpu.memory_space<vmem>> -> memref<128x128xf32, #tpu.memory_space<vmem>>
    %dma_wait3A_235 = arith.constant 0 : i32
    %dma_wait3A_236 = tpu.memref_slice %arg5[%mul3A_2, %dma_wait3A_230, %dma_wait3A_235] : memref<4096x200x128xf32, #tpu.memory_space<hbm>> -> memref<128x1x128xf32, #tpu.memory_space<hbm>>
    %dma_wait3A_237 = tpu.memref_squeeze %dma_wait3A_236 : memref<128x1x128xf32, #tpu.memory_space<hbm>> -> memref<128x128xf32, #tpu.memory_space<hbm>>
    %dma_wait3A_238 = arith.constant 0 : i32
    %dma_wait3A_239 = tpu.memref_slice %arg5[%mul3A_2, %dma_wait3A_230, %dma_wait3A_238] : memref<4096x200x128xf32, #tpu.memory_space<hbm>> -> memref<128x1x128xf32, #tpu.memory_space<hbm>>
    %dma_wait3A_240 = tpu.memref_squeeze %dma_wait3A_239 : memref<128x1x128xf32, #tpu.memory_space<hbm>> -> memref<128x128xf32, #tpu.memory_space<hbm>>
    %dma_wait3A_241 = arith.constant 0 : i32
    %dma_wait3A_242 = arith.constant 0 : i32
    %dma_wait3A_243 = tpu.memref_slice %arg8[%dma_wait3A_229, %dma_wait3A_241, %dma_wait3A_242] : memref<4x128x128xf32, #tpu.memory_space<vmem>> -> memref<1x128x128xf32, #tpu.memory_space<vmem>>
    %dma_wait3A_244 = tpu.memref_squeeze %dma_wait3A_243 : memref<1x128x128xf32, #tpu.memory_space<vmem>> -> memref<128x128xf32, #tpu.memory_space<vmem>>
    tpu.wait_dma2 semaphore(%arg16 : memref<!tpu.dma_semaphore, #tpu.memory_space<semaphore_mem>>) src(%dma_wait3A_244 : memref<128x128xf32, #tpu.memory_space<vmem>>) dst(%dma_wait3A_240 : memref<128x128xf32, #tpu.memory_space<hbm>>)
    return
  }
}

</mosaic_0001>

<sc_bundles>
// kernel: kernel.3.cloned.1.call-start
scs
__scs_entry_jumppad:
0x0: {  	(pc) =	sbr.rel $0x88, $3  }
0x1: {  	(tag) =	ssettag $0x0;
	lr =	simm.s32 $0x1  }
0x2: {  	[smem:$0x3F9F] =	sst lr;
	_ =	strace $0xD0000000  }
0x3: {  	_ = 	snop  }
0x4: {  	_ = 	snop  }
0x5: {  	_ = 	snop  }
0x6: {  	_ = 	snop  }
0x7: {  	_ = 	snop  }
__scs_overlays_trampoline_lowered:
0x8: {  	[smem:$0x3FAE] =	sst s0  }
0x9: {  	[smem:$0x3FAF] =	sst s1  }
0xa: {  	[smem:$0x3FB0] =	sst s2  }
0xb: {  	[smem:$0x3FB1] =	sst s3  }
0xc: {  	[smem:$0x3FB2] =	sst s4  }
0xd: {  	[smem:$0x3FB3] =	sst s5  }
0xe: {  	[smem:$0x3FB4] =	sst s6  }
0xf: {  	[smem:$0x3FB5] =	sst s7  }
0x10: {  	[smem:$0x3FB6] =	sst s8  }
0x11: {  	[smem:$0x3FB7] =	sst s9;
	s0 =	simm.s32 @!p0 $0x0  }
0x12: {  	s1 =	sld [smem:$0x3F9D];
	s0 =	simm.s32 @p0 $0x1  }
0x13: {  	[smem:$0x3FB8] =	sst s0;
	s0 =	simm.s32 @!p1 $0x0  }
0x14: {  	s2 =	sld [smem:$0x3F9C];
	s0 =	simm.s32 @p1 $0x1  }
0x15: {  	[smem:$0x3FB9] =	sst s0;
	s0 =	simm.s32 @!p2 $0x0  }
0x16: {  	s3 =	sld [smem:$0x3FDB];
	s0 =	simm.s32 @p2 $0x1  }
0x17: {  	s4 =	simm.s32 $0x1BF5;
	[smem:$0x3FBB] =	sst s0  }
0x18: {  	s0 =	sld [smem:$0x3F9E];
	_ =	swait.ge [sflag:s4], $0x0  }
0x19: {  	s7 =	sld [smem:$0x3F9F]  }
0x1a: {  	s8 =	sadd.s32 $0xFFFFE003, lr  }
0x1b: {  	s9 =	sadd.s32 $0xFFFFFEF7, lr;
	s5 =	simm.s32 $0xFFFFFFFF;
	p2 =	slt.u32 s8, $0xFFFFF086  }
0x1c: {  	p1 =	slt.u32 s9, $0xF7A;
	s5 =	simm.s32 @!p2 $0x0  }
0x1d: {  	s5 =	simm.s32 @p1 $0x1;
	p0 =	seq.s32 s7, s2  }
0x1e: {  	s7 =	smul.u32 @!p0 $0xF7A, s2;
	p2 =	seq.s32 @!p0 s5, $0x0  }
0x1f: {  	s9 =	smul.u32 $0xF7A, s1;
	s8 =	simm.s32 @!p0 $0x1BF5;
	p2 =	por !p2, p0  }
0x20: {  	[sflag:s8] =	ssyncset.s32 @!p0 $0xFFFFF086;
	s6 =	sadd.s32 @!p0 s3, s7;
	s7 =	simm.s32 @!p0 $0x108  }
0x21: {  	s3 =	sadd.s32 s3, s9;
	s6 =	sadd.s32 @!p0 $0x88, s6;
	s7 =	simm.s32 @p2 $0x1082  }
0x22: {  	[simem:s7], [sflag:s8] =	dma.local @!p0 [hbm:s6], $0xF7A  }
0x23: {  	s9 =	sor.u32 $0xD0000000, s2;
	s6 =	simm.s32 $0x108;
	_ =	swait.ge @!p0 [sflag:s8], $0x0  }
0x24: {  	s3 =	sadd.s32 $0x88, s3;
	s6 =	simm.s32 @!p1 $0x1082;
	[sflag:s4] =	ssyncset.s32 $0xFFFFF086  }
0x25: {  	[simem:s6], [sflag:s4] =	dma.local [hbm:s3], $0xF7A  }
0x26: {  	[smem:$0x3F9F] =	sst s1;
	(tag) =	ssettag s2;
	_ =	strace s9  }
0x27: {  	s1 =	sld [smem:$0x3FAF]  }
0x28: {  	s2 =	sld [smem:$0x3FB0]  }
0x29: {  	s4 =	sld [smem:$0x3FB2]  }
0x2a: {  	p0 =	seq.s32 s5, $0x0;
	s5 =	sld [smem:$0x3FB3]  }
0x2b: {  	s6 =	sld [smem:$0x3FB4]  }
0x2c: {  	s7 =	sld [smem:$0x3FB5]  }
0x2d: {  	s3 =	simm.s32 $0x108;
	s8 =	sld [smem:$0x3FB6]  }
0x2e: {  	s3 =	simm.s32 @!p0 $0x1082;
	s9 =	sld [smem:$0x3FB7]  }
0x2f: {  	lr =	sadd.s32 s0, s3;
	s0 =	sld [smem:$0x3FAE]  }
0x30: {  	s3 =	sld [smem:$0x3FB1]  }
0x31: {  	[smem:$0x3FBA] =	sst s10  }
0x32: {  	s10 =	sld [smem:$0x3FB8];
	_ =	sdelay $0x3  }
0x33: {  	p0 =	seq.s32 s10, $0x1;
	s10 =	sld [smem:$0x3FBA];
	_ =	sdelay $0x3  }
0x34: {  	[smem:$0x3FBA] =	sst s10  }
0x35: {  	s10 =	sld [smem:$0x3FB9];
	_ =	sdelay $0x3  }
0x36: {  	p1 =	seq.s32 s10, $0x1;
	s10 =	sld [smem:$0x3FBA];
	_ =	sdelay $0x3  }
0x37: {  	[smem:$0x3FBA] =	sst s10  }
0x38: {  	s10 =	sld [smem:$0x3FBB]  }
0x39: {  	_ = 	snop;
	(pc) =	sbr.ind lr, $3  }
0x3a: {  	_ = 	snop  }
0x3b: {  	_ = 	snop  }
0x3c: {  	p2 =	seq.s32 s10, $0x1;
	s10 =	sld [smem:$0x3FBA]  }
0x3d: {  	_ =	shalt  }
0x3e: {  	_ =	shalt  }
0x3f: {  	_ =	shalt  }
0x40: {  	_ =	shalt  }
0x41: {  	_ =	shalt  }
0x42: {  	_ =	shalt  }
0x43: {  	_ =	shalt  }
0x44: {  	_ =	shalt  }
0x45: {  	_ =	shalt  }
0x46: {  	_ =	shalt  }
0x47: {  	_ =	shalt  }
0x48: {  	_ =	shalt  }
0x49: {  	_ =	shalt  }
0x4a: {  	_ =	shalt  }
0x4b: {  	_ =	shalt  }
0x4c: {  	_ =	shalt  }
0x4d: {  	_ =	shalt  }
0x4e: {  	_ =	shalt  }
0x4f: {  	_ =	shalt  }
0x50: {  	_ =	shalt  }
0x51: {  	_ =	shalt  }
0x52: {  	_ =	shalt  }
0x53: {  	_ =	shalt  }
0x54: {  	_ =	shalt  }
0x55: {  	_ =	shalt  }
0x56: {  	_ =	shalt  }
0x57: {  	_ =	shalt  }
0x58: {  	_ =	shalt  }
0x59: {  	_ =	shalt  }
0x5a: {  	_ =	shalt  }
0x5b: {  	_ =	shalt  }
0x5c: {  	_ =	shalt  }
0x5d: {  	_ =	shalt  }
0x5e: {  	_ =	shalt  }
0x5f: {  	_ =	shalt  }
0x60: {  	_ =	shalt  }
0x61: {  	_ =	shalt  }
0x62: {  	_ =	shalt  }
0x63: {  	_ =	shalt  }
0x64: {  	_ =	shalt  }
0x65: {  	_ =	shalt  }
0x66: {  	_ =	shalt  }
0x67: {  	_ =	shalt  }
0x68: {  	_ =	shalt  }
0x69: {  	_ =	shalt  }
0x6a: {  	_ =	shalt  }
0x6b: {  	_ =	shalt  }
0x6c: {  	_ =	shalt  }
0x6d: {  	_ =	shalt  }
0x6e: {  	_ =	shalt  }
0x6f: {  	_ =	shalt  }
0x70: {  	_ =	shalt  }
0x71: {  	_ =	shalt  }
0x72: {  	_ =	shalt  }
0x73: {  	_ =	shalt  }
0x74: {  	_ =	shalt  }
0x75: {  	_ =	shalt  }
0x76: {  	_ =	shalt  }
0x77: {  	_ =	shalt  }
0x78: {  	_ =	shalt  }
0x79: {  	_ =	shalt  }
0x7a: {  	_ =	shalt  }
0x7b: {  	_ =	shalt  }
0x7c: {  	_ =	shalt  }
0x7d: {  	_ =	shalt  }
0x7e: {  	_ =	shalt  }
0x7f: {  	_ =	shalt  }
0x80: {  	_ =	shalt  }
0x81: {  	_ =	shalt  }
0x82: {  	_ =	shalt  }
0x83: {  	_ =	shalt  }
0x84: {  	_ =	shalt  }
0x85: {  	_ =	shalt  }
0x86: {  	_ =	shalt  }
0x87: {  	_ =	shalt  }
.Lfunc_end0:
.L_simem_size_0:
called_computation_lowered:
.L_overlay_start_0:
0x88: {  	s2 =	sld [smem:$0x3FD9]  }
0x89: {  	s3 =	sld [smem:$0x3FFE];
	_ =	sdelay $0x1  }
0x8a: {  	s1 =	srdreg.scid  }
0x8b: {  	s0 =	sand.u32 $0x1, s1  }
0x8c: {  	s17 =	sshll.u32 s0, $0xA;
	s2 =	sadd.s32 s3, s2  }
0x8d: {  	s2 =	sadd.s32 s2, s17  }
0x8e: {  	[smem:$0x3FC6] =	sst s2  }
0x8f: {  	_ = 	snop  }
0x90: {  	s2 =	sld [smem:$0x3FC8]  }
0x91: {  	s18 =	sld [smem:$0x3FD0];
	(tm) =	ssettm $0x1  }
0x92: {  	s4 =	sld [smem:$0x3FFB];
	_ =	sdelay $0x3  }
0x93: {  	_ =	strace s4  }
0x94: {  	s4 =	sld [smem:$0x3FFC];
	_ =	sdelay $0x3  }
0x95: {  	_ =	strace s4  }
0x96: {  	s4 =	sld [smem:$0x3FFD];
	_ =	sdelay $0x3  }
0x97: {  	_ =	strace s4  }
0x98: {  	_ =	strace $0x8FFFFFFF  }
0x99: {  	s19 =	sld [smem:$0x3FDB];
	_ =	sdelay $0x1  }
0x9a: {  	s5 =	simm.s32 $_scs_section_size  }
0x9b: {  	s6 =	simm.s32 $_size__tile_overlayer_lowered;
	s7 =	simm.s32 $_tile_overlayer_lowered  }
0x9c: {  	s22 =	simm.s32 $0x1BFF;
	s21 =	sshll.u32 s7, $0x1;
	s4 =	sadd.s32 s5, s19  }
0x9d: {  	s8 =	simm.s32 $0x0;
	s20 =	sshll.u32 s6, $0x1;
	s6 =	sadd.s32 s21, s4  }
0x9e: {  	[timem:s8], [sflag:s22] =	dma.local [hbm:s6], s20  }
0x9f: {  	_ =	swait.ge [sflag:s22], s20  }
0xa0: {  	s5 =	ssub.s32 $0x0, s20;
	[sflag:s22] =	ssyncset.done $0x0  }
0xa1: {  	[sflag:s22] =	ssyncadd.s32 s5;
	_ =	sdelay $0x1  }
0xa2: {  	s23 =	simm.s32 $0x1B8B  }
0xa3: {  	_ =	swait.ge [sflag:s23], $0x1  }
0xa4: {  	[sflag:s23] =	ssyncset.done $0x0  }
0xa5: {  	s25 =	simm.s32 $0x1B8E;
	s24 =	sld [smem:$0x3FFE];
	[sflag:s23] =	ssyncadd.s32 $0xFFFFFFFF  }
0xa6: {  	s26 =	simm.s32 $execute0_lowered;
	[smem:$0x3FD2] =	sst s25  }
0xa7: {  	s6 =	sshll.u32 s26, $0x1;
	_ =	strace $0x80000046;
	[dreg:$0x1] =	wrdreg $0xFFFFFFFF  }
0xa8: {  	s28 =	simm.s32 $_size_execute0_lowered;
	s4 =	sadd.s32 s4, s6;
	[dreg:$0x0] =	wrdreg $0x0  }
0xa9: {  	s6 =	sshll.u32 s28, $0x1;
	[dreg:$0x2] =	wrdreg s4  }
0xaa: {  	[dreg:$0x3] =	wrdreg s6  }
0xab: {  	[dreg:$0x4] =	wrdreg $0xC0  }
0xac: {  	_ =	task [dreg:s8], $0x5FFFF  }
0xad: {  	[dreg:$0x1] =	wrdreg $0xFFFFFFFF  }
0xae: {  	[dreg:$0x0] =	wrdreg $0x60  }
0xaf: {  	[dreg:$0x2] =	wrdreg s24  }
0xb0: {  	[dreg:$0x3] =	wrdreg s2  }
0xb1: {  	[dreg:$0x4] =	wrdreg s18  }
0xb2: {  	[dreg:$0x5] =	wrdreg $0x9  }
0xb3: {  	_ =	task.clear_ibuf [dreg:s8], $0x6FFFF;
	_ =	strace $0x90000046  }
0xb4: {  	s29 =	simm.s32 $0x9;
	_ =	strace $0x80000048  }
0xb5: {  	_ =	swait.ge [sflag:s29], $0x1  }
0xb6: {  	[sflag:s29] =	ssyncadd.s32 $0xFFFFFFFF  }
0xb7: {  	_ =	strace $0x90000048  }
0xb8: {  	_ =	sfence  }
0xb9: {  	s30 =	sld [smem:$0x0];
	_ =	sdelay $0x2  }
0xba: {  	s31 =	sshll.u32 s1, $0xD;
	s1 =	sshrl.u32 s1, $0x2  }
0xbb: {  	s3 =	sand.u32 $0x4000, s31;
	s1 =	sadd.s32 s1, s30  }
0xbc: {  	s0 =	sor.u32 s3, s0;
	s1 =	sshll.u32 s1, $0x11  }
0xbd: {  	s0 =	sor.u32 s1, s0  }
0xbe: {  	s0 =	sadd.s32 $0x8F2B, s0  }
0xbf: {  	[sflag:s0] =	ssyncadd.remote.s32 $0x1  }
0xc0: {  	_ =	sfence.sel $0xFFFF  }
0xc1: {  	[dreg:$0x0] =	wrdreg $0xFFFFFFFF;
	(pc) =	sbr.abs _section_cstart, $3  }
0xc2: {  	[dreg:$0x1] =	wrdreg $0xFFFFFFFF  }
0xc3: {  	_ =	task.clear_ibuf [dreg:s8], $0x2FFFF;
	_ =	strace $0x9FFFFFFF  }
0xc4: {  	(tm) =	ssettm $0x7FFFFFFF  }
0xc5: {  	_ =	shalt  }
tec
execute0_lowered:
.L_overlay_start_1:
0x0: {  	(tag) =	ssettag $0x1  }
0x1: {  	s0 =	rddreg [dreg:$0x0]  }
0x2: {  	s2 =	rddreg [dreg:$0x1];
	s1 =	srdreg.scid  }
0x3: {  	s4 =	stileid.u32;
	s3 =	rddreg [dreg:$0x2]  }
0x4: {  	s5 =	simm.s32 $0x0;
	s10 =	simm.s32 $0x6400;
	s11 =	simm.s32 $0x14800  }
0x5: {  	s14 =	simm.s32 $0x1;
	s1 =	sand.u32 $0x1, s1;
	s4 =	sshll.u32 s4, $0x1  }
0x6: {  	s15 =	simm.s32 $0x80;
	s16 =	simm.s32 $0x18800;
	s4 =	sor.u32 s1, s4  }
0x7: {  	s25 =	simm.s32 $0x2;
	[smem:$0x7FF] =	sst s5;
	s29 =	smul.u32 $0xC80, s4  }
0x8: {  	s8 =	simm.s32 $0x4;
	_ =	strace $0x80000047;
	s1 =	ssub.s32 $0x2, s1  }
0x9: {  	s30 =	sshrl.u32 s1, $0x1;
	s5 =	sadd.s32 s29, s0;
	s0 =	sadd.s32 $0x19800, s0  }
0xa: {  	[dreg:$0x4] =	wrdreg s0;
	s0 =	ssub.s32 s1, s30;
	s31 =	sadd.s32 $0x800, s5  }
0xb: {  	s7 =	smul.u32 $0x320000, s4;
	[dreg:$0x5] =	wrdreg s31;
	s0 =	smax.u32 s0, $0x1  }
0xc: {  	vm0 =	vmmov $0xffff;
	s4 =	simm.s32 $0x0;
	s5 =	simm.s32 $0x3;
	[dreg:$0x6] =	wrdreg s0  }
.LBB2_1:
0xd: {  	[dreg:$0x7] =	wrdreg s4  }
0xe: {  	s0 =	simm.s32 $0x0;
	s1 =	rddreg [dreg:$0x5];
	s31 =	simm.s32 $0x9  }
0xf: {  	[tilespmem:s0], [sflag:$0x9] =	stream.linear.gather [hbm4b:s1+s0], $0x6400, $0x38;
	[tilespmem:$0x1C800] =	vst v63  }
0x10: {  	_ =	swait.ge [sflag:s31], $0x6400  }
0x11: {  	[sflag:s31] =	ssyncset.done $0x0  }
0x12: {  	s6 =	rddreg [dreg:$0x4];
	[sflag:s31] =	ssyncadd.s32 $0xFFFF9C00  }
0x13: {  	[tilespmem:s10], [sflag:$0x9] =	stream.linear.gather [hbm4b:s6+s0], $0x6400, $0x38;
	[tilespmem:$0x1C800] =	vst v63  }
0x14: {  	_ =	swait.ge [sflag:s31], $0x6400  }
0x15: {  	[sflag:s31] =	ssyncset.done $0x0  }
0x16: {  	[sflag:s31] =	ssyncadd.s32 $0xFFFF9C00  }
0x17: {  	v0 =	vld [tilespmem:$0x0];
	_ =	sdelay $0x6  }
0x18: {  	s9 =	simm.s32 $0xC800  }
0x19: {  	[tilespmem:s9], [sflag:$0x1] =	stream.indirect_vreg.gather [hbm4b:s2+s0], $0x80, v0, vm0, $0xb8;
	[tilespmem:$0x1C800] =	vst v63  }
0x1a: {  	v0 =	vld [tilespmem:$0x10];
	_ =	sdelay $0x6  }
0x1b: {  	s12 =	simm.s32 $0xD000  }
0x1c: {  	[tilespmem:s12], [sflag:$0x1] =	stream.indirect_vreg.gather [hbm4b:s2+s0], $0x80, v0, vm0, $0xb8;
	[tilespmem:$0x1C800] =	vst v63  }
0x1d: {  	v0 =	vld [tilespmem:$0x20];
	_ =	sdelay $0x6  }
0x1e: {  	s13 =	simm.s32 $0xD800  }
0x1f: {  	[tilespmem:s13], [sflag:$0x1] =	stream.indirect_vreg.gather [hbm4b:s2+s0], $0x80, v0, vm0, $0xb8;
	[tilespmem:$0x1C800] =	vst v63  }
0x20: {  	v0 =	vld [tilespmem:$0x30];
	_ =	sdelay $0x6  }
0x21: {  	s17 =	simm.s32 $0xE000  }
0x22: {  	[tilespmem:s17], [sflag:$0x1] =	stream.indirect_vreg.gather [hbm4b:s2+s0], $0x80, v0, vm0, $0xb8;
	[tilespmem:$0x1C800] =	vst v63  }
0x23: {  	v0 =	vld [tilespmem:$0x40];
	_ =	sdelay $0x6  }
0x24: {  	s18 =	simm.s32 $0xE800  }
0x25: {  	[tilespmem:s18], [sflag:$0x1] =	stream.indirect_vreg.gather [hbm4b:s2+s0], $0x80, v0, vm0, $0xb8;
	[tilespmem:$0x1C800] =	vst v63  }
0x26: {  	v0 =	vld [tilespmem:$0x50];
	_ =	sdelay $0x6  }
0x27: {  	s19 =	simm.s32 $0xF000  }
0x28: {  	[tilespmem:s19], [sflag:$0x1] =	stream.indirect_vreg.gather [hbm4b:s2+s0], $0x80, v0, vm0, $0xb8;
	[tilespmem:$0x1C800] =	vst v63  }
0x29: {  	v0 =	vld [tilespmem:$0x60];
	_ =	sdelay $0x6  }
0x2a: {  	s20 =	simm.s32 $0xF800  }
0x2b: {  	[tilespmem:s20], [sflag:$0x1] =	stream.indirect_vreg.gather [hbm4b:s2+s0], $0x80, v0, vm0, $0xb8;
	[tilespmem:$0x1C800] =	vst v63  }
0x2c: {  	v0 =	vld [tilespmem:$0x70];
	_ =	sdelay $0x6  }
0x2d: {  	s21 =	simm.s32 $0x10000  }
0x2e: {  	[tilespmem:s21], [sflag:$0x1] =	stream.indirect_vreg.gather [hbm4b:s2+s0], $0x80, v0, vm0, $0xb8;
	[tilespmem:$0x1C800] =	vst v63  }
0x2f: {  	v0 =	vld [tilespmem:$0x80];
	_ =	sdelay $0x6  }
0x30: {  	s22 =	simm.s32 $0x10800  }
0x31: {  	[tilespmem:s22], [sflag:$0x2] =	stream.indirect_vreg.gather [hbm4b:s2+s0], $0x80, v0, vm0, $0xb8;
	[tilespmem:$0x1C800] =	vst v63  }
0x32: {  	v0 =	vld [tilespmem:$0x90];
	_ =	sdelay $0x6  }
0x33: {  	s23 =	simm.s32 $0x11000  }
0x34: {  	[tilespmem:s23], [sflag:$0x2] =	stream.indirect_vreg.gather [hbm4b:s2+s0], $0x80, v0, vm0, $0xb8;
	[tilespmem:$0x1C800] =	vst v63  }
0x35: {  	v0 =	vld [tilespmem:$0xA0];
	_ =	sdelay $0x6  }
0x36: {  	s24 =	simm.s32 $0x11800  }
0x37: {  	[tilespmem:s24], [sflag:$0x2] =	stream.indirect_vreg.gather [hbm4b:s2+s0], $0x80, v0, vm0, $0xb8;
	[tilespmem:$0x1C800] =	vst v63  }
0x38: {  	v0 =	vld [tilespmem:$0xB0];
	_ =	sdelay $0x6  }
0x39: {  	s26 =	simm.s32 $0x12000  }
0x3a: {  	[tilespmem:s26], [sflag:$0x2] =	stream.indirect_vreg.gather [hbm4b:s2+s0], $0x80, v0, vm0, $0xb8;
	[tilespmem:$0x1C800] =	vst v63  }
0x3b: {  	v0 =	vld [tilespmem:$0xC0];
	_ =	sdelay $0x6  }
0x3c: {  	s28 =	simm.s32 $0x12800  }
0x3d: {  	[tilespmem:s28], [sflag:$0x2] =	stream.indirect_vreg.gather [hbm4b:s2+s0], $0x80, v0, vm0, $0xb8;
	[tilespmem:$0x1C800] =	vst v63  }
0x3e: {  	v0 =	vld [tilespmem:$0xD0];
	_ =	sdelay $0x6  }
0x3f: {  	s29 =	simm.s32 $0x13000  }
0x40: {  	[tilespmem:s29], [sflag:$0x2] =	stream.indirect_vreg.gather [hbm4b:s2+s0], $0x80, v0, vm0, $0xb8;
	[tilespmem:$0x1C800] =	vst v63  }
0x41: {  	v0 =	vld [tilespmem:$0xE0];
	_ =	sdelay $0x6  }
0x42: {  	s30 =	simm.s32 $0x13800  }
0x43: {  	[tilespmem:s30], [sflag:$0x2] =	stream.indirect_vreg.gather [hbm4b:s2+s0], $0x80, v0, vm0, $0xb8;
	[tilespmem:$0x1C800] =	vst v63  }
0x44: {  	v0 =	vld [tilespmem:$0xF0];
	_ =	sdelay $0x6  }
0x45: {  	s31 =	simm.s32 $0x14000;
	s9 =	simm.s32 $0x0  }
0x46: {  	[tilespmem:s31], [sflag:$0x2] =	stream.indirect_vreg.gather [hbm4b:s2+s0], $0x80, v0, vm0, $0xb8;
	[tilespmem:$0x1C800] =	vst v63  }
.LBB2_2:
0x47: {  	p0 =	seq.s32 s9, $0x0  }
0x48: {  	s0 =	simm.s32 @!p0 $0x7  }
0x49: {  	_ =	swait.ge @!p0 [sflag:s0], $0x4000  }
0x4a: {  	s4 =	sshll.u32 s9, $0x9;
	[sflag:s0] =	ssyncset.done @!p0 $0x0  }
0x4b: {  	s30 =	sor.u32 $0x100, s4;
	[sflag:s0] =	ssyncadd.s32 @!p0 $0xFFFFC000  }
0x4c: {  	v0 =	vld [tilespmem:s30+$0x0];
	_ =	sdelay $0x6  }
0x4d: {  	s1 =	simm.s32 $0x0;
	s0 =	sor.u32 $0x110, s4  }
0x4e: {  	[tilespmem:s11], [sflag:$0x3] =	stream.indirect_vreg.gather [hbm4b:s2+s1], $0x80, v0, vm0, $0xb8;
	[tilespmem:$0x1C800] =	vst v63  }
0x4f: {  	v0 =	vld [tilespmem:s0+$0x0];
	_ =	sdelay $0x6  }
0x50: {  	s6 =	simm.s32 $0x15000;
	s13 =	sor.u32 $0x120, s4  }
0x51: {  	[tilespmem:s6], [sflag:$0x3] =	stream.indirect_vreg.gather [hbm4b:s2+s1], $0x80, v0, vm0, $0xb8;
	[tilespmem:$0x1C800] =	vst v63  }
0x52: {  	v0 =	vld [tilespmem:s13+$0x0];
	_ =	sdelay $0x6  }
0x53: {  	s22 =	simm.s32 $0x15800;
	s18 =	sor.u32 $0x130, s4  }
0x54: {  	[tilespmem:s22], [sflag:$0x3] =	stream.indirect_vreg.gather [hbm4b:s2+s1], $0x80, v0, vm0, $0xb8;
	[tilespmem:$0x1C800] =	vst v63  }
0x55: {  	v0 =	vld [tilespmem:s18+$0x0];
	_ =	sdelay $0x6  }
0x56: {  	s23 =	simm.s32 $0x16000;
	s21 =	sor.u32 $0x140, s4  }
0x57: {  	[tilespmem:s23], [sflag:$0x3] =	stream.indirect_vreg.gather [hbm4b:s2+s1], $0x80, v0, vm0, $0xb8;
	[tilespmem:$0x1C800] =	vst v63  }
0x58: {  	v0 =	vld [tilespmem:s21+$0x0];
	_ =	sdelay $0x6  }
0x59: {  	s24 =	simm.s32 $0x16800;
	s23 =	sor.u32 $0x150, s4  }
0x5a: {  	[tilespmem:s24], [sflag:$0x3] =	stream.indirect_vreg.gather [hbm4b:s2+s1], $0x80, v0, vm0, $0xb8;
	[tilespmem:$0x1C800] =	vst v63  }
0x5b: {  	v0 =	vld [tilespmem:s23+$0x0];
	_ =	sdelay $0x6  }
0x5c: {  	s26 =	simm.s32 $0x17000;
	s11 =	sor.u32 $0x160, s4  }
0x5d: {  	[tilespmem:s26], [sflag:$0x3] =	stream.indirect_vreg.gather [hbm4b:s2+s1], $0x80, v0, vm0, $0xb8;
	[tilespmem:$0x1C800] =	vst v63  }
0x5e: {  	v0 =	vld [tilespmem:s11+$0x0];
	_ =	sdelay $0x6  }
0x5f: {  	s29 =	simm.s32 $0x17800;
	s28 =	sor.u32 $0x170, s4  }
0x60: {  	[tilespmem:s29], [sflag:$0x3] =	stream.indirect_vreg.gather [hbm4b:s2+s1], $0x80, v0, vm0, $0xb8;
	[tilespmem:$0x1C800] =	vst v63  }
0x61: {  	v0 =	vld [tilespmem:s28+$0x0];
	_ =	sdelay $0x6  }
0x62: {  	s31 =	simm.s32 $0x18000  }
0x63: {  	[tilespmem:s31], [sflag:$0x3] =	stream.indirect_vreg.gather [hbm4b:s2+s1], $0x80, v0, vm0, $0xb8;
	[tilespmem:$0x1C800] =	vst v63  }
0x64: {  	_ =	swait.ge [sflag:s14], $0x800  }
0x65: {  	[sflag:s14] =	ssyncset.done $0x0  }
0x66: {  	[sflag:s14] =	ssyncadd.s32 $0xFFFFF800  }
0x67: {  	_ =	swait.ge [sflag:s14], $0x800  }
0x68: {  	[sflag:s14] =	ssyncset.done $0x0  }
0x69: {  	[sflag:s14] =	ssyncadd.s32 $0xFFFFF800  }
0x6a: {  	_ =	swait.ge [sflag:s14], $0x800  }
0x6b: {  	[sflag:s14] =	ssyncset.done $0x0  }
0x6c: {  	[sflag:s14] =	ssyncadd.s32 $0xFFFFF800  }
0x6d: {  	_ =	swait.ge [sflag:s14], $0x800  }
0x6e: {  	[sflag:s14] =	ssyncset.done $0x0  }
0x6f: {  	[sflag:s14] =	ssyncadd.s32 $0xFFFFF800  }
0x70: {  	_ =	swait.ge [sflag:s14], $0x800  }
0x71: {  	[sflag:s14] =	ssyncset.done $0x0  }
0x72: {  	[sflag:s14] =	ssyncadd.s32 $0xFFFFF800  }
0x73: {  	_ =	swait.ge [sflag:s14], $0x800  }
0x74: {  	[sflag:s14] =	ssyncset.done $0x0  }
0x75: {  	[sflag:s14] =	ssyncadd.s32 $0xFFFFF800  }
0x76: {  	_ =	swait.ge [sflag:s14], $0x800  }
0x77: {  	[sflag:s14] =	ssyncset.done $0x0  }
0x78: {  	[sflag:s14] =	ssyncadd.s32 $0xFFFFF800  }
0x79: {  	_ =	swait.ge [sflag:s14], $0x800  }
0x7a: {  	[sflag:s14] =	ssyncset.done $0x0  }
0x7b: {  	[sflag:s14] =	ssyncadd.s32 $0xFFFFF800  }
0x7c: {  	v2 =	vld [tilespmem:s4+$0x6400]  }
0x7d: {  	v3 =	vld [tilespmem:s4+$0x6410]  }
0x7e: {  	v4 =	vld [tilespmem:s4+$0x6420]  }
0x7f: {  	v7 =	vld [tilespmem:s4+$0x6470]  }
0x80: {  	v5 =	vld [tilespmem:s4+$0x6430]  }
0x81: {  	v6 =	vld [tilespmem:s4+$0x6440]  }
0x82: {  	v1 =	vld [tilespmem:s4+$0x6450]  }
0x83: {  	s12 =	simm.s32 $0x1000;
	s1 =	simm.s32 $0x0;
	v0 =	vld [tilespmem:s4+$0x6460]  }
.LBB2_3:
0x84: {  	p1 =	sne.s32 s12, $0xF000;
	[tilespmem:s1+$0xCBF0] =	vst.add.f32.msk $0xffff, v7  }
0x85: {  	[tilespmem:s1+$0xC800] =	vst.add.f32.msk $0xffff, v2  }
0x86: {  	[tilespmem:s1+$0xC810] =	vst.add.f32.msk $0xffff, v3  }
0x87: {  	[tilespmem:s1+$0xC820] =	vst.add.f32.msk $0xffff, v4  }
0x88: {  	[tilespmem:s1+$0xC830] =	vst.add.f32.msk $0xffff, v5  }
0x89: {  	[tilespmem:s1+$0xC840] =	vst.add.f32.msk $0xffff, v6  }
0x8a: {  	[tilespmem:s1+$0xC850] =	vst.add.f32.msk $0xffff, v1  }
0x8b: {  	[tilespmem:s1+$0xC860] =	vst.add.f32.msk $0xffff, v0  }
0x8c: {  	[tilespmem:s1+$0xC870] =	vst.add.f32.msk $0xffff, v7  }
0x8d: {  	[tilespmem:s1+$0xC880] =	vst.add.f32.msk $0xffff, v2  }
0x8e: {  	[tilespmem:s1+$0xC890] =	vst.add.f32.msk $0xffff, v3  }
0x8f: {  	[tilespmem:s1+$0xC8A0] =	vst.add.f32.msk $0xffff, v4  }
0x90: {  	[tilespmem:s1+$0xC8B0] =	vst.add.f32.msk $0xffff, v5  }
0x91: {  	[tilespmem:s1+$0xC8C0] =	vst.add.f32.msk $0xffff, v6  }
0x92: {  	[tilespmem:s1+$0xC8D0] =	vst.add.f32.msk $0xffff, v1  }
0x93: {  	[tilespmem:s1+$0xC8E0] =	vst.add.f32.msk $0xffff, v0  }
0x94: {  	[tilespmem:s1+$0xC8F0] =	vst.add.f32.msk $0xffff, v7  }
0x95: {  	[tilespmem:s1+$0xC900] =	vst.add.f32.msk $0xffff, v2  }
0x96: {  	[tilespmem:s1+$0xC910] =	vst.add.f32.msk $0xffff, v3  }
0x97: {  	[tilespmem:s1+$0xC920] =	vst.add.f32.msk $0xffff, v4  }
0x98: {  	[tilespmem:s1+$0xC930] =	vst.add.f32.msk $0xffff, v5  }
0x99: {  	[tilespmem:s1+$0xC940] =	vst.add.f32.msk $0xffff, v6  }
0x9a: {  	[tilespmem:s1+$0xC950] =	vst.add.f32.msk $0xffff, v1  }
0x9b: {  	[tilespmem:s1+$0xC960] =	vst.add.f32.msk $0xffff, v0  }
0x9c: {  	[tilespmem:s1+$0xC970] =	vst.add.f32.msk $0xffff, v7  }
0x9d: {  	[tilespmem:s1+$0xC980] =	vst.add.f32.msk $0xffff, v2  }
0x9e: {  	[tilespmem:s1+$0xC990] =	vst.add.f32.msk $0xffff, v3  }
0x9f: {  	[tilespmem:s1+$0xC9A0] =	vst.add.f32.msk $0xffff, v4  }
0xa0: {  	[tilespmem:s1+$0xC9B0] =	vst.add.f32.msk $0xffff, v5  }
0xa1: {  	[tilespmem:s1+$0xC9C0] =	vst.add.f32.msk $0xffff, v6  }
0xa2: {  	[tilespmem:s1+$0xC9D0] =	vst.add.f32.msk $0xffff, v1  }
0xa3: {  	[tilespmem:s1+$0xC9E0] =	vst.add.f32.msk $0xffff, v0  }
0xa4: {  	[tilespmem:s1+$0xC9F0] =	vst.add.f32.msk $0xffff, v7  }
0xa5: {  	[tilespmem:s1+$0xCA00] =	vst.add.f32.msk $0xffff, v2  }
0xa6: {  	[tilespmem:s1+$0xCA10] =	vst.add.f32.msk $0xffff, v3  }
0xa7: {  	[tilespmem:s1+$0xCA20] =	vst.add.f32.msk $0xffff, v4  }
0xa8: {  	[tilespmem:s1+$0xCA30] =	vst.add.f32.msk $0xffff, v5  }
0xa9: {  	[tilespmem:s1+$0xCA40] =	vst.add.f32.msk $0xffff, v6  }
0xaa: {  	[tilespmem:s1+$0xCA50] =	vst.add.f32.msk $0xffff, v1  }
0xab: {  	[tilespmem:s1+$0xCA60] =	vst.add.f32.msk $0xffff, v0  }
0xac: {  	[tilespmem:s1+$0xCA70] =	vst.add.f32.msk $0xffff, v7  }
0xad: {  	[tilespmem:s1+$0xCA80] =	vst.add.f32.msk $0xffff, v2  }
0xae: {  	[tilespmem:s1+$0xCA90] =	vst.add.f32.msk $0xffff, v3  }
0xaf: {  	[tilespmem:s1+$0xCAA0] =	vst.add.f32.msk $0xffff, v4  }
0xb0: {  	[tilespmem:s1+$0xCAB0] =	vst.add.f32.msk $0xffff, v5  }
0xb1: {  	[tilespmem:s1+$0xCAC0] =	vst.add.f32.msk $0xffff, v6  }
0xb2: {  	[tilespmem:s1+$0xCAD0] =	vst.add.f32.msk $0xffff, v1  }
0xb3: {  	[tilespmem:s1+$0xCAE0] =	vst.add.f32.msk $0xffff, v0  }
0xb4: {  	[tilespmem:s1+$0xCAF0] =	vst.add.f32.msk $0xffff, v7  }
0xb5: {  	[tilespmem:s1+$0xCB00] =	vst.add.f32.msk $0xffff, v2  }
0xb6: {  	[tilespmem:s1+$0xCB10] =	vst.add.f32.msk $0xffff, v3  }
0xb7: {  	[tilespmem:s1+$0xCB20] =	vst.add.f32.msk $0xffff, v4  }
0xb8: {  	[tilespmem:s1+$0xCB30] =	vst.add.f32.msk $0xffff, v5  }
0xb9: {  	[tilespmem:s1+$0xCB40] =	vst.add.f32.msk $0xffff, v6  }
0xba: {  	[tilespmem:s1+$0xCB50] =	vst.add.f32.msk $0xffff, v1  }
0xbb: {  	[tilespmem:s1+$0xCB60] =	vst.add.f32.msk $0xffff, v0  }
0xbc: {  	[tilespmem:s1+$0xCB70] =	vst.add.f32.msk $0xffff, v7  }
0xbd: {  	[tilespmem:s1+$0xCB80] =	vst.add.f32.msk $0xffff, v2  }
0xbe: {  	[tilespmem:s1+$0xCB90] =	vst.add.f32.msk $0xffff, v3  }
.Ltmp0:
0xbf: {  	[tilespmem:s1+$0xCBA0] =	vst.add.f32.msk $0xffff, v4;
	(pc) =	sbr.rel @p1 .LBB2_3-.Ltmp0, $4  }
0xc0: {  	[tilespmem:s1+$0xCBB0] =	vst.add.f32.msk $0xffff, v5  }
0xc1: {  	[tilespmem:s1+$0xCBC0] =	vst.add.f32.msk $0xffff, v6  }
0xc2: {  	[tilespmem:s1+$0xCBD0] =	vst.add.f32.msk $0xffff, v1  }
0xc3: {  	[tilespmem:s1+$0xCBE0] =	vst.add.f32.msk $0xffff, v0;
	s1 =	sshra.s32 s12, $0x2;
	s12 =	sadd.s32 $0x1000, s12  }
0xc4: {  	[tilespmem:s1+$0xCBF0] =	vst.add.f32.msk $0xffff, v7  }
0xc5: {  	[tilespmem:s1+$0xC800] =	vst.add.f32.msk $0xffff, v2  }
0xc6: {  	[tilespmem:s1+$0xC810] =	vst.add.f32.msk $0xffff, v3  }
0xc7: {  	[tilespmem:s1+$0xC820] =	vst.add.f32.msk $0xffff, v4  }
0xc8: {  	[tilespmem:s1+$0xC830] =	vst.add.f32.msk $0xffff, v5  }
0xc9: {  	[tilespmem:s1+$0xC840] =	vst.add.f32.msk $0xffff, v6  }
0xca: {  	[tilespmem:s1+$0xC850] =	vst.add.f32.msk $0xffff, v1  }
0xcb: {  	[tilespmem:s1+$0xC860] =	vst.add.f32.msk $0xffff, v0  }
0xcc: {  	[tilespmem:s1+$0xC870] =	vst.add.f32.msk $0xffff, v7  }
0xcd: {  	[tilespmem:s1+$0xC880] =	vst.add.f32.msk $0xffff, v2  }
0xce: {  	[tilespmem:s1+$0xC890] =	vst.add.f32.msk $0xffff, v3  }
0xcf: {  	[tilespmem:s1+$0xC8A0] =	vst.add.f32.msk $0xffff, v4  }
0xd0: {  	[tilespmem:s1+$0xC8B0] =	vst.add.f32.msk $0xffff, v5  }
0xd1: {  	[tilespmem:s1+$0xC8C0] =	vst.add.f32.msk $0xffff, v6  }
0xd2: {  	[tilespmem:s1+$0xC8D0] =	vst.add.f32.msk $0xffff, v1  }
0xd3: {  	[tilespmem:s1+$0xC8E0] =	vst.add.f32.msk $0xffff, v0  }
0xd4: {  	[tilespmem:s1+$0xC8F0] =	vst.add.f32.msk $0xffff, v7  }
0xd5: {  	[tilespmem:s1+$0xC900] =	vst.add.f32.msk $0xffff, v2  }
0xd6: {  	[tilespmem:s1+$0xC910] =	vst.add.f32.msk $0xffff, v3  }
0xd7: {  	[tilespmem:s1+$0xC920] =	vst.add.f32.msk $0xffff, v4  }
0xd8: {  	[tilespmem:s1+$0xC930] =	vst.add.f32.msk $0xffff, v5  }
0xd9: {  	[tilespmem:s1+$0xC940] =	vst.add.f32.msk $0xffff, v6  }
0xda: {  	[tilespmem:s1+$0xC950] =	vst.add.f32.msk $0xffff, v1  }
0xdb: {  	[tilespmem:s1+$0xC960] =	vst.add.f32.msk $0xffff, v0  }
0xdc: {  	[tilespmem:s1+$0xC970] =	vst.add.f32.msk $0xffff, v7  }
0xdd: {  	[tilespmem:s1+$0xC980] =	vst.add.f32.msk $0xffff, v2  }
0xde: {  	[tilespmem:s1+$0xC990] =	vst.add.f32.msk $0xffff, v3  }
0xdf: {  	[tilespmem:s1+$0xC9A0] =	vst.add.f32.msk $0xffff, v4  }
0xe0: {  	[tilespmem:s1+$0xC9B0] =	vst.add.f32.msk $0xffff, v5  }
0xe1: {  	[tilespmem:s1+$0xC9C0] =	vst.add.f32.msk $0xffff, v6  }
0xe2: {  	[tilespmem:s1+$0xC9D0] =	vst.add.f32.msk $0xffff, v1  }
0xe3: {  	[tilespmem:s1+$0xC9E0] =	vst.add.f32.msk $0xffff, v0  }
0xe4: {  	[tilespmem:s1+$0xC9F0] =	vst.add.f32.msk $0xffff, v7  }
0xe5: {  	[tilespmem:s1+$0xCA00] =	vst.add.f32.msk $0xffff, v2  }
0xe6: {  	[tilespmem:s1+$0xCA10] =	vst.add.f32.msk $0xffff, v3  }
0xe7: {  	[tilespmem:s1+$0xCA20] =	vst.add.f32.msk $0xffff, v4  }
0xe8: {  	[tilespmem:s1+$0xCA30] =	vst.add.f32.msk $0xffff, v5  }
0xe9: {  	[tilespmem:s1+$0xCA40] =	vst.add.f32.msk $0xffff, v6  }
0xea: {  	[tilespmem:s1+$0xCA50] =	vst.add.f32.msk $0xffff, v1  }
0xeb: {  	[tilespmem:s1+$0xCA60] =	vst.add.f32.msk $0xffff, v0  }
0xec: {  	[tilespmem:s1+$0xCA70] =	vst.add.f32.msk $0xffff, v7  }
0xed: {  	[tilespmem:s1+$0xCA80] =	vst.add.f32.msk $0xffff, v2  }
0xee: {  	[tilespmem:s1+$0xCA90] =	vst.add.f32.msk $0xffff, v3  }
0xef: {  	[tilespmem:s1+$0xCAA0] =	vst.add.f32.msk $0xffff, v4  }
0xf0: {  	[tilespmem:s1+$0xCAB0] =	vst.add.f32.msk $0xffff, v5  }
0xf1: {  	[tilespmem:s1+$0xCAC0] =	vst.add.f32.msk $0xffff, v6  }
0xf2: {  	[tilespmem:s1+$0xCAD0] =	vst.add.f32.msk $0xffff, v1  }
0xf3: {  	[tilespmem:s1+$0xCAE0] =	vst.add.f32.msk $0xffff, v0  }
0xf4: {  	[tilespmem:s1+$0xCAF0] =	vst.add.f32.msk $0xffff, v7  }
0xf5: {  	[tilespmem:s1+$0xCB00] =	vst.add.f32.msk $0xffff, v2  }
0xf6: {  	[tilespmem:s1+$0xCB10] =	vst.add.f32.msk $0xffff, v3  }
0xf7: {  	[tilespmem:s1+$0xCB20] =	vst.add.f32.msk $0xffff, v4  }
0xf8: {  	[tilespmem:s1+$0xCB30] =	vst.add.f32.msk $0xffff, v5  }
0xf9: {  	[tilespmem:s1+$0xCB40] =	vst.add.f32.msk $0xffff, v6  }
0xfa: {  	[tilespmem:s1+$0xCB50] =	vst.add.f32.msk $0xffff, v1  }
0xfb: {  	[tilespmem:s1+$0xCB60] =	vst.add.f32.msk $0xffff, v0  }
0xfc: {  	[tilespmem:s1+$0xCB70] =	vst.add.f32.msk $0xffff, v7  }
0xfd: {  	[tilespmem:s1+$0xCB80] =	vst.add.f32.msk $0xffff, v2  }
0xfe: {  	[tilespmem:s1+$0xCB90] =	vst.add.f32.msk $0xffff, v3  }
0xff: {  	[tilespmem:s1+$0xCBA0] =	vst.add.f32.msk $0xffff, v4  }
0x100: {  	[tilespmem:s1+$0xCBB0] =	vst.add.f32.msk $0xffff, v5  }
0x101: {  	[tilespmem:s1+$0xCBC0] =	vst.add.f32.msk $0xffff, v6;
	s6 =	sor.u32 s7, s4  }
0x102: {  	[tilespmem:s1+$0xCBD0] =	vst.add.f32.msk $0xffff, v1;
	s6 =	sshrl.u32 s6, $0x3  }
0x103: {  	[tilespmem:s1+$0xCBE0] =	vst.add.f32.msk $0xffff, v0;
	s19 =	simm.s32 $0xC800;
	s1 =	simm.s32 @!p0 $0x8;
	s17 =	sadd.s32 s3, s6  }
0x104: {  	[hbm4b:s17+s15] =	stream.strided.scatter [tilespmem:s19], [sflag:$0x5], $0x4000, s10, s15, $0x38;
	[tilespmem:$0x1C800] =	vst v63  }
0x105: {  	_ =	swait.ge @!p0 [sflag:s1], $0x4000  }
0x106: {  	[sflag:s1] =	ssyncset.done @!p0 $0x0  }
0x107: {  	s29 =	sor.u32 $0x180, s4;
	[sflag:s1] =	ssyncadd.s32 @!p0 $0xFFFFC000  }
0x108: {  	v0 =	vld [tilespmem:s29+$0x0];
	_ =	sdelay $0x6  }
0x109: {  	s6 =	simm.s32 $0x0;
	s1 =	sor.u32 $0x190, s4  }
0x10a: {  	[tilespmem:s16], [sflag:$0x4] =	stream.indirect_vreg.gather [hbm4b:s2+s6], $0x80, v0, vm0, $0xb8;
	[tilespmem:$0x1C800] =	vst v63  }
0x10b: {  	v0 =	vld [tilespmem:s1+$0x0];
	_ =	sdelay $0x6  }
0x10c: {  	s12 =	simm.s32 $0x19000  }
0x10d: {  	[tilespmem:s12], [sflag:$0x4] =	stream.indirect_vreg.gather [hbm4b:s2+s6], $0x80, v0, vm0, $0xb8;
	[tilespmem:$0x1C800] =	vst v63  }
0x10e: {  	s12 =	sor.u32 $0x1A0, s4  }
0x10f: {  	v0 =	vld [tilespmem:s12+$0x0];
	_ =	sdelay $0x6  }
0x110: {  	s20 =	simm.s32 $0x19800;
	s17 =	sor.u32 $0x1B0, s4  }
0x111: {  	[tilespmem:s20], [sflag:$0x4] =	stream.indirect_vreg.gather [hbm4b:s2+s6], $0x80, v0, vm0, $0xb8;
	[tilespmem:$0x1C800] =	vst v63  }
0x112: {  	v0 =	vld [tilespmem:s17+$0x0];
	_ =	sdelay $0x6  }
0x113: {  	s22 =	simm.s32 $0x1A000;
	s20 =	sor.u32 $0x1C0, s4  }
0x114: {  	[tilespmem:s22], [sflag:$0x4] =	stream.indirect_vreg.gather [hbm4b:s2+s6], $0x80, v0, vm0, $0xb8;
	[tilespmem:$0x1C800] =	vst v63  }
0x115: {  	v0 =	vld [tilespmem:s20+$0x0];
	_ =	sdelay $0x6  }
0x116: {  	s24 =	simm.s32 $0x1A800;
	s22 =	sor.u32 $0x1D0, s4  }
0x117: {  	[tilespmem:s24], [sflag:$0x4] =	stream.indirect_vreg.gather [hbm4b:s2+s6], $0x80, v0, vm0, $0xb8;
	[tilespmem:$0x1C800] =	vst v63  }
0x118: {  	v0 =	vld [tilespmem:s22+$0x0];
	_ =	sdelay $0x6  }
0x119: {  	s26 =	simm.s32 $0x1B000;
	s24 =	sor.u32 $0x1E0, s4  }
0x11a: {  	[tilespmem:s26], [sflag:$0x4] =	stream.indirect_vreg.gather [hbm4b:s2+s6], $0x80, v0, vm0, $0xb8;
	[tilespmem:$0x1C800] =	vst v63  }
0x11b: {  	v0 =	vld [tilespmem:s24+$0x0];
	_ =	sdelay $0x6  }
0x11c: {  	s19 =	simm.s32 $0x1B800  }
0x11d: {  	[tilespmem:s19], [sflag:$0x4] =	stream.indirect_vreg.gather [hbm4b:s2+s6], $0x80, v0, vm0, $0xb8;
	[tilespmem:$0x1C800] =	vst v63  }
0x11e: {  	s19 =	sor.u32 $0x1F0, s4  }
0x11f: {  	v0 =	vld [tilespmem:s19+$0x0];
	_ =	sdelay $0x6  }
0x120: {  	s26 =	simm.s32 $0x1C000  }
0x121: {  	[tilespmem:s26], [sflag:$0x4] =	stream.indirect_vreg.gather [hbm4b:s2+s6], $0x80, v0, vm0, $0xb8;
	[tilespmem:$0x1C800] =	vst v63  }
0x122: {  	_ =	swait.ge [sflag:s25], $0x800  }
0x123: {  	[sflag:s25] =	ssyncset.done $0x0  }
0x124: {  	[sflag:s25] =	ssyncadd.s32 $0xFFFFF800  }
0x125: {  	_ =	swait.ge [sflag:s25], $0x800  }
0x126: {  	[sflag:s25] =	ssyncset.done $0x0  }
0x127: {  	[sflag:s25] =	ssyncadd.s32 $0xFFFFF800  }
0x128: {  	_ =	swait.ge [sflag:s25], $0x800  }
0x129: {  	[sflag:s25] =	ssyncset.done $0x0  }
0x12a: {  	[sflag:s25] =	ssyncadd.s32 $0xFFFFF800  }
0x12b: {  	_ =	swait.ge [sflag:s25], $0x800  }
0x12c: {  	[sflag:s25] =	ssyncset.done $0x0  }
0x12d: {  	[sflag:s25] =	ssyncadd.s32 $0xFFFFF800  }
0x12e: {  	_ =	swait.ge [sflag:s25], $0x800  }
0x12f: {  	[sflag:s25] =	ssyncset.done $0x0  }
0x130: {  	[sflag:s25] =	ssyncadd.s32 $0xFFFFF800  }
0x131: {  	_ =	swait.ge [sflag:s25], $0x800  }
0x132: {  	[sflag:s25] =	ssyncset.done $0x0  }
0x133: {  	[sflag:s25] =	ssyncadd.s32 $0xFFFFF800  }
0x134: {  	_ =	swait.ge [sflag:s25], $0x800  }
0x135: {  	[sflag:s25] =	ssyncset.done $0x0  }
0x136: {  	[sflag:s25] =	ssyncadd.s32 $0xFFFFF800  }
0x137: {  	_ =	swait.ge [sflag:s25], $0x800  }
0x138: {  	[sflag:s25] =	ssyncset.done $0x0  }
0x139: {  	s16 =	sor.u32 $0x80, s4;
	[sflag:s25] =	ssyncadd.s32 $0xFFFFF800  }
0x13a: {  	v4 =	vld [tilespmem:s16+$0x6400]  }
0x13b: {  	v5 =	vld [tilespmem:s16+$0x6410]  }
0x13c: {  	v6 =	vld [tilespmem:s16+$0x6420]  }
0x13d: {  	v7 =	vld [tilespmem:s16+$0x6470]  }
0x13e: {  	v3 =	vld [tilespmem:s16+$0x6430]  }
0x13f: {  	v2 =	vld [tilespmem:s16+$0x6440]  }
0x140: {  	v1 =	vld [tilespmem:s16+$0x6450]  }
0x141: {  	s31 =	sand.u32 $0x7C00, s4;
	s26 =	simm.s32 $0x0;
	s6 =	simm.s32 $0x1000;
	v0 =	vld [tilespmem:s16+$0x6460]  }
.LBB2_5:
0x142: {  	p0 =	sne.s32 s6, $0xF000;
	[tilespmem:s26+$0x10BF0] =	vst.add.f32.msk $0xffff, v7  }
0x143: {  	[tilespmem:s26+$0x10800] =	vst.add.f32.msk $0xffff, v4  }
0x144: {  	[tilespmem:s26+$0x10810] =	vst.add.f32.msk $0xffff, v5  }
0x145: {  	[tilespmem:s26+$0x10820] =	vst.add.f32.msk $0xffff, v6  }
0x146: {  	[tilespmem:s26+$0x10830] =	vst.add.f32.msk $0xffff, v3  }
0x147: {  	[tilespmem:s26+$0x10840] =	vst.add.f32.msk $0xffff, v2  }
0x148: {  	[tilespmem:s26+$0x10850] =	vst.add.f32.msk $0xffff, v1  }
0x149: {  	[tilespmem:s26+$0x10860] =	vst.add.f32.msk $0xffff, v0  }
0x14a: {  	[tilespmem:s26+$0x10870] =	vst.add.f32.msk $0xffff, v7  }
0x14b: {  	[tilespmem:s26+$0x10880] =	vst.add.f32.msk $0xffff, v4  }
0x14c: {  	[tilespmem:s26+$0x10890] =	vst.add.f32.msk $0xffff, v5  }
0x14d: {  	[tilespmem:s26+$0x108A0] =	vst.add.f32.msk $0xffff, v6  }
0x14e: {  	[tilespmem:s26+$0x108B0] =	vst.add.f32.msk $0xffff, v3  }
0x14f: {  	[tilespmem:s26+$0x108C0] =	vst.add.f32.msk $0xffff, v2  }
0x150: {  	[tilespmem:s26+$0x108D0] =	vst.add.f32.msk $0xffff, v1  }
0x151: {  	[tilespmem:s26+$0x108E0] =	vst.add.f32.msk $0xffff, v0  }
0x152: {  	[tilespmem:s26+$0x108F0] =	vst.add.f32.msk $0xffff, v7  }
0x153: {  	[tilespmem:s26+$0x10900] =	vst.add.f32.msk $0xffff, v4  }
0x154: {  	[tilespmem:s26+$0x10910] =	vst.add.f32.msk $0xffff, v5  }
0x155: {  	[tilespmem:s26+$0x10920] =	vst.add.f32.msk $0xffff, v6  }
0x156: {  	[tilespmem:s26+$0x10930] =	vst.add.f32.msk $0xffff, v3  }
0x157: {  	[tilespmem:s26+$0x10940] =	vst.add.f32.msk $0xffff, v2  }
0x158: {  	[tilespmem:s26+$0x10950] =	vst.add.f32.msk $0xffff, v1  }
0x159: {  	[tilespmem:s26+$0x10960] =	vst.add.f32.msk $0xffff, v0  }
0x15a: {  	[tilespmem:s26+$0x10970] =	vst.add.f32.msk $0xffff, v7  }
0x15b: {  	[tilespmem:s26+$0x10980] =	vst.add.f32.msk $0xffff, v4  }
0x15c: {  	[tilespmem:s26+$0x10990] =	vst.add.f32.msk $0xffff, v5  }
0x15d: {  	[tilespmem:s26+$0x109A0] =	vst.add.f32.msk $0xffff, v6  }
0x15e: {  	[tilespmem:s26+$0x109B0] =	vst.add.f32.msk $0xffff, v3  }
0x15f: {  	[tilespmem:s26+$0x109C0] =	vst.add.f32.msk $0xffff, v2  }
0x160: {  	[tilespmem:s26+$0x109D0] =	vst.add.f32.msk $0xffff, v1  }
0x161: {  	[tilespmem:s26+$0x109E0] =	vst.add.f32.msk $0xffff, v0  }
0x162: {  	[tilespmem:s26+$0x109F0] =	vst.add.f32.msk $0xffff, v7  }
0x163: {  	[tilespmem:s26+$0x10A00] =	vst.add.f32.msk $0xffff, v4  }
0x164: {  	[tilespmem:s26+$0x10A10] =	vst.add.f32.msk $0xffff, v5  }
0x165: {  	[tilespmem:s26+$0x10A20] =	vst.add.f32.msk $0xffff, v6  }
0x166: {  	[tilespmem:s26+$0x10A30] =	vst.add.f32.msk $0xffff, v3  }
0x167: {  	[tilespmem:s26+$0x10A40] =	vst.add.f32.msk $0xffff, v2  }
0x168: {  	[tilespmem:s26+$0x10A50] =	vst.add.f32.msk $0xffff, v1  }
0x169: {  	[tilespmem:s26+$0x10A60] =	vst.add.f32.msk $0xffff, v0  }
0x16a: {  	[tilespmem:s26+$0x10A70] =	vst.add.f32.msk $0xffff, v7  }
0x16b: {  	[tilespmem:s26+$0x10A80] =	vst.add.f32.msk $0xffff, v4  }
0x16c: {  	[tilespmem:s26+$0x10A90] =	vst.add.f32.msk $0xffff, v5  }
0x16d: {  	[tilespmem:s26+$0x10AA0] =	vst.add.f32.msk $0xffff, v6  }
0x16e: {  	[tilespmem:s26+$0x10AB0] =	vst.add.f32.msk $0xffff, v3  }
0x16f: {  	[tilespmem:s26+$0x10AC0] =	vst.add.f32.msk $0xffff, v2  }
0x170: {  	[tilespmem:s26+$0x10AD0] =	vst.add.f32.msk $0xffff, v1  }
0x171: {  	[tilespmem:s26+$0x10AE0] =	vst.add.f32.msk $0xffff, v0  }
0x172: {  	[tilespmem:s26+$0x10AF0] =	vst.add.f32.msk $0xffff, v7  }
0x173: {  	[tilespmem:s26+$0x10B00] =	vst.add.f32.msk $0xffff, v4  }
0x174: {  	[tilespmem:s26+$0x10B10] =	vst.add.f32.msk $0xffff, v5  }
0x175: {  	[tilespmem:s26+$0x10B20] =	vst.add.f32.msk $0xffff, v6  }
0x176: {  	[tilespmem:s26+$0x10B30] =	vst.add.f32.msk $0xffff, v3  }
0x177: {  	[tilespmem:s26+$0x10B40] =	vst.add.f32.msk $0xffff, v2  }
0x178: {  	[tilespmem:s26+$0x10B50] =	vst.add.f32.msk $0xffff, v1  }
0x179: {  	[tilespmem:s26+$0x10B60] =	vst.add.f32.msk $0xffff, v0  }
0x17a: {  	[tilespmem:s26+$0x10B70] =	vst.add.f32.msk $0xffff, v7  }
0x17b: {  	[tilespmem:s26+$0x10B80] =	vst.add.f32.msk $0xffff, v4  }
0x17c: {  	[tilespmem:s26+$0x10B90] =	vst.add.f32.msk $0xffff, v5  }
.Ltmp1:
0x17d: {  	[tilespmem:s26+$0x10BA0] =	vst.add.f32.msk $0xffff, v6;
	(pc) =	sbr.rel @p0 .LBB2_5-.Ltmp1, $4  }
0x17e: {  	[tilespmem:s26+$0x10BB0] =	vst.add.f32.msk $0xffff, v3  }
0x17f: {  	[tilespmem:s26+$0x10BC0] =	vst.add.f32.msk $0xffff, v2  }
0x180: {  	[tilespmem:s26+$0x10BD0] =	vst.add.f32.msk $0xffff, v1  }
0x181: {  	[tilespmem:s26+$0x10BE0] =	vst.add.f32.msk $0xffff, v0;
	s26 =	sshra.s32 s6, $0x2;
	s6 =	sadd.s32 $0x1000, s6  }
0x182: {  	[tilespmem:s26+$0x10BF0] =	vst.add.f32.msk $0xffff, v7  }
0x183: {  	[tilespmem:s26+$0x10800] =	vst.add.f32.msk $0xffff, v4  }
0x184: {  	[tilespmem:s26+$0x10810] =	vst.add.f32.msk $0xffff, v5  }
0x185: {  	[tilespmem:s26+$0x10820] =	vst.add.f32.msk $0xffff, v6  }
0x186: {  	[tilespmem:s26+$0x10830] =	vst.add.f32.msk $0xffff, v3  }
0x187: {  	[tilespmem:s26+$0x10840] =	vst.add.f32.msk $0xffff, v2  }
0x188: {  	[tilespmem:s26+$0x10850] =	vst.add.f32.msk $0xffff, v1  }
0x189: {  	[tilespmem:s26+$0x10860] =	vst.add.f32.msk $0xffff, v0  }
0x18a: {  	[tilespmem:s26+$0x10870] =	vst.add.f32.msk $0xffff, v7  }
0x18b: {  	[tilespmem:s26+$0x10880] =	vst.add.f32.msk $0xffff, v4  }
0x18c: {  	[tilespmem:s26+$0x10890] =	vst.add.f32.msk $0xffff, v5  }
0x18d: {  	[tilespmem:s26+$0x108A0] =	vst.add.f32.msk $0xffff, v6  }
0x18e: {  	[tilespmem:s26+$0x108B0] =	vst.add.f32.msk $0xffff, v3  }
0x18f: {  	[tilespmem:s26+$0x108C0] =	vst.add.f32.msk $0xffff, v2  }
0x190: {  	[tilespmem:s26+$0x108D0] =	vst.add.f32.msk $0xffff, v1  }
0x191: {  	[tilespmem:s26+$0x108E0] =	vst.add.f32.msk $0xffff, v0  }
0x192: {  	[tilespmem:s26+$0x108F0] =	vst.add.f32.msk $0xffff, v7  }
0x193: {  	[tilespmem:s26+$0x10900] =	vst.add.f32.msk $0xffff, v4  }
0x194: {  	[tilespmem:s26+$0x10910] =	vst.add.f32.msk $0xffff, v5  }
0x195: {  	[tilespmem:s26+$0x10920] =	vst.add.f32.msk $0xffff, v6  }
0x196: {  	[tilespmem:s26+$0x10930] =	vst.add.f32.msk $0xffff, v3  }
0x197: {  	[tilespmem:s26+$0x10940] =	vst.add.f32.msk $0xffff, v2  }
0x198: {  	[tilespmem:s26+$0x10950] =	vst.add.f32.msk $0xffff, v1  }
0x199: {  	[tilespmem:s26+$0x10960] =	vst.add.f32.msk $0xffff, v0  }
0x19a: {  	[tilespmem:s26+$0x10970] =	vst.add.f32.msk $0xffff, v7  }
0x19b: {  	[tilespmem:s26+$0x10980] =	vst.add.f32.msk $0xffff, v4  }
0x19c: {  	[tilespmem:s26+$0x10990] =	vst.add.f32.msk $0xffff, v5  }
0x19d: {  	[tilespmem:s26+$0x109A0] =	vst.add.f32.msk $0xffff, v6  }
0x19e: {  	[tilespmem:s26+$0x109B0] =	vst.add.f32.msk $0xffff, v3  }
0x19f: {  	[tilespmem:s26+$0x109C0] =	vst.add.f32.msk $0xffff, v2  }
0x1a0: {  	[tilespmem:s26+$0x109D0] =	vst.add.f32.msk $0xffff, v1  }
0x1a1: {  	[tilespmem:s26+$0x109E0] =	vst.add.f32.msk $0xffff, v0  }
0x1a2: {  	[tilespmem:s26+$0x109F0] =	vst.add.f32.msk $0xffff, v7  }
0x1a3: {  	[tilespmem:s26+$0x10A00] =	vst.add.f32.msk $0xffff, v4  }
0x1a4: {  	[tilespmem:s26+$0x10A10] =	vst.add.f32.msk $0xffff, v5  }
0x1a5: {  	[tilespmem:s26+$0x10A20] =	vst.add.f32.msk $0xffff, v6  }
0x1a6: {  	[tilespmem:s26+$0x10A30] =	vst.add.f32.msk $0xffff, v3  }
0x1a7: {  	[tilespmem:s26+$0x10A40] =	vst.add.f32.msk $0xffff, v2  }
0x1a8: {  	[tilespmem:s26+$0x10A50] =	vst.add.f32.msk $0xffff, v1  }
0x1a9: {  	[tilespmem:s26+$0x10A60] =	vst.add.f32.msk $0xffff, v0  }
0x1aa: {  	[tilespmem:s26+$0x10A70] =	vst.add.f32.msk $0xffff, v7  }
0x1ab: {  	[tilespmem:s26+$0x10A80] =	vst.add.f32.msk $0xffff, v4  }
0x1ac: {  	[tilespmem:s26+$0x10A90] =	vst.add.f32.msk $0xffff, v5  }
0x1ad: {  	[tilespmem:s26+$0x10AA0] =	vst.add.f32.msk $0xffff, v6  }
0x1ae: {  	[tilespmem:s26+$0x10AB0] =	vst.add.f32.msk $0xffff, v3  }
0x1af: {  	[tilespmem:s26+$0x10AC0] =	vst.add.f32.msk $0xffff, v2  }
0x1b0: {  	[tilespmem:s26+$0x10AD0] =	vst.add.f32.msk $0xffff, v1  }
0x1b1: {  	[tilespmem:s26+$0x10AE0] =	vst.add.f32.msk $0xffff, v0  }
0x1b2: {  	[tilespmem:s26+$0x10AF0] =	vst.add.f32.msk $0xffff, v7  }
0x1b3: {  	[tilespmem:s26+$0x10B00] =	vst.add.f32.msk $0xffff, v4  }
0x1b4: {  	[tilespmem:s26+$0x10B10] =	vst.add.f32.msk $0xffff, v5  }
0x1b5: {  	[tilespmem:s26+$0x10B20] =	vst.add.f32.msk $0xffff, v6  }
0x1b6: {  	[tilespmem:s26+$0x10B30] =	vst.add.f32.msk $0xffff, v3  }
0x1b7: {  	[tilespmem:s26+$0x10B40] =	vst.add.f32.msk $0xffff, v2  }
0x1b8: {  	[tilespmem:s26+$0x10B50] =	vst.add.f32.msk $0xffff, v1  }
0x1b9: {  	[tilespmem:s26+$0x10B60] =	vst.add.f32.msk $0xffff, v0  }
0x1ba: {  	[tilespmem:s26+$0x10B70] =	vst.add.f32.msk $0xffff, v7  }
0x1bb: {  	[tilespmem:s26+$0x10B80] =	vst.add.f32.msk $0xffff, v4  }
0x1bc: {  	[tilespmem:s26+$0x10B90] =	vst.add.f32.msk $0xffff, v5  }
0x1bd: {  	[tilespmem:s26+$0x10BA0] =	vst.add.f32.msk $0xffff, v6;
	s6 =	sand.u32 $0x280, s16  }
0x1be: {  	[tilespmem:s26+$0x10BB0] =	vst.add.f32.msk $0xffff, v3;
	s6 =	sor.u32 s6, s7  }
0x1bf: {  	[tilespmem:s26+$0x10BC0] =	vst.add.f32.msk $0xffff, v2;
	s6 =	sor.u32 s31, s6  }
0x1c0: {  	[tilespmem:s26+$0x10BD0] =	vst.add.f32.msk $0xffff, v1;
	s6 =	sshrl.u32 s6, $0x3  }
0x1c1: {  	[tilespmem:s26+$0x10BE0] =	vst.add.f32.msk $0xffff, v0;
	s26 =	simm.s32 $0x10800;
	s6 =	sadd.s32 s3, s6  }
0x1c2: {  	[hbm4b:s6+s15] =	stream.strided.scatter [tilespmem:s26], [sflag:$0x6], $0x4000, s10, s15, $0x38;
	[tilespmem:$0x1C800] =	vst v63  }
0x1c3: {  	s26 =	simm.s32 $0x5  }
0x1c4: {  	_ =	swait.ge [sflag:s26], $0x4000  }
0x1c5: {  	[sflag:s26] =	ssyncset.done $0x0  }
0x1c6: {  	p0 =	seq.s32 s9, $0x31;
	[sflag:s26] =	ssyncadd.s32 $0xFFFFC000  }
0x1c7: {  	v0 =	vld @!p0 [tilespmem:s4+$0x200];
	_ =	sdelay $0x6  }
0x1c8: {  	vm1 =	vmmov @!p0 $0xffff;
	s16 =	simm.s32 @!p0 $0xC800;
	s6 =	simm.s32 @!p0 $0x0  }
0x1c9: {  	[tilespmem:s16], [sflag:$0x1] =	stream.indirect_vreg.gather @!p0 [hbm4b:s2+s6], $0x80, v0, vm1, $0xb8;
	[tilespmem:$0x1C800] =	vst v63  }
0x1ca: {  	v0 =	vld @!p0 [tilespmem:s4+$0x210];
	_ =	sdelay $0x6  }
0x1cb: {  	s16 =	simm.s32 @!p0 $0xD000  }
0x1cc: {  	[tilespmem:s16], [sflag:$0x1] =	stream.indirect_vreg.gather @!p0 [hbm4b:s2+s6], $0x80, v0, vm1, $0xb8;
	[tilespmem:$0x1C800] =	vst v63  }
0x1cd: {  	v0 =	vld @!p0 [tilespmem:s4+$0x220];
	_ =	sdelay $0x6  }
0x1ce: {  	s16 =	simm.s32 @!p0 $0xD800  }
0x1cf: {  	[tilespmem:s16], [sflag:$0x1] =	stream.indirect_vreg.gather @!p0 [hbm4b:s2+s6], $0x80, v0, vm1, $0xb8;
	[tilespmem:$0x1C800] =	vst v63  }
0x1d0: {  	v0 =	vld @!p0 [tilespmem:s4+$0x230];
	_ =	sdelay $0x6  }
0x1d1: {  	s16 =	simm.s32 @!p0 $0xE000  }
0x1d2: {  	[tilespmem:s16], [sflag:$0x1] =	stream.indirect_vreg.gather @!p0 [hbm4b:s2+s6], $0x80, v0, vm1, $0xb8;
	[tilespmem:$0x1C800] =	vst v63  }
0x1d3: {  	v0 =	vld @!p0 [tilespmem:s4+$0x240];
	_ =	sdelay $0x6  }
0x1d4: {  	s16 =	simm.s32 @!p0 $0xE800  }
0x1d5: {  	[tilespmem:s16], [sflag:$0x1] =	stream.indirect_vreg.gather @!p0 [hbm4b:s2+s6], $0x80, v0, vm1, $0xb8;
	[tilespmem:$0x1C800] =	vst v63  }
0x1d6: {  	v0 =	vld @!p0 [tilespmem:s4+$0x250];
	_ =	sdelay $0x6  }
0x1d7: {  	s16 =	simm.s32 @!p0 $0xF000  }
0x1d8: {  	[tilespmem:s16], [sflag:$0x1] =	stream.indirect_vreg.gather @!p0 [hbm4b:s2+s6], $0x80, v0, vm1, $0xb8;
	[tilespmem:$0x1C800] =	vst v63  }
0x1d9: {  	v0 =	vld @!p0 [tilespmem:s4+$0x260];
	_ =	sdelay $0x6  }
0x1da: {  	s16 =	simm.s32 @!p0 $0xF800  }
0x1db: {  	[tilespmem:s16], [sflag:$0x1] =	stream.indirect_vreg.gather @!p0 [hbm4b:s2+s6], $0x80, v0, vm1, $0xb8;
	[tilespmem:$0x1C800] =	vst v63  }
0x1dc: {  	v0 =	vld @!p0 [tilespmem:s4+$0x270];
	_ =	sdelay $0x6  }
0x1dd: {  	s16 =	simm.s32 @!p0 $0x10000  }
0x1de: {  	[tilespmem:s16], [sflag:$0x1] =	stream.indirect_vreg.gather @!p0 [hbm4b:s2+s6], $0x80, v0, vm1, $0xb8;
	[tilespmem:$0x1C800] =	vst v63  }
0x1df: {  	_ =	swait.ge [sflag:s5], $0x800  }
0x1e0: {  	[sflag:s5] =	ssyncset.done $0x0  }
0x1e1: {  	[sflag:s5] =	ssyncadd.s32 $0xFFFFF800  }
0x1e2: {  	_ =	swait.ge [sflag:s5], $0x800  }
0x1e3: {  	[sflag:s5] =	ssyncset.done $0x0  }
0x1e4: {  	[sflag:s5] =	ssyncadd.s32 $0xFFFFF800  }
0x1e5: {  	_ =	swait.ge [sflag:s5], $0x800  }
0x1e6: {  	[sflag:s5] =	ssyncset.done $0x0  }
0x1e7: {  	[sflag:s5] =	ssyncadd.s32 $0xFFFFF800  }
0x1e8: {  	_ =	swait.ge [sflag:s5], $0x800  }
0x1e9: {  	[sflag:s5] =	ssyncset.done $0x0  }
0x1ea: {  	[sflag:s5] =	ssyncadd.s32 $0xFFFFF800  }
0x1eb: {  	_ =	swait.ge [sflag:s5], $0x800  }
0x1ec: {  	[sflag:s5] =	ssyncset.done $0x0  }
0x1ed: {  	[sflag:s5] =	ssyncadd.s32 $0xFFFFF800  }
0x1ee: {  	_ =	swait.ge [sflag:s5], $0x800  }
0x1ef: {  	[sflag:s5] =	ssyncset.done $0x0  }
0x1f0: {  	[sflag:s5] =	ssyncadd.s32 $0xFFFFF800  }
0x1f1: {  	_ =	swait.ge [sflag:s5], $0x800  }
0x1f2: {  	[sflag:s5] =	ssyncset.done $0x0  }
0x1f3: {  	[sflag:s5] =	ssyncadd.s32 $0xFFFFF800  }
0x1f4: {  	_ =	swait.ge [sflag:s5], $0x800  }
0x1f5: {  	[sflag:s5] =	ssyncset.done $0x0  }
0x1f6: {  	[sflag:s5] =	ssyncadd.s32 $0xFFFFF800  }
0x1f7: {  	v4 =	vld [tilespmem:s30+$0x6400]  }
0x1f8: {  	v5 =	vld [tilespmem:s0+$0x6400]  }
0x1f9: {  	v6 =	vld [tilespmem:s13+$0x6400]  }
0x1fa: {  	v7 =	vld [tilespmem:s28+$0x6400]  }
0x1fb: {  	v3 =	vld [tilespmem:s18+$0x6400]  }
0x1fc: {  	v2 =	vld [tilespmem:s21+$0x6400]  }
0x1fd: {  	v1 =	vld [tilespmem:s23+$0x6400]  }
0x1fe: {  	s6 =	simm.s32 $0x1000;
	v0 =	vld [tilespmem:s11+$0x6400];
	s0 =	simm.s32 $0x0  }
.LBB2_7:
0x1ff: {  	p1 =	sne.s32 s6, $0xF000;
	[tilespmem:s0+$0x14BF0] =	vst.add.f32.msk $0xffff, v7  }
0x200: {  	[tilespmem:s0+$0x14800] =	vst.add.f32.msk $0xffff, v4  }
0x201: {  	[tilespmem:s0+$0x14810] =	vst.add.f32.msk $0xffff, v5  }
0x202: {  	[tilespmem:s0+$0x14820] =	vst.add.f32.msk $0xffff, v6  }
0x203: {  	[tilespmem:s0+$0x14830] =	vst.add.f32.msk $0xffff, v3  }
0x204: {  	[tilespmem:s0+$0x14840] =	vst.add.f32.msk $0xffff, v2  }
0x205: {  	[tilespmem:s0+$0x14850] =	vst.add.f32.msk $0xffff, v1  }
0x206: {  	[tilespmem:s0+$0x14860] =	vst.add.f32.msk $0xffff, v0  }
0x207: {  	[tilespmem:s0+$0x14870] =	vst.add.f32.msk $0xffff, v7  }
0x208: {  	[tilespmem:s0+$0x14880] =	vst.add.f32.msk $0xffff, v4  }
0x209: {  	[tilespmem:s0+$0x14890] =	vst.add.f32.msk $0xffff, v5  }
0x20a: {  	[tilespmem:s0+$0x148A0] =	vst.add.f32.msk $0xffff, v6  }
0x20b: {  	[tilespmem:s0+$0x148B0] =	vst.add.f32.msk $0xffff, v3  }
0x20c: {  	[tilespmem:s0+$0x148C0] =	vst.add.f32.msk $0xffff, v2  }
0x20d: {  	[tilespmem:s0+$0x148D0] =	vst.add.f32.msk $0xffff, v1  }
0x20e: {  	[tilespmem:s0+$0x148E0] =	vst.add.f32.msk $0xffff, v0  }
0x20f: {  	[tilespmem:s0+$0x148F0] =	vst.add.f32.msk $0xffff, v7  }
0x210: {  	[tilespmem:s0+$0x14900] =	vst.add.f32.msk $0xffff, v4  }
0x211: {  	[tilespmem:s0+$0x14910] =	vst.add.f32.msk $0xffff, v5  }
0x212: {  	[tilespmem:s0+$0x14920] =	vst.add.f32.msk $0xffff, v6  }
0x213: {  	[tilespmem:s0+$0x14930] =	vst.add.f32.msk $0xffff, v3  }
0x214: {  	[tilespmem:s0+$0x14940] =	vst.add.f32.msk $0xffff, v2  }
0x215: {  	[tilespmem:s0+$0x14950] =	vst.add.f32.msk $0xffff, v1  }
0x216: {  	[tilespmem:s0+$0x14960] =	vst.add.f32.msk $0xffff, v0  }
0x217: {  	[tilespmem:s0+$0x14970] =	vst.add.f32.msk $0xffff, v7  }
0x218: {  	[tilespmem:s0+$0x14980] =	vst.add.f32.msk $0xffff, v4  }
0x219: {  	[tilespmem:s0+$0x14990] =	vst.add.f32.msk $0xffff, v5  }
0x21a: {  	[tilespmem:s0+$0x149A0] =	vst.add.f32.msk $0xffff, v6  }
0x21b: {  	[tilespmem:s0+$0x149B0] =	vst.add.f32.msk $0xffff, v3  }
0x21c: {  	[tilespmem:s0+$0x149C0] =	vst.add.f32.msk $0xffff, v2  }
0x21d: {  	[tilespmem:s0+$0x149D0] =	vst.add.f32.msk $0xffff, v1  }
0x21e: {  	[tilespmem:s0+$0x149E0] =	vst.add.f32.msk $0xffff, v0  }
0x21f: {  	[tilespmem:s0+$0x149F0] =	vst.add.f32.msk $0xffff, v7  }
0x220: {  	[tilespmem:s0+$0x14A00] =	vst.add.f32.msk $0xffff, v4  }
0x221: {  	[tilespmem:s0+$0x14A10] =	vst.add.f32.msk $0xffff, v5  }
0x222: {  	[tilespmem:s0+$0x14A20] =	vst.add.f32.msk $0xffff, v6  }
0x223: {  	[tilespmem:s0+$0x14A30] =	vst.add.f32.msk $0xffff, v3  }
0x224: {  	[tilespmem:s0+$0x14A40] =	vst.add.f32.msk $0xffff, v2  }
0x225: {  	[tilespmem:s0+$0x14A50] =	vst.add.f32.msk $0xffff, v1  }
0x226: {  	[tilespmem:s0+$0x14A60] =	vst.add.f32.msk $0xffff, v0  }
0x227: {  	[tilespmem:s0+$0x14A70] =	vst.add.f32.msk $0xffff, v7  }
0x228: {  	[tilespmem:s0+$0x14A80] =	vst.add.f32.msk $0xffff, v4  }
0x229: {  	[tilespmem:s0+$0x14A90] =	vst.add.f32.msk $0xffff, v5  }
0x22a: {  	[tilespmem:s0+$0x14AA0] =	vst.add.f32.msk $0xffff, v6  }
0x22b: {  	[tilespmem:s0+$0x14AB0] =	vst.add.f32.msk $0xffff, v3  }
0x22c: {  	[tilespmem:s0+$0x14AC0] =	vst.add.f32.msk $0xffff, v2  }
0x22d: {  	[tilespmem:s0+$0x14AD0] =	vst.add.f32.msk $0xffff, v1  }
0x22e: {  	[tilespmem:s0+$0x14AE0] =	vst.add.f32.msk $0xffff, v0  }
0x22f: {  	[tilespmem:s0+$0x14AF0] =	vst.add.f32.msk $0xffff, v7  }
0x230: {  	[tilespmem:s0+$0x14B00] =	vst.add.f32.msk $0xffff, v4  }
0x231: {  	[tilespmem:s0+$0x14B10] =	vst.add.f32.msk $0xffff, v5  }
0x232: {  	[tilespmem:s0+$0x14B20] =	vst.add.f32.msk $0xffff, v6  }
0x233: {  	[tilespmem:s0+$0x14B30] =	vst.add.f32.msk $0xffff, v3  }
0x234: {  	[tilespmem:s0+$0x14B40] =	vst.add.f32.msk $0xffff, v2  }
0x235: {  	[tilespmem:s0+$0x14B50] =	vst.add.f32.msk $0xffff, v1  }
0x236: {  	[tilespmem:s0+$0x14B60] =	vst.add.f32.msk $0xffff, v0  }
0x237: {  	[tilespmem:s0+$0x14B70] =	vst.add.f32.msk $0xffff, v7  }
0x238: {  	[tilespmem:s0+$0x14B80] =	vst.add.f32.msk $0xffff, v4  }
0x239: {  	[tilespmem:s0+$0x14B90] =	vst.add.f32.msk $0xffff, v5  }
.Ltmp2:
0x23a: {  	[tilespmem:s0+$0x14BA0] =	vst.add.f32.msk $0xffff, v6;
	(pc) =	sbr.rel @p1 .LBB2_7-.Ltmp2, $4  }
0x23b: {  	[tilespmem:s0+$0x14BB0] =	vst.add.f32.msk $0xffff, v3  }
0x23c: {  	[tilespmem:s0+$0x14BC0] =	vst.add.f32.msk $0xffff, v2  }
0x23d: {  	[tilespmem:s0+$0x14BD0] =	vst.add.f32.msk $0xffff, v1  }
0x23e: {  	[tilespmem:s0+$0x14BE0] =	vst.add.f32.msk $0xffff, v0;
	s0 =	sshra.s32 s6, $0x2;
	s6 =	sadd.s32 $0x1000, s6  }
0x23f: {  	[tilespmem:s0+$0x14BF0] =	vst.add.f32.msk $0xffff, v7  }
0x240: {  	[tilespmem:s0+$0x14800] =	vst.add.f32.msk $0xffff, v4  }
0x241: {  	[tilespmem:s0+$0x14810] =	vst.add.f32.msk $0xffff, v5  }
0x242: {  	[tilespmem:s0+$0x14820] =	vst.add.f32.msk $0xffff, v6  }
0x243: {  	[tilespmem:s0+$0x14830] =	vst.add.f32.msk $0xffff, v3  }
0x244: {  	[tilespmem:s0+$0x14840] =	vst.add.f32.msk $0xffff, v2  }
0x245: {  	[tilespmem:s0+$0x14850] =	vst.add.f32.msk $0xffff, v1  }
0x246: {  	[tilespmem:s0+$0x14860] =	vst.add.f32.msk $0xffff, v0  }
0x247: {  	[tilespmem:s0+$0x14870] =	vst.add.f32.msk $0xffff, v7  }
0x248: {  	[tilespmem:s0+$0x14880] =	vst.add.f32.msk $0xffff, v4  }
0x249: {  	[tilespmem:s0+$0x14890] =	vst.add.f32.msk $0xffff, v5  }
0x24a: {  	[tilespmem:s0+$0x148A0] =	vst.add.f32.msk $0xffff, v6  }
0x24b: {  	[tilespmem:s0+$0x148B0] =	vst.add.f32.msk $0xffff, v3  }
0x24c: {  	[tilespmem:s0+$0x148C0] =	vst.add.f32.msk $0xffff, v2  }
0x24d: {  	[tilespmem:s0+$0x148D0] =	vst.add.f32.msk $0xffff, v1  }
0x24e: {  	[tilespmem:s0+$0x148E0] =	vst.add.f32.msk $0xffff, v0  }
0x24f: {  	[tilespmem:s0+$0x148F0] =	vst.add.f32.msk $0xffff, v7  }
0x250: {  	[tilespmem:s0+$0x14900] =	vst.add.f32.msk $0xffff, v4  }
0x251: {  	[tilespmem:s0+$0x14910] =	vst.add.f32.msk $0xffff, v5  }
0x252: {  	[tilespmem:s0+$0x14920] =	vst.add.f32.msk $0xffff, v6  }
0x253: {  	[tilespmem:s0+$0x14930] =	vst.add.f32.msk $0xffff, v3  }
0x254: {  	[tilespmem:s0+$0x14940] =	vst.add.f32.msk $0xffff, v2  }
0x255: {  	[tilespmem:s0+$0x14950] =	vst.add.f32.msk $0xffff, v1  }
0x256: {  	[tilespmem:s0+$0x14960] =	vst.add.f32.msk $0xffff, v0  }
0x257: {  	[tilespmem:s0+$0x14970] =	vst.add.f32.msk $0xffff, v7  }
0x258: {  	[tilespmem:s0+$0x14980] =	vst.add.f32.msk $0xffff, v4  }
0x259: {  	[tilespmem:s0+$0x14990] =	vst.add.f32.msk $0xffff, v5  }
0x25a: {  	[tilespmem:s0+$0x149A0] =	vst.add.f32.msk $0xffff, v6  }
0x25b: {  	[tilespmem:s0+$0x149B0] =	vst.add.f32.msk $0xffff, v3  }
0x25c: {  	[tilespmem:s0+$0x149C0] =	vst.add.f32.msk $0xffff, v2  }
0x25d: {  	[tilespmem:s0+$0x149D0] =	vst.add.f32.msk $0xffff, v1  }
0x25e: {  	[tilespmem:s0+$0x149E0] =	vst.add.f32.msk $0xffff, v0  }
0x25f: {  	[tilespmem:s0+$0x149F0] =	vst.add.f32.msk $0xffff, v7  }
0x260: {  	[tilespmem:s0+$0x14A00] =	vst.add.f32.msk $0xffff, v4  }
0x261: {  	[tilespmem:s0+$0x14A10] =	vst.add.f32.msk $0xffff, v5  }
0x262: {  	[tilespmem:s0+$0x14A20] =	vst.add.f32.msk $0xffff, v6  }
0x263: {  	[tilespmem:s0+$0x14A30] =	vst.add.f32.msk $0xffff, v3  }
0x264: {  	[tilespmem:s0+$0x14A40] =	vst.add.f32.msk $0xffff, v2  }
0x265: {  	[tilespmem:s0+$0x14A50] =	vst.add.f32.msk $0xffff, v1  }
0x266: {  	[tilespmem:s0+$0x14A60] =	vst.add.f32.msk $0xffff, v0  }
0x267: {  	[tilespmem:s0+$0x14A70] =	vst.add.f32.msk $0xffff, v7  }
0x268: {  	[tilespmem:s0+$0x14A80] =	vst.add.f32.msk $0xffff, v4  }
0x269: {  	[tilespmem:s0+$0x14A90] =	vst.add.f32.msk $0xffff, v5  }
0x26a: {  	[tilespmem:s0+$0x14AA0] =	vst.add.f32.msk $0xffff, v6  }
0x26b: {  	[tilespmem:s0+$0x14AB0] =	vst.add.f32.msk $0xffff, v3  }
0x26c: {  	[tilespmem:s0+$0x14AC0] =	vst.add.f32.msk $0xffff, v2  }
0x26d: {  	[tilespmem:s0+$0x14AD0] =	vst.add.f32.msk $0xffff, v1  }
0x26e: {  	[tilespmem:s0+$0x14AE0] =	vst.add.f32.msk $0xffff, v0  }
0x26f: {  	[tilespmem:s0+$0x14AF0] =	vst.add.f32.msk $0xffff, v7  }
0x270: {  	[tilespmem:s0+$0x14B00] =	vst.add.f32.msk $0xffff, v4  }
0x271: {  	[tilespmem:s0+$0x14B10] =	vst.add.f32.msk $0xffff, v5  }
0x272: {  	[tilespmem:s0+$0x14B20] =	vst.add.f32.msk $0xffff, v6  }
0x273: {  	[tilespmem:s0+$0x14B30] =	vst.add.f32.msk $0xffff, v3  }
0x274: {  	[tilespmem:s0+$0x14B40] =	vst.add.f32.msk $0xffff, v2  }
0x275: {  	[tilespmem:s0+$0x14B50] =	vst.add.f32.msk $0xffff, v1  }
0x276: {  	[tilespmem:s0+$0x14B60] =	vst.add.f32.msk $0xffff, v0  }
0x277: {  	[tilespmem:s0+$0x14B70] =	vst.add.f32.msk $0xffff, v7  }
0x278: {  	[tilespmem:s0+$0x14B80] =	vst.add.f32.msk $0xffff, v4  }
0x279: {  	[tilespmem:s0+$0x14B90] =	vst.add.f32.msk $0xffff, v5  }
0x27a: {  	[tilespmem:s0+$0x14BA0] =	vst.add.f32.msk $0xffff, v6;
	s6 =	sand.u32 $0x300, s30  }
0x27b: {  	[tilespmem:s0+$0x14BB0] =	vst.add.f32.msk $0xffff, v3;
	s6 =	sor.u32 s6, s7  }
0x27c: {  	[tilespmem:s0+$0x14BC0] =	vst.add.f32.msk $0xffff, v2;
	s6 =	sor.u32 s31, s6  }
0x27d: {  	[tilespmem:s0+$0x14BD0] =	vst.add.f32.msk $0xffff, v1;
	s6 =	sshrl.u32 s6, $0x3  }
0x27e: {  	[tilespmem:s0+$0x14BE0] =	vst.add.f32.msk $0xffff, v0;
	s11 =	simm.s32 $0x14800;
	s30 =	simm.s32 $0x6;
	s28 =	sadd.s32 s3, s6  }
0x27f: {  	[hbm4b:s28+s15] =	stream.strided.scatter [tilespmem:s11], [sflag:$0x7], $0x4000, s10, s15, $0x38;
	[tilespmem:$0x1C800] =	vst v63  }
0x280: {  	_ =	swait.ge [sflag:s30], $0x4000  }
0x281: {  	[sflag:s30] =	ssyncset.done $0x0  }
0x282: {  	[sflag:s30] =	ssyncadd.s32 $0xFFFFC000  }
0x283: {  	v0 =	vld @!p0 [tilespmem:s4+$0x280];
	_ =	sdelay $0x6  }
0x284: {  	s0 =	simm.s32 @!p0 $0x0;
	s6 =	simm.s32 @!p0 $0x10800  }
0x285: {  	[tilespmem:s6], [sflag:$0x2] =	stream.indirect_vreg.gather @!p0 [hbm4b:s2+s0], $0x80, v0, vm1, $0xb8;
	[tilespmem:$0x1C800] =	vst v63  }
0x286: {  	v0 =	vld @!p0 [tilespmem:s4+$0x290];
	_ =	sdelay $0x6  }
0x287: {  	s6 =	simm.s32 @!p0 $0x11000  }
0x288: {  	[tilespmem:s6], [sflag:$0x2] =	stream.indirect_vreg.gather @!p0 [hbm4b:s2+s0], $0x80, v0, vm1, $0xb8;
	[tilespmem:$0x1C800] =	vst v63  }
0x289: {  	v0 =	vld @!p0 [tilespmem:s4+$0x2A0];
	_ =	sdelay $0x6  }
0x28a: {  	s6 =	simm.s32 @!p0 $0x11800  }
0x28b: {  	[tilespmem:s6], [sflag:$0x2] =	stream.indirect_vreg.gather @!p0 [hbm4b:s2+s0], $0x80, v0, vm1, $0xb8;
	[tilespmem:$0x1C800] =	vst v63  }
0x28c: {  	v0 =	vld @!p0 [tilespmem:s4+$0x2B0];
	_ =	sdelay $0x6  }
0x28d: {  	s6 =	simm.s32 @!p0 $0x12000  }
0x28e: {  	[tilespmem:s6], [sflag:$0x2] =	stream.indirect_vreg.gather @!p0 [hbm4b:s2+s0], $0x80, v0, vm1, $0xb8;
	[tilespmem:$0x1C800] =	vst v63  }
0x28f: {  	v0 =	vld @!p0 [tilespmem:s4+$0x2C0];
	_ =	sdelay $0x6  }
0x290: {  	s6 =	simm.s32 @!p0 $0x12800  }
0x291: {  	[tilespmem:s6], [sflag:$0x2] =	stream.indirect_vreg.gather @!p0 [hbm4b:s2+s0], $0x80, v0, vm1, $0xb8;
	[tilespmem:$0x1C800] =	vst v63  }
0x292: {  	v0 =	vld @!p0 [tilespmem:s4+$0x2D0];
	_ =	sdelay $0x6  }
0x293: {  	s6 =	simm.s32 @!p0 $0x13000  }
0x294: {  	[tilespmem:s6], [sflag:$0x2] =	stream.indirect_vreg.gather @!p0 [hbm4b:s2+s0], $0x80, v0, vm1, $0xb8;
	[tilespmem:$0x1C800] =	vst v63  }
0x295: {  	v0 =	vld @!p0 [tilespmem:s4+$0x2E0];
	_ =	sdelay $0x6  }
0x296: {  	s6 =	simm.s32 @!p0 $0x13800  }
0x297: {  	[tilespmem:s6], [sflag:$0x2] =	stream.indirect_vreg.gather @!p0 [hbm4b:s2+s0], $0x80, v0, vm1, $0xb8;
	[tilespmem:$0x1C800] =	vst v63  }
0x298: {  	v0 =	vld @!p0 [tilespmem:s4+$0x2F0];
	_ =	sdelay $0x6  }
0x299: {  	s4 =	simm.s32 @!p0 $0x14000  }
0x29a: {  	[tilespmem:s4], [sflag:$0x2] =	stream.indirect_vreg.gather @!p0 [hbm4b:s2+s0], $0x80, v0, vm1, $0xb8;
	[tilespmem:$0x1C800] =	vst v63  }
0x29b: {  	_ =	swait.ge [sflag:s8], $0x800  }
0x29c: {  	[sflag:s8] =	ssyncset.done $0x0  }
0x29d: {  	[sflag:s8] =	ssyncadd.s32 $0xFFFFF800  }
0x29e: {  	_ =	swait.ge [sflag:s8], $0x800  }
0x29f: {  	[sflag:s8] =	ssyncset.done $0x0  }
0x2a0: {  	[sflag:s8] =	ssyncadd.s32 $0xFFFFF800  }
0x2a1: {  	_ =	swait.ge [sflag:s8], $0x800  }
0x2a2: {  	[sflag:s8] =	ssyncset.done $0x0  }
0x2a3: {  	[sflag:s8] =	ssyncadd.s32 $0xFFFFF800  }
0x2a4: {  	_ =	swait.ge [sflag:s8], $0x800  }
0x2a5: {  	[sflag:s8] =	ssyncset.done $0x0  }
0x2a6: {  	[sflag:s8] =	ssyncadd.s32 $0xFFFFF800  }
0x2a7: {  	_ =	swait.ge [sflag:s8], $0x800  }
0x2a8: {  	[sflag:s8] =	ssyncset.done $0x0  }
0x2a9: {  	[sflag:s8] =	ssyncadd.s32 $0xFFFFF800  }
0x2aa: {  	_ =	swait.ge [sflag:s8], $0x800  }
0x2ab: {  	[sflag:s8] =	ssyncset.done $0x0  }
0x2ac: {  	[sflag:s8] =	ssyncadd.s32 $0xFFFFF800  }
0x2ad: {  	_ =	swait.ge [sflag:s8], $0x800  }
0x2ae: {  	[sflag:s8] =	ssyncset.done $0x0  }
0x2af: {  	[sflag:s8] =	ssyncadd.s32 $0xFFFFF800  }
0x2b0: {  	_ =	swait.ge [sflag:s8], $0x800  }
0x2b1: {  	[sflag:s8] =	ssyncset.done $0x0  }
0x2b2: {  	[sflag:s8] =	ssyncadd.s32 $0xFFFFF800  }
0x2b3: {  	v4 =	vld [tilespmem:s29+$0x6400]  }
0x2b4: {  	v5 =	vld [tilespmem:s1+$0x6400]  }
0x2b5: {  	v6 =	vld [tilespmem:s12+$0x6400]  }
0x2b6: {  	v7 =	vld [tilespmem:s19+$0x6400]  }
0x2b7: {  	v3 =	vld [tilespmem:s17+$0x6400]  }
0x2b8: {  	v2 =	vld [tilespmem:s20+$0x6400]  }
0x2b9: {  	v1 =	vld [tilespmem:s22+$0x6400]  }
0x2ba: {  	s16 =	simm.s32 $0x18800;
	s0 =	simm.s32 $0x0;
	v0 =	vld [tilespmem:s24+$0x6400];
	s1 =	simm.s32 $0x1000  }
.LBB2_9:
0x2bb: {  	p0 =	sne.s32 s1, $0xF000;
	[tilespmem:s0+$0x18BF0] =	vst.add.f32.msk $0xffff, v7  }
0x2bc: {  	[tilespmem:s0+$0x18800] =	vst.add.f32.msk $0xffff, v4  }
0x2bd: {  	[tilespmem:s0+$0x18810] =	vst.add.f32.msk $0xffff, v5  }
0x2be: {  	[tilespmem:s0+$0x18820] =	vst.add.f32.msk $0xffff, v6  }
0x2bf: {  	[tilespmem:s0+$0x18830] =	vst.add.f32.msk $0xffff, v3  }
0x2c0: {  	[tilespmem:s0+$0x18840] =	vst.add.f32.msk $0xffff, v2  }
0x2c1: {  	[tilespmem:s0+$0x18850] =	vst.add.f32.msk $0xffff, v1  }
0x2c2: {  	[tilespmem:s0+$0x18860] =	vst.add.f32.msk $0xffff, v0  }
0x2c3: {  	[tilespmem:s0+$0x18870] =	vst.add.f32.msk $0xffff, v7  }
0x2c4: {  	[tilespmem:s0+$0x18880] =	vst.add.f32.msk $0xffff, v4  }
0x2c5: {  	[tilespmem:s0+$0x18890] =	vst.add.f32.msk $0xffff, v5  }
0x2c6: {  	[tilespmem:s0+$0x188A0] =	vst.add.f32.msk $0xffff, v6  }
0x2c7: {  	[tilespmem:s0+$0x188B0] =	vst.add.f32.msk $0xffff, v3  }
0x2c8: {  	[tilespmem:s0+$0x188C0] =	vst.add.f32.msk $0xffff, v2  }
0x2c9: {  	[tilespmem:s0+$0x188D0] =	vst.add.f32.msk $0xffff, v1  }
0x2ca: {  	[tilespmem:s0+$0x188E0] =	vst.add.f32.msk $0xffff, v0  }
0x2cb: {  	[tilespmem:s0+$0x188F0] =	vst.add.f32.msk $0xffff, v7  }
0x2cc: {  	[tilespmem:s0+$0x18900] =	vst.add.f32.msk $0xffff, v4  }
0x2cd: {  	[tilespmem:s0+$0x18910] =	vst.add.f32.msk $0xffff, v5  }
0x2ce: {  	[tilespmem:s0+$0x18920] =	vst.add.f32.msk $0xffff, v6  }
0x2cf: {  	[tilespmem:s0+$0x18930] =	vst.add.f32.msk $0xffff, v3  }
0x2d0: {  	[tilespmem:s0+$0x18940] =	vst.add.f32.msk $0xffff, v2  }
0x2d1: {  	[tilespmem:s0+$0x18950] =	vst.add.f32.msk $0xffff, v1  }
0x2d2: {  	[tilespmem:s0+$0x18960] =	vst.add.f32.msk $0xffff, v0  }
0x2d3: {  	[tilespmem:s0+$0x18970] =	vst.add.f32.msk $0xffff, v7  }
0x2d4: {  	[tilespmem:s0+$0x18980] =	vst.add.f32.msk $0xffff, v4  }
0x2d5: {  	[tilespmem:s0+$0x18990] =	vst.add.f32.msk $0xffff, v5  }
0x2d6: {  	[tilespmem:s0+$0x189A0] =	vst.add.f32.msk $0xffff, v6  }
0x2d7: {  	[tilespmem:s0+$0x189B0] =	vst.add.f32.msk $0xffff, v3  }
0x2d8: {  	[tilespmem:s0+$0x189C0] =	vst.add.f32.msk $0xffff, v2  }
0x2d9: {  	[tilespmem:s0+$0x189D0] =	vst.add.f32.msk $0xffff, v1  }
0x2da: {  	[tilespmem:s0+$0x189E0] =	vst.add.f32.msk $0xffff, v0  }
0x2db: {  	[tilespmem:s0+$0x189F0] =	vst.add.f32.msk $0xffff, v7  }
0x2dc: {  	[tilespmem:s0+$0x18A00] =	vst.add.f32.msk $0xffff, v4  }
0x2dd: {  	[tilespmem:s0+$0x18A10] =	vst.add.f32.msk $0xffff, v5  }
0x2de: {  	[tilespmem:s0+$0x18A20] =	vst.add.f32.msk $0xffff, v6  }
0x2df: {  	[tilespmem:s0+$0x18A30] =	vst.add.f32.msk $0xffff, v3  }
0x2e0: {  	[tilespmem:s0+$0x18A40] =	vst.add.f32.msk $0xffff, v2  }
0x2e1: {  	[tilespmem:s0+$0x18A50] =	vst.add.f32.msk $0xffff, v1  }
0x2e2: {  	[tilespmem:s0+$0x18A60] =	vst.add.f32.msk $0xffff, v0  }
0x2e3: {  	[tilespmem:s0+$0x18A70] =	vst.add.f32.msk $0xffff, v7  }
0x2e4: {  	[tilespmem:s0+$0x18A80] =	vst.add.f32.msk $0xffff, v4  }
0x2e5: {  	[tilespmem:s0+$0x18A90] =	vst.add.f32.msk $0xffff, v5  }
0x2e6: {  	[tilespmem:s0+$0x18AA0] =	vst.add.f32.msk $0xffff, v6  }
0x2e7: {  	[tilespmem:s0+$0x18AB0] =	vst.add.f32.msk $0xffff, v3  }
0x2e8: {  	[tilespmem:s0+$0x18AC0] =	vst.add.f32.msk $0xffff, v2  }
0x2e9: {  	[tilespmem:s0+$0x18AD0] =	vst.add.f32.msk $0xffff, v1  }
0x2ea: {  	[tilespmem:s0+$0x18AE0] =	vst.add.f32.msk $0xffff, v0  }
0x2eb: {  	[tilespmem:s0+$0x18AF0] =	vst.add.f32.msk $0xffff, v7  }
0x2ec: {  	[tilespmem:s0+$0x18B00] =	vst.add.f32.msk $0xffff, v4  }
0x2ed: {  	[tilespmem:s0+$0x18B10] =	vst.add.f32.msk $0xffff, v5  }
0x2ee: {  	[tilespmem:s0+$0x18B20] =	vst.add.f32.msk $0xffff, v6  }
0x2ef: {  	[tilespmem:s0+$0x18B30] =	vst.add.f32.msk $0xffff, v3  }
0x2f0: {  	[tilespmem:s0+$0x18B40] =	vst.add.f32.msk $0xffff, v2  }
0x2f1: {  	[tilespmem:s0+$0x18B50] =	vst.add.f32.msk $0xffff, v1  }
0x2f2: {  	[tilespmem:s0+$0x18B60] =	vst.add.f32.msk $0xffff, v0  }
0x2f3: {  	[tilespmem:s0+$0x18B70] =	vst.add.f32.msk $0xffff, v7  }
0x2f4: {  	[tilespmem:s0+$0x18B80] =	vst.add.f32.msk $0xffff, v4  }
0x2f5: {  	[tilespmem:s0+$0x18B90] =	vst.add.f32.msk $0xffff, v5  }
.Ltmp3:
0x2f6: {  	[tilespmem:s0+$0x18BA0] =	vst.add.f32.msk $0xffff, v6;
	(pc) =	sbr.rel @p0 .LBB2_9-.Ltmp3, $4  }
0x2f7: {  	[tilespmem:s0+$0x18BB0] =	vst.add.f32.msk $0xffff, v3  }
0x2f8: {  	[tilespmem:s0+$0x18BC0] =	vst.add.f32.msk $0xffff, v2  }
0x2f9: {  	[tilespmem:s0+$0x18BD0] =	vst.add.f32.msk $0xffff, v1  }
0x2fa: {  	[tilespmem:s0+$0x18BE0] =	vst.add.f32.msk $0xffff, v0;
	s0 =	sshra.s32 s1, $0x2;
	s1 =	sadd.s32 $0x1000, s1  }
0x2fb: {  	[tilespmem:s0+$0x18BF0] =	vst.add.f32.msk $0xffff, v7  }
0x2fc: {  	[tilespmem:s0+$0x18800] =	vst.add.f32.msk $0xffff, v4  }
0x2fd: {  	[tilespmem:s0+$0x18810] =	vst.add.f32.msk $0xffff, v5  }
0x2fe: {  	[tilespmem:s0+$0x18820] =	vst.add.f32.msk $0xffff, v6  }
0x2ff: {  	[tilespmem:s0+$0x18830] =	vst.add.f32.msk $0xffff, v3  }
0x300: {  	[tilespmem:s0+$0x18840] =	vst.add.f32.msk $0xffff, v2  }
0x301: {  	[tilespmem:s0+$0x18850] =	vst.add.f32.msk $0xffff, v1  }
0x302: {  	[tilespmem:s0+$0x18860] =	vst.add.f32.msk $0xffff, v0  }
0x303: {  	[tilespmem:s0+$0x18870] =	vst.add.f32.msk $0xffff, v7  }
0x304: {  	[tilespmem:s0+$0x18880] =	vst.add.f32.msk $0xffff, v4  }
0x305: {  	[tilespmem:s0+$0x18890] =	vst.add.f32.msk $0xffff, v5  }
0x306: {  	[tilespmem:s0+$0x188A0] =	vst.add.f32.msk $0xffff, v6  }
0x307: {  	[tilespmem:s0+$0x188B0] =	vst.add.f32.msk $0xffff, v3  }
0x308: {  	[tilespmem:s0+$0x188C0] =	vst.add.f32.msk $0xffff, v2  }
0x309: {  	[tilespmem:s0+$0x188D0] =	vst.add.f32.msk $0xffff, v1  }
0x30a: {  	[tilespmem:s0+$0x188E0] =	vst.add.f32.msk $0xffff, v0  }
0x30b: {  	[tilespmem:s0+$0x188F0] =	vst.add.f32.msk $0xffff, v7  }
0x30c: {  	[tilespmem:s0+$0x18900] =	vst.add.f32.msk $0xffff, v4  }
0x30d: {  	[tilespmem:s0+$0x18910] =	vst.add.f32.msk $0xffff, v5  }
0x30e: {  	[tilespmem:s0+$0x18920] =	vst.add.f32.msk $0xffff, v6  }
0x30f: {  	[tilespmem:s0+$0x18930] =	vst.add.f32.msk $0xffff, v3  }
0x310: {  	[tilespmem:s0+$0x18940] =	vst.add.f32.msk $0xffff, v2  }
0x311: {  	[tilespmem:s0+$0x18950] =	vst.add.f32.msk $0xffff, v1  }
0x312: {  	[tilespmem:s0+$0x18960] =	vst.add.f32.msk $0xffff, v0  }
0x313: {  	[tilespmem:s0+$0x18970] =	vst.add.f32.msk $0xffff, v7  }
0x314: {  	[tilespmem:s0+$0x18980] =	vst.add.f32.msk $0xffff, v4  }
0x315: {  	[tilespmem:s0+$0x18990] =	vst.add.f32.msk $0xffff, v5  }
0x316: {  	[tilespmem:s0+$0x189A0] =	vst.add.f32.msk $0xffff, v6  }
0x317: {  	[tilespmem:s0+$0x189B0] =	vst.add.f32.msk $0xffff, v3  }
0x318: {  	[tilespmem:s0+$0x189C0] =	vst.add.f32.msk $0xffff, v2  }
0x319: {  	[tilespmem:s0+$0x189D0] =	vst.add.f32.msk $0xffff, v1  }
0x31a: {  	[tilespmem:s0+$0x189E0] =	vst.add.f32.msk $0xffff, v0  }
0x31b: {  	[tilespmem:s0+$0x189F0] =	vst.add.f32.msk $0xffff, v7  }
0x31c: {  	[tilespmem:s0+$0x18A00] =	vst.add.f32.msk $0xffff, v4  }
0x31d: {  	[tilespmem:s0+$0x18A10] =	vst.add.f32.msk $0xffff, v5  }
0x31e: {  	[tilespmem:s0+$0x18A20] =	vst.add.f32.msk $0xffff, v6  }
0x31f: {  	[tilespmem:s0+$0x18A30] =	vst.add.f32.msk $0xffff, v3  }
0x320: {  	[tilespmem:s0+$0x18A40] =	vst.add.f32.msk $0xffff, v2  }
0x321: {  	[tilespmem:s0+$0x18A50] =	vst.add.f32.msk $0xffff, v1  }
0x322: {  	[tilespmem:s0+$0x18A60] =	vst.add.f32.msk $0xffff, v0  }
0x323: {  	[tilespmem:s0+$0x18A70] =	vst.add.f32.msk $0xffff, v7  }
0x324: {  	[tilespmem:s0+$0x18A80] =	vst.add.f32.msk $0xffff, v4  }
0x325: {  	[tilespmem:s0+$0x18A90] =	vst.add.f32.msk $0xffff, v5  }
0x326: {  	[tilespmem:s0+$0x18AA0] =	vst.add.f32.msk $0xffff, v6  }
0x327: {  	[tilespmem:s0+$0x18AB0] =	vst.add.f32.msk $0xffff, v3  }
0x328: {  	[tilespmem:s0+$0x18AC0] =	vst.add.f32.msk $0xffff, v2  }
0x329: {  	[tilespmem:s0+$0x18AD0] =	vst.add.f32.msk $0xffff, v1  }
0x32a: {  	[tilespmem:s0+$0x18AE0] =	vst.add.f32.msk $0xffff, v0  }
0x32b: {  	[tilespmem:s0+$0x18AF0] =	vst.add.f32.msk $0xffff, v7  }
0x32c: {  	[tilespmem:s0+$0x18B00] =	vst.add.f32.msk $0xffff, v4  }
0x32d: {  	[tilespmem:s0+$0x18B10] =	vst.add.f32.msk $0xffff, v5  }
0x32e: {  	[tilespmem:s0+$0x18B20] =	vst.add.f32.msk $0xffff, v6  }
0x32f: {  	[tilespmem:s0+$0x18B30] =	vst.add.f32.msk $0xffff, v3  }
0x330: {  	[tilespmem:s0+$0x18B40] =	vst.add.f32.msk $0xffff, v2  }
0x331: {  	[tilespmem:s0+$0x18B50] =	vst.add.f32.msk $0xffff, v1  }
0x332: {  	[tilespmem:s0+$0x18B60] =	vst.add.f32.msk $0xffff, v0  }
0x333: {  	[tilespmem:s0+$0x18B70] =	vst.add.f32.msk $0xffff, v7  }
0x334: {  	[tilespmem:s0+$0x18B80] =	vst.add.f32.msk $0xffff, v4  }
0x335: {  	[tilespmem:s0+$0x18B90] =	vst.add.f32.msk $0xffff, v5;
	s9 =	sadd.s32 $0x1, s9  }
0x336: {  	[tilespmem:s0+$0x18BA0] =	vst.add.f32.msk $0xffff, v6;
	s1 =	sand.u32 $0x380, s29;
	p0 =	sne.s32 s9, $0x32  }
.Ltmp4:
0x337: {  	[tilespmem:s0+$0x18BB0] =	vst.add.f32.msk $0xffff, v3;
	s1 =	sor.u32 s1, s7;
	(pc) =	sbr.rel @p0 .LBB2_2-.Ltmp4, $4  }
0x338: {  	[tilespmem:s0+$0x18BC0] =	vst.add.f32.msk $0xffff, v2;
	s1 =	sor.u32 s31, s1  }
0x339: {  	[tilespmem:s0+$0x18BD0] =	vst.add.f32.msk $0xffff, v1;
	s1 =	sshrl.u32 s1, $0x3  }
0x33a: {  	[tilespmem:s0+$0x18BE0] =	vst.add.f32.msk $0xffff, v0;
	s31 =	sadd.s32 s3, s1  }
0x33b: {  	[hbm4b:s31+s15] =	stream.strided.scatter [tilespmem:s16], [sflag:$0x8], $0x4000, s10, s15, $0x38;
	[tilespmem:$0x1C800] =	vst v63  }
0x33c: {  	s0 =	simm.s32 $0x7  }
0x33d: {  	_ =	swait.ge [sflag:s0], $0x4000  }
0x33e: {  	[sflag:s0] =	ssyncset.done $0x0  }
0x33f: {  	s1 =	simm.s32 $0x8;
	[sflag:s0] =	ssyncadd.s32 $0xFFFFC000  }
0x340: {  	_ =	swait.ge [sflag:s1], $0x4000  }
0x341: {  	s4 =	rddreg [dreg:$0x7]  }
0x342: {  	s31 =	rddreg [dreg:$0x6];
	s4 =	sadd.s32 $0x1, s4  }
0x343: {  	p0 =	sne.s32 s4, s31  }
.Ltmp5:
0x344: {  	_ = 	snop;
	(pc) =	sbr.rel @p0 .LBB2_1-.Ltmp5, $3  }
0x345: {  	_ =	sdelay $0x1  }
0x346: {  	[sflag:s1] =	ssyncset.done $0x0  }
0x347: {  	[sflag:s1] =	ssyncadd.s32 $0xFFFFC000  }
0x348: {  	_ =	sfence.sel $0x180000  }
0x349: {  	[bflag:$0x0] =	sbarrier.arrive $0xFFFF  }
0x34a: {  	_ =	strace $0x90000047  }
0x34b: {  	s0 =	stileid.u32;
	[bflag:$0x2] =	sbarrier.arrive $0xFFFF  }
0x34c: {  	p0 =	sne.s32 s0, $0x0;
	s0 =	rddreg [dreg:$0x3]  }
0x34d: {  	s0 =	sadd.s32 @!p0 $0x100000, s0  }
0x34e: {  	[sflag:s0] =	ssyncadd.tile.s32 @!p0 $0x1;
	_ =	shalt  }
.Lfunc_end2:
_tile_overlayer_lowered:
.L_overlay_start_2:
0x34f: {  	(tag) =	ssettag $0x2  }
0x350: {  	s0 =	rddreg [dreg:$0x0];
	s2 =	stileid.u32  }
0x351: {  	s1 =	rddreg [dreg:$0x1];
	p0 =	sne.s32 s2, $0x0  }
0x352: {  	s3 =	rddreg [dreg:$0x2];
	[bflag:$0x3] =	sbarrier.arrive $0xFFFF;
	s2 =	simm.s32 @!p0 $0x1C09  }
0x353: {  	[timem:s3], [sflag:s2] =	dma.local @!p0 [hbm:s0], s1  }
0x354: {  	s0 =	simm.s32 @!p0 $0x9  }
0x355: {  	_ =	swait.ge @!p0 [sflag:s0], s1  }
0x356: {  	s1 =	ssub.s32 @!p0 $0x0, s1;
	[sflag:s0] =	ssyncset.done @!p0 $0x0  }
0x357: {  	[sflag:s0] =	ssyncadd.s32 @!p0 s1  }
0x358: {  	[bflag:$0x3] =	sbarrier.arrive $0xFFFF  }
0x359: {  	_ =	shalt  }

</sc_bundles>
